<compile_context>
chip_gen: v7x
topology: tpu7x:2x2x1
jax: 0.10.2.dev20260603
libtpu: 0.0.44.dev20260713+nightly
codegen_flags: <defaults>
</compile_context>

<pallas_src>
import functools

import jax
import jax.numpy as jnp
from jax import lax
from jax.experimental import pallas as pl
from jax.experimental.pallas import tpu as pltpu
from jax.experimental.pallas import tpu_sc as plsc

B = 16384
NUM_DIM = 13
N_FIELDS = 26
VOCAB = 100000
EMB = 16
MLP = 32
TASK = 512

ROWS = B * N_FIELDS
NC, NS = 2, 16
NW = NC * NS
IDXW = 128
IDX_ROWS = ROWS // IDXW
IDX_ROWS_PER_W = IDX_ROWS // NW
K = 13
NCH = IDX_ROWS_PER_W // K
RPC = K * IDXW

BB = 2048

TBL_ROWS = N_FIELDS * VOCAB


def _tc_transpose(t3):
    vb = VOCAB // 8

    def body(x_ref, o_ref):
        for f2 in range(2):
            x = x_ref[f2]
            z = jnp.concatenate(
                [x[:, k * vb:(k + 1) * vb] for k in range(8)], axis=0)
            o_ref[0, pl.ds(f2 * vb, vb), :] = z.T

    return pl.pallas_call(
        body,
        grid=(N_FIELDS // 2,),
        in_specs=[pl.BlockSpec((2, EMB, VOCAB), lambda f: (f, 0, 0))],
        out_specs=pl.BlockSpec((1, 2 * vb, 128), lambda f: (f, 0, 0)),
        out_shape=jax.ShapeDtypeStruct((N_FIELDS // 2, 2 * vb, 128),
                                       jnp.float32),
        compiler_params=pltpu.CompilerParams(
            vmem_limit_bytes=60 * 1024 * 1024),
    )(t3)


def _sc_gather(flat_idx, flat_table):
    idx_rows = flat_idx.shape[0]
    rows_per_w = idx_rows // NW
    nch = rows_per_w // K
    assert rows_per_w % K == 0
    mesh = plsc.VectorSubcoreMesh(core_axis_name="c", subcore_axis_name="s")

    @functools.partial(
        pl.kernel,
        mesh=mesh,
        out_type=jax.ShapeDtypeStruct((idx_rows * IDXW, EMB), jnp.float32),
        scratch_types=[
            pltpu.VMEM((rows_per_w, IDXW), jnp.int32),
            pltpu.VMEM((RPC, EMB), jnp.float32),
            pltpu.VMEM((RPC, EMB), jnp.float32),
            pltpu.VMEM((RPC, EMB), jnp.float32),
            pltpu.SemaphoreType.DMA,
            pltpu.SemaphoreType.DMA,
            pltpu.SemaphoreType.DMA,
            pltpu.SemaphoreType.DMA,
            pltpu.SemaphoreType.DMA,
            pltpu.SemaphoreType.DMA,
        ],
        compiler_params=pltpu.CompilerParams(use_tc_tiling_on_sc=False),
    )
    def gather_kernel(idx_hbm, table_hbm, out_hbm, idx_v, rows_a, rows_b,
                      rows_c, gsa, gsb, gsc, wsa, wsb, wsc):
        wid = lax.axis_index("s") * NC + lax.axis_index("c")
        ibase = wid * rows_per_w
        pltpu.sync_copy(idx_hbm.at[pl.ds(ibase, rows_per_w)], idx_v)

        NB = 3
        rows = [rows_a, rows_b, rows_c]
        gsem = [gsa, gsb, gsc]
        wsem = [wsa, wsb, wsc]
        gh = {}
        wb = {}

        def fire(j):
            s = j % NB
            gh[j] = [pltpu.async_copy(
                table_hbm.at[idx_v.at[j * K + t]],
                rows[s].at[pl.ds(t * IDXW, IDXW)], gsem[s])
                for t in range(K)]

        fire(0)
        fire(1)
        for j in range(nch):
            if j + 2 < nch:
                if j - 1 >= 0:
                    wb[j - 1].wait()
                fire(j + 2)
            for cp in gh[j]:
                cp.wait()
            wb[j] = pltpu.async_copy(
                rows[j % NB],
                out_hbm.at[pl.ds((ibase + j * K) * IDXW, RPC)], wsem[j % NB])
        wb[nch - 3].wait()
        wb[nch - 2].wait()
        wb[nch - 1].wait()

    return gather_kernel(flat_idx, flat_table)


SB = 512
CATW = N_FIELDS * EMB


def _tc_dense(num4, cat4, W_num, b_num,
              ctr_W1, ctr_b1, ctr_w2, ctr_b2,
              cvr_W1, cvr_b1, cvr_w2, cvr_b2):
    def body(nf4, c4, Wn, bn, cW1, cb1, cw2, cb2, vW1, vb1, vw2, vb2,
             octr, ocvr):
        nf_all = nf4[...]
        c_all = c4[...].reshape(SB, 4 * CATW)
        cW1b = cW1[...].astype(jnp.bfloat16)
        vW1b = vW1[...].astype(jnp.bfloat16)
        ctr_parts, cvr_parts = [], []
        for j in range(4):
            nf = nf_all[:, NUM_DIM * j:NUM_DIM * (j + 1)]
            cat = c_all[:, CATW * j:CATW * (j + 1)]
            num_out = jnp.dot(nf, Wn[...],
                              preferred_element_type=jnp.float32) + bn[...]
            shared = jnp.concatenate([num_out, cat], axis=1)
            sb16 = shared.astype(jnp.bfloat16)
            hc = jnp.maximum(
                jnp.dot(sb16, cW1b, preferred_element_type=jnp.float32)
                + cb1[...], 0.0)
            ctr_parts.append(
                jnp.dot(hc, cw2[...], preferred_element_type=jnp.float32)
                + cb2[...])
            hv = jnp.maximum(
                jnp.dot(sb16, vW1b, preferred_element_type=jnp.float32)
                + vb1[...], 0.0)
            cvr_parts.append(
                jnp.dot(hv, vw2[...], preferred_element_type=jnp.float32)
                + vb2[...])
        octr[...] = jnp.concatenate(ctr_parts, axis=1)
        ocvr[...] = jnp.concatenate(cvr_parts, axis=1)

    full = lambda shape: pl.BlockSpec(shape, lambda i: (0, 0))
    R = num4.shape[0]
    return pl.pallas_call(
        body,
        grid=(R // SB,),
        in_specs=[
            pl.BlockSpec((SB, 4 * NUM_DIM), lambda i: (i, 0)),
            pl.BlockSpec((SB * 13, 128), lambda i: (i, 0)),
            full((NUM_DIM, MLP)),
            full((1, MLP)),
            full((MLP + CATW, TASK)),
            full((1, TASK)),
            full((TASK, 1)),
            full((1, 1)),
            full((MLP + CATW, TASK)),
            full((1, TASK)),
            full((TASK, 1)),
            full((1, 1)),
        ],
        out_specs=[
            pl.BlockSpec((SB, 4), lambda i: (i, 0)),
            pl.BlockSpec((SB, 4), lambda i: (i, 0)),
        ],
        out_shape=[
            jax.ShapeDtypeStruct((R, 4), jnp.float32),
            jax.ShapeDtypeStruct((R, 4), jnp.float32),
        ],
    )(num4, cat4, W_num, b_num,
      ctr_W1, ctr_b1, ctr_w2, ctr_b2,
      cvr_W1, cvr_b1, cvr_w2, cvr_b2)


def kernel(num_feats, cat_feats, W_num, b_num, tables,
           ctr_W1, ctr_b1, ctr_W2, ctr_b2,
           cvr_W1, cvr_b1, cvr_W2, cvr_b2):
    t3 = jnp.transpose(tables, (0, 2, 1))
    vb = VOCAB // 8
    c = cat_feats.astype(jnp.int32)
    offs = (jnp.arange(N_FIELDS, dtype=jnp.int32) * vb)[None, :]
    flat_idx = (((c % vb) + offs) * 8 + c // vb).reshape(IDX_ROWS, IDXW)
    t3, flat_idx = jax.lax.optimization_barrier((t3, flat_idx))
    packed = _tc_transpose(t3)
    flat_table = packed.reshape(N_FIELDS * VOCAB, EMB)

    num4 = num_feats.reshape(B // 4, 4 * NUM_DIM)

    NH = 1
    hrows = IDX_ROWS // NH
    ctrs, cvrs = [], []
    for h in range(NH):
        fi = flat_idx[h * hrows:(h + 1) * hrows]
        gathered = _sc_gather(fi, flat_table)
        g1 = jax.lax.optimization_barrier(
            gathered.reshape(hrows * IDXW * EMB))
        cat4 = g1.reshape(hrows * IDXW * EMB // 128, 128)
        n4 = num4[h * (B // 4 // NH):(h + 1) * (B // 4 // NH)]
        ctr4, cvr4 = _tc_dense(
            n4, cat4, W_num, b_num.reshape(1, MLP),
            ctr_W1, ctr_b1.reshape(1, TASK), ctr_W2,
            ctr_b2.reshape(1, 1),
            cvr_W1, cvr_b1.reshape(1, TASK), cvr_W2,
            cvr_b2.reshape(1, 1))
        ctrs.append(ctr4)
        cvrs.append(cvr4)
    ctr = jnp.concatenate(ctrs, axis=0)
    cvr = jnp.concatenate(cvrs, axis=0)
    return (ctr.reshape(B, 1), cvr.reshape(B, 1))

# --- scband reference (transcript-rebuilt; emitter-appended) ---
"""Pipeline reference for scband-esmm-52003464020006 (READ-ONLY COPY).

The authoritative reference and input builder live on the scoring server;
editing this copy changes nothing except your own understanding.
"""

import jax, jax.numpy as jnp
import numpy as np

B = 16384
NUM_DIM = 13
N_FIELDS = 26
VOCAB = 100000
EMB = 16
MLP = 32
TASK = 512
SHARED = MLP + N_FIELDS * EMB


def setup_inputs(seed: int = 0) -> dict:
    key = jax.random.key(seed)
    ks = jax.random.split(key, 14)
    inp = {}
    inp["num_feats"] = jax.random.normal(ks[0], (B, NUM_DIM), dtype=jnp.float32)
    inp["cat_feats"] = jax.random.randint(ks[1], (B, N_FIELDS), 0, VOCAB)
    # learned parameters
    inp["W_num"] = jax.random.normal(ks[2], (NUM_DIM, MLP), dtype=jnp.float32) * 0.1
    inp["b_num"] = jnp.zeros((MLP,), dtype=jnp.float32)
    # one embedding table per categorical field, stacked: [N_FIELDS, VOCAB, EMB]
    inp["tables"] = jax.random.normal(ks[3], (N_FIELDS, VOCAB, EMB), dtype=jnp.float32) * 0.05
    inp["ctr_W1"] = jax.random.normal(ks[4], (SHARED, TASK), dtype=jnp.float32) * 0.05
    inp["ctr_b1"] = jnp.zeros((TASK,), dtype=jnp.float32)
    inp["ctr_W2"] = jax.random.normal(ks[5], (TASK, 1), dtype=jnp.float32) * 0.05
    inp["ctr_b2"] = jnp.zeros((1,), dtype=jnp.float32)
    inp["cvr_W1"] = jax.random.normal(ks[6], (SHARED, TASK), dtype=jnp.float32) * 0.05
    inp["cvr_b1"] = jnp.zeros((TASK,), dtype=jnp.float32)
    inp["cvr_W2"] = jax.random.normal(ks[7], (TASK, 1), dtype=jnp.float32) * 0.05
    inp["cvr_b2"] = jnp.zeros((1,), dtype=jnp.float32)
    return inp


def reference(num_feats, cat_feats, W_num, b_num, tables, ctr_W1, ctr_b1, ctr_W2, ctr_b2, cvr_W1, cvr_b1, cvr_W2, cvr_b2):
    # num_linear
    num_out = num_feats @ W_num + b_num  # [B, MLP]
    # per-field embedding lookup: tables[f][cat_feats[:, f]] for each field f, concat on dim 1
    gathered = jax.vmap(lambda t, idx: jnp.take(t, idx, axis=0), in_axes=(0, 1), out_axes=1)(tables, cat_feats)  # [B, N_FIELDS, EMB]
    cat_out = gathered.reshape(gathered.shape[0], N_FIELDS * EMB)  # [B, N_FIELDS*EMB]
    shared = jnp.concatenate([num_out, cat_out], axis=1)  # [B, SHARED]
    # ctr / cvr towers (Dropout is identity in eval mode)
    ctr_logits = jax.nn.relu(shared @ ctr_W1 + ctr_b1) @ ctr_W2 + ctr_b2  # [B, 1]
    cvr_logits = jax.nn.relu(shared @ cvr_W1 + cvr_b1) @ cvr_W2 + cvr_b2  # [B, 1]
    return (ctr_logits, cvr_logits)

if __name__ == "__main__":
    import jax
    _d = setup_inputs()
    print(jax.jit(kernel)(*tuple(_d.values())))

</pallas_src>

<mosaic_0001>
#map = affine_map<(d0, d1) -> (0, 0)>
module attributes {stable_mosaic.version = 14 : i64} {
  func.func @gather_kernel(%arg0: i32, %arg1: i32, %arg2: memref<3328x128xi32, #tpu.memory_space<hbm>>, %arg3: memref<2600000x16xf32, #tpu.memory_space<hbm>>, %arg4: memref<425984x16xf32, #tpu.memory_space<hbm>>, %arg5: memref<104x128xi32, #tpu.memory_space<vmem>>, %arg6: memref<1664x16xf32, #tpu.memory_space<vmem>>, %arg7: memref<1664x16xf32, #tpu.memory_space<vmem>>, %arg8: memref<1664x16xf32, #tpu.memory_space<vmem>>, %arg9: memref<!tpu.dma_semaphore, #tpu.memory_space<semaphore_mem>>, %arg10: memref<!tpu.dma_semaphore, #tpu.memory_space<semaphore_mem>>, %arg11: memref<!tpu.dma_semaphore, #tpu.memory_space<semaphore_mem>>, %arg12: memref<!tpu.dma_semaphore, #tpu.memory_space<semaphore_mem>>, %arg13: memref<!tpu.dma_semaphore, #tpu.memory_space<semaphore_mem>>, %arg14: memref<!tpu.dma_semaphore, #tpu.memory_space<semaphore_mem>>) attributes {dimension_semantics = [#tpu.dimension_semantics<core_parallel>, #tpu.dimension_semantics<subcore_parallel>], iteration_bounds = array<i64: 2, 16>, scalar_prefetch = 0 : i64, scratch_operands = 10 : i64, tpu.core_type = #tpu.core_type<sc_vector_subcore>, window_params = [{transform_indices = #map}, {transform_indices = #map}, {transform_indices = #map}]} {
    %mul3A = arith.constant 2 : i32
    %mul3A_0 = arith.muli %arg1, %mul3A : i32
    %add3A = arith.addi %mul3A_0, %arg0 : i32
    %mul3A_1 = arith.constant 104 : i32
    %mul3A_2 = arith.muli %add3A, %mul3A_1 : i32
    "tpu.region"() ({
      %run_scoped3A = tpu.sem_alloc : memref<!tpu.dma_semaphore, #tpu.memory_space<semaphore_mem>>
      %dma_start3A_2177 = arith.constant 0 : i32
      %dma_start3A_2178 = tpu.memref_slice %arg2[%mul3A_2, %dma_start3A_2177] : memref<3328x128xi32, #tpu.memory_space<hbm>> -> memref<104x128xi32, #tpu.memory_space<hbm>>
      %dma_start3A_2179 = arith.constant 0 : i32
      %dma_start3A_2180 = tpu.memref_slice %arg2[%mul3A_2, %dma_start3A_2179] : memref<3328x128xi32, #tpu.memory_space<hbm>> -> memref<104x128xi32, #tpu.memory_space<hbm>>
      tpu.enqueue_dma source(%dma_start3A_2180 : memref<104x128xi32, #tpu.memory_space<hbm>>) target(%arg5 : memref<104x128xi32, #tpu.memory_space<vmem>>) target_semaphore(%run_scoped3A : memref<!tpu.dma_semaphore, #tpu.memory_space<semaphore_mem>>)
      %dma_wait3A_2181 = arith.constant 0 : i32
      %dma_wait3A_2182 = tpu.memref_slice %arg2[%mul3A_2, %dma_wait3A_2181] : memref<3328x128xi32, #tpu.memory_space<hbm>> -> memref<104x128xi32, #tpu.memory_space<hbm>>
      %dma_wait3A_2183 = arith.constant 0 : i32
      %dma_wait3A_2184 = tpu.memref_slice %arg2[%mul3A_2, %dma_wait3A_2183] : memref<3328x128xi32, #tpu.memory_space<hbm>> -> memref<104x128xi32, #tpu.memory_space<hbm>>
      tpu.wait_dma2 semaphore(%run_scoped3A : memref<!tpu.dma_semaphore, #tpu.memory_space<semaphore_mem>>) src(%dma_wait3A_2184 : memref<104x128xi32, #tpu.memory_space<hbm>>) dst(%arg5 : memref<104x128xi32, #tpu.memory_space<vmem>>)
      tpu.yield
    }) : () -> ()
    %dma_start3A = arith.constant 0 : i32
    %dma_start3A_3 = arith.constant 0 : i32
    %dma_start3A_4 = arith.constant 0 : i32
    %dma_start3A_5 = tpu.memref_slice %arg6[%dma_start3A_3, %dma_start3A_4] : memref<1664x16xf32, #tpu.memory_space<vmem>> -> memref<128x16xf32, #tpu.memory_space<vmem>>
    %dma_start3A_6 = arith.constant 0 : i32
    %dma_start3A_7 = tpu.memref_slice %arg5[%dma_start3A, %dma_start3A_6] : memref<104x128xi32, #tpu.memory_space<vmem>> -> memref<1x128xi32, #tpu.memory_space<vmem>>
    %dma_start3A_8 = tpu.memref_squeeze %dma_start3A_7 : memref<1x128xi32, #tpu.memory_space<vmem>> -> memref<128xi32, #tpu.memory_space<vmem>>
    %dma_start3A_9 = arith.constant 0 : i32
    %dma_start3A_10 = arith.constant 0 : i32
    %dma_start3A_11 = tpu.memref_slice %arg3[%dma_start3A_9, %dma_start3A_10] : memref<2600000x16xf32, #tpu.memory_space<hbm>> -> memref<2600000x16xf32, #tpu.memory_space<hbm>>
    tpu.enqueue_indirect_dma source(%dma_start3A_11 : memref<2600000x16xf32, #tpu.memory_space<hbm>>) target(%dma_start3A_5 : memref<128x16xf32, #tpu.memory_space<vmem>>) offsets(%dma_start3A_8 : memref<128xi32, #tpu.memory_space<vmem>>) semaphore(%arg9 : memref<!tpu.dma_semaphore, #tpu.memory_space<semaphore_mem>>)
    %dma_start3A_12 = arith.constant 1 : i32
    %dma_start3A_13 = arith.constant 128 : i32
    %dma_start3A_14 = arith.constant 0 : i32
    %dma_start3A_15 = tpu.memref_slice %arg6[%dma_start3A_13, %dma_start3A_14] : memref<1664x16xf32, #tpu.memory_space<vmem>> -> memref<128x16xf32, #tpu.memory_space<vmem>>
    %dma_start3A_16 = arith.constant 0 : i32
    %dma_start3A_17 = tpu.memref_slice %arg5[%dma_start3A_12, %dma_start3A_16] : memref<104x128xi32, #tpu.memory_space<vmem>> -> memref<1x128xi32, #tpu.memory_space<vmem>>
    %dma_start3A_18 = tpu.memref_squeeze %dma_start3A_17 : memref<1x128xi32, #tpu.memory_space<vmem>> -> memref<128xi32, #tpu.memory_space<vmem>>
    %dma_start3A_19 = arith.constant 0 : i32
    %dma_start3A_20 = arith.constant 0 : i32
    %dma_start3A_21 = tpu.memref_slice %arg3[%dma_start3A_19, %dma_start3A_20] : memref<2600000x16xf32, #tpu.memory_space<hbm>> -> memref<2600000x16xf32, #tpu.memory_space<hbm>>
    tpu.enqueue_indirect_dma source(%dma_start3A_21 : memref<2600000x16xf32, #tpu.memory_space<hbm>>) target(%dma_start3A_15 : memref<128x16xf32, #tpu.memory_space<vmem>>) offsets(%dma_start3A_18 : memref<128xi32, #tpu.memory_space<vmem>>) semaphore(%arg9 : memref<!tpu.dma_semaphore, #tpu.memory_space<semaphore_mem>>)
    %dma_start3A_22 = arith.constant 2 : i32
    %dma_start3A_23 = arith.constant 256 : i32
    %dma_start3A_24 = arith.constant 0 : i32
    %dma_start3A_25 = tpu.memref_slice %arg6[%dma_start3A_23, %dma_start3A_24] : memref<1664x16xf32, #tpu.memory_space<vmem>> -> memref<128x16xf32, #tpu.memory_space<vmem>>
    %dma_start3A_26 = arith.constant 0 : i32
    %dma_start3A_27 = tpu.memref_slice %arg5[%dma_start3A_22, %dma_start3A_26] : memref<104x128xi32, #tpu.memory_space<vmem>> -> memref<1x128xi32, #tpu.memory_space<vmem>>
    %dma_start3A_28 = tpu.memref_squeeze %dma_start3A_27 : memref<1x128xi32, #tpu.memory_space<vmem>> -> memref<128xi32, #tpu.memory_space<vmem>>
    %dma_start3A_29 = arith.constant 0 : i32
    %dma_start3A_30 = arith.constant 0 : i32
    %dma_start3A_31 = tpu.memref_slice %arg3[%dma_start3A_29, %dma_start3A_30] : memref<2600000x16xf32, #tpu.memory_space<hbm>> -> memref<2600000x16xf32, #tpu.memory_space<hbm>>
    tpu.enqueue_indirect_dma source(%dma_start3A_31 : memref<2600000x16xf32, #tpu.memory_space<hbm>>) target(%dma_start3A_25 : memref<128x16xf32, #tpu.memory_space<vmem>>) offsets(%dma_start3A_28 : memref<128xi32, #tpu.memory_space<vmem>>) semaphore(%arg9 : memref<!tpu.dma_semaphore, #tpu.memory_space<semaphore_mem>>)
    %dma_start3A_32 = arith.constant 3 : i32
    %dma_start3A_33 = arith.constant 384 : i32
    %dma_start3A_34 = arith.constant 0 : i32
    %dma_start3A_35 = tpu.memref_slice %arg6[%dma_start3A_33, %dma_start3A_34] : memref<1664x16xf32, #tpu.memory_space<vmem>> -> memref<128x16xf32, #tpu.memory_space<vmem>>
    %dma_start3A_36 = arith.constant 0 : i32
    %dma_start3A_37 = tpu.memref_slice %arg5[%dma_start3A_32, %dma_start3A_36] : memref<104x128xi32, #tpu.memory_space<vmem>> -> memref<1x128xi32, #tpu.memory_space<vmem>>
    %dma_start3A_38 = tpu.memref_squeeze %dma_start3A_37 : memref<1x128xi32, #tpu.memory_space<vmem>> -> memref<128xi32, #tpu.memory_space<vmem>>
    %dma_start3A_39 = arith.constant 0 : i32
    %dma_start3A_40 = arith.constant 0 : i32
    %dma_start3A_41 = tpu.memref_slice %arg3[%dma_start3A_39, %dma_start3A_40] : memref<2600000x16xf32, #tpu.memory_space<hbm>> -> memref<2600000x16xf32, #tpu.memory_space<hbm>>
    tpu.enqueue_indirect_dma source(%dma_start3A_41 : memref<2600000x16xf32, #tpu.memory_space<hbm>>) target(%dma_start3A_35 : memref<128x16xf32, #tpu.memory_space<vmem>>) offsets(%dma_start3A_38 : memref<128xi32, #tpu.memory_space<vmem>>) semaphore(%arg9 : memref<!tpu.dma_semaphore, #tpu.memory_space<semaphore_mem>>)
    %dma_start3A_42 = arith.constant 4 : i32
    %dma_start3A_43 = arith.constant 512 : i32
    %dma_start3A_44 = arith.constant 0 : i32
    %dma_start3A_45 = tpu.memref_slice %arg6[%dma_start3A_43, %dma_start3A_44] : memref<1664x16xf32, #tpu.memory_space<vmem>> -> memref<128x16xf32, #tpu.memory_space<vmem>>
    %dma_start3A_46 = arith.constant 0 : i32
    %dma_start3A_47 = tpu.memref_slice %arg5[%dma_start3A_42, %dma_start3A_46] : memref<104x128xi32, #tpu.memory_space<vmem>> -> memref<1x128xi32, #tpu.memory_space<vmem>>
    %dma_start3A_48 = tpu.memref_squeeze %dma_start3A_47 : memref<1x128xi32, #tpu.memory_space<vmem>> -> memref<128xi32, #tpu.memory_space<vmem>>
    %dma_start3A_49 = arith.constant 0 : i32
    %dma_start3A_50 = arith.constant 0 : i32
    %dma_start3A_51 = tpu.memref_slice %arg3[%dma_start3A_49, %dma_start3A_50] : memref<2600000x16xf32, #tpu.memory_space<hbm>> -> memref<2600000x16xf32, #tpu.memory_space<hbm>>
    tpu.enqueue_indirect_dma source(%dma_start3A_51 : memref<2600000x16xf32, #tpu.memory_space<hbm>>) target(%dma_start3A_45 : memref<128x16xf32, #tpu.memory_space<vmem>>) offsets(%dma_start3A_48 : memref<128xi32, #tpu.memory_space<vmem>>) semaphore(%arg9 : memref<!tpu.dma_semaphore, #tpu.memory_space<semaphore_mem>>)
    %dma_start3A_52 = arith.constant 5 : i32
    %dma_start3A_53 = arith.constant 640 : i32
    %dma_start3A_54 = arith.constant 0 : i32
    %dma_start3A_55 = tpu.memref_slice %arg6[%dma_start3A_53, %dma_start3A_54] : memref<1664x16xf32, #tpu.memory_space<vmem>> -> memref<128x16xf32, #tpu.memory_space<vmem>>
    %dma_start3A_56 = arith.constant 0 : i32
    %dma_start3A_57 = tpu.memref_slice %arg5[%dma_start3A_52, %dma_start3A_56] : memref<104x128xi32, #tpu.memory_space<vmem>> -> memref<1x128xi32, #tpu.memory_space<vmem>>
    %dma_start3A_58 = tpu.memref_squeeze %dma_start3A_57 : memref<1x128xi32, #tpu.memory_space<vmem>> -> memref<128xi32, #tpu.memory_space<vmem>>
    %dma_start3A_59 = arith.constant 0 : i32
    %dma_start3A_60 = arith.constant 0 : i32
    %dma_start3A_61 = tpu.memref_slice %arg3[%dma_start3A_59, %dma_start3A_60] : memref<2600000x16xf32, #tpu.memory_space<hbm>> -> memref<2600000x16xf32, #tpu.memory_space<hbm>>
    tpu.enqueue_indirect_dma source(%dma_start3A_61 : memref<2600000x16xf32, #tpu.memory_space<hbm>>) target(%dma_start3A_55 : memref<128x16xf32, #tpu.memory_space<vmem>>) offsets(%dma_start3A_58 : memref<128xi32, #tpu.memory_space<vmem>>) semaphore(%arg9 : memref<!tpu.dma_semaphore, #tpu.memory_space<semaphore_mem>>)
    %dma_start3A_62 = arith.constant 6 : i32
    %dma_start3A_63 = arith.constant 768 : i32
    %dma_start3A_64 = arith.constant 0 : i32
    %dma_start3A_65 = tpu.memref_slice %arg6[%dma_start3A_63, %dma_start3A_64] : memref<1664x16xf32, #tpu.memory_space<vmem>> -> memref<128x16xf32, #tpu.memory_space<vmem>>
    %dma_start3A_66 = arith.constant 0 : i32
    %dma_start3A_67 = tpu.memref_slice %arg5[%dma_start3A_62, %dma_start3A_66] : memref<104x128xi32, #tpu.memory_space<vmem>> -> memref<1x128xi32, #tpu.memory_space<vmem>>
    %dma_start3A_68 = tpu.memref_squeeze %dma_start3A_67 : memref<1x128xi32, #tpu.memory_space<vmem>> -> memref<128xi32, #tpu.memory_space<vmem>>
    %dma_start3A_69 = arith.constant 0 : i32
    %dma_start3A_70 = arith.constant 0 : i32
    %dma_start3A_71 = tpu.memref_slice %arg3[%dma_start3A_69, %dma_start3A_70] : memref<2600000x16xf32, #tpu.memory_space<hbm>> -> memref<2600000x16xf32, #tpu.memory_space<hbm>>
    tpu.enqueue_indirect_dma source(%dma_start3A_71 : memref<2600000x16xf32, #tpu.memory_space<hbm>>) target(%dma_start3A_65 : memref<128x16xf32, #tpu.memory_space<vmem>>) offsets(%dma_start3A_68 : memref<128xi32, #tpu.memory_space<vmem>>) semaphore(%arg9 : memref<!tpu.dma_semaphore, #tpu.memory_space<semaphore_mem>>)
    %dma_start3A_72 = arith.constant 7 : i32
    %dma_start3A_73 = arith.constant 896 : i32
    %dma_start3A_74 = arith.constant 0 : i32
    %dma_start3A_75 = tpu.memref_slice %arg6[%dma_start3A_73, %dma_start3A_74] : memref<1664x16xf32, #tpu.memory_space<vmem>> -> memref<128x16xf32, #tpu.memory_space<vmem>>
    %dma_start3A_76 = arith.constant 0 : i32
    %dma_start3A_77 = tpu.memref_slice %arg5[%dma_start3A_72, %dma_start3A_76] : memref<104x128xi32, #tpu.memory_space<vmem>> -> memref<1x128xi32, #tpu.memory_space<vmem>>
    %dma_start3A_78 = tpu.memref_squeeze %dma_start3A_77 : memref<1x128xi32, #tpu.memory_space<vmem>> -> memref<128xi32, #tpu.memory_space<vmem>>
    %dma_start3A_79 = arith.constant 0 : i32
    %dma_start3A_80 = arith.constant 0 : i32
    %dma_start3A_81 = tpu.memref_slice %arg3[%dma_start3A_79, %dma_start3A_80] : memref<2600000x16xf32, #tpu.memory_space<hbm>> -> memref<2600000x16xf32, #tpu.memory_space<hbm>>
    tpu.enqueue_indirect_dma source(%dma_start3A_81 : memref<2600000x16xf32, #tpu.memory_space<hbm>>) target(%dma_start3A_75 : memref<128x16xf32, #tpu.memory_space<vmem>>) offsets(%dma_start3A_78 : memref<128xi32, #tpu.memory_space<vmem>>) semaphore(%arg9 : memref<!tpu.dma_semaphore, #tpu.memory_space<semaphore_mem>>)
    %dma_start3A_82 = arith.constant 8 : i32
    %dma_start3A_83 = arith.constant 1024 : i32
    %dma_start3A_84 = arith.constant 0 : i32
    %dma_start3A_85 = tpu.memref_slice %arg6[%dma_start3A_83, %dma_start3A_84] : memref<1664x16xf32, #tpu.memory_space<vmem>> -> memref<128x16xf32, #tpu.memory_space<vmem>>
    %dma_start3A_86 = arith.constant 0 : i32
    %dma_start3A_87 = tpu.memref_slice %arg5[%dma_start3A_82, %dma_start3A_86] : memref<104x128xi32, #tpu.memory_space<vmem>> -> memref<1x128xi32, #tpu.memory_space<vmem>>
    %dma_start3A_88 = tpu.memref_squeeze %dma_start3A_87 : memref<1x128xi32, #tpu.memory_space<vmem>> -> memref<128xi32, #tpu.memory_space<vmem>>
    %dma_start3A_89 = arith.constant 0 : i32
    %dma_start3A_90 = arith.constant 0 : i32
    %dma_start3A_91 = tpu.memref_slice %arg3[%dma_start3A_89, %dma_start3A_90] : memref<2600000x16xf32, #tpu.memory_space<hbm>> -> memref<2600000x16xf32, #tpu.memory_space<hbm>>
    tpu.enqueue_indirect_dma source(%dma_start3A_91 : memref<2600000x16xf32, #tpu.memory_space<hbm>>) target(%dma_start3A_85 : memref<128x16xf32, #tpu.memory_space<vmem>>) offsets(%dma_start3A_88 : memref<128xi32, #tpu.memory_space<vmem>>) semaphore(%arg9 : memref<!tpu.dma_semaphore, #tpu.memory_space<semaphore_mem>>)
    %dma_start3A_92 = arith.constant 9 : i32
    %dma_start3A_93 = arith.constant 1152 : i32
    %dma_start3A_94 = arith.constant 0 : i32
    %dma_start3A_95 = tpu.memref_slice %arg6[%dma_start3A_93, %dma_start3A_94] : memref<1664x16xf32, #tpu.memory_space<vmem>> -> memref<128x16xf32, #tpu.memory_space<vmem>>
    %dma_start3A_96 = arith.constant 0 : i32
    %dma_start3A_97 = tpu.memref_slice %arg5[%dma_start3A_92, %dma_start3A_96] : memref<104x128xi32, #tpu.memory_space<vmem>> -> memref<1x128xi32, #tpu.memory_space<vmem>>
    %dma_start3A_98 = tpu.memref_squeeze %dma_start3A_97 : memref<1x128xi32, #tpu.memory_space<vmem>> -> memref<128xi32, #tpu.memory_space<vmem>>
    %dma_start3A_99 = arith.constant 0 : i32
    %dma_start3A_100 = arith.constant 0 : i32
    %dma_start3A_101 = tpu.memref_slice %arg3[%dma_start3A_99, %dma_start3A_100] : memref<2600000x16xf32, #tpu.memory_space<hbm>> -> memref<2600000x16xf32, #tpu.memory_space<hbm>>
    tpu.enqueue_indirect_dma source(%dma_start3A_101 : memref<2600000x16xf32, #tpu.memory_space<hbm>>) target(%dma_start3A_95 : memref<128x16xf32, #tpu.memory_space<vmem>>) offsets(%dma_start3A_98 : memref<128xi32, #tpu.memory_space<vmem>>) semaphore(%arg9 : memref<!tpu.dma_semaphore, #tpu.memory_space<semaphore_mem>>)
    %dma_start3A_102 = arith.constant 10 : i32
    %dma_start3A_103 = arith.constant 1280 : i32
    %dma_start3A_104 = arith.constant 0 : i32
    %dma_start3A_105 = tpu.memref_slice %arg6[%dma_start3A_103, %dma_start3A_104] : memref<1664x16xf32, #tpu.memory_space<vmem>> -> memref<128x16xf32, #tpu.memory_space<vmem>>
    %dma_start3A_106 = arith.constant 0 : i32
    %dma_start3A_107 = tpu.memref_slice %arg5[%dma_start3A_102, %dma_start3A_106] : memref<104x128xi32, #tpu.memory_space<vmem>> -> memref<1x128xi32, #tpu.memory_space<vmem>>
    %dma_start3A_108 = tpu.memref_squeeze %dma_start3A_107 : memref<1x128xi32, #tpu.memory_space<vmem>> -> memref<128xi32, #tpu.memory_space<vmem>>
    %dma_start3A_109 = arith.constant 0 : i32
    %dma_start3A_110 = arith.constant 0 : i32
    %dma_start3A_111 = tpu.memref_slice %arg3[%dma_start3A_109, %dma_start3A_110] : memref<2600000x16xf32, #tpu.memory_space<hbm>> -> memref<2600000x16xf32, #tpu.memory_space<hbm>>
    tpu.enqueue_indirect_dma source(%dma_start3A_111 : memref<2600000x16xf32, #tpu.memory_space<hbm>>) target(%dma_start3A_105 : memref<128x16xf32, #tpu.memory_space<vmem>>) offsets(%dma_start3A_108 : memref<128xi32, #tpu.memory_space<vmem>>) semaphore(%arg9 : memref<!tpu.dma_semaphore, #tpu.memory_space<semaphore_mem>>)
    %dma_start3A_112 = arith.constant 11 : i32
    %dma_start3A_113 = arith.constant 1408 : i32
    %dma_start3A_114 = arith.constant 0 : i32
    %dma_start3A_115 = tpu.memref_slice %arg6[%dma_start3A_113, %dma_start3A_114] : memref<1664x16xf32, #tpu.memory_space<vmem>> -> memref<128x16xf32, #tpu.memory_space<vmem>>
    %dma_start3A_116 = arith.constant 0 : i32
    %dma_start3A_117 = tpu.memref_slice %arg5[%dma_start3A_112, %dma_start3A_116] : memref<104x128xi32, #tpu.memory_space<vmem>> -> memref<1x128xi32, #tpu.memory_space<vmem>>
    %dma_start3A_118 = tpu.memref_squeeze %dma_start3A_117 : memref<1x128xi32, #tpu.memory_space<vmem>> -> memref<128xi32, #tpu.memory_space<vmem>>
    %dma_start3A_119 = arith.constant 0 : i32
    %dma_start3A_120 = arith.constant 0 : i32
    %dma_start3A_121 = tpu.memref_slice %arg3[%dma_start3A_119, %dma_start3A_120] : memref<2600000x16xf32, #tpu.memory_space<hbm>> -> memref<2600000x16xf32, #tpu.memory_space<hbm>>
    tpu.enqueue_indirect_dma source(%dma_start3A_121 : memref<2600000x16xf32, #tpu.memory_space<hbm>>) target(%dma_start3A_115 : memref<128x16xf32, #tpu.memory_space<vmem>>) offsets(%dma_start3A_118 : memref<128xi32, #tpu.memory_space<vmem>>) semaphore(%arg9 : memref<!tpu.dma_semaphore, #tpu.memory_space<semaphore_mem>>)
    %dma_start3A_122 = arith.constant 12 : i32
    %dma_start3A_123 = arith.constant 1536 : i32
    %dma_start3A_124 = arith.constant 0 : i32
    %dma_start3A_125 = tpu.memref_slice %arg6[%dma_start3A_123, %dma_start3A_124] : memref<1664x16xf32, #tpu.memory_space<vmem>> -> memref<128x16xf32, #tpu.memory_space<vmem>>
    %dma_start3A_126 = arith.constant 0 : i32
    %dma_start3A_127 = tpu.memref_slice %arg5[%dma_start3A_122, %dma_start3A_126] : memref<104x128xi32, #tpu.memory_space<vmem>> -> memref<1x128xi32, #tpu.memory_space<vmem>>
    %dma_start3A_128 = tpu.memref_squeeze %dma_start3A_127 : memref<1x128xi32, #tpu.memory_space<vmem>> -> memref<128xi32, #tpu.memory_space<vmem>>
    %dma_start3A_129 = arith.constant 0 : i32
    %dma_start3A_130 = arith.constant 0 : i32
    %dma_start3A_131 = tpu.memref_slice %arg3[%dma_start3A_129, %dma_start3A_130] : memref<2600000x16xf32, #tpu.memory_space<hbm>> -> memref<2600000x16xf32, #tpu.memory_space<hbm>>
    tpu.enqueue_indirect_dma source(%dma_start3A_131 : memref<2600000x16xf32, #tpu.memory_space<hbm>>) target(%dma_start3A_125 : memref<128x16xf32, #tpu.memory_space<vmem>>) offsets(%dma_start3A_128 : memref<128xi32, #tpu.memory_space<vmem>>) semaphore(%arg9 : memref<!tpu.dma_semaphore, #tpu.memory_space<semaphore_mem>>)
    %dma_start3A_132 = arith.constant 13 : i32
    %dma_start3A_133 = arith.constant 0 : i32
    %dma_start3A_134 = arith.constant 0 : i32
    %dma_start3A_135 = tpu.memref_slice %arg7[%dma_start3A_133, %dma_start3A_134] : memref<1664x16xf32, #tpu.memory_space<vmem>> -> memref<128x16xf32, #tpu.memory_space<vmem>>
    %dma_start3A_136 = arith.constant 0 : i32
    %dma_start3A_137 = tpu.memref_slice %arg5[%dma_start3A_132, %dma_start3A_136] : memref<104x128xi32, #tpu.memory_space<vmem>> -> memref<1x128xi32, #tpu.memory_space<vmem>>
    %dma_start3A_138 = tpu.memref_squeeze %dma_start3A_137 : memref<1x128xi32, #tpu.memory_space<vmem>> -> memref<128xi32, #tpu.memory_space<vmem>>
    %dma_start3A_139 = arith.constant 0 : i32
    %dma_start3A_140 = arith.constant 0 : i32
    %dma_start3A_141 = tpu.memref_slice %arg3[%dma_start3A_139, %dma_start3A_140] : memref<2600000x16xf32, #tpu.memory_space<hbm>> -> memref<2600000x16xf32, #tpu.memory_space<hbm>>
    tpu.enqueue_indirect_dma source(%dma_start3A_141 : memref<2600000x16xf32, #tpu.memory_space<hbm>>) target(%dma_start3A_135 : memref<128x16xf32, #tpu.memory_space<vmem>>) offsets(%dma_start3A_138 : memref<128xi32, #tpu.memory_space<vmem>>) semaphore(%arg10 : memref<!tpu.dma_semaphore, #tpu.memory_space<semaphore_mem>>)
    %dma_start3A_142 = arith.constant 14 : i32
    %dma_start3A_143 = arith.constant 128 : i32
    %dma_start3A_144 = arith.constant 0 : i32
    %dma_start3A_145 = tpu.memref_slice %arg7[%dma_start3A_143, %dma_start3A_144] : memref<1664x16xf32, #tpu.memory_space<vmem>> -> memref<128x16xf32, #tpu.memory_space<vmem>>
    %dma_start3A_146 = arith.constant 0 : i32
    %dma_start3A_147 = tpu.memref_slice %arg5[%dma_start3A_142, %dma_start3A_146] : memref<104x128xi32, #tpu.memory_space<vmem>> -> memref<1x128xi32, #tpu.memory_space<vmem>>
    %dma_start3A_148 = tpu.memref_squeeze %dma_start3A_147 : memref<1x128xi32, #tpu.memory_space<vmem>> -> memref<128xi32, #tpu.memory_space<vmem>>
    %dma_start3A_149 = arith.constant 0 : i32
    %dma_start3A_150 = arith.constant 0 : i32
    %dma_start3A_151 = tpu.memref_slice %arg3[%dma_start3A_149, %dma_start3A_150] : memref<2600000x16xf32, #tpu.memory_space<hbm>> -> memref<2600000x16xf32, #tpu.memory_space<hbm>>
    tpu.enqueue_indirect_dma source(%dma_start3A_151 : memref<2600000x16xf32, #tpu.memory_space<hbm>>) target(%dma_start3A_145 : memref<128x16xf32, #tpu.memory_space<vmem>>) offsets(%dma_start3A_148 : memref<128xi32, #tpu.memory_space<vmem>>) semaphore(%arg10 : memref<!tpu.dma_semaphore, #tpu.memory_space<semaphore_mem>>)
    %dma_start3A_152 = arith.constant 15 : i32
    %dma_start3A_153 = arith.constant 256 : i32
    %dma_start3A_154 = arith.constant 0 : i32
    %dma_start3A_155 = tpu.memref_slice %arg7[%dma_start3A_153, %dma_start3A_154] : memref<1664x16xf32, #tpu.memory_space<vmem>> -> memref<128x16xf32, #tpu.memory_space<vmem>>
    %dma_start3A_156 = arith.constant 0 : i32
    %dma_start3A_157 = tpu.memref_slice %arg5[%dma_start3A_152, %dma_start3A_156] : memref<104x128xi32, #tpu.memory_space<vmem>> -> memref<1x128xi32, #tpu.memory_space<vmem>>
    %dma_start3A_158 = tpu.memref_squeeze %dma_start3A_157 : memref<1x128xi32, #tpu.memory_space<vmem>> -> memref<128xi32, #tpu.memory_space<vmem>>
    %dma_start3A_159 = arith.constant 0 : i32
    %dma_start3A_160 = arith.constant 0 : i32
    %dma_start3A_161 = tpu.memref_slice %arg3[%dma_start3A_159, %dma_start3A_160] : memref<2600000x16xf32, #tpu.memory_space<hbm>> -> memref<2600000x16xf32, #tpu.memory_space<hbm>>
    tpu.enqueue_indirect_dma source(%dma_start3A_161 : memref<2600000x16xf32, #tpu.memory_space<hbm>>) target(%dma_start3A_155 : memref<128x16xf32, #tpu.memory_space<vmem>>) offsets(%dma_start3A_158 : memref<128xi32, #tpu.memory_space<vmem>>) semaphore(%arg10 : memref<!tpu.dma_semaphore, #tpu.memory_space<semaphore_mem>>)
    %dma_start3A_162 = arith.constant 16 : i32
    %dma_start3A_163 = arith.constant 384 : i32
    %dma_start3A_164 = arith.constant 0 : i32
    %dma_start3A_165 = tpu.memref_slice %arg7[%dma_start3A_163, %dma_start3A_164] : memref<1664x16xf32, #tpu.memory_space<vmem>> -> memref<128x16xf32, #tpu.memory_space<vmem>>
    %dma_start3A_166 = arith.constant 0 : i32
    %dma_start3A_167 = tpu.memref_slice %arg5[%dma_start3A_162, %dma_start3A_166] : memref<104x128xi32, #tpu.memory_space<vmem>> -> memref<1x128xi32, #tpu.memory_space<vmem>>
    %dma_start3A_168 = tpu.memref_squeeze %dma_start3A_167 : memref<1x128xi32, #tpu.memory_space<vmem>> -> memref<128xi32, #tpu.memory_space<vmem>>
    %dma_start3A_169 = arith.constant 0 : i32
    %dma_start3A_170 = arith.constant 0 : i32
    %dma_start3A_171 = tpu.memref_slice %arg3[%dma_start3A_169, %dma_start3A_170] : memref<2600000x16xf32, #tpu.memory_space<hbm>> -> memref<2600000x16xf32, #tpu.memory_space<hbm>>
    tpu.enqueue_indirect_dma source(%dma_start3A_171 : memref<2600000x16xf32, #tpu.memory_space<hbm>>) target(%dma_start3A_165 : memref<128x16xf32, #tpu.memory_space<vmem>>) offsets(%dma_start3A_168 : memref<128xi32, #tpu.memory_space<vmem>>) semaphore(%arg10 : memref<!tpu.dma_semaphore, #tpu.memory_space<semaphore_mem>>)
    %dma_start3A_172 = arith.constant 17 : i32
    %dma_start3A_173 = arith.constant 512 : i32
    %dma_start3A_174 = arith.constant 0 : i32
    %dma_start3A_175 = tpu.memref_slice %arg7[%dma_start3A_173, %dma_start3A_174] : memref<1664x16xf32, #tpu.memory_space<vmem>> -> memref<128x16xf32, #tpu.memory_space<vmem>>
    %dma_start3A_176 = arith.constant 0 : i32
    %dma_start3A_177 = tpu.memref_slice %arg5[%dma_start3A_172, %dma_start3A_176] : memref<104x128xi32, #tpu.memory_space<vmem>> -> memref<1x128xi32, #tpu.memory_space<vmem>>
    %dma_start3A_178 = tpu.memref_squeeze %dma_start3A_177 : memref<1x128xi32, #tpu.memory_space<vmem>> -> memref<128xi32, #tpu.memory_space<vmem>>
    %dma_start3A_179 = arith.constant 0 : i32
    %dma_start3A_180 = arith.constant 0 : i32
    %dma_start3A_181 = tpu.memref_slice %arg3[%dma_start3A_179, %dma_start3A_180] : memref<2600000x16xf32, #tpu.memory_space<hbm>> -> memref<2600000x16xf32, #tpu.memory_space<hbm>>
    tpu.enqueue_indirect_dma source(%dma_start3A_181 : memref<2600000x16xf32, #tpu.memory_space<hbm>>) target(%dma_start3A_175 : memref<128x16xf32, #tpu.memory_space<vmem>>) offsets(%dma_start3A_178 : memref<128xi32, #tpu.memory_space<vmem>>) semaphore(%arg10 : memref<!tpu.dma_semaphore, #tpu.memory_space<semaphore_mem>>)
    %dma_start3A_182 = arith.constant 18 : i32
    %dma_start3A_183 = arith.constant 640 : i32
    %dma_start3A_184 = arith.constant 0 : i32
    %dma_start3A_185 = tpu.memref_slice %arg7[%dma_start3A_183, %dma_start3A_184] : memref<1664x16xf32, #tpu.memory_space<vmem>> -> memref<128x16xf32, #tpu.memory_space<vmem>>
    %dma_start3A_186 = arith.constant 0 : i32
    %dma_start3A_187 = tpu.memref_slice %arg5[%dma_start3A_182, %dma_start3A_186] : memref<104x128xi32, #tpu.memory_space<vmem>> -> memref<1x128xi32, #tpu.memory_space<vmem>>
    %dma_start3A_188 = tpu.memref_squeeze %dma_start3A_187 : memref<1x128xi32, #tpu.memory_space<vmem>> -> memref<128xi32, #tpu.memory_space<vmem>>
    %dma_start3A_189 = arith.constant 0 : i32
    %dma_start3A_190 = arith.constant 0 : i32
    %dma_start3A_191 = tpu.memref_slice %arg3[%dma_start3A_189, %dma_start3A_190] : memref<2600000x16xf32, #tpu.memory_space<hbm>> -> memref<2600000x16xf32, #tpu.memory_space<hbm>>
    tpu.enqueue_indirect_dma source(%dma_start3A_191 : memref<2600000x16xf32, #tpu.memory_space<hbm>>) target(%dma_start3A_185 : memref<128x16xf32, #tpu.memory_space<vmem>>) offsets(%dma_start3A_188 : memref<128xi32, #tpu.memory_space<vmem>>) semaphore(%arg10 : memref<!tpu.dma_semaphore, #tpu.memory_space<semaphore_mem>>)
    %dma_start3A_192 = arith.constant 19 : i32
    %dma_start3A_193 = arith.constant 768 : i32
    %dma_start3A_194 = arith.constant 0 : i32
    %dma_start3A_195 = tpu.memref_slice %arg7[%dma_start3A_193, %dma_start3A_194] : memref<1664x16xf32, #tpu.memory_space<vmem>> -> memref<128x16xf32, #tpu.memory_space<vmem>>
    %dma_start3A_196 = arith.constant 0 : i32
    %dma_start3A_197 = tpu.memref_slice %arg5[%dma_start3A_192, %dma_start3A_196] : memref<104x128xi32, #tpu.memory_space<vmem>> -> memref<1x128xi32, #tpu.memory_space<vmem>>
    %dma_start3A_198 = tpu.memref_squeeze %dma_start3A_197 : memref<1x128xi32, #tpu.memory_space<vmem>> -> memref<128xi32, #tpu.memory_space<vmem>>
    %dma_start3A_199 = arith.constant 0 : i32
    %dma_start3A_200 = arith.constant 0 : i32
    %dma_start3A_201 = tpu.memref_slice %arg3[%dma_start3A_199, %dma_start3A_200] : memref<2600000x16xf32, #tpu.memory_space<hbm>> -> memref<2600000x16xf32, #tpu.memory_space<hbm>>
    tpu.enqueue_indirect_dma source(%dma_start3A_201 : memref<2600000x16xf32, #tpu.memory_space<hbm>>) target(%dma_start3A_195 : memref<128x16xf32, #tpu.memory_space<vmem>>) offsets(%dma_start3A_198 : memref<128xi32, #tpu.memory_space<vmem>>) semaphore(%arg10 : memref<!tpu.dma_semaphore, #tpu.memory_space<semaphore_mem>>)
    %dma_start3A_202 = arith.constant 20 : i32
    %dma_start3A_203 = arith.constant 896 : i32
    %dma_start3A_204 = arith.constant 0 : i32
    %dma_start3A_205 = tpu.memref_slice %arg7[%dma_start3A_203, %dma_start3A_204] : memref<1664x16xf32, #tpu.memory_space<vmem>> -> memref<128x16xf32, #tpu.memory_space<vmem>>
    %dma_start3A_206 = arith.constant 0 : i32
    %dma_start3A_207 = tpu.memref_slice %arg5[%dma_start3A_202, %dma_start3A_206] : memref<104x128xi32, #tpu.memory_space<vmem>> -> memref<1x128xi32, #tpu.memory_space<vmem>>
    %dma_start3A_208 = tpu.memref_squeeze %dma_start3A_207 : memref<1x128xi32, #tpu.memory_space<vmem>> -> memref<128xi32, #tpu.memory_space<vmem>>
    %dma_start3A_209 = arith.constant 0 : i32
    %dma_start3A_210 = arith.constant 0 : i32
    %dma_start3A_211 = tpu.memref_slice %arg3[%dma_start3A_209, %dma_start3A_210] : memref<2600000x16xf32, #tpu.memory_space<hbm>> -> memref<2600000x16xf32, #tpu.memory_space<hbm>>
    tpu.enqueue_indirect_dma source(%dma_start3A_211 : memref<2600000x16xf32, #tpu.memory_space<hbm>>) target(%dma_start3A_205 : memref<128x16xf32, #tpu.memory_space<vmem>>) offsets(%dma_start3A_208 : memref<128xi32, #tpu.memory_space<vmem>>) semaphore(%arg10 : memref<!tpu.dma_semaphore, #tpu.memory_space<semaphore_mem>>)
    %dma_start3A_212 = arith.constant 21 : i32
    %dma_start3A_213 = arith.constant 1024 : i32
    %dma_start3A_214 = arith.constant 0 : i32
    %dma_start3A_215 = tpu.memref_slice %arg7[%dma_start3A_213, %dma_start3A_214] : memref<1664x16xf32, #tpu.memory_space<vmem>> -> memref<128x16xf32, #tpu.memory_space<vmem>>
    %dma_start3A_216 = arith.constant 0 : i32
    %dma_start3A_217 = tpu.memref_slice %arg5[%dma_start3A_212, %dma_start3A_216] : memref<104x128xi32, #tpu.memory_space<vmem>> -> memref<1x128xi32, #tpu.memory_space<vmem>>
    %dma_start3A_218 = tpu.memref_squeeze %dma_start3A_217 : memref<1x128xi32, #tpu.memory_space<vmem>> -> memref<128xi32, #tpu.memory_space<vmem>>
    %dma_start3A_219 = arith.constant 0 : i32
    %dma_start3A_220 = arith.constant 0 : i32
    %dma_start3A_221 = tpu.memref_slice %arg3[%dma_start3A_219, %dma_start3A_220] : memref<2600000x16xf32, #tpu.memory_space<hbm>> -> memref<2600000x16xf32, #tpu.memory_space<hbm>>
    tpu.enqueue_indirect_dma source(%dma_start3A_221 : memref<2600000x16xf32, #tpu.memory_space<hbm>>) target(%dma_start3A_215 : memref<128x16xf32, #tpu.memory_space<vmem>>) offsets(%dma_start3A_218 : memref<128xi32, #tpu.memory_space<vmem>>) semaphore(%arg10 : memref<!tpu.dma_semaphore, #tpu.memory_space<semaphore_mem>>)
    %dma_start3A_222 = arith.constant 22 : i32
    %dma_start3A_223 = arith.constant 1152 : i32
    %dma_start3A_224 = arith.constant 0 : i32
    %dma_start3A_225 = tpu.memref_slice %arg7[%dma_start3A_223, %dma_start3A_224] : memref<1664x16xf32, #tpu.memory_space<vmem>> -> memref<128x16xf32, #tpu.memory_space<vmem>>
    %dma_start3A_226 = arith.constant 0 : i32
    %dma_start3A_227 = tpu.memref_slice %arg5[%dma_start3A_222, %dma_start3A_226] : memref<104x128xi32, #tpu.memory_space<vmem>> -> memref<1x128xi32, #tpu.memory_space<vmem>>
    %dma_start3A_228 = tpu.memref_squeeze %dma_start3A_227 : memref<1x128xi32, #tpu.memory_space<vmem>> -> memref<128xi32, #tpu.memory_space<vmem>>
    %dma_start3A_229 = arith.constant 0 : i32
    %dma_start3A_230 = arith.constant 0 : i32
    %dma_start3A_231 = tpu.memref_slice %arg3[%dma_start3A_229, %dma_start3A_230] : memref<2600000x16xf32, #tpu.memory_space<hbm>> -> memref<2600000x16xf32, #tpu.memory_space<hbm>>
    tpu.enqueue_indirect_dma source(%dma_start3A_231 : memref<2600000x16xf32, #tpu.memory_space<hbm>>) target(%dma_start3A_225 : memref<128x16xf32, #tpu.memory_space<vmem>>) offsets(%dma_start3A_228 : memref<128xi32, #tpu.memory_space<vmem>>) semaphore(%arg10 : memref<!tpu.dma_semaphore, #tpu.memory_space<semaphore_mem>>)
    %dma_start3A_232 = arith.constant 23 : i32
    %dma_start3A_233 = arith.constant 1280 : i32
    %dma_start3A_234 = arith.constant 0 : i32
    %dma_start3A_235 = tpu.memref_slice %arg7[%dma_start3A_233, %dma_start3A_234] : memref<1664x16xf32, #tpu.memory_space<vmem>> -> memref<128x16xf32, #tpu.memory_space<vmem>>
    %dma_start3A_236 = arith.constant 0 : i32
    %dma_start3A_237 = tpu.memref_slice %arg5[%dma_start3A_232, %dma_start3A_236] : memref<104x128xi32, #tpu.memory_space<vmem>> -> memref<1x128xi32, #tpu.memory_space<vmem>>
    %dma_start3A_238 = tpu.memref_squeeze %dma_start3A_237 : memref<1x128xi32, #tpu.memory_space<vmem>> -> memref<128xi32, #tpu.memory_space<vmem>>
    %dma_start3A_239 = arith.constant 0 : i32
    %dma_start3A_240 = arith.constant 0 : i32
    %dma_start3A_241 = tpu.memref_slice %arg3[%dma_start3A_239, %dma_start3A_240] : memref<2600000x16xf32, #tpu.memory_space<hbm>> -> memref<2600000x16xf32, #tpu.memory_space<hbm>>
    tpu.enqueue_indirect_dma source(%dma_start3A_241 : memref<2600000x16xf32, #tpu.memory_space<hbm>>) target(%dma_start3A_235 : memref<128x16xf32, #tpu.memory_space<vmem>>) offsets(%dma_start3A_238 : memref<128xi32, #tpu.memory_space<vmem>>) semaphore(%arg10 : memref<!tpu.dma_semaphore, #tpu.memory_space<semaphore_mem>>)
    %dma_start3A_242 = arith.constant 24 : i32
    %dma_start3A_243 = arith.constant 1408 : i32
    %dma_start3A_244 = arith.constant 0 : i32
    %dma_start3A_245 = tpu.memref_slice %arg7[%dma_start3A_243, %dma_start3A_244] : memref<1664x16xf32, #tpu.memory_space<vmem>> -> memref<128x16xf32, #tpu.memory_space<vmem>>
    %dma_start3A_246 = arith.constant 0 : i32
    %dma_start3A_247 = tpu.memref_slice %arg5[%dma_start3A_242, %dma_start3A_246] : memref<104x128xi32, #tpu.memory_space<vmem>> -> memref<1x128xi32, #tpu.memory_space<vmem>>
    %dma_start3A_248 = tpu.memref_squeeze %dma_start3A_247 : memref<1x128xi32, #tpu.memory_space<vmem>> -> memref<128xi32, #tpu.memory_space<vmem>>
    %dma_start3A_249 = arith.constant 0 : i32
    %dma_start3A_250 = arith.constant 0 : i32
    %dma_start3A_251 = tpu.memref_slice %arg3[%dma_start3A_249, %dma_start3A_250] : memref<2600000x16xf32, #tpu.memory_space<hbm>> -> memref<2600000x16xf32, #tpu.memory_space<hbm>>
    tpu.enqueue_indirect_dma source(%dma_start3A_251 : memref<2600000x16xf32, #tpu.memory_space<hbm>>) target(%dma_start3A_245 : memref<128x16xf32, #tpu.memory_space<vmem>>) offsets(%dma_start3A_248 : memref<128xi32, #tpu.memory_space<vmem>>) semaphore(%arg10 : memref<!tpu.dma_semaphore, #tpu.memory_space<semaphore_mem>>)
    %dma_start3A_252 = arith.constant 25 : i32
    %dma_start3A_253 = arith.constant 1536 : i32
    %dma_start3A_254 = arith.constant 0 : i32
    %dma_start3A_255 = tpu.memref_slice %arg7[%dma_start3A_253, %dma_start3A_254] : memref<1664x16xf32, #tpu.memory_space<vmem>> -> memref<128x16xf32, #tpu.memory_space<vmem>>
    %dma_start3A_256 = arith.constant 0 : i32
    %dma_start3A_257 = tpu.memref_slice %arg5[%dma_start3A_252, %dma_start3A_256] : memref<104x128xi32, #tpu.memory_space<vmem>> -> memref<1x128xi32, #tpu.memory_space<vmem>>
    %dma_start3A_258 = tpu.memref_squeeze %dma_start3A_257 : memref<1x128xi32, #tpu.memory_space<vmem>> -> memref<128xi32, #tpu.memory_space<vmem>>
    %dma_start3A_259 = arith.constant 0 : i32
    %dma_start3A_260 = arith.constant 0 : i32
    %dma_start3A_261 = tpu.memref_slice %arg3[%dma_start3A_259, %dma_start3A_260] : memref<2600000x16xf32, #tpu.memory_space<hbm>> -> memref<2600000x16xf32, #tpu.memory_space<hbm>>
    tpu.enqueue_indirect_dma source(%dma_start3A_261 : memref<2600000x16xf32, #tpu.memory_space<hbm>>) target(%dma_start3A_255 : memref<128x16xf32, #tpu.memory_space<vmem>>) offsets(%dma_start3A_258 : memref<128xi32, #tpu.memory_space<vmem>>) semaphore(%arg10 : memref<!tpu.dma_semaphore, #tpu.memory_space<semaphore_mem>>)
    %dma_start3A_262 = arith.constant 26 : i32
    %dma_start3A_263 = arith.constant 0 : i32
    %dma_start3A_264 = arith.constant 0 : i32
    %dma_start3A_265 = tpu.memref_slice %arg8[%dma_start3A_263, %dma_start3A_264] : memref<1664x16xf32, #tpu.memory_space<vmem>> -> memref<128x16xf32, #tpu.memory_space<vmem>>
    %dma_start3A_266 = arith.constant 0 : i32
    %dma_start3A_267 = tpu.memref_slice %arg5[%dma_start3A_262, %dma_start3A_266] : memref<104x128xi32, #tpu.memory_space<vmem>> -> memref<1x128xi32, #tpu.memory_space<vmem>>
    %dma_start3A_268 = tpu.memref_squeeze %dma_start3A_267 : memref<1x128xi32, #tpu.memory_space<vmem>> -> memref<128xi32, #tpu.memory_space<vmem>>
    %dma_start3A_269 = arith.constant 0 : i32
    %dma_start3A_270 = arith.constant 0 : i32
    %dma_start3A_271 = tpu.memref_slice %arg3[%dma_start3A_269, %dma_start3A_270] : memref<2600000x16xf32, #tpu.memory_space<hbm>> -> memref<2600000x16xf32, #tpu.memory_space<hbm>>
    tpu.enqueue_indirect_dma source(%dma_start3A_271 : memref<2600000x16xf32, #tpu.memory_space<hbm>>) target(%dma_start3A_265 : memref<128x16xf32, #tpu.memory_space<vmem>>) offsets(%dma_start3A_268 : memref<128xi32, #tpu.memory_space<vmem>>) semaphore(%arg11 : memref<!tpu.dma_semaphore, #tpu.memory_space<semaphore_mem>>)
    %dma_start3A_272 = arith.constant 27 : i32
    %dma_start3A_273 = arith.constant 128 : i32
    %dma_start3A_274 = arith.constant 0 : i32
    %dma_start3A_275 = tpu.memref_slice %arg8[%dma_start3A_273, %dma_start3A_274] : memref<1664x16xf32, #tpu.memory_space<vmem>> -> memref<128x16xf32, #tpu.memory_space<vmem>>
    %dma_start3A_276 = arith.constant 0 : i32
    %dma_start3A_277 = tpu.memref_slice %arg5[%dma_start3A_272, %dma_start3A_276] : memref<104x128xi32, #tpu.memory_space<vmem>> -> memref<1x128xi32, #tpu.memory_space<vmem>>
    %dma_start3A_278 = tpu.memref_squeeze %dma_start3A_277 : memref<1x128xi32, #tpu.memory_space<vmem>> -> memref<128xi32, #tpu.memory_space<vmem>>
    %dma_start3A_279 = arith.constant 0 : i32
    %dma_start3A_280 = arith.constant 0 : i32
    %dma_start3A_281 = tpu.memref_slice %arg3[%dma_start3A_279, %dma_start3A_280] : memref<2600000x16xf32, #tpu.memory_space<hbm>> -> memref<2600000x16xf32, #tpu.memory_space<hbm>>
    tpu.enqueue_indirect_dma source(%dma_start3A_281 : memref<2600000x16xf32, #tpu.memory_space<hbm>>) target(%dma_start3A_275 : memref<128x16xf32, #tpu.memory_space<vmem>>) offsets(%dma_start3A_278 : memref<128xi32, #tpu.memory_space<vmem>>) semaphore(%arg11 : memref<!tpu.dma_semaphore, #tpu.memory_space<semaphore_mem>>)
    %dma_start3A_282 = arith.constant 28 : i32
    %dma_start3A_283 = arith.constant 256 : i32
    %dma_start3A_284 = arith.constant 0 : i32
    %dma_start3A_285 = tpu.memref_slice %arg8[%dma_start3A_283, %dma_start3A_284] : memref<1664x16xf32, #tpu.memory_space<vmem>> -> memref<128x16xf32, #tpu.memory_space<vmem>>
    %dma_start3A_286 = arith.constant 0 : i32
    %dma_start3A_287 = tpu.memref_slice %arg5[%dma_start3A_282, %dma_start3A_286] : memref<104x128xi32, #tpu.memory_space<vmem>> -> memref<1x128xi32, #tpu.memory_space<vmem>>
    %dma_start3A_288 = tpu.memref_squeeze %dma_start3A_287 : memref<1x128xi32, #tpu.memory_space<vmem>> -> memref<128xi32, #tpu.memory_space<vmem>>
    %dma_start3A_289 = arith.constant 0 : i32
    %dma_start3A_290 = arith.constant 0 : i32
    %dma_start3A_291 = tpu.memref_slice %arg3[%dma_start3A_289, %dma_start3A_290] : memref<2600000x16xf32, #tpu.memory_space<hbm>> -> memref<2600000x16xf32, #tpu.memory_space<hbm>>
    tpu.enqueue_indirect_dma source(%dma_start3A_291 : memref<2600000x16xf32, #tpu.memory_space<hbm>>) target(%dma_start3A_285 : memref<128x16xf32, #tpu.memory_space<vmem>>) offsets(%dma_start3A_288 : memref<128xi32, #tpu.memory_space<vmem>>) semaphore(%arg11 : memref<!tpu.dma_semaphore, #tpu.memory_space<semaphore_mem>>)
    %dma_start3A_292 = arith.constant 29 : i32
    %dma_start3A_293 = arith.constant 384 : i32
    %dma_start3A_294 = arith.constant 0 : i32
    %dma_start3A_295 = tpu.memref_slice %arg8[%dma_start3A_293, %dma_start3A_294] : memref<1664x16xf32, #tpu.memory_space<vmem>> -> memref<128x16xf32, #tpu.memory_space<vmem>>
    %dma_start3A_296 = arith.constant 0 : i32
    %dma_start3A_297 = tpu.memref_slice %arg5[%dma_start3A_292, %dma_start3A_296] : memref<104x128xi32, #tpu.memory_space<vmem>> -> memref<1x128xi32, #tpu.memory_space<vmem>>
    %dma_start3A_298 = tpu.memref_squeeze %dma_start3A_297 : memref<1x128xi32, #tpu.memory_space<vmem>> -> memref<128xi32, #tpu.memory_space<vmem>>
    %dma_start3A_299 = arith.constant 0 : i32
    %dma_start3A_300 = arith.constant 0 : i32
    %dma_start3A_301 = tpu.memref_slice %arg3[%dma_start3A_299, %dma_start3A_300] : memref<2600000x16xf32, #tpu.memory_space<hbm>> -> memref<2600000x16xf32, #tpu.memory_space<hbm>>
    tpu.enqueue_indirect_dma source(%dma_start3A_301 : memref<2600000x16xf32, #tpu.memory_space<hbm>>) target(%dma_start3A_295 : memref<128x16xf32, #tpu.memory_space<vmem>>) offsets(%dma_start3A_298 : memref<128xi32, #tpu.memory_space<vmem>>) semaphore(%arg11 : memref<!tpu.dma_semaphore, #tpu.memory_space<semaphore_mem>>)
    %dma_start3A_302 = arith.constant 30 : i32
    %dma_start3A_303 = arith.constant 512 : i32
    %dma_start3A_304 = arith.constant 0 : i32
    %dma_start3A_305 = tpu.memref_slice %arg8[%dma_start3A_303, %dma_start3A_304] : memref<1664x16xf32, #tpu.memory_space<vmem>> -> memref<128x16xf32, #tpu.memory_space<vmem>>
    %dma_start3A_306 = arith.constant 0 : i32
    %dma_start3A_307 = tpu.memref_slice %arg5[%dma_start3A_302, %dma_start3A_306] : memref<104x128xi32, #tpu.memory_space<vmem>> -> memref<1x128xi32, #tpu.memory_space<vmem>>
    %dma_start3A_308 = tpu.memref_squeeze %dma_start3A_307 : memref<1x128xi32, #tpu.memory_space<vmem>> -> memref<128xi32, #tpu.memory_space<vmem>>
    %dma_start3A_309 = arith.constant 0 : i32
    %dma_start3A_310 = arith.constant 0 : i32
    %dma_start3A_311 = tpu.memref_slice %arg3[%dma_start3A_309, %dma_start3A_310] : memref<2600000x16xf32, #tpu.memory_space<hbm>> -> memref<2600000x16xf32, #tpu.memory_space<hbm>>
    tpu.enqueue_indirect_dma source(%dma_start3A_311 : memref<2600000x16xf32, #tpu.memory_space<hbm>>) target(%dma_start3A_305 : memref<128x16xf32, #tpu.memory_space<vmem>>) offsets(%dma_start3A_308 : memref<128xi32, #tpu.memory_space<vmem>>) semaphore(%arg11 : memref<!tpu.dma_semaphore, #tpu.memory_space<semaphore_mem>>)
    %dma_start3A_312 = arith.constant 31 : i32
    %dma_start3A_313 = arith.constant 640 : i32
    %dma_start3A_314 = arith.constant 0 : i32
    %dma_start3A_315 = tpu.memref_slice %arg8[%dma_start3A_313, %dma_start3A_314] : memref<1664x16xf32, #tpu.memory_space<vmem>> -> memref<128x16xf32, #tpu.memory_space<vmem>>
    %dma_start3A_316 = arith.constant 0 : i32
    %dma_start3A_317 = tpu.memref_slice %arg5[%dma_start3A_312, %dma_start3A_316] : memref<104x128xi32, #tpu.memory_space<vmem>> -> memref<1x128xi32, #tpu.memory_space<vmem>>
    %dma_start3A_318 = tpu.memref_squeeze %dma_start3A_317 : memref<1x128xi32, #tpu.memory_space<vmem>> -> memref<128xi32, #tpu.memory_space<vmem>>
    %dma_start3A_319 = arith.constant 0 : i32
    %dma_start3A_320 = arith.constant 0 : i32
    %dma_start3A_321 = tpu.memref_slice %arg3[%dma_start3A_319, %dma_start3A_320] : memref<2600000x16xf32, #tpu.memory_space<hbm>> -> memref<2600000x16xf32, #tpu.memory_space<hbm>>
    tpu.enqueue_indirect_dma source(%dma_start3A_321 : memref<2600000x16xf32, #tpu.memory_space<hbm>>) target(%dma_start3A_315 : memref<128x16xf32, #tpu.memory_space<vmem>>) offsets(%dma_start3A_318 : memref<128xi32, #tpu.memory_space<vmem>>) semaphore(%arg11 : memref<!tpu.dma_semaphore, #tpu.memory_space<semaphore_mem>>)
    %dma_start3A_322 = arith.constant 32 : i32
    %dma_start3A_323 = arith.constant 768 : i32
    %dma_start3A_324 = arith.constant 0 : i32
    %dma_start3A_325 = tpu.memref_slice %arg8[%dma_start3A_323, %dma_start3A_324] : memref<1664x16xf32, #tpu.memory_space<vmem>> -> memref<128x16xf32, #tpu.memory_space<vmem>>
    %dma_start3A_326 = arith.constant 0 : i32
    %dma_start3A_327 = tpu.memref_slice %arg5[%dma_start3A_322, %dma_start3A_326] : memref<104x128xi32, #tpu.memory_space<vmem>> -> memref<1x128xi32, #tpu.memory_space<vmem>>
    %dma_start3A_328 = tpu.memref_squeeze %dma_start3A_327 : memref<1x128xi32, #tpu.memory_space<vmem>> -> memref<128xi32, #tpu.memory_space<vmem>>
    %dma_start3A_329 = arith.constant 0 : i32
    %dma_start3A_330 = arith.constant 0 : i32
    %dma_start3A_331 = tpu.memref_slice %arg3[%dma_start3A_329, %dma_start3A_330] : memref<2600000x16xf32, #tpu.memory_space<hbm>> -> memref<2600000x16xf32, #tpu.memory_space<hbm>>
    tpu.enqueue_indirect_dma source(%dma_start3A_331 : memref<2600000x16xf32, #tpu.memory_space<hbm>>) target(%dma_start3A_325 : memref<128x16xf32, #tpu.memory_space<vmem>>) offsets(%dma_start3A_328 : memref<128xi32, #tpu.memory_space<vmem>>) semaphore(%arg11 : memref<!tpu.dma_semaphore, #tpu.memory_space<semaphore_mem>>)
    %dma_start3A_332 = arith.constant 33 : i32
    %dma_start3A_333 = arith.constant 896 : i32
    %dma_start3A_334 = arith.constant 0 : i32
    %dma_start3A_335 = tpu.memref_slice %arg8[%dma_start3A_333, %dma_start3A_334] : memref<1664x16xf32, #tpu.memory_space<vmem>> -> memref<128x16xf32, #tpu.memory_space<vmem>>
    %dma_start3A_336 = arith.constant 0 : i32
    %dma_start3A_337 = tpu.memref_slice %arg5[%dma_start3A_332, %dma_start3A_336] : memref<104x128xi32, #tpu.memory_space<vmem>> -> memref<1x128xi32, #tpu.memory_space<vmem>>
    %dma_start3A_338 = tpu.memref_squeeze %dma_start3A_337 : memref<1x128xi32, #tpu.memory_space<vmem>> -> memref<128xi32, #tpu.memory_space<vmem>>
    %dma_start3A_339 = arith.constant 0 : i32
    %dma_start3A_340 = arith.constant 0 : i32
    %dma_start3A_341 = tpu.memref_slice %arg3[%dma_start3A_339, %dma_start3A_340] : memref<2600000x16xf32, #tpu.memory_space<hbm>> -> memref<2600000x16xf32, #tpu.memory_space<hbm>>
    tpu.enqueue_indirect_dma source(%dma_start3A_341 : memref<2600000x16xf32, #tpu.memory_space<hbm>>) target(%dma_start3A_335 : memref<128x16xf32, #tpu.memory_space<vmem>>) offsets(%dma_start3A_338 : memref<128xi32, #tpu.memory_space<vmem>>) semaphore(%arg11 : memref<!tpu.dma_semaphore, #tpu.memory_space<semaphore_mem>>)
    %dma_start3A_342 = arith.constant 34 : i32
    %dma_start3A_343 = arith.constant 1024 : i32
    %dma_start3A_344 = arith.constant 0 : i32
    %dma_start3A_345 = tpu.memref_slice %arg8[%dma_start3A_343, %dma_start3A_344] : memref<1664x16xf32, #tpu.memory_space<vmem>> -> memref<128x16xf32, #tpu.memory_space<vmem>>
    %dma_start3A_346 = arith.constant 0 : i32
    %dma_start3A_347 = tpu.memref_slice %arg5[%dma_start3A_342, %dma_start3A_346] : memref<104x128xi32, #tpu.memory_space<vmem>> -> memref<1x128xi32, #tpu.memory_space<vmem>>
    %dma_start3A_348 = tpu.memref_squeeze %dma_start3A_347 : memref<1x128xi32, #tpu.memory_space<vmem>> -> memref<128xi32, #tpu.memory_space<vmem>>
    %dma_start3A_349 = arith.constant 0 : i32
    %dma_start3A_350 = arith.constant 0 : i32
    %dma_start3A_351 = tpu.memref_slice %arg3[%dma_start3A_349, %dma_start3A_350] : memref<2600000x16xf32, #tpu.memory_space<hbm>> -> memref<2600000x16xf32, #tpu.memory_space<hbm>>
    tpu.enqueue_indirect_dma source(%dma_start3A_351 : memref<2600000x16xf32, #tpu.memory_space<hbm>>) target(%dma_start3A_345 : memref<128x16xf32, #tpu.memory_space<vmem>>) offsets(%dma_start3A_348 : memref<128xi32, #tpu.memory_space<vmem>>) semaphore(%arg11 : memref<!tpu.dma_semaphore, #tpu.memory_space<semaphore_mem>>)
    %dma_start3A_352 = arith.constant 35 : i32
    %dma_start3A_353 = arith.constant 1152 : i32
    %dma_start3A_354 = arith.constant 0 : i32
    %dma_start3A_355 = tpu.memref_slice %arg8[%dma_start3A_353, %dma_start3A_354] : memref<1664x16xf32, #tpu.memory_space<vmem>> -> memref<128x16xf32, #tpu.memory_space<vmem>>
    %dma_start3A_356 = arith.constant 0 : i32
    %dma_start3A_357 = tpu.memref_slice %arg5[%dma_start3A_352, %dma_start3A_356] : memref<104x128xi32, #tpu.memory_space<vmem>> -> memref<1x128xi32, #tpu.memory_space<vmem>>
    %dma_start3A_358 = tpu.memref_squeeze %dma_start3A_357 : memref<1x128xi32, #tpu.memory_space<vmem>> -> memref<128xi32, #tpu.memory_space<vmem>>
    %dma_start3A_359 = arith.constant 0 : i32
    %dma_start3A_360 = arith.constant 0 : i32
    %dma_start3A_361 = tpu.memref_slice %arg3[%dma_start3A_359, %dma_start3A_360] : memref<2600000x16xf32, #tpu.memory_space<hbm>> -> memref<2600000x16xf32, #tpu.memory_space<hbm>>
    tpu.enqueue_indirect_dma source(%dma_start3A_361 : memref<2600000x16xf32, #tpu.memory_space<hbm>>) target(%dma_start3A_355 : memref<128x16xf32, #tpu.memory_space<vmem>>) offsets(%dma_start3A_358 : memref<128xi32, #tpu.memory_space<vmem>>) semaphore(%arg11 : memref<!tpu.dma_semaphore, #tpu.memory_space<semaphore_mem>>)
    %dma_start3A_362 = arith.constant 36 : i32
    %dma_start3A_363 = arith.constant 1280 : i32
    %dma_start3A_364 = arith.constant 0 : i32
    %dma_start3A_365 = tpu.memref_slice %arg8[%dma_start3A_363, %dma_start3A_364] : memref<1664x16xf32, #tpu.memory_space<vmem>> -> memref<128x16xf32, #tpu.memory_space<vmem>>
    %dma_start3A_366 = arith.constant 0 : i32
    %dma_start3A_367 = tpu.memref_slice %arg5[%dma_start3A_362, %dma_start3A_366] : memref<104x128xi32, #tpu.memory_space<vmem>> -> memref<1x128xi32, #tpu.memory_space<vmem>>
    %dma_start3A_368 = tpu.memref_squeeze %dma_start3A_367 : memref<1x128xi32, #tpu.memory_space<vmem>> -> memref<128xi32, #tpu.memory_space<vmem>>
    %dma_start3A_369 = arith.constant 0 : i32
    %dma_start3A_370 = arith.constant 0 : i32
    %dma_start3A_371 = tpu.memref_slice %arg3[%dma_start3A_369, %dma_start3A_370] : memref<2600000x16xf32, #tpu.memory_space<hbm>> -> memref<2600000x16xf32, #tpu.memory_space<hbm>>
    tpu.enqueue_indirect_dma source(%dma_start3A_371 : memref<2600000x16xf32, #tpu.memory_space<hbm>>) target(%dma_start3A_365 : memref<128x16xf32, #tpu.memory_space<vmem>>) offsets(%dma_start3A_368 : memref<128xi32, #tpu.memory_space<vmem>>) semaphore(%arg11 : memref<!tpu.dma_semaphore, #tpu.memory_space<semaphore_mem>>)
    %dma_start3A_372 = arith.constant 37 : i32
    %dma_start3A_373 = arith.constant 1408 : i32
    %dma_start3A_374 = arith.constant 0 : i32
    %dma_start3A_375 = tpu.memref_slice %arg8[%dma_start3A_373, %dma_start3A_374] : memref<1664x16xf32, #tpu.memory_space<vmem>> -> memref<128x16xf32, #tpu.memory_space<vmem>>
    %dma_start3A_376 = arith.constant 0 : i32
    %dma_start3A_377 = tpu.memref_slice %arg5[%dma_start3A_372, %dma_start3A_376] : memref<104x128xi32, #tpu.memory_space<vmem>> -> memref<1x128xi32, #tpu.memory_space<vmem>>
    %dma_start3A_378 = tpu.memref_squeeze %dma_start3A_377 : memref<1x128xi32, #tpu.memory_space<vmem>> -> memref<128xi32, #tpu.memory_space<vmem>>
    %dma_start3A_379 = arith.constant 0 : i32
    %dma_start3A_380 = arith.constant 0 : i32
    %dma_start3A_381 = tpu.memref_slice %arg3[%dma_start3A_379, %dma_start3A_380] : memref<2600000x16xf32, #tpu.memory_space<hbm>> -> memref<2600000x16xf32, #tpu.memory_space<hbm>>
    tpu.enqueue_indirect_dma source(%dma_start3A_381 : memref<2600000x16xf32, #tpu.memory_space<hbm>>) target(%dma_start3A_375 : memref<128x16xf32, #tpu.memory_space<vmem>>) offsets(%dma_start3A_378 : memref<128xi32, #tpu.memory_space<vmem>>) semaphore(%arg11 : memref<!tpu.dma_semaphore, #tpu.memory_space<semaphore_mem>>)
    %dma_start3A_382 = arith.constant 38 : i32
    %dma_start3A_383 = arith.constant 1536 : i32
    %dma_start3A_384 = arith.constant 0 : i32
    %dma_start3A_385 = tpu.memref_slice %arg8[%dma_start3A_383, %dma_start3A_384] : memref<1664x16xf32, #tpu.memory_space<vmem>> -> memref<128x16xf32, #tpu.memory_space<vmem>>
    %dma_start3A_386 = arith.constant 0 : i32
    %dma_start3A_387 = tpu.memref_slice %arg5[%dma_start3A_382, %dma_start3A_386] : memref<104x128xi32, #tpu.memory_space<vmem>> -> memref<1x128xi32, #tpu.memory_space<vmem>>
    %dma_start3A_388 = tpu.memref_squeeze %dma_start3A_387 : memref<1x128xi32, #tpu.memory_space<vmem>> -> memref<128xi32, #tpu.memory_space<vmem>>
    %dma_start3A_389 = arith.constant 0 : i32
    %dma_start3A_390 = arith.constant 0 : i32
    %dma_start3A_391 = tpu.memref_slice %arg3[%dma_start3A_389, %dma_start3A_390] : memref<2600000x16xf32, #tpu.memory_space<hbm>> -> memref<2600000x16xf32, #tpu.memory_space<hbm>>
    tpu.enqueue_indirect_dma source(%dma_start3A_391 : memref<2600000x16xf32, #tpu.memory_space<hbm>>) target(%dma_start3A_385 : memref<128x16xf32, #tpu.memory_space<vmem>>) offsets(%dma_start3A_388 : memref<128xi32, #tpu.memory_space<vmem>>) semaphore(%arg11 : memref<!tpu.dma_semaphore, #tpu.memory_space<semaphore_mem>>)
    %dma_wait3A = arith.constant 0 : i32
    %dma_wait3A_392 = arith.constant 0 : i32
    %dma_wait3A_393 = arith.constant 0 : i32
    %dma_wait3A_394 = tpu.memref_slice %arg6[%dma_wait3A_392, %dma_wait3A_393] : memref<1664x16xf32, #tpu.memory_space<vmem>> -> memref<128x16xf32, #tpu.memory_space<vmem>>
    %dma_wait3A_395 = arith.constant 0 : i32
    %dma_wait3A_396 = tpu.memref_slice %arg5[%dma_wait3A, %dma_wait3A_395] : memref<104x128xi32, #tpu.memory_space<vmem>> -> memref<1x128xi32, #tpu.memory_space<vmem>>
    %dma_wait3A_397 = tpu.memref_squeeze %dma_wait3A_396 : memref<1x128xi32, #tpu.memory_space<vmem>> -> memref<128xi32, #tpu.memory_space<vmem>>
    %dma_wait3A_398 = arith.constant 0 : i32
    %dma_wait3A_399 = arith.constant 0 : i32
    %dma_wait3A_400 = tpu.memref_slice %arg3[%dma_wait3A_398, %dma_wait3A_399] : memref<2600000x16xf32, #tpu.memory_space<hbm>> -> memref<2600000x16xf32, #tpu.memory_space<hbm>>
    tpu.wait_indirect_dma semaphore(%arg9 : memref<!tpu.dma_semaphore, #tpu.memory_space<semaphore_mem>>) src(%dma_wait3A_400 : memref<2600000x16xf32, #tpu.memory_space<hbm>>) dst(%dma_wait3A_394 : memref<128x16xf32, #tpu.memory_space<vmem>>)
    %dma_wait3A_401 = arith.constant 1 : i32
    %dma_wait3A_402 = arith.constant 128 : i32
    %dma_wait3A_403 = arith.constant 0 : i32
    %dma_wait3A_404 = tpu.memref_slice %arg6[%dma_wait3A_402, %dma_wait3A_403] : memref<1664x16xf32, #tpu.memory_space<vmem>> -> memref<128x16xf32, #tpu.memory_space<vmem>>
    %dma_wait3A_405 = arith.constant 0 : i32
    %dma_wait3A_406 = tpu.memref_slice %arg5[%dma_wait3A_401, %dma_wait3A_405] : memref<104x128xi32, #tpu.memory_space<vmem>> -> memref<1x128xi32, #tpu.memory_space<vmem>>
    %dma_wait3A_407 = tpu.memref_squeeze %dma_wait3A_406 : memref<1x128xi32, #tpu.memory_space<vmem>> -> memref<128xi32, #tpu.memory_space<vmem>>
    %dma_wait3A_408 = arith.constant 0 : i32
    %dma_wait3A_409 = arith.constant 0 : i32
    %dma_wait3A_410 = tpu.memref_slice %arg3[%dma_wait3A_408, %dma_wait3A_409] : memref<2600000x16xf32, #tpu.memory_space<hbm>> -> memref<2600000x16xf32, #tpu.memory_space<hbm>>
    tpu.wait_indirect_dma semaphore(%arg9 : memref<!tpu.dma_semaphore, #tpu.memory_space<semaphore_mem>>) src(%dma_wait3A_410 : memref<2600000x16xf32, #tpu.memory_space<hbm>>) dst(%dma_wait3A_404 : memref<128x16xf32, #tpu.memory_space<vmem>>)
    %dma_wait3A_411 = arith.constant 2 : i32
    %dma_wait3A_412 = arith.constant 256 : i32
    %dma_wait3A_413 = arith.constant 0 : i32
    %dma_wait3A_414 = tpu.memref_slice %arg6[%dma_wait3A_412, %dma_wait3A_413] : memref<1664x16xf32, #tpu.memory_space<vmem>> -> memref<128x16xf32, #tpu.memory_space<vmem>>
    %dma_wait3A_415 = arith.constant 0 : i32
    %dma_wait3A_416 = tpu.memref_slice %arg5[%dma_wait3A_411, %dma_wait3A_415] : memref<104x128xi32, #tpu.memory_space<vmem>> -> memref<1x128xi32, #tpu.memory_space<vmem>>
    %dma_wait3A_417 = tpu.memref_squeeze %dma_wait3A_416 : memref<1x128xi32, #tpu.memory_space<vmem>> -> memref<128xi32, #tpu.memory_space<vmem>>
    %dma_wait3A_418 = arith.constant 0 : i32
    %dma_wait3A_419 = arith.constant 0 : i32
    %dma_wait3A_420 = tpu.memref_slice %arg3[%dma_wait3A_418, %dma_wait3A_419] : memref<2600000x16xf32, #tpu.memory_space<hbm>> -> memref<2600000x16xf32, #tpu.memory_space<hbm>>
    tpu.wait_indirect_dma semaphore(%arg9 : memref<!tpu.dma_semaphore, #tpu.memory_space<semaphore_mem>>) src(%dma_wait3A_420 : memref<2600000x16xf32, #tpu.memory_space<hbm>>) dst(%dma_wait3A_414 : memref<128x16xf32, #tpu.memory_space<vmem>>)
    %dma_wait3A_421 = arith.constant 3 : i32
    %dma_wait3A_422 = arith.constant 384 : i32
    %dma_wait3A_423 = arith.constant 0 : i32
    %dma_wait3A_424 = tpu.memref_slice %arg6[%dma_wait3A_422, %dma_wait3A_423] : memref<1664x16xf32, #tpu.memory_space<vmem>> -> memref<128x16xf32, #tpu.memory_space<vmem>>
    %dma_wait3A_425 = arith.constant 0 : i32
    %dma_wait3A_426 = tpu.memref_slice %arg5[%dma_wait3A_421, %dma_wait3A_425] : memref<104x128xi32, #tpu.memory_space<vmem>> -> memref<1x128xi32, #tpu.memory_space<vmem>>
    %dma_wait3A_427 = tpu.memref_squeeze %dma_wait3A_426 : memref<1x128xi32, #tpu.memory_space<vmem>> -> memref<128xi32, #tpu.memory_space<vmem>>
    %dma_wait3A_428 = arith.constant 0 : i32
    %dma_wait3A_429 = arith.constant 0 : i32
    %dma_wait3A_430 = tpu.memref_slice %arg3[%dma_wait3A_428, %dma_wait3A_429] : memref<2600000x16xf32, #tpu.memory_space<hbm>> -> memref<2600000x16xf32, #tpu.memory_space<hbm>>
    tpu.wait_indirect_dma semaphore(%arg9 : memref<!tpu.dma_semaphore, #tpu.memory_space<semaphore_mem>>) src(%dma_wait3A_430 : memref<2600000x16xf32, #tpu.memory_space<hbm>>) dst(%dma_wait3A_424 : memref<128x16xf32, #tpu.memory_space<vmem>>)
    %dma_wait3A_431 = arith.constant 4 : i32
    %dma_wait3A_432 = arith.constant 512 : i32
    %dma_wait3A_433 = arith.constant 0 : i32
    %dma_wait3A_434 = tpu.memref_slice %arg6[%dma_wait3A_432, %dma_wait3A_433] : memref<1664x16xf32, #tpu.memory_space<vmem>> -> memref<128x16xf32, #tpu.memory_space<vmem>>
    %dma_wait3A_435 = arith.constant 0 : i32
    %dma_wait3A_436 = tpu.memref_slice %arg5[%dma_wait3A_431, %dma_wait3A_435] : memref<104x128xi32, #tpu.memory_space<vmem>> -> memref<1x128xi32, #tpu.memory_space<vmem>>
    %dma_wait3A_437 = tpu.memref_squeeze %dma_wait3A_436 : memref<1x128xi32, #tpu.memory_space<vmem>> -> memref<128xi32, #tpu.memory_space<vmem>>
    %dma_wait3A_438 = arith.constant 0 : i32
    %dma_wait3A_439 = arith.constant 0 : i32
    %dma_wait3A_440 = tpu.memref_slice %arg3[%dma_wait3A_438, %dma_wait3A_439] : memref<2600000x16xf32, #tpu.memory_space<hbm>> -> memref<2600000x16xf32, #tpu.memory_space<hbm>>
    tpu.wait_indirect_dma semaphore(%arg9 : memref<!tpu.dma_semaphore, #tpu.memory_space<semaphore_mem>>) src(%dma_wait3A_440 : memref<2600000x16xf32, #tpu.memory_space<hbm>>) dst(%dma_wait3A_434 : memref<128x16xf32, #tpu.memory_space<vmem>>)
    %dma_wait3A_441 = arith.constant 5 : i32
    %dma_wait3A_442 = arith.constant 640 : i32
    %dma_wait3A_443 = arith.constant 0 : i32
    %dma_wait3A_444 = tpu.memref_slice %arg6[%dma_wait3A_442, %dma_wait3A_443] : memref<1664x16xf32, #tpu.memory_space<vmem>> -> memref<128x16xf32, #tpu.memory_space<vmem>>
    %dma_wait3A_445 = arith.constant 0 : i32
    %dma_wait3A_446 = tpu.memref_slice %arg5[%dma_wait3A_441, %dma_wait3A_445] : memref<104x128xi32, #tpu.memory_space<vmem>> -> memref<1x128xi32, #tpu.memory_space<vmem>>
    %dma_wait3A_447 = tpu.memref_squeeze %dma_wait3A_446 : memref<1x128xi32, #tpu.memory_space<vmem>> -> memref<128xi32, #tpu.memory_space<vmem>>
    %dma_wait3A_448 = arith.constant 0 : i32
    %dma_wait3A_449 = arith.constant 0 : i32
    %dma_wait3A_450 = tpu.memref_slice %arg3[%dma_wait3A_448, %dma_wait3A_449] : memref<2600000x16xf32, #tpu.memory_space<hbm>> -> memref<2600000x16xf32, #tpu.memory_space<hbm>>
    tpu.wait_indirect_dma semaphore(%arg9 : memref<!tpu.dma_semaphore, #tpu.memory_space<semaphore_mem>>) src(%dma_wait3A_450 : memref<2600000x16xf32, #tpu.memory_space<hbm>>) dst(%dma_wait3A_444 : memref<128x16xf32, #tpu.memory_space<vmem>>)
    %dma_wait3A_451 = arith.constant 6 : i32
    %dma_wait3A_452 = arith.constant 768 : i32
    %dma_wait3A_453 = arith.constant 0 : i32
    %dma_wait3A_454 = tpu.memref_slice %arg6[%dma_wait3A_452, %dma_wait3A_453] : memref<1664x16xf32, #tpu.memory_space<vmem>> -> memref<128x16xf32, #tpu.memory_space<vmem>>
    %dma_wait3A_455 = arith.constant 0 : i32
    %dma_wait3A_456 = tpu.memref_slice %arg5[%dma_wait3A_451, %dma_wait3A_455] : memref<104x128xi32, #tpu.memory_space<vmem>> -> memref<1x128xi32, #tpu.memory_space<vmem>>
    %dma_wait3A_457 = tpu.memref_squeeze %dma_wait3A_456 : memref<1x128xi32, #tpu.memory_space<vmem>> -> memref<128xi32, #tpu.memory_space<vmem>>
    %dma_wait3A_458 = arith.constant 0 : i32
    %dma_wait3A_459 = arith.constant 0 : i32
    %dma_wait3A_460 = tpu.memref_slice %arg3[%dma_wait3A_458, %dma_wait3A_459] : memref<2600000x16xf32, #tpu.memory_space<hbm>> -> memref<2600000x16xf32, #tpu.memory_space<hbm>>
    tpu.wait_indirect_dma semaphore(%arg9 : memref<!tpu.dma_semaphore, #tpu.memory_space<semaphore_mem>>) src(%dma_wait3A_460 : memref<2600000x16xf32, #tpu.memory_space<hbm>>) dst(%dma_wait3A_454 : memref<128x16xf32, #tpu.memory_space<vmem>>)
    %dma_wait3A_461 = arith.constant 7 : i32
    %dma_wait3A_462 = arith.constant 896 : i32
    %dma_wait3A_463 = arith.constant 0 : i32
    %dma_wait3A_464 = tpu.memref_slice %arg6[%dma_wait3A_462, %dma_wait3A_463] : memref<1664x16xf32, #tpu.memory_space<vmem>> -> memref<128x16xf32, #tpu.memory_space<vmem>>
    %dma_wait3A_465 = arith.constant 0 : i32
    %dma_wait3A_466 = tpu.memref_slice %arg5[%dma_wait3A_461, %dma_wait3A_465] : memref<104x128xi32, #tpu.memory_space<vmem>> -> memref<1x128xi32, #tpu.memory_space<vmem>>
    %dma_wait3A_467 = tpu.memref_squeeze %dma_wait3A_466 : memref<1x128xi32, #tpu.memory_space<vmem>> -> memref<128xi32, #tpu.memory_space<vmem>>
    %dma_wait3A_468 = arith.constant 0 : i32
    %dma_wait3A_469 = arith.constant 0 : i32
    %dma_wait3A_470 = tpu.memref_slice %arg3[%dma_wait3A_468, %dma_wait3A_469] : memref<2600000x16xf32, #tpu.memory_space<hbm>> -> memref<2600000x16xf32, #tpu.memory_space<hbm>>
    tpu.wait_indirect_dma semaphore(%arg9 : memref<!tpu.dma_semaphore, #tpu.memory_space<semaphore_mem>>) src(%dma_wait3A_470 : memref<2600000x16xf32, #tpu.memory_space<hbm>>) dst(%dma_wait3A_464 : memref<128x16xf32, #tpu.memory_space<vmem>>)
    %dma_wait3A_471 = arith.constant 8 : i32
    %dma_wait3A_472 = arith.constant 1024 : i32
    %dma_wait3A_473 = arith.constant 0 : i32
    %dma_wait3A_474 = tpu.memref_slice %arg6[%dma_wait3A_472, %dma_wait3A_473] : memref<1664x16xf32, #tpu.memory_space<vmem>> -> memref<128x16xf32, #tpu.memory_space<vmem>>
    %dma_wait3A_475 = arith.constant 0 : i32
    %dma_wait3A_476 = tpu.memref_slice %arg5[%dma_wait3A_471, %dma_wait3A_475] : memref<104x128xi32, #tpu.memory_space<vmem>> -> memref<1x128xi32, #tpu.memory_space<vmem>>
    %dma_wait3A_477 = tpu.memref_squeeze %dma_wait3A_476 : memref<1x128xi32, #tpu.memory_space<vmem>> -> memref<128xi32, #tpu.memory_space<vmem>>
    %dma_wait3A_478 = arith.constant 0 : i32
    %dma_wait3A_479 = arith.constant 0 : i32
    %dma_wait3A_480 = tpu.memref_slice %arg3[%dma_wait3A_478, %dma_wait3A_479] : memref<2600000x16xf32, #tpu.memory_space<hbm>> -> memref<2600000x16xf32, #tpu.memory_space<hbm>>
    tpu.wait_indirect_dma semaphore(%arg9 : memref<!tpu.dma_semaphore, #tpu.memory_space<semaphore_mem>>) src(%dma_wait3A_480 : memref<2600000x16xf32, #tpu.memory_space<hbm>>) dst(%dma_wait3A_474 : memref<128x16xf32, #tpu.memory_space<vmem>>)
    %dma_wait3A_481 = arith.constant 9 : i32
    %dma_wait3A_482 = arith.constant 1152 : i32
    %dma_wait3A_483 = arith.constant 0 : i32
    %dma_wait3A_484 = tpu.memref_slice %arg6[%dma_wait3A_482, %dma_wait3A_483] : memref<1664x16xf32, #tpu.memory_space<vmem>> -> memref<128x16xf32, #tpu.memory_space<vmem>>
    %dma_wait3A_485 = arith.constant 0 : i32
    %dma_wait3A_486 = tpu.memref_slice %arg5[%dma_wait3A_481, %dma_wait3A_485] : memref<104x128xi32, #tpu.memory_space<vmem>> -> memref<1x128xi32, #tpu.memory_space<vmem>>
    %dma_wait3A_487 = tpu.memref_squeeze %dma_wait3A_486 : memref<1x128xi32, #tpu.memory_space<vmem>> -> memref<128xi32, #tpu.memory_space<vmem>>
    %dma_wait3A_488 = arith.constant 0 : i32
    %dma_wait3A_489 = arith.constant 0 : i32
    %dma_wait3A_490 = tpu.memref_slice %arg3[%dma_wait3A_488, %dma_wait3A_489] : memref<2600000x16xf32, #tpu.memory_space<hbm>> -> memref<2600000x16xf32, #tpu.memory_space<hbm>>
    tpu.wait_indirect_dma semaphore(%arg9 : memref<!tpu.dma_semaphore, #tpu.memory_space<semaphore_mem>>) src(%dma_wait3A_490 : memref<2600000x16xf32, #tpu.memory_space<hbm>>) dst(%dma_wait3A_484 : memref<128x16xf32, #tpu.memory_space<vmem>>)
    %dma_wait3A_491 = arith.constant 10 : i32
    %dma_wait3A_492 = arith.constant 1280 : i32
    %dma_wait3A_493 = arith.constant 0 : i32
    %dma_wait3A_494 = tpu.memref_slice %arg6[%dma_wait3A_492, %dma_wait3A_493] : memref<1664x16xf32, #tpu.memory_space<vmem>> -> memref<128x16xf32, #tpu.memory_space<vmem>>
    %dma_wait3A_495 = arith.constant 0 : i32
    %dma_wait3A_496 = tpu.memref_slice %arg5[%dma_wait3A_491, %dma_wait3A_495] : memref<104x128xi32, #tpu.memory_space<vmem>> -> memref<1x128xi32, #tpu.memory_space<vmem>>
    %dma_wait3A_497 = tpu.memref_squeeze %dma_wait3A_496 : memref<1x128xi32, #tpu.memory_space<vmem>> -> memref<128xi32, #tpu.memory_space<vmem>>
    %dma_wait3A_498 = arith.constant 0 : i32
    %dma_wait3A_499 = arith.constant 0 : i32
    %dma_wait3A_500 = tpu.memref_slice %arg3[%dma_wait3A_498, %dma_wait3A_499] : memref<2600000x16xf32, #tpu.memory_space<hbm>> -> memref<2600000x16xf32, #tpu.memory_space<hbm>>
    tpu.wait_indirect_dma semaphore(%arg9 : memref<!tpu.dma_semaphore, #tpu.memory_space<semaphore_mem>>) src(%dma_wait3A_500 : memref<2600000x16xf32, #tpu.memory_space<hbm>>) dst(%dma_wait3A_494 : memref<128x16xf32, #tpu.memory_space<vmem>>)
    %dma_wait3A_501 = arith.constant 11 : i32
    %dma_wait3A_502 = arith.constant 1408 : i32
    %dma_wait3A_503 = arith.constant 0 : i32
    %dma_wait3A_504 = tpu.memref_slice %arg6[%dma_wait3A_502, %dma_wait3A_503] : memref<1664x16xf32, #tpu.memory_space<vmem>> -> memref<128x16xf32, #tpu.memory_space<vmem>>
    %dma_wait3A_505 = arith.constant 0 : i32
    %dma_wait3A_506 = tpu.memref_slice %arg5[%dma_wait3A_501, %dma_wait3A_505] : memref<104x128xi32, #tpu.memory_space<vmem>> -> memref<1x128xi32, #tpu.memory_space<vmem>>
    %dma_wait3A_507 = tpu.memref_squeeze %dma_wait3A_506 : memref<1x128xi32, #tpu.memory_space<vmem>> -> memref<128xi32, #tpu.memory_space<vmem>>
    %dma_wait3A_508 = arith.constant 0 : i32
    %dma_wait3A_509 = arith.constant 0 : i32
    %dma_wait3A_510 = tpu.memref_slice %arg3[%dma_wait3A_508, %dma_wait3A_509] : memref<2600000x16xf32, #tpu.memory_space<hbm>> -> memref<2600000x16xf32, #tpu.memory_space<hbm>>
    tpu.wait_indirect_dma semaphore(%arg9 : memref<!tpu.dma_semaphore, #tpu.memory_space<semaphore_mem>>) src(%dma_wait3A_510 : memref<2600000x16xf32, #tpu.memory_space<hbm>>) dst(%dma_wait3A_504 : memref<128x16xf32, #tpu.memory_space<vmem>>)
    %dma_wait3A_511 = arith.constant 12 : i32
    %dma_wait3A_512 = arith.constant 1536 : i32
    %dma_wait3A_513 = arith.constant 0 : i32
    %dma_wait3A_514 = tpu.memref_slice %arg6[%dma_wait3A_512, %dma_wait3A_513] : memref<1664x16xf32, #tpu.memory_space<vmem>> -> memref<128x16xf32, #tpu.memory_space<vmem>>
    %dma_wait3A_515 = arith.constant 0 : i32
    %dma_wait3A_516 = tpu.memref_slice %arg5[%dma_wait3A_511, %dma_wait3A_515] : memref<104x128xi32, #tpu.memory_space<vmem>> -> memref<1x128xi32, #tpu.memory_space<vmem>>
    %dma_wait3A_517 = tpu.memref_squeeze %dma_wait3A_516 : memref<1x128xi32, #tpu.memory_space<vmem>> -> memref<128xi32, #tpu.memory_space<vmem>>
    %dma_wait3A_518 = arith.constant 0 : i32
    %dma_wait3A_519 = arith.constant 0 : i32
    %dma_wait3A_520 = tpu.memref_slice %arg3[%dma_wait3A_518, %dma_wait3A_519] : memref<2600000x16xf32, #tpu.memory_space<hbm>> -> memref<2600000x16xf32, #tpu.memory_space<hbm>>
    tpu.wait_indirect_dma semaphore(%arg9 : memref<!tpu.dma_semaphore, #tpu.memory_space<semaphore_mem>>) src(%dma_wait3A_520 : memref<2600000x16xf32, #tpu.memory_space<hbm>>) dst(%dma_wait3A_514 : memref<128x16xf32, #tpu.memory_space<vmem>>)
    %add3A_521 = arith.constant 0 : i32
    %add3A_522 = arith.addi %mul3A_2, %add3A_521 : i32
    %mul3A_523 = arith.constant 128 : i32
    %mul3A_524 = arith.muli %add3A_522, %mul3A_523 : i32
    %dma_start3A_525 = arith.constant 0 : i32
    %dma_start3A_526 = tpu.memref_slice %arg4[%mul3A_524, %dma_start3A_525] : memref<425984x16xf32, #tpu.memory_space<hbm>> -> memref<1664x16xf32, #tpu.memory_space<hbm>>
    %dma_start3A_527 = arith.constant 0 : i32
    %dma_start3A_528 = tpu.memref_slice %arg4[%mul3A_524, %dma_start3A_527] : memref<425984x16xf32, #tpu.memory_space<hbm>> -> memref<1664x16xf32, #tpu.memory_space<hbm>>
    tpu.enqueue_dma source(%arg6 : memref<1664x16xf32, #tpu.memory_space<vmem>>) target(%dma_start3A_528 : memref<1664x16xf32, #tpu.memory_space<hbm>>) target_semaphore(%arg12 : memref<!tpu.dma_semaphore, #tpu.memory_space<semaphore_mem>>)
    %dma_wait3A_529 = arith.constant 0 : i32
    %dma_wait3A_530 = tpu.memref_slice %arg4[%mul3A_524, %dma_wait3A_529] : memref<425984x16xf32, #tpu.memory_space<hbm>> -> memref<1664x16xf32, #tpu.memory_space<hbm>>
    %dma_wait3A_531 = arith.constant 0 : i32
    %dma_wait3A_532 = tpu.memref_slice %arg4[%mul3A_524, %dma_wait3A_531] : memref<425984x16xf32, #tpu.memory_space<hbm>> -> memref<1664x16xf32, #tpu.memory_space<hbm>>
    tpu.wait_dma2 semaphore(%arg12 : memref<!tpu.dma_semaphore, #tpu.memory_space<semaphore_mem>>) src(%arg6 : memref<1664x16xf32, #tpu.memory_space<vmem>>) dst(%dma_wait3A_532 : memref<1664x16xf32, #tpu.memory_space<hbm>>)
    %dma_start3A_533 = arith.constant 39 : i32
    %dma_start3A_534 = arith.constant 0 : i32
    %dma_start3A_535 = arith.constant 0 : i32
    %dma_start3A_536 = tpu.memref_slice %arg6[%dma_start3A_534, %dma_start3A_535] : memref<1664x16xf32, #tpu.memory_space<vmem>> -> memref<128x16xf32, #tpu.memory_space<vmem>>
    %dma_start3A_537 = arith.constant 0 : i32
    %dma_start3A_538 = tpu.memref_slice %arg5[%dma_start3A_533, %dma_start3A_537] : memref<104x128xi32, #tpu.memory_space<vmem>> -> memref<1x128xi32, #tpu.memory_space<vmem>>
    %dma_start3A_539 = tpu.memref_squeeze %dma_start3A_538 : memref<1x128xi32, #tpu.memory_space<vmem>> -> memref<128xi32, #tpu.memory_space<vmem>>
    %dma_start3A_540 = arith.constant 0 : i32
    %dma_start3A_541 = arith.constant 0 : i32
    %dma_start3A_542 = tpu.memref_slice %arg3[%dma_start3A_540, %dma_start3A_541] : memref<2600000x16xf32, #tpu.memory_space<hbm>> -> memref<2600000x16xf32, #tpu.memory_space<hbm>>
    tpu.enqueue_indirect_dma source(%dma_start3A_542 : memref<2600000x16xf32, #tpu.memory_space<hbm>>) target(%dma_start3A_536 : memref<128x16xf32, #tpu.memory_space<vmem>>) offsets(%dma_start3A_539 : memref<128xi32, #tpu.memory_space<vmem>>) semaphore(%arg9 : memref<!tpu.dma_semaphore, #tpu.memory_space<semaphore_mem>>)
    %dma_start3A_543 = arith.constant 40 : i32
    %dma_start3A_544 = arith.constant 128 : i32
    %dma_start3A_545 = arith.constant 0 : i32
    %dma_start3A_546 = tpu.memref_slice %arg6[%dma_start3A_544, %dma_start3A_545] : memref<1664x16xf32, #tpu.memory_space<vmem>> -> memref<128x16xf32, #tpu.memory_space<vmem>>
    %dma_start3A_547 = arith.constant 0 : i32
    %dma_start3A_548 = tpu.memref_slice %arg5[%dma_start3A_543, %dma_start3A_547] : memref<104x128xi32, #tpu.memory_space<vmem>> -> memref<1x128xi32, #tpu.memory_space<vmem>>
    %dma_start3A_549 = tpu.memref_squeeze %dma_start3A_548 : memref<1x128xi32, #tpu.memory_space<vmem>> -> memref<128xi32, #tpu.memory_space<vmem>>
    %dma_start3A_550 = arith.constant 0 : i32
    %dma_start3A_551 = arith.constant 0 : i32
    %dma_start3A_552 = tpu.memref_slice %arg3[%dma_start3A_550, %dma_start3A_551] : memref<2600000x16xf32, #tpu.memory_space<hbm>> -> memref<2600000x16xf32, #tpu.memory_space<hbm>>
    tpu.enqueue_indirect_dma source(%dma_start3A_552 : memref<2600000x16xf32, #tpu.memory_space<hbm>>) target(%dma_start3A_546 : memref<128x16xf32, #tpu.memory_space<vmem>>) offsets(%dma_start3A_549 : memref<128xi32, #tpu.memory_space<vmem>>) semaphore(%arg9 : memref<!tpu.dma_semaphore, #tpu.memory_space<semaphore_mem>>)
    %dma_start3A_553 = arith.constant 41 : i32
    %dma_start3A_554 = arith.constant 256 : i32
    %dma_start3A_555 = arith.constant 0 : i32
    %dma_start3A_556 = tpu.memref_slice %arg6[%dma_start3A_554, %dma_start3A_555] : memref<1664x16xf32, #tpu.memory_space<vmem>> -> memref<128x16xf32, #tpu.memory_space<vmem>>
    %dma_start3A_557 = arith.constant 0 : i32
    %dma_start3A_558 = tpu.memref_slice %arg5[%dma_start3A_553, %dma_start3A_557] : memref<104x128xi32, #tpu.memory_space<vmem>> -> memref<1x128xi32, #tpu.memory_space<vmem>>
    %dma_start3A_559 = tpu.memref_squeeze %dma_start3A_558 : memref<1x128xi32, #tpu.memory_space<vmem>> -> memref<128xi32, #tpu.memory_space<vmem>>
    %dma_start3A_560 = arith.constant 0 : i32
    %dma_start3A_561 = arith.constant 0 : i32
    %dma_start3A_562 = tpu.memref_slice %arg3[%dma_start3A_560, %dma_start3A_561] : memref<2600000x16xf32, #tpu.memory_space<hbm>> -> memref<2600000x16xf32, #tpu.memory_space<hbm>>
    tpu.enqueue_indirect_dma source(%dma_start3A_562 : memref<2600000x16xf32, #tpu.memory_space<hbm>>) target(%dma_start3A_556 : memref<128x16xf32, #tpu.memory_space<vmem>>) offsets(%dma_start3A_559 : memref<128xi32, #tpu.memory_space<vmem>>) semaphore(%arg9 : memref<!tpu.dma_semaphore, #tpu.memory_space<semaphore_mem>>)
    %dma_start3A_563 = arith.constant 42 : i32
    %dma_start3A_564 = arith.constant 384 : i32
    %dma_start3A_565 = arith.constant 0 : i32
    %dma_start3A_566 = tpu.memref_slice %arg6[%dma_start3A_564, %dma_start3A_565] : memref<1664x16xf32, #tpu.memory_space<vmem>> -> memref<128x16xf32, #tpu.memory_space<vmem>>
    %dma_start3A_567 = arith.constant 0 : i32
    %dma_start3A_568 = tpu.memref_slice %arg5[%dma_start3A_563, %dma_start3A_567] : memref<104x128xi32, #tpu.memory_space<vmem>> -> memref<1x128xi32, #tpu.memory_space<vmem>>
    %dma_start3A_569 = tpu.memref_squeeze %dma_start3A_568 : memref<1x128xi32, #tpu.memory_space<vmem>> -> memref<128xi32, #tpu.memory_space<vmem>>
    %dma_start3A_570 = arith.constant 0 : i32
    %dma_start3A_571 = arith.constant 0 : i32
    %dma_start3A_572 = tpu.memref_slice %arg3[%dma_start3A_570, %dma_start3A_571] : memref<2600000x16xf32, #tpu.memory_space<hbm>> -> memref<2600000x16xf32, #tpu.memory_space<hbm>>
    tpu.enqueue_indirect_dma source(%dma_start3A_572 : memref<2600000x16xf32, #tpu.memory_space<hbm>>) target(%dma_start3A_566 : memref<128x16xf32, #tpu.memory_space<vmem>>) offsets(%dma_start3A_569 : memref<128xi32, #tpu.memory_space<vmem>>) semaphore(%arg9 : memref<!tpu.dma_semaphore, #tpu.memory_space<semaphore_mem>>)
    %dma_start3A_573 = arith.constant 43 : i32
    %dma_start3A_574 = arith.constant 512 : i32
    %dma_start3A_575 = arith.constant 0 : i32
    %dma_start3A_576 = tpu.memref_slice %arg6[%dma_start3A_574, %dma_start3A_575] : memref<1664x16xf32, #tpu.memory_space<vmem>> -> memref<128x16xf32, #tpu.memory_space<vmem>>
    %dma_start3A_577 = arith.constant 0 : i32
    %dma_start3A_578 = tpu.memref_slice %arg5[%dma_start3A_573, %dma_start3A_577] : memref<104x128xi32, #tpu.memory_space<vmem>> -> memref<1x128xi32, #tpu.memory_space<vmem>>
    %dma_start3A_579 = tpu.memref_squeeze %dma_start3A_578 : memref<1x128xi32, #tpu.memory_space<vmem>> -> memref<128xi32, #tpu.memory_space<vmem>>
    %dma_start3A_580 = arith.constant 0 : i32
    %dma_start3A_581 = arith.constant 0 : i32
    %dma_start3A_582 = tpu.memref_slice %arg3[%dma_start3A_580, %dma_start3A_581] : memref<2600000x16xf32, #tpu.memory_space<hbm>> -> memref<2600000x16xf32, #tpu.memory_space<hbm>>
    tpu.enqueue_indirect_dma source(%dma_start3A_582 : memref<2600000x16xf32, #tpu.memory_space<hbm>>) target(%dma_start3A_576 : memref<128x16xf32, #tpu.memory_space<vmem>>) offsets(%dma_start3A_579 : memref<128xi32, #tpu.memory_space<vmem>>) semaphore(%arg9 : memref<!tpu.dma_semaphore, #tpu.memory_space<semaphore_mem>>)
    %dma_start3A_583 = arith.constant 44 : i32
    %dma_start3A_584 = arith.constant 640 : i32
    %dma_start3A_585 = arith.constant 0 : i32
    %dma_start3A_586 = tpu.memref_slice %arg6[%dma_start3A_584, %dma_start3A_585] : memref<1664x16xf32, #tpu.memory_space<vmem>> -> memref<128x16xf32, #tpu.memory_space<vmem>>
    %dma_start3A_587 = arith.constant 0 : i32
    %dma_start3A_588 = tpu.memref_slice %arg5[%dma_start3A_583, %dma_start3A_587] : memref<104x128xi32, #tpu.memory_space<vmem>> -> memref<1x128xi32, #tpu.memory_space<vmem>>
    %dma_start3A_589 = tpu.memref_squeeze %dma_start3A_588 : memref<1x128xi32, #tpu.memory_space<vmem>> -> memref<128xi32, #tpu.memory_space<vmem>>
    %dma_start3A_590 = arith.constant 0 : i32
    %dma_start3A_591 = arith.constant 0 : i32
    %dma_start3A_592 = tpu.memref_slice %arg3[%dma_start3A_590, %dma_start3A_591] : memref<2600000x16xf32, #tpu.memory_space<hbm>> -> memref<2600000x16xf32, #tpu.memory_space<hbm>>
    tpu.enqueue_indirect_dma source(%dma_start3A_592 : memref<2600000x16xf32, #tpu.memory_space<hbm>>) target(%dma_start3A_586 : memref<128x16xf32, #tpu.memory_space<vmem>>) offsets(%dma_start3A_589 : memref<128xi32, #tpu.memory_space<vmem>>) semaphore(%arg9 : memref<!tpu.dma_semaphore, #tpu.memory_space<semaphore_mem>>)
    %dma_start3A_593 = arith.constant 45 : i32
    %dma_start3A_594 = arith.constant 768 : i32
    %dma_start3A_595 = arith.constant 0 : i32
    %dma_start3A_596 = tpu.memref_slice %arg6[%dma_start3A_594, %dma_start3A_595] : memref<1664x16xf32, #tpu.memory_space<vmem>> -> memref<128x16xf32, #tpu.memory_space<vmem>>
    %dma_start3A_597 = arith.constant 0 : i32
    %dma_start3A_598 = tpu.memref_slice %arg5[%dma_start3A_593, %dma_start3A_597] : memref<104x128xi32, #tpu.memory_space<vmem>> -> memref<1x128xi32, #tpu.memory_space<vmem>>
    %dma_start3A_599 = tpu.memref_squeeze %dma_start3A_598 : memref<1x128xi32, #tpu.memory_space<vmem>> -> memref<128xi32, #tpu.memory_space<vmem>>
    %dma_start3A_600 = arith.constant 0 : i32
    %dma_start3A_601 = arith.constant 0 : i32
    %dma_start3A_602 = tpu.memref_slice %arg3[%dma_start3A_600, %dma_start3A_601] : memref<2600000x16xf32, #tpu.memory_space<hbm>> -> memref<2600000x16xf32, #tpu.memory_space<hbm>>
    tpu.enqueue_indirect_dma source(%dma_start3A_602 : memref<2600000x16xf32, #tpu.memory_space<hbm>>) target(%dma_start3A_596 : memref<128x16xf32, #tpu.memory_space<vmem>>) offsets(%dma_start3A_599 : memref<128xi32, #tpu.memory_space<vmem>>) semaphore(%arg9 : memref<!tpu.dma_semaphore, #tpu.memory_space<semaphore_mem>>)
    %dma_start3A_603 = arith.constant 46 : i32
    %dma_start3A_604 = arith.constant 896 : i32
    %dma_start3A_605 = arith.constant 0 : i32
    %dma_start3A_606 = tpu.memref_slice %arg6[%dma_start3A_604, %dma_start3A_605] : memref<1664x16xf32, #tpu.memory_space<vmem>> -> memref<128x16xf32, #tpu.memory_space<vmem>>
    %dma_start3A_607 = arith.constant 0 : i32
    %dma_start3A_608 = tpu.memref_slice %arg5[%dma_start3A_603, %dma_start3A_607] : memref<104x128xi32, #tpu.memory_space<vmem>> -> memref<1x128xi32, #tpu.memory_space<vmem>>
    %dma_start3A_609 = tpu.memref_squeeze %dma_start3A_608 : memref<1x128xi32, #tpu.memory_space<vmem>> -> memref<128xi32, #tpu.memory_space<vmem>>
    %dma_start3A_610 = arith.constant 0 : i32
    %dma_start3A_611 = arith.constant 0 : i32
    %dma_start3A_612 = tpu.memref_slice %arg3[%dma_start3A_610, %dma_start3A_611] : memref<2600000x16xf32, #tpu.memory_space<hbm>> -> memref<2600000x16xf32, #tpu.memory_space<hbm>>
    tpu.enqueue_indirect_dma source(%dma_start3A_612 : memref<2600000x16xf32, #tpu.memory_space<hbm>>) target(%dma_start3A_606 : memref<128x16xf32, #tpu.memory_space<vmem>>) offsets(%dma_start3A_609 : memref<128xi32, #tpu.memory_space<vmem>>) semaphore(%arg9 : memref<!tpu.dma_semaphore, #tpu.memory_space<semaphore_mem>>)
    %dma_start3A_613 = arith.constant 47 : i32
    %dma_start3A_614 = arith.constant 1024 : i32
    %dma_start3A_615 = arith.constant 0 : i32
    %dma_start3A_616 = tpu.memref_slice %arg6[%dma_start3A_614, %dma_start3A_615] : memref<1664x16xf32, #tpu.memory_space<vmem>> -> memref<128x16xf32, #tpu.memory_space<vmem>>
    %dma_start3A_617 = arith.constant 0 : i32
    %dma_start3A_618 = tpu.memref_slice %arg5[%dma_start3A_613, %dma_start3A_617] : memref<104x128xi32, #tpu.memory_space<vmem>> -> memref<1x128xi32, #tpu.memory_space<vmem>>
    %dma_start3A_619 = tpu.memref_squeeze %dma_start3A_618 : memref<1x128xi32, #tpu.memory_space<vmem>> -> memref<128xi32, #tpu.memory_space<vmem>>
    %dma_start3A_620 = arith.constant 0 : i32
    %dma_start3A_621 = arith.constant 0 : i32
    %dma_start3A_622 = tpu.memref_slice %arg3[%dma_start3A_620, %dma_start3A_621] : memref<2600000x16xf32, #tpu.memory_space<hbm>> -> memref<2600000x16xf32, #tpu.memory_space<hbm>>
    tpu.enqueue_indirect_dma source(%dma_start3A_622 : memref<2600000x16xf32, #tpu.memory_space<hbm>>) target(%dma_start3A_616 : memref<128x16xf32, #tpu.memory_space<vmem>>) offsets(%dma_start3A_619 : memref<128xi32, #tpu.memory_space<vmem>>) semaphore(%arg9 : memref<!tpu.dma_semaphore, #tpu.memory_space<semaphore_mem>>)
    %dma_start3A_623 = arith.constant 48 : i32
    %dma_start3A_624 = arith.constant 1152 : i32
    %dma_start3A_625 = arith.constant 0 : i32
    %dma_start3A_626 = tpu.memref_slice %arg6[%dma_start3A_624, %dma_start3A_625] : memref<1664x16xf32, #tpu.memory_space<vmem>> -> memref<128x16xf32, #tpu.memory_space<vmem>>
    %dma_start3A_627 = arith.constant 0 : i32
    %dma_start3A_628 = tpu.memref_slice %arg5[%dma_start3A_623, %dma_start3A_627] : memref<104x128xi32, #tpu.memory_space<vmem>> -> memref<1x128xi32, #tpu.memory_space<vmem>>
    %dma_start3A_629 = tpu.memref_squeeze %dma_start3A_628 : memref<1x128xi32, #tpu.memory_space<vmem>> -> memref<128xi32, #tpu.memory_space<vmem>>
    %dma_start3A_630 = arith.constant 0 : i32
    %dma_start3A_631 = arith.constant 0 : i32
    %dma_start3A_632 = tpu.memref_slice %arg3[%dma_start3A_630, %dma_start3A_631] : memref<2600000x16xf32, #tpu.memory_space<hbm>> -> memref<2600000x16xf32, #tpu.memory_space<hbm>>
    tpu.enqueue_indirect_dma source(%dma_start3A_632 : memref<2600000x16xf32, #tpu.memory_space<hbm>>) target(%dma_start3A_626 : memref<128x16xf32, #tpu.memory_space<vmem>>) offsets(%dma_start3A_629 : memref<128xi32, #tpu.memory_space<vmem>>) semaphore(%arg9 : memref<!tpu.dma_semaphore, #tpu.memory_space<semaphore_mem>>)
    %dma_start3A_633 = arith.constant 49 : i32
    %dma_start3A_634 = arith.constant 1280 : i32
    %dma_start3A_635 = arith.constant 0 : i32
    %dma_start3A_636 = tpu.memref_slice %arg6[%dma_start3A_634, %dma_start3A_635] : memref<1664x16xf32, #tpu.memory_space<vmem>> -> memref<128x16xf32, #tpu.memory_space<vmem>>
    %dma_start3A_637 = arith.constant 0 : i32
    %dma_start3A_638 = tpu.memref_slice %arg5[%dma_start3A_633, %dma_start3A_637] : memref<104x128xi32, #tpu.memory_space<vmem>> -> memref<1x128xi32, #tpu.memory_space<vmem>>
    %dma_start3A_639 = tpu.memref_squeeze %dma_start3A_638 : memref<1x128xi32, #tpu.memory_space<vmem>> -> memref<128xi32, #tpu.memory_space<vmem>>
    %dma_start3A_640 = arith.constant 0 : i32
    %dma_start3A_641 = arith.constant 0 : i32
    %dma_start3A_642 = tpu.memref_slice %arg3[%dma_start3A_640, %dma_start3A_641] : memref<2600000x16xf32, #tpu.memory_space<hbm>> -> memref<2600000x16xf32, #tpu.memory_space<hbm>>
    tpu.enqueue_indirect_dma source(%dma_start3A_642 : memref<2600000x16xf32, #tpu.memory_space<hbm>>) target(%dma_start3A_636 : memref<128x16xf32, #tpu.memory_space<vmem>>) offsets(%dma_start3A_639 : memref<128xi32, #tpu.memory_space<vmem>>) semaphore(%arg9 : memref<!tpu.dma_semaphore, #tpu.memory_space<semaphore_mem>>)
    %dma_start3A_643 = arith.constant 50 : i32
    %dma_start3A_644 = arith.constant 1408 : i32
    %dma_start3A_645 = arith.constant 0 : i32
    %dma_start3A_646 = tpu.memref_slice %arg6[%dma_start3A_644, %dma_start3A_645] : memref<1664x16xf32, #tpu.memory_space<vmem>> -> memref<128x16xf32, #tpu.memory_space<vmem>>
    %dma_start3A_647 = arith.constant 0 : i32
    %dma_start3A_648 = tpu.memref_slice %arg5[%dma_start3A_643, %dma_start3A_647] : memref<104x128xi32, #tpu.memory_space<vmem>> -> memref<1x128xi32, #tpu.memory_space<vmem>>
    %dma_start3A_649 = tpu.memref_squeeze %dma_start3A_648 : memref<1x128xi32, #tpu.memory_space<vmem>> -> memref<128xi32, #tpu.memory_space<vmem>>
    %dma_start3A_650 = arith.constant 0 : i32
    %dma_start3A_651 = arith.constant 0 : i32
    %dma_start3A_652 = tpu.memref_slice %arg3[%dma_start3A_650, %dma_start3A_651] : memref<2600000x16xf32, #tpu.memory_space<hbm>> -> memref<2600000x16xf32, #tpu.memory_space<hbm>>
    tpu.enqueue_indirect_dma source(%dma_start3A_652 : memref<2600000x16xf32, #tpu.memory_space<hbm>>) target(%dma_start3A_646 : memref<128x16xf32, #tpu.memory_space<vmem>>) offsets(%dma_start3A_649 : memref<128xi32, #tpu.memory_space<vmem>>) semaphore(%arg9 : memref<!tpu.dma_semaphore, #tpu.memory_space<semaphore_mem>>)
    %dma_start3A_653 = arith.constant 51 : i32
    %dma_start3A_654 = arith.constant 1536 : i32
    %dma_start3A_655 = arith.constant 0 : i32
    %dma_start3A_656 = tpu.memref_slice %arg6[%dma_start3A_654, %dma_start3A_655] : memref<1664x16xf32, #tpu.memory_space<vmem>> -> memref<128x16xf32, #tpu.memory_space<vmem>>
    %dma_start3A_657 = arith.constant 0 : i32
    %dma_start3A_658 = tpu.memref_slice %arg5[%dma_start3A_653, %dma_start3A_657] : memref<104x128xi32, #tpu.memory_space<vmem>> -> memref<1x128xi32, #tpu.memory_space<vmem>>
    %dma_start3A_659 = tpu.memref_squeeze %dma_start3A_658 : memref<1x128xi32, #tpu.memory_space<vmem>> -> memref<128xi32, #tpu.memory_space<vmem>>
    %dma_start3A_660 = arith.constant 0 : i32
    %dma_start3A_661 = arith.constant 0 : i32
    %dma_start3A_662 = tpu.memref_slice %arg3[%dma_start3A_660, %dma_start3A_661] : memref<2600000x16xf32, #tpu.memory_space<hbm>> -> memref<2600000x16xf32, #tpu.memory_space<hbm>>
    tpu.enqueue_indirect_dma source(%dma_start3A_662 : memref<2600000x16xf32, #tpu.memory_space<hbm>>) target(%dma_start3A_656 : memref<128x16xf32, #tpu.memory_space<vmem>>) offsets(%dma_start3A_659 : memref<128xi32, #tpu.memory_space<vmem>>) semaphore(%arg9 : memref<!tpu.dma_semaphore, #tpu.memory_space<semaphore_mem>>)
    %dma_wait3A_663 = arith.constant 13 : i32
    %dma_wait3A_664 = arith.constant 0 : i32
    %dma_wait3A_665 = arith.constant 0 : i32
    %dma_wait3A_666 = tpu.memref_slice %arg7[%dma_wait3A_664, %dma_wait3A_665] : memref<1664x16xf32, #tpu.memory_space<vmem>> -> memref<128x16xf32, #tpu.memory_space<vmem>>
    %dma_wait3A_667 = arith.constant 0 : i32
    %dma_wait3A_668 = tpu.memref_slice %arg5[%dma_wait3A_663, %dma_wait3A_667] : memref<104x128xi32, #tpu.memory_space<vmem>> -> memref<1x128xi32, #tpu.memory_space<vmem>>
    %dma_wait3A_669 = tpu.memref_squeeze %dma_wait3A_668 : memref<1x128xi32, #tpu.memory_space<vmem>> -> memref<128xi32, #tpu.memory_space<vmem>>
    %dma_wait3A_670 = arith.constant 0 : i32
    %dma_wait3A_671 = arith.constant 0 : i32
    %dma_wait3A_672 = tpu.memref_slice %arg3[%dma_wait3A_670, %dma_wait3A_671] : memref<2600000x16xf32, #tpu.memory_space<hbm>> -> memref<2600000x16xf32, #tpu.memory_space<hbm>>
    tpu.wait_indirect_dma semaphore(%arg10 : memref<!tpu.dma_semaphore, #tpu.memory_space<semaphore_mem>>) src(%dma_wait3A_672 : memref<2600000x16xf32, #tpu.memory_space<hbm>>) dst(%dma_wait3A_666 : memref<128x16xf32, #tpu.memory_space<vmem>>)
    %dma_wait3A_673 = arith.constant 14 : i32
    %dma_wait3A_674 = arith.constant 128 : i32
    %dma_wait3A_675 = arith.constant 0 : i32
    %dma_wait3A_676 = tpu.memref_slice %arg7[%dma_wait3A_674, %dma_wait3A_675] : memref<1664x16xf32, #tpu.memory_space<vmem>> -> memref<128x16xf32, #tpu.memory_space<vmem>>
    %dma_wait3A_677 = arith.constant 0 : i32
    %dma_wait3A_678 = tpu.memref_slice %arg5[%dma_wait3A_673, %dma_wait3A_677] : memref<104x128xi32, #tpu.memory_space<vmem>> -> memref<1x128xi32, #tpu.memory_space<vmem>>
    %dma_wait3A_679 = tpu.memref_squeeze %dma_wait3A_678 : memref<1x128xi32, #tpu.memory_space<vmem>> -> memref<128xi32, #tpu.memory_space<vmem>>
    %dma_wait3A_680 = arith.constant 0 : i32
    %dma_wait3A_681 = arith.constant 0 : i32
    %dma_wait3A_682 = tpu.memref_slice %arg3[%dma_wait3A_680, %dma_wait3A_681] : memref<2600000x16xf32, #tpu.memory_space<hbm>> -> memref<2600000x16xf32, #tpu.memory_space<hbm>>
    tpu.wait_indirect_dma semaphore(%arg10 : memref<!tpu.dma_semaphore, #tpu.memory_space<semaphore_mem>>) src(%dma_wait3A_682 : memref<2600000x16xf32, #tpu.memory_space<hbm>>) dst(%dma_wait3A_676 : memref<128x16xf32, #tpu.memory_space<vmem>>)
    %dma_wait3A_683 = arith.constant 15 : i32
    %dma_wait3A_684 = arith.constant 256 : i32
    %dma_wait3A_685 = arith.constant 0 : i32
    %dma_wait3A_686 = tpu.memref_slice %arg7[%dma_wait3A_684, %dma_wait3A_685] : memref<1664x16xf32, #tpu.memory_space<vmem>> -> memref<128x16xf32, #tpu.memory_space<vmem>>
    %dma_wait3A_687 = arith.constant 0 : i32
    %dma_wait3A_688 = tpu.memref_slice %arg5[%dma_wait3A_683, %dma_wait3A_687] : memref<104x128xi32, #tpu.memory_space<vmem>> -> memref<1x128xi32, #tpu.memory_space<vmem>>
    %dma_wait3A_689 = tpu.memref_squeeze %dma_wait3A_688 : memref<1x128xi32, #tpu.memory_space<vmem>> -> memref<128xi32, #tpu.memory_space<vmem>>
    %dma_wait3A_690 = arith.constant 0 : i32
    %dma_wait3A_691 = arith.constant 0 : i32
    %dma_wait3A_692 = tpu.memref_slice %arg3[%dma_wait3A_690, %dma_wait3A_691] : memref<2600000x16xf32, #tpu.memory_space<hbm>> -> memref<2600000x16xf32, #tpu.memory_space<hbm>>
    tpu.wait_indirect_dma semaphore(%arg10 : memref<!tpu.dma_semaphore, #tpu.memory_space<semaphore_mem>>) src(%dma_wait3A_692 : memref<2600000x16xf32, #tpu.memory_space<hbm>>) dst(%dma_wait3A_686 : memref<128x16xf32, #tpu.memory_space<vmem>>)
    %dma_wait3A_693 = arith.constant 16 : i32
    %dma_wait3A_694 = arith.constant 384 : i32
    %dma_wait3A_695 = arith.constant 0 : i32
    %dma_wait3A_696 = tpu.memref_slice %arg7[%dma_wait3A_694, %dma_wait3A_695] : memref<1664x16xf32, #tpu.memory_space<vmem>> -> memref<128x16xf32, #tpu.memory_space<vmem>>
    %dma_wait3A_697 = arith.constant 0 : i32
    %dma_wait3A_698 = tpu.memref_slice %arg5[%dma_wait3A_693, %dma_wait3A_697] : memref<104x128xi32, #tpu.memory_space<vmem>> -> memref<1x128xi32, #tpu.memory_space<vmem>>
    %dma_wait3A_699 = tpu.memref_squeeze %dma_wait3A_698 : memref<1x128xi32, #tpu.memory_space<vmem>> -> memref<128xi32, #tpu.memory_space<vmem>>
    %dma_wait3A_700 = arith.constant 0 : i32
    %dma_wait3A_701 = arith.constant 0 : i32
    %dma_wait3A_702 = tpu.memref_slice %arg3[%dma_wait3A_700, %dma_wait3A_701] : memref<2600000x16xf32, #tpu.memory_space<hbm>> -> memref<2600000x16xf32, #tpu.memory_space<hbm>>
    tpu.wait_indirect_dma semaphore(%arg10 : memref<!tpu.dma_semaphore, #tpu.memory_space<semaphore_mem>>) src(%dma_wait3A_702 : memref<2600000x16xf32, #tpu.memory_space<hbm>>) dst(%dma_wait3A_696 : memref<128x16xf32, #tpu.memory_space<vmem>>)
    %dma_wait3A_703 = arith.constant 17 : i32
    %dma_wait3A_704 = arith.constant 512 : i32
    %dma_wait3A_705 = arith.constant 0 : i32
    %dma_wait3A_706 = tpu.memref_slice %arg7[%dma_wait3A_704, %dma_wait3A_705] : memref<1664x16xf32, #tpu.memory_space<vmem>> -> memref<128x16xf32, #tpu.memory_space<vmem>>
    %dma_wait3A_707 = arith.constant 0 : i32
    %dma_wait3A_708 = tpu.memref_slice %arg5[%dma_wait3A_703, %dma_wait3A_707] : memref<104x128xi32, #tpu.memory_space<vmem>> -> memref<1x128xi32, #tpu.memory_space<vmem>>
    %dma_wait3A_709 = tpu.memref_squeeze %dma_wait3A_708 : memref<1x128xi32, #tpu.memory_space<vmem>> -> memref<128xi32, #tpu.memory_space<vmem>>
    %dma_wait3A_710 = arith.constant 0 : i32
    %dma_wait3A_711 = arith.constant 0 : i32
    %dma_wait3A_712 = tpu.memref_slice %arg3[%dma_wait3A_710, %dma_wait3A_711] : memref<2600000x16xf32, #tpu.memory_space<hbm>> -> memref<2600000x16xf32, #tpu.memory_space<hbm>>
    tpu.wait_indirect_dma semaphore(%arg10 : memref<!tpu.dma_semaphore, #tpu.memory_space<semaphore_mem>>) src(%dma_wait3A_712 : memref<2600000x16xf32, #tpu.memory_space<hbm>>) dst(%dma_wait3A_706 : memref<128x16xf32, #tpu.memory_space<vmem>>)
    %dma_wait3A_713 = arith.constant 18 : i32
    %dma_wait3A_714 = arith.constant 640 : i32
    %dma_wait3A_715 = arith.constant 0 : i32
    %dma_wait3A_716 = tpu.memref_slice %arg7[%dma_wait3A_714, %dma_wait3A_715] : memref<1664x16xf32, #tpu.memory_space<vmem>> -> memref<128x16xf32, #tpu.memory_space<vmem>>
    %dma_wait3A_717 = arith.constant 0 : i32
    %dma_wait3A_718 = tpu.memref_slice %arg5[%dma_wait3A_713, %dma_wait3A_717] : memref<104x128xi32, #tpu.memory_space<vmem>> -> memref<1x128xi32, #tpu.memory_space<vmem>>
    %dma_wait3A_719 = tpu.memref_squeeze %dma_wait3A_718 : memref<1x128xi32, #tpu.memory_space<vmem>> -> memref<128xi32, #tpu.memory_space<vmem>>
    %dma_wait3A_720 = arith.constant 0 : i32
    %dma_wait3A_721 = arith.constant 0 : i32
    %dma_wait3A_722 = tpu.memref_slice %arg3[%dma_wait3A_720, %dma_wait3A_721] : memref<2600000x16xf32, #tpu.memory_space<hbm>> -> memref<2600000x16xf32, #tpu.memory_space<hbm>>
    tpu.wait_indirect_dma semaphore(%arg10 : memref<!tpu.dma_semaphore, #tpu.memory_space<semaphore_mem>>) src(%dma_wait3A_722 : memref<2600000x16xf32, #tpu.memory_space<hbm>>) dst(%dma_wait3A_716 : memref<128x16xf32, #tpu.memory_space<vmem>>)
    %dma_wait3A_723 = arith.constant 19 : i32
    %dma_wait3A_724 = arith.constant 768 : i32
    %dma_wait3A_725 = arith.constant 0 : i32
    %dma_wait3A_726 = tpu.memref_slice %arg7[%dma_wait3A_724, %dma_wait3A_725] : memref<1664x16xf32, #tpu.memory_space<vmem>> -> memref<128x16xf32, #tpu.memory_space<vmem>>
    %dma_wait3A_727 = arith.constant 0 : i32
    %dma_wait3A_728 = tpu.memref_slice %arg5[%dma_wait3A_723, %dma_wait3A_727] : memref<104x128xi32, #tpu.memory_space<vmem>> -> memref<1x128xi32, #tpu.memory_space<vmem>>
    %dma_wait3A_729 = tpu.memref_squeeze %dma_wait3A_728 : memref<1x128xi32, #tpu.memory_space<vmem>> -> memref<128xi32, #tpu.memory_space<vmem>>
    %dma_wait3A_730 = arith.constant 0 : i32
    %dma_wait3A_731 = arith.constant 0 : i32
    %dma_wait3A_732 = tpu.memref_slice %arg3[%dma_wait3A_730, %dma_wait3A_731] : memref<2600000x16xf32, #tpu.memory_space<hbm>> -> memref<2600000x16xf32, #tpu.memory_space<hbm>>
    tpu.wait_indirect_dma semaphore(%arg10 : memref<!tpu.dma_semaphore, #tpu.memory_space<semaphore_mem>>) src(%dma_wait3A_732 : memref<2600000x16xf32, #tpu.memory_space<hbm>>) dst(%dma_wait3A_726 : memref<128x16xf32, #tpu.memory_space<vmem>>)
    %dma_wait3A_733 = arith.constant 20 : i32
    %dma_wait3A_734 = arith.constant 896 : i32
    %dma_wait3A_735 = arith.constant 0 : i32
    %dma_wait3A_736 = tpu.memref_slice %arg7[%dma_wait3A_734, %dma_wait3A_735] : memref<1664x16xf32, #tpu.memory_space<vmem>> -> memref<128x16xf32, #tpu.memory_space<vmem>>
    %dma_wait3A_737 = arith.constant 0 : i32
    %dma_wait3A_738 = tpu.memref_slice %arg5[%dma_wait3A_733, %dma_wait3A_737] : memref<104x128xi32, #tpu.memory_space<vmem>> -> memref<1x128xi32, #tpu.memory_space<vmem>>
    %dma_wait3A_739 = tpu.memref_squeeze %dma_wait3A_738 : memref<1x128xi32, #tpu.memory_space<vmem>> -> memref<128xi32, #tpu.memory_space<vmem>>
    %dma_wait3A_740 = arith.constant 0 : i32
    %dma_wait3A_741 = arith.constant 0 : i32
    %dma_wait3A_742 = tpu.memref_slice %arg3[%dma_wait3A_740, %dma_wait3A_741] : memref<2600000x16xf32, #tpu.memory_space<hbm>> -> memref<2600000x16xf32, #tpu.memory_space<hbm>>
    tpu.wait_indirect_dma semaphore(%arg10 : memref<!tpu.dma_semaphore, #tpu.memory_space<semaphore_mem>>) src(%dma_wait3A_742 : memref<2600000x16xf32, #tpu.memory_space<hbm>>) dst(%dma_wait3A_736 : memref<128x16xf32, #tpu.memory_space<vmem>>)
    %dma_wait3A_743 = arith.constant 21 : i32
    %dma_wait3A_744 = arith.constant 1024 : i32
    %dma_wait3A_745 = arith.constant 0 : i32
    %dma_wait3A_746 = tpu.memref_slice %arg7[%dma_wait3A_744, %dma_wait3A_745] : memref<1664x16xf32, #tpu.memory_space<vmem>> -> memref<128x16xf32, #tpu.memory_space<vmem>>
    %dma_wait3A_747 = arith.constant 0 : i32
    %dma_wait3A_748 = tpu.memref_slice %arg5[%dma_wait3A_743, %dma_wait3A_747] : memref<104x128xi32, #tpu.memory_space<vmem>> -> memref<1x128xi32, #tpu.memory_space<vmem>>
    %dma_wait3A_749 = tpu.memref_squeeze %dma_wait3A_748 : memref<1x128xi32, #tpu.memory_space<vmem>> -> memref<128xi32, #tpu.memory_space<vmem>>
    %dma_wait3A_750 = arith.constant 0 : i32
    %dma_wait3A_751 = arith.constant 0 : i32
    %dma_wait3A_752 = tpu.memref_slice %arg3[%dma_wait3A_750, %dma_wait3A_751] : memref<2600000x16xf32, #tpu.memory_space<hbm>> -> memref<2600000x16xf32, #tpu.memory_space<hbm>>
    tpu.wait_indirect_dma semaphore(%arg10 : memref<!tpu.dma_semaphore, #tpu.memory_space<semaphore_mem>>) src(%dma_wait3A_752 : memref<2600000x16xf32, #tpu.memory_space<hbm>>) dst(%dma_wait3A_746 : memref<128x16xf32, #tpu.memory_space<vmem>>)
    %dma_wait3A_753 = arith.constant 22 : i32
    %dma_wait3A_754 = arith.constant 1152 : i32
    %dma_wait3A_755 = arith.constant 0 : i32
    %dma_wait3A_756 = tpu.memref_slice %arg7[%dma_wait3A_754, %dma_wait3A_755] : memref<1664x16xf32, #tpu.memory_space<vmem>> -> memref<128x16xf32, #tpu.memory_space<vmem>>
    %dma_wait3A_757 = arith.constant 0 : i32
    %dma_wait3A_758 = tpu.memref_slice %arg5[%dma_wait3A_753, %dma_wait3A_757] : memref<104x128xi32, #tpu.memory_space<vmem>> -> memref<1x128xi32, #tpu.memory_space<vmem>>
    %dma_wait3A_759 = tpu.memref_squeeze %dma_wait3A_758 : memref<1x128xi32, #tpu.memory_space<vmem>> -> memref<128xi32, #tpu.memory_space<vmem>>
    %dma_wait3A_760 = arith.constant 0 : i32
    %dma_wait3A_761 = arith.constant 0 : i32
    %dma_wait3A_762 = tpu.memref_slice %arg3[%dma_wait3A_760, %dma_wait3A_761] : memref<2600000x16xf32, #tpu.memory_space<hbm>> -> memref<2600000x16xf32, #tpu.memory_space<hbm>>
    tpu.wait_indirect_dma semaphore(%arg10 : memref<!tpu.dma_semaphore, #tpu.memory_space<semaphore_mem>>) src(%dma_wait3A_762 : memref<2600000x16xf32, #tpu.memory_space<hbm>>) dst(%dma_wait3A_756 : memref<128x16xf32, #tpu.memory_space<vmem>>)
    %dma_wait3A_763 = arith.constant 23 : i32
    %dma_wait3A_764 = arith.constant 1280 : i32
    %dma_wait3A_765 = arith.constant 0 : i32
    %dma_wait3A_766 = tpu.memref_slice %arg7[%dma_wait3A_764, %dma_wait3A_765] : memref<1664x16xf32, #tpu.memory_space<vmem>> -> memref<128x16xf32, #tpu.memory_space<vmem>>
    %dma_wait3A_767 = arith.constant 0 : i32
    %dma_wait3A_768 = tpu.memref_slice %arg5[%dma_wait3A_763, %dma_wait3A_767] : memref<104x128xi32, #tpu.memory_space<vmem>> -> memref<1x128xi32, #tpu.memory_space<vmem>>
    %dma_wait3A_769 = tpu.memref_squeeze %dma_wait3A_768 : memref<1x128xi32, #tpu.memory_space<vmem>> -> memref<128xi32, #tpu.memory_space<vmem>>
    %dma_wait3A_770 = arith.constant 0 : i32
    %dma_wait3A_771 = arith.constant 0 : i32
    %dma_wait3A_772 = tpu.memref_slice %arg3[%dma_wait3A_770, %dma_wait3A_771] : memref<2600000x16xf32, #tpu.memory_space<hbm>> -> memref<2600000x16xf32, #tpu.memory_space<hbm>>
    tpu.wait_indirect_dma semaphore(%arg10 : memref<!tpu.dma_semaphore, #tpu.memory_space<semaphore_mem>>) src(%dma_wait3A_772 : memref<2600000x16xf32, #tpu.memory_space<hbm>>) dst(%dma_wait3A_766 : memref<128x16xf32, #tpu.memory_space<vmem>>)
    %dma_wait3A_773 = arith.constant 24 : i32
    %dma_wait3A_774 = arith.constant 1408 : i32
    %dma_wait3A_775 = arith.constant 0 : i32
    %dma_wait3A_776 = tpu.memref_slice %arg7[%dma_wait3A_774, %dma_wait3A_775] : memref<1664x16xf32, #tpu.memory_space<vmem>> -> memref<128x16xf32, #tpu.memory_space<vmem>>
    %dma_wait3A_777 = arith.constant 0 : i32
    %dma_wait3A_778 = tpu.memref_slice %arg5[%dma_wait3A_773, %dma_wait3A_777] : memref<104x128xi32, #tpu.memory_space<vmem>> -> memref<1x128xi32, #tpu.memory_space<vmem>>
    %dma_wait3A_779 = tpu.memref_squeeze %dma_wait3A_778 : memref<1x128xi32, #tpu.memory_space<vmem>> -> memref<128xi32, #tpu.memory_space<vmem>>
    %dma_wait3A_780 = arith.constant 0 : i32
    %dma_wait3A_781 = arith.constant 0 : i32
    %dma_wait3A_782 = tpu.memref_slice %arg3[%dma_wait3A_780, %dma_wait3A_781] : memref<2600000x16xf32, #tpu.memory_space<hbm>> -> memref<2600000x16xf32, #tpu.memory_space<hbm>>
    tpu.wait_indirect_dma semaphore(%arg10 : memref<!tpu.dma_semaphore, #tpu.memory_space<semaphore_mem>>) src(%dma_wait3A_782 : memref<2600000x16xf32, #tpu.memory_space<hbm>>) dst(%dma_wait3A_776 : memref<128x16xf32, #tpu.memory_space<vmem>>)
    %dma_wait3A_783 = arith.constant 25 : i32
    %dma_wait3A_784 = arith.constant 1536 : i32
    %dma_wait3A_785 = arith.constant 0 : i32
    %dma_wait3A_786 = tpu.memref_slice %arg7[%dma_wait3A_784, %dma_wait3A_785] : memref<1664x16xf32, #tpu.memory_space<vmem>> -> memref<128x16xf32, #tpu.memory_space<vmem>>
    %dma_wait3A_787 = arith.constant 0 : i32
    %dma_wait3A_788 = tpu.memref_slice %arg5[%dma_wait3A_783, %dma_wait3A_787] : memref<104x128xi32, #tpu.memory_space<vmem>> -> memref<1x128xi32, #tpu.memory_space<vmem>>
    %dma_wait3A_789 = tpu.memref_squeeze %dma_wait3A_788 : memref<1x128xi32, #tpu.memory_space<vmem>> -> memref<128xi32, #tpu.memory_space<vmem>>
    %dma_wait3A_790 = arith.constant 0 : i32
    %dma_wait3A_791 = arith.constant 0 : i32
    %dma_wait3A_792 = tpu.memref_slice %arg3[%dma_wait3A_790, %dma_wait3A_791] : memref<2600000x16xf32, #tpu.memory_space<hbm>> -> memref<2600000x16xf32, #tpu.memory_space<hbm>>
    tpu.wait_indirect_dma semaphore(%arg10 : memref<!tpu.dma_semaphore, #tpu.memory_space<semaphore_mem>>) src(%dma_wait3A_792 : memref<2600000x16xf32, #tpu.memory_space<hbm>>) dst(%dma_wait3A_786 : memref<128x16xf32, #tpu.memory_space<vmem>>)
    %add3A_793 = arith.constant 13 : i32
    %add3A_794 = arith.addi %mul3A_2, %add3A_793 : i32
    %mul3A_795 = arith.constant 128 : i32
    %mul3A_796 = arith.muli %add3A_794, %mul3A_795 : i32
    %dma_start3A_797 = arith.constant 0 : i32
    %dma_start3A_798 = tpu.memref_slice %arg4[%mul3A_796, %dma_start3A_797] : memref<425984x16xf32, #tpu.memory_space<hbm>> -> memref<1664x16xf32, #tpu.memory_space<hbm>>
    %dma_start3A_799 = arith.constant 0 : i32
    %dma_start3A_800 = tpu.memref_slice %arg4[%mul3A_796, %dma_start3A_799] : memref<425984x16xf32, #tpu.memory_space<hbm>> -> memref<1664x16xf32, #tpu.memory_space<hbm>>
    tpu.enqueue_dma source(%arg7 : memref<1664x16xf32, #tpu.memory_space<vmem>>) target(%dma_start3A_800 : memref<1664x16xf32, #tpu.memory_space<hbm>>) target_semaphore(%arg13 : memref<!tpu.dma_semaphore, #tpu.memory_space<semaphore_mem>>)
    %dma_wait3A_801 = arith.constant 0 : i32
    %dma_wait3A_802 = tpu.memref_slice %arg4[%mul3A_796, %dma_wait3A_801] : memref<425984x16xf32, #tpu.memory_space<hbm>> -> memref<1664x16xf32, #tpu.memory_space<hbm>>
    %dma_wait3A_803 = arith.constant 0 : i32
    %dma_wait3A_804 = tpu.memref_slice %arg4[%mul3A_796, %dma_wait3A_803] : memref<425984x16xf32, #tpu.memory_space<hbm>> -> memref<1664x16xf32, #tpu.memory_space<hbm>>
    tpu.wait_dma2 semaphore(%arg13 : memref<!tpu.dma_semaphore, #tpu.memory_space<semaphore_mem>>) src(%arg7 : memref<1664x16xf32, #tpu.memory_space<vmem>>) dst(%dma_wait3A_804 : memref<1664x16xf32, #tpu.memory_space<hbm>>)
    %dma_start3A_805 = arith.constant 52 : i32
    %dma_start3A_806 = arith.constant 0 : i32
    %dma_start3A_807 = arith.constant 0 : i32
    %dma_start3A_808 = tpu.memref_slice %arg7[%dma_start3A_806, %dma_start3A_807] : memref<1664x16xf32, #tpu.memory_space<vmem>> -> memref<128x16xf32, #tpu.memory_space<vmem>>
    %dma_start3A_809 = arith.constant 0 : i32
    %dma_start3A_810 = tpu.memref_slice %arg5[%dma_start3A_805, %dma_start3A_809] : memref<104x128xi32, #tpu.memory_space<vmem>> -> memref<1x128xi32, #tpu.memory_space<vmem>>
    %dma_start3A_811 = tpu.memref_squeeze %dma_start3A_810 : memref<1x128xi32, #tpu.memory_space<vmem>> -> memref<128xi32, #tpu.memory_space<vmem>>
    %dma_start3A_812 = arith.constant 0 : i32
    %dma_start3A_813 = arith.constant 0 : i32
    %dma_start3A_814 = tpu.memref_slice %arg3[%dma_start3A_812, %dma_start3A_813] : memref<2600000x16xf32, #tpu.memory_space<hbm>> -> memref<2600000x16xf32, #tpu.memory_space<hbm>>
    tpu.enqueue_indirect_dma source(%dma_start3A_814 : memref<2600000x16xf32, #tpu.memory_space<hbm>>) target(%dma_start3A_808 : memref<128x16xf32, #tpu.memory_space<vmem>>) offsets(%dma_start3A_811 : memref<128xi32, #tpu.memory_space<vmem>>) semaphore(%arg10 : memref<!tpu.dma_semaphore, #tpu.memory_space<semaphore_mem>>)
    %dma_start3A_815 = arith.constant 53 : i32
    %dma_start3A_816 = arith.constant 128 : i32
    %dma_start3A_817 = arith.constant 0 : i32
    %dma_start3A_818 = tpu.memref_slice %arg7[%dma_start3A_816, %dma_start3A_817] : memref<1664x16xf32, #tpu.memory_space<vmem>> -> memref<128x16xf32, #tpu.memory_space<vmem>>
    %dma_start3A_819 = arith.constant 0 : i32
    %dma_start3A_820 = tpu.memref_slice %arg5[%dma_start3A_815, %dma_start3A_819] : memref<104x128xi32, #tpu.memory_space<vmem>> -> memref<1x128xi32, #tpu.memory_space<vmem>>
    %dma_start3A_821 = tpu.memref_squeeze %dma_start3A_820 : memref<1x128xi32, #tpu.memory_space<vmem>> -> memref<128xi32, #tpu.memory_space<vmem>>
    %dma_start3A_822 = arith.constant 0 : i32
    %dma_start3A_823 = arith.constant 0 : i32
    %dma_start3A_824 = tpu.memref_slice %arg3[%dma_start3A_822, %dma_start3A_823] : memref<2600000x16xf32, #tpu.memory_space<hbm>> -> memref<2600000x16xf32, #tpu.memory_space<hbm>>
    tpu.enqueue_indirect_dma source(%dma_start3A_824 : memref<2600000x16xf32, #tpu.memory_space<hbm>>) target(%dma_start3A_818 : memref<128x16xf32, #tpu.memory_space<vmem>>) offsets(%dma_start3A_821 : memref<128xi32, #tpu.memory_space<vmem>>) semaphore(%arg10 : memref<!tpu.dma_semaphore, #tpu.memory_space<semaphore_mem>>)
    %dma_start3A_825 = arith.constant 54 : i32
    %dma_start3A_826 = arith.constant 256 : i32
    %dma_start3A_827 = arith.constant 0 : i32
    %dma_start3A_828 = tpu.memref_slice %arg7[%dma_start3A_826, %dma_start3A_827] : memref<1664x16xf32, #tpu.memory_space<vmem>> -> memref<128x16xf32, #tpu.memory_space<vmem>>
    %dma_start3A_829 = arith.constant 0 : i32
    %dma_start3A_830 = tpu.memref_slice %arg5[%dma_start3A_825, %dma_start3A_829] : memref<104x128xi32, #tpu.memory_space<vmem>> -> memref<1x128xi32, #tpu.memory_space<vmem>>
    %dma_start3A_831 = tpu.memref_squeeze %dma_start3A_830 : memref<1x128xi32, #tpu.memory_space<vmem>> -> memref<128xi32, #tpu.memory_space<vmem>>
    %dma_start3A_832 = arith.constant 0 : i32
    %dma_start3A_833 = arith.constant 0 : i32
    %dma_start3A_834 = tpu.memref_slice %arg3[%dma_start3A_832, %dma_start3A_833] : memref<2600000x16xf32, #tpu.memory_space<hbm>> -> memref<2600000x16xf32, #tpu.memory_space<hbm>>
    tpu.enqueue_indirect_dma source(%dma_start3A_834 : memref<2600000x16xf32, #tpu.memory_space<hbm>>) target(%dma_start3A_828 : memref<128x16xf32, #tpu.memory_space<vmem>>) offsets(%dma_start3A_831 : memref<128xi32, #tpu.memory_space<vmem>>) semaphore(%arg10 : memref<!tpu.dma_semaphore, #tpu.memory_space<semaphore_mem>>)
    %dma_start3A_835 = arith.constant 55 : i32
    %dma_start3A_836 = arith.constant 384 : i32
    %dma_start3A_837 = arith.constant 0 : i32
    %dma_start3A_838 = tpu.memref_slice %arg7[%dma_start3A_836, %dma_start3A_837] : memref<1664x16xf32, #tpu.memory_space<vmem>> -> memref<128x16xf32, #tpu.memory_space<vmem>>
    %dma_start3A_839 = arith.constant 0 : i32
    %dma_start3A_840 = tpu.memref_slice %arg5[%dma_start3A_835, %dma_start3A_839] : memref<104x128xi32, #tpu.memory_space<vmem>> -> memref<1x128xi32, #tpu.memory_space<vmem>>
    %dma_start3A_841 = tpu.memref_squeeze %dma_start3A_840 : memref<1x128xi32, #tpu.memory_space<vmem>> -> memref<128xi32, #tpu.memory_space<vmem>>
    %dma_start3A_842 = arith.constant 0 : i32
    %dma_start3A_843 = arith.constant 0 : i32
    %dma_start3A_844 = tpu.memref_slice %arg3[%dma_start3A_842, %dma_start3A_843] : memref<2600000x16xf32, #tpu.memory_space<hbm>> -> memref<2600000x16xf32, #tpu.memory_space<hbm>>
    tpu.enqueue_indirect_dma source(%dma_start3A_844 : memref<2600000x16xf32, #tpu.memory_space<hbm>>) target(%dma_start3A_838 : memref<128x16xf32, #tpu.memory_space<vmem>>) offsets(%dma_start3A_841 : memref<128xi32, #tpu.memory_space<vmem>>) semaphore(%arg10 : memref<!tpu.dma_semaphore, #tpu.memory_space<semaphore_mem>>)
    %dma_start3A_845 = arith.constant 56 : i32
    %dma_start3A_846 = arith.constant 512 : i32
    %dma_start3A_847 = arith.constant 0 : i32
    %dma_start3A_848 = tpu.memref_slice %arg7[%dma_start3A_846, %dma_start3A_847] : memref<1664x16xf32, #tpu.memory_space<vmem>> -> memref<128x16xf32, #tpu.memory_space<vmem>>
    %dma_start3A_849 = arith.constant 0 : i32
    %dma_start3A_850 = tpu.memref_slice %arg5[%dma_start3A_845, %dma_start3A_849] : memref<104x128xi32, #tpu.memory_space<vmem>> -> memref<1x128xi32, #tpu.memory_space<vmem>>
    %dma_start3A_851 = tpu.memref_squeeze %dma_start3A_850 : memref<1x128xi32, #tpu.memory_space<vmem>> -> memref<128xi32, #tpu.memory_space<vmem>>
    %dma_start3A_852 = arith.constant 0 : i32
    %dma_start3A_853 = arith.constant 0 : i32
    %dma_start3A_854 = tpu.memref_slice %arg3[%dma_start3A_852, %dma_start3A_853] : memref<2600000x16xf32, #tpu.memory_space<hbm>> -> memref<2600000x16xf32, #tpu.memory_space<hbm>>
    tpu.enqueue_indirect_dma source(%dma_start3A_854 : memref<2600000x16xf32, #tpu.memory_space<hbm>>) target(%dma_start3A_848 : memref<128x16xf32, #tpu.memory_space<vmem>>) offsets(%dma_start3A_851 : memref<128xi32, #tpu.memory_space<vmem>>) semaphore(%arg10 : memref<!tpu.dma_semaphore, #tpu.memory_space<semaphore_mem>>)
    %dma_start3A_855 = arith.constant 57 : i32
    %dma_start3A_856 = arith.constant 640 : i32
    %dma_start3A_857 = arith.constant 0 : i32
    %dma_start3A_858 = tpu.memref_slice %arg7[%dma_start3A_856, %dma_start3A_857] : memref<1664x16xf32, #tpu.memory_space<vmem>> -> memref<128x16xf32, #tpu.memory_space<vmem>>
    %dma_start3A_859 = arith.constant 0 : i32
    %dma_start3A_860 = tpu.memref_slice %arg5[%dma_start3A_855, %dma_start3A_859] : memref<104x128xi32, #tpu.memory_space<vmem>> -> memref<1x128xi32, #tpu.memory_space<vmem>>
    %dma_start3A_861 = tpu.memref_squeeze %dma_start3A_860 : memref<1x128xi32, #tpu.memory_space<vmem>> -> memref<128xi32, #tpu.memory_space<vmem>>
    %dma_start3A_862 = arith.constant 0 : i32
    %dma_start3A_863 = arith.constant 0 : i32
    %dma_start3A_864 = tpu.memref_slice %arg3[%dma_start3A_862, %dma_start3A_863] : memref<2600000x16xf32, #tpu.memory_space<hbm>> -> memref<2600000x16xf32, #tpu.memory_space<hbm>>
    tpu.enqueue_indirect_dma source(%dma_start3A_864 : memref<2600000x16xf32, #tpu.memory_space<hbm>>) target(%dma_start3A_858 : memref<128x16xf32, #tpu.memory_space<vmem>>) offsets(%dma_start3A_861 : memref<128xi32, #tpu.memory_space<vmem>>) semaphore(%arg10 : memref<!tpu.dma_semaphore, #tpu.memory_space<semaphore_mem>>)
    %dma_start3A_865 = arith.constant 58 : i32
    %dma_start3A_866 = arith.constant 768 : i32
    %dma_start3A_867 = arith.constant 0 : i32
    %dma_start3A_868 = tpu.memref_slice %arg7[%dma_start3A_866, %dma_start3A_867] : memref<1664x16xf32, #tpu.memory_space<vmem>> -> memref<128x16xf32, #tpu.memory_space<vmem>>
    %dma_start3A_869 = arith.constant 0 : i32
    %dma_start3A_870 = tpu.memref_slice %arg5[%dma_start3A_865, %dma_start3A_869] : memref<104x128xi32, #tpu.memory_space<vmem>> -> memref<1x128xi32, #tpu.memory_space<vmem>>
    %dma_start3A_871 = tpu.memref_squeeze %dma_start3A_870 : memref<1x128xi32, #tpu.memory_space<vmem>> -> memref<128xi32, #tpu.memory_space<vmem>>
    %dma_start3A_872 = arith.constant 0 : i32
    %dma_start3A_873 = arith.constant 0 : i32
    %dma_start3A_874 = tpu.memref_slice %arg3[%dma_start3A_872, %dma_start3A_873] : memref<2600000x16xf32, #tpu.memory_space<hbm>> -> memref<2600000x16xf32, #tpu.memory_space<hbm>>
    tpu.enqueue_indirect_dma source(%dma_start3A_874 : memref<2600000x16xf32, #tpu.memory_space<hbm>>) target(%dma_start3A_868 : memref<128x16xf32, #tpu.memory_space<vmem>>) offsets(%dma_start3A_871 : memref<128xi32, #tpu.memory_space<vmem>>) semaphore(%arg10 : memref<!tpu.dma_semaphore, #tpu.memory_space<semaphore_mem>>)
    %dma_start3A_875 = arith.constant 59 : i32
    %dma_start3A_876 = arith.constant 896 : i32
    %dma_start3A_877 = arith.constant 0 : i32
    %dma_start3A_878 = tpu.memref_slice %arg7[%dma_start3A_876, %dma_start3A_877] : memref<1664x16xf32, #tpu.memory_space<vmem>> -> memref<128x16xf32, #tpu.memory_space<vmem>>
    %dma_start3A_879 = arith.constant 0 : i32
    %dma_start3A_880 = tpu.memref_slice %arg5[%dma_start3A_875, %dma_start3A_879] : memref<104x128xi32, #tpu.memory_space<vmem>> -> memref<1x128xi32, #tpu.memory_space<vmem>>
    %dma_start3A_881 = tpu.memref_squeeze %dma_start3A_880 : memref<1x128xi32, #tpu.memory_space<vmem>> -> memref<128xi32, #tpu.memory_space<vmem>>
    %dma_start3A_882 = arith.constant 0 : i32
    %dma_start3A_883 = arith.constant 0 : i32
    %dma_start3A_884 = tpu.memref_slice %arg3[%dma_start3A_882, %dma_start3A_883] : memref<2600000x16xf32, #tpu.memory_space<hbm>> -> memref<2600000x16xf32, #tpu.memory_space<hbm>>
    tpu.enqueue_indirect_dma source(%dma_start3A_884 : memref<2600000x16xf32, #tpu.memory_space<hbm>>) target(%dma_start3A_878 : memref<128x16xf32, #tpu.memory_space<vmem>>) offsets(%dma_start3A_881 : memref<128xi32, #tpu.memory_space<vmem>>) semaphore(%arg10 : memref<!tpu.dma_semaphore, #tpu.memory_space<semaphore_mem>>)
    %dma_start3A_885 = arith.constant 60 : i32
    %dma_start3A_886 = arith.constant 1024 : i32
    %dma_start3A_887 = arith.constant 0 : i32
    %dma_start3A_888 = tpu.memref_slice %arg7[%dma_start3A_886, %dma_start3A_887] : memref<1664x16xf32, #tpu.memory_space<vmem>> -> memref<128x16xf32, #tpu.memory_space<vmem>>
    %dma_start3A_889 = arith.constant 0 : i32
    %dma_start3A_890 = tpu.memref_slice %arg5[%dma_start3A_885, %dma_start3A_889] : memref<104x128xi32, #tpu.memory_space<vmem>> -> memref<1x128xi32, #tpu.memory_space<vmem>>
    %dma_start3A_891 = tpu.memref_squeeze %dma_start3A_890 : memref<1x128xi32, #tpu.memory_space<vmem>> -> memref<128xi32, #tpu.memory_space<vmem>>
    %dma_start3A_892 = arith.constant 0 : i32
    %dma_start3A_893 = arith.constant 0 : i32
    %dma_start3A_894 = tpu.memref_slice %arg3[%dma_start3A_892, %dma_start3A_893] : memref<2600000x16xf32, #tpu.memory_space<hbm>> -> memref<2600000x16xf32, #tpu.memory_space<hbm>>
    tpu.enqueue_indirect_dma source(%dma_start3A_894 : memref<2600000x16xf32, #tpu.memory_space<hbm>>) target(%dma_start3A_888 : memref<128x16xf32, #tpu.memory_space<vmem>>) offsets(%dma_start3A_891 : memref<128xi32, #tpu.memory_space<vmem>>) semaphore(%arg10 : memref<!tpu.dma_semaphore, #tpu.memory_space<semaphore_mem>>)
    %dma_start3A_895 = arith.constant 61 : i32
    %dma_start3A_896 = arith.constant 1152 : i32
    %dma_start3A_897 = arith.constant 0 : i32
    %dma_start3A_898 = tpu.memref_slice %arg7[%dma_start3A_896, %dma_start3A_897] : memref<1664x16xf32, #tpu.memory_space<vmem>> -> memref<128x16xf32, #tpu.memory_space<vmem>>
    %dma_start3A_899 = arith.constant 0 : i32
    %dma_start3A_900 = tpu.memref_slice %arg5[%dma_start3A_895, %dma_start3A_899] : memref<104x128xi32, #tpu.memory_space<vmem>> -> memref<1x128xi32, #tpu.memory_space<vmem>>
    %dma_start3A_901 = tpu.memref_squeeze %dma_start3A_900 : memref<1x128xi32, #tpu.memory_space<vmem>> -> memref<128xi32, #tpu.memory_space<vmem>>
    %dma_start3A_902 = arith.constant 0 : i32
    %dma_start3A_903 = arith.constant 0 : i32
    %dma_start3A_904 = tpu.memref_slice %arg3[%dma_start3A_902, %dma_start3A_903] : memref<2600000x16xf32, #tpu.memory_space<hbm>> -> memref<2600000x16xf32, #tpu.memory_space<hbm>>
    tpu.enqueue_indirect_dma source(%dma_start3A_904 : memref<2600000x16xf32, #tpu.memory_space<hbm>>) target(%dma_start3A_898 : memref<128x16xf32, #tpu.memory_space<vmem>>) offsets(%dma_start3A_901 : memref<128xi32, #tpu.memory_space<vmem>>) semaphore(%arg10 : memref<!tpu.dma_semaphore, #tpu.memory_space<semaphore_mem>>)
    %dma_start3A_905 = arith.constant 62 : i32
    %dma_start3A_906 = arith.constant 1280 : i32
    %dma_start3A_907 = arith.constant 0 : i32
    %dma_start3A_908 = tpu.memref_slice %arg7[%dma_start3A_906, %dma_start3A_907] : memref<1664x16xf32, #tpu.memory_space<vmem>> -> memref<128x16xf32, #tpu.memory_space<vmem>>
    %dma_start3A_909 = arith.constant 0 : i32
    %dma_start3A_910 = tpu.memref_slice %arg5[%dma_start3A_905, %dma_start3A_909] : memref<104x128xi32, #tpu.memory_space<vmem>> -> memref<1x128xi32, #tpu.memory_space<vmem>>
    %dma_start3A_911 = tpu.memref_squeeze %dma_start3A_910 : memref<1x128xi32, #tpu.memory_space<vmem>> -> memref<128xi32, #tpu.memory_space<vmem>>
    %dma_start3A_912 = arith.constant 0 : i32
    %dma_start3A_913 = arith.constant 0 : i32
    %dma_start3A_914 = tpu.memref_slice %arg3[%dma_start3A_912, %dma_start3A_913] : memref<2600000x16xf32, #tpu.memory_space<hbm>> -> memref<2600000x16xf32, #tpu.memory_space<hbm>>
    tpu.enqueue_indirect_dma source(%dma_start3A_914 : memref<2600000x16xf32, #tpu.memory_space<hbm>>) target(%dma_start3A_908 : memref<128x16xf32, #tpu.memory_space<vmem>>) offsets(%dma_start3A_911 : memref<128xi32, #tpu.memory_space<vmem>>) semaphore(%arg10 : memref<!tpu.dma_semaphore, #tpu.memory_space<semaphore_mem>>)
    %dma_start3A_915 = arith.constant 63 : i32
    %dma_start3A_916 = arith.constant 1408 : i32
    %dma_start3A_917 = arith.constant 0 : i32
    %dma_start3A_918 = tpu.memref_slice %arg7[%dma_start3A_916, %dma_start3A_917] : memref<1664x16xf32, #tpu.memory_space<vmem>> -> memref<128x16xf32, #tpu.memory_space<vmem>>
    %dma_start3A_919 = arith.constant 0 : i32
    %dma_start3A_920 = tpu.memref_slice %arg5[%dma_start3A_915, %dma_start3A_919] : memref<104x128xi32, #tpu.memory_space<vmem>> -> memref<1x128xi32, #tpu.memory_space<vmem>>
    %dma_start3A_921 = tpu.memref_squeeze %dma_start3A_920 : memref<1x128xi32, #tpu.memory_space<vmem>> -> memref<128xi32, #tpu.memory_space<vmem>>
    %dma_start3A_922 = arith.constant 0 : i32
    %dma_start3A_923 = arith.constant 0 : i32
    %dma_start3A_924 = tpu.memref_slice %arg3[%dma_start3A_922, %dma_start3A_923] : memref<2600000x16xf32, #tpu.memory_space<hbm>> -> memref<2600000x16xf32, #tpu.memory_space<hbm>>
    tpu.enqueue_indirect_dma source(%dma_start3A_924 : memref<2600000x16xf32, #tpu.memory_space<hbm>>) target(%dma_start3A_918 : memref<128x16xf32, #tpu.memory_space<vmem>>) offsets(%dma_start3A_921 : memref<128xi32, #tpu.memory_space<vmem>>) semaphore(%arg10 : memref<!tpu.dma_semaphore, #tpu.memory_space<semaphore_mem>>)
    %dma_start3A_925 = arith.constant 64 : i32
    %dma_start3A_926 = arith.constant 1536 : i32
    %dma_start3A_927 = arith.constant 0 : i32
    %dma_start3A_928 = tpu.memref_slice %arg7[%dma_start3A_926, %dma_start3A_927] : memref<1664x16xf32, #tpu.memory_space<vmem>> -> memref<128x16xf32, #tpu.memory_space<vmem>>
    %dma_start3A_929 = arith.constant 0 : i32
    %dma_start3A_930 = tpu.memref_slice %arg5[%dma_start3A_925, %dma_start3A_929] : memref<104x128xi32, #tpu.memory_space<vmem>> -> memref<1x128xi32, #tpu.memory_space<vmem>>
    %dma_start3A_931 = tpu.memref_squeeze %dma_start3A_930 : memref<1x128xi32, #tpu.memory_space<vmem>> -> memref<128xi32, #tpu.memory_space<vmem>>
    %dma_start3A_932 = arith.constant 0 : i32
    %dma_start3A_933 = arith.constant 0 : i32
    %dma_start3A_934 = tpu.memref_slice %arg3[%dma_start3A_932, %dma_start3A_933] : memref<2600000x16xf32, #tpu.memory_space<hbm>> -> memref<2600000x16xf32, #tpu.memory_space<hbm>>
    tpu.enqueue_indirect_dma source(%dma_start3A_934 : memref<2600000x16xf32, #tpu.memory_space<hbm>>) target(%dma_start3A_928 : memref<128x16xf32, #tpu.memory_space<vmem>>) offsets(%dma_start3A_931 : memref<128xi32, #tpu.memory_space<vmem>>) semaphore(%arg10 : memref<!tpu.dma_semaphore, #tpu.memory_space<semaphore_mem>>)
    %dma_wait3A_935 = arith.constant 26 : i32
    %dma_wait3A_936 = arith.constant 0 : i32
    %dma_wait3A_937 = arith.constant 0 : i32
    %dma_wait3A_938 = tpu.memref_slice %arg8[%dma_wait3A_936, %dma_wait3A_937] : memref<1664x16xf32, #tpu.memory_space<vmem>> -> memref<128x16xf32, #tpu.memory_space<vmem>>
    %dma_wait3A_939 = arith.constant 0 : i32
    %dma_wait3A_940 = tpu.memref_slice %arg5[%dma_wait3A_935, %dma_wait3A_939] : memref<104x128xi32, #tpu.memory_space<vmem>> -> memref<1x128xi32, #tpu.memory_space<vmem>>
    %dma_wait3A_941 = tpu.memref_squeeze %dma_wait3A_940 : memref<1x128xi32, #tpu.memory_space<vmem>> -> memref<128xi32, #tpu.memory_space<vmem>>
    %dma_wait3A_942 = arith.constant 0 : i32
    %dma_wait3A_943 = arith.constant 0 : i32
    %dma_wait3A_944 = tpu.memref_slice %arg3[%dma_wait3A_942, %dma_wait3A_943] : memref<2600000x16xf32, #tpu.memory_space<hbm>> -> memref<2600000x16xf32, #tpu.memory_space<hbm>>
    tpu.wait_indirect_dma semaphore(%arg11 : memref<!tpu.dma_semaphore, #tpu.memory_space<semaphore_mem>>) src(%dma_wait3A_944 : memref<2600000x16xf32, #tpu.memory_space<hbm>>) dst(%dma_wait3A_938 : memref<128x16xf32, #tpu.memory_space<vmem>>)
    %dma_wait3A_945 = arith.constant 27 : i32
    %dma_wait3A_946 = arith.constant 128 : i32
    %dma_wait3A_947 = arith.constant 0 : i32
    %dma_wait3A_948 = tpu.memref_slice %arg8[%dma_wait3A_946, %dma_wait3A_947] : memref<1664x16xf32, #tpu.memory_space<vmem>> -> memref<128x16xf32, #tpu.memory_space<vmem>>
    %dma_wait3A_949 = arith.constant 0 : i32
    %dma_wait3A_950 = tpu.memref_slice %arg5[%dma_wait3A_945, %dma_wait3A_949] : memref<104x128xi32, #tpu.memory_space<vmem>> -> memref<1x128xi32, #tpu.memory_space<vmem>>
    %dma_wait3A_951 = tpu.memref_squeeze %dma_wait3A_950 : memref<1x128xi32, #tpu.memory_space<vmem>> -> memref<128xi32, #tpu.memory_space<vmem>>
    %dma_wait3A_952 = arith.constant 0 : i32
    %dma_wait3A_953 = arith.constant 0 : i32
    %dma_wait3A_954 = tpu.memref_slice %arg3[%dma_wait3A_952, %dma_wait3A_953] : memref<2600000x16xf32, #tpu.memory_space<hbm>> -> memref<2600000x16xf32, #tpu.memory_space<hbm>>
    tpu.wait_indirect_dma semaphore(%arg11 : memref<!tpu.dma_semaphore, #tpu.memory_space<semaphore_mem>>) src(%dma_wait3A_954 : memref<2600000x16xf32, #tpu.memory_space<hbm>>) dst(%dma_wait3A_948 : memref<128x16xf32, #tpu.memory_space<vmem>>)
    %dma_wait3A_955 = arith.constant 28 : i32
    %dma_wait3A_956 = arith.constant 256 : i32
    %dma_wait3A_957 = arith.constant 0 : i32
    %dma_wait3A_958 = tpu.memref_slice %arg8[%dma_wait3A_956, %dma_wait3A_957] : memref<1664x16xf32, #tpu.memory_space<vmem>> -> memref<128x16xf32, #tpu.memory_space<vmem>>
    %dma_wait3A_959 = arith.constant 0 : i32
    %dma_wait3A_960 = tpu.memref_slice %arg5[%dma_wait3A_955, %dma_wait3A_959] : memref<104x128xi32, #tpu.memory_space<vmem>> -> memref<1x128xi32, #tpu.memory_space<vmem>>
    %dma_wait3A_961 = tpu.memref_squeeze %dma_wait3A_960 : memref<1x128xi32, #tpu.memory_space<vmem>> -> memref<128xi32, #tpu.memory_space<vmem>>
    %dma_wait3A_962 = arith.constant 0 : i32
    %dma_wait3A_963 = arith.constant 0 : i32
    %dma_wait3A_964 = tpu.memref_slice %arg3[%dma_wait3A_962, %dma_wait3A_963] : memref<2600000x16xf32, #tpu.memory_space<hbm>> -> memref<2600000x16xf32, #tpu.memory_space<hbm>>
    tpu.wait_indirect_dma semaphore(%arg11 : memref<!tpu.dma_semaphore, #tpu.memory_space<semaphore_mem>>) src(%dma_wait3A_964 : memref<2600000x16xf32, #tpu.memory_space<hbm>>) dst(%dma_wait3A_958 : memref<128x16xf32, #tpu.memory_space<vmem>>)
    %dma_wait3A_965 = arith.constant 29 : i32
    %dma_wait3A_966 = arith.constant 384 : i32
    %dma_wait3A_967 = arith.constant 0 : i32
    %dma_wait3A_968 = tpu.memref_slice %arg8[%dma_wait3A_966, %dma_wait3A_967] : memref<1664x16xf32, #tpu.memory_space<vmem>> -> memref<128x16xf32, #tpu.memory_space<vmem>>
    %dma_wait3A_969 = arith.constant 0 : i32
    %dma_wait3A_970 = tpu.memref_slice %arg5[%dma_wait3A_965, %dma_wait3A_969] : memref<104x128xi32, #tpu.memory_space<vmem>> -> memref<1x128xi32, #tpu.memory_space<vmem>>
    %dma_wait3A_971 = tpu.memref_squeeze %dma_wait3A_970 : memref<1x128xi32, #tpu.memory_space<vmem>> -> memref<128xi32, #tpu.memory_space<vmem>>
    %dma_wait3A_972 = arith.constant 0 : i32
    %dma_wait3A_973 = arith.constant 0 : i32
    %dma_wait3A_974 = tpu.memref_slice %arg3[%dma_wait3A_972, %dma_wait3A_973] : memref<2600000x16xf32, #tpu.memory_space<hbm>> -> memref<2600000x16xf32, #tpu.memory_space<hbm>>
    tpu.wait_indirect_dma semaphore(%arg11 : memref<!tpu.dma_semaphore, #tpu.memory_space<semaphore_mem>>) src(%dma_wait3A_974 : memref<2600000x16xf32, #tpu.memory_space<hbm>>) dst(%dma_wait3A_968 : memref<128x16xf32, #tpu.memory_space<vmem>>)
    %dma_wait3A_975 = arith.constant 30 : i32
    %dma_wait3A_976 = arith.constant 512 : i32
    %dma_wait3A_977 = arith.constant 0 : i32
    %dma_wait3A_978 = tpu.memref_slice %arg8[%dma_wait3A_976, %dma_wait3A_977] : memref<1664x16xf32, #tpu.memory_space<vmem>> -> memref<128x16xf32, #tpu.memory_space<vmem>>
    %dma_wait3A_979 = arith.constant 0 : i32
    %dma_wait3A_980 = tpu.memref_slice %arg5[%dma_wait3A_975, %dma_wait3A_979] : memref<104x128xi32, #tpu.memory_space<vmem>> -> memref<1x128xi32, #tpu.memory_space<vmem>>
    %dma_wait3A_981 = tpu.memref_squeeze %dma_wait3A_980 : memref<1x128xi32, #tpu.memory_space<vmem>> -> memref<128xi32, #tpu.memory_space<vmem>>
    %dma_wait3A_982 = arith.constant 0 : i32
    %dma_wait3A_983 = arith.constant 0 : i32
    %dma_wait3A_984 = tpu.memref_slice %arg3[%dma_wait3A_982, %dma_wait3A_983] : memref<2600000x16xf32, #tpu.memory_space<hbm>> -> memref<2600000x16xf32, #tpu.memory_space<hbm>>
    tpu.wait_indirect_dma semaphore(%arg11 : memref<!tpu.dma_semaphore, #tpu.memory_space<semaphore_mem>>) src(%dma_wait3A_984 : memref<2600000x16xf32, #tpu.memory_space<hbm>>) dst(%dma_wait3A_978 : memref<128x16xf32, #tpu.memory_space<vmem>>)
    %dma_wait3A_985 = arith.constant 31 : i32
    %dma_wait3A_986 = arith.constant 640 : i32
    %dma_wait3A_987 = arith.constant 0 : i32
    %dma_wait3A_988 = tpu.memref_slice %arg8[%dma_wait3A_986, %dma_wait3A_987] : memref<1664x16xf32, #tpu.memory_space<vmem>> -> memref<128x16xf32, #tpu.memory_space<vmem>>
    %dma_wait3A_989 = arith.constant 0 : i32
    %dma_wait3A_990 = tpu.memref_slice %arg5[%dma_wait3A_985, %dma_wait3A_989] : memref<104x128xi32, #tpu.memory_space<vmem>> -> memref<1x128xi32, #tpu.memory_space<vmem>>
    %dma_wait3A_991 = tpu.memref_squeeze %dma_wait3A_990 : memref<1x128xi32, #tpu.memory_space<vmem>> -> memref<128xi32, #tpu.memory_space<vmem>>
    %dma_wait3A_992 = arith.constant 0 : i32
    %dma_wait3A_993 = arith.constant 0 : i32
    %dma_wait3A_994 = tpu.memref_slice %arg3[%dma_wait3A_992, %dma_wait3A_993] : memref<2600000x16xf32, #tpu.memory_space<hbm>> -> memref<2600000x16xf32, #tpu.memory_space<hbm>>
    tpu.wait_indirect_dma semaphore(%arg11 : memref<!tpu.dma_semaphore, #tpu.memory_space<semaphore_mem>>) src(%dma_wait3A_994 : memref<2600000x16xf32, #tpu.memory_space<hbm>>) dst(%dma_wait3A_988 : memref<128x16xf32, #tpu.memory_space<vmem>>)
    %dma_wait3A_995 = arith.constant 32 : i32
    %dma_wait3A_996 = arith.constant 768 : i32
    %dma_wait3A_997 = arith.constant 0 : i32
    %dma_wait3A_998 = tpu.memref_slice %arg8[%dma_wait3A_996, %dma_wait3A_997] : memref<1664x16xf32, #tpu.memory_space<vmem>> -> memref<128x16xf32, #tpu.memory_space<vmem>>
    %dma_wait3A_999 = arith.constant 0 : i32
    %dma_wait3A_1000 = tpu.memref_slice %arg5[%dma_wait3A_995, %dma_wait3A_999] : memref<104x128xi32, #tpu.memory_space<vmem>> -> memref<1x128xi32, #tpu.memory_space<vmem>>
    %dma_wait3A_1001 = tpu.memref_squeeze %dma_wait3A_1000 : memref<1x128xi32, #tpu.memory_space<vmem>> -> memref<128xi32, #tpu.memory_space<vmem>>
    %dma_wait3A_1002 = arith.constant 0 : i32
    %dma_wait3A_1003 = arith.constant 0 : i32
    %dma_wait3A_1004 = tpu.memref_slice %arg3[%dma_wait3A_1002, %dma_wait3A_1003] : memref<2600000x16xf32, #tpu.memory_space<hbm>> -> memref<2600000x16xf32, #tpu.memory_space<hbm>>
    tpu.wait_indirect_dma semaphore(%arg11 : memref<!tpu.dma_semaphore, #tpu.memory_space<semaphore_mem>>) src(%dma_wait3A_1004 : memref<2600000x16xf32, #tpu.memory_space<hbm>>) dst(%dma_wait3A_998 : memref<128x16xf32, #tpu.memory_space<vmem>>)
    %dma_wait3A_1005 = arith.constant 33 : i32
    %dma_wait3A_1006 = arith.constant 896 : i32
    %dma_wait3A_1007 = arith.constant 0 : i32
    %dma_wait3A_1008 = tpu.memref_slice %arg8[%dma_wait3A_1006, %dma_wait3A_1007] : memref<1664x16xf32, #tpu.memory_space<vmem>> -> memref<128x16xf32, #tpu.memory_space<vmem>>
    %dma_wait3A_1009 = arith.constant 0 : i32
    %dma_wait3A_1010 = tpu.memref_slice %arg5[%dma_wait3A_1005, %dma_wait3A_1009] : memref<104x128xi32, #tpu.memory_space<vmem>> -> memref<1x128xi32, #tpu.memory_space<vmem>>
    %dma_wait3A_1011 = tpu.memref_squeeze %dma_wait3A_1010 : memref<1x128xi32, #tpu.memory_space<vmem>> -> memref<128xi32, #tpu.memory_space<vmem>>
    %dma_wait3A_1012 = arith.constant 0 : i32
    %dma_wait3A_1013 = arith.constant 0 : i32
    %dma_wait3A_1014 = tpu.memref_slice %arg3[%dma_wait3A_1012, %dma_wait3A_1013] : memref<2600000x16xf32, #tpu.memory_space<hbm>> -> memref<2600000x16xf32, #tpu.memory_space<hbm>>
    tpu.wait_indirect_dma semaphore(%arg11 : memref<!tpu.dma_semaphore, #tpu.memory_space<semaphore_mem>>) src(%dma_wait3A_1014 : memref<2600000x16xf32, #tpu.memory_space<hbm>>) dst(%dma_wait3A_1008 : memref<128x16xf32, #tpu.memory_space<vmem>>)
    %dma_wait3A_1015 = arith.constant 34 : i32
    %dma_wait3A_1016 = arith.constant 1024 : i32
    %dma_wait3A_1017 = arith.constant 0 : i32
    %dma_wait3A_1018 = tpu.memref_slice %arg8[%dma_wait3A_1016, %dma_wait3A_1017] : memref<1664x16xf32, #tpu.memory_space<vmem>> -> memref<128x16xf32, #tpu.memory_space<vmem>>
    %dma_wait3A_1019 = arith.constant 0 : i32
    %dma_wait3A_1020 = tpu.memref_slice %arg5[%dma_wait3A_1015, %dma_wait3A_1019] : memref<104x128xi32, #tpu.memory_space<vmem>> -> memref<1x128xi32, #tpu.memory_space<vmem>>
    %dma_wait3A_1021 = tpu.memref_squeeze %dma_wait3A_1020 : memref<1x128xi32, #tpu.memory_space<vmem>> -> memref<128xi32, #tpu.memory_space<vmem>>
    %dma_wait3A_1022 = arith.constant 0 : i32
    %dma_wait3A_1023 = arith.constant 0 : i32
    %dma_wait3A_1024 = tpu.memref_slice %arg3[%dma_wait3A_1022, %dma_wait3A_1023] : memref<2600000x16xf32, #tpu.memory_space<hbm>> -> memref<2600000x16xf32, #tpu.memory_space<hbm>>
    tpu.wait_indirect_dma semaphore(%arg11 : memref<!tpu.dma_semaphore, #tpu.memory_space<semaphore_mem>>) src(%dma_wait3A_1024 : memref<2600000x16xf32, #tpu.memory_space<hbm>>) dst(%dma_wait3A_1018 : memref<128x16xf32, #tpu.memory_space<vmem>>)
    %dma_wait3A_1025 = arith.constant 35 : i32
    %dma_wait3A_1026 = arith.constant 1152 : i32
    %dma_wait3A_1027 = arith.constant 0 : i32
    %dma_wait3A_1028 = tpu.memref_slice %arg8[%dma_wait3A_1026, %dma_wait3A_1027] : memref<1664x16xf32, #tpu.memory_space<vmem>> -> memref<128x16xf32, #tpu.memory_space<vmem>>
    %dma_wait3A_1029 = arith.constant 0 : i32
    %dma_wait3A_1030 = tpu.memref_slice %arg5[%dma_wait3A_1025, %dma_wait3A_1029] : memref<104x128xi32, #tpu.memory_space<vmem>> -> memref<1x128xi32, #tpu.memory_space<vmem>>
    %dma_wait3A_1031 = tpu.memref_squeeze %dma_wait3A_1030 : memref<1x128xi32, #tpu.memory_space<vmem>> -> memref<128xi32, #tpu.memory_space<vmem>>
    %dma_wait3A_1032 = arith.constant 0 : i32
    %dma_wait3A_1033 = arith.constant 0 : i32
    %dma_wait3A_1034 = tpu.memref_slice %arg3[%dma_wait3A_1032, %dma_wait3A_1033] : memref<2600000x16xf32, #tpu.memory_space<hbm>> -> memref<2600000x16xf32, #tpu.memory_space<hbm>>
    tpu.wait_indirect_dma semaphore(%arg11 : memref<!tpu.dma_semaphore, #tpu.memory_space<semaphore_mem>>) src(%dma_wait3A_1034 : memref<2600000x16xf32, #tpu.memory_space<hbm>>) dst(%dma_wait3A_1028 : memref<128x16xf32, #tpu.memory_space<vmem>>)
    %dma_wait3A_1035 = arith.constant 36 : i32
    %dma_wait3A_1036 = arith.constant 1280 : i32
    %dma_wait3A_1037 = arith.constant 0 : i32
    %dma_wait3A_1038 = tpu.memref_slice %arg8[%dma_wait3A_1036, %dma_wait3A_1037] : memref<1664x16xf32, #tpu.memory_space<vmem>> -> memref<128x16xf32, #tpu.memory_space<vmem>>
    %dma_wait3A_1039 = arith.constant 0 : i32
    %dma_wait3A_1040 = tpu.memref_slice %arg5[%dma_wait3A_1035, %dma_wait3A_1039] : memref<104x128xi32, #tpu.memory_space<vmem>> -> memref<1x128xi32, #tpu.memory_space<vmem>>
    %dma_wait3A_1041 = tpu.memref_squeeze %dma_wait3A_1040 : memref<1x128xi32, #tpu.memory_space<vmem>> -> memref<128xi32, #tpu.memory_space<vmem>>
    %dma_wait3A_1042 = arith.constant 0 : i32
    %dma_wait3A_1043 = arith.constant 0 : i32
    %dma_wait3A_1044 = tpu.memref_slice %arg3[%dma_wait3A_1042, %dma_wait3A_1043] : memref<2600000x16xf32, #tpu.memory_space<hbm>> -> memref<2600000x16xf32, #tpu.memory_space<hbm>>
    tpu.wait_indirect_dma semaphore(%arg11 : memref<!tpu.dma_semaphore, #tpu.memory_space<semaphore_mem>>) src(%dma_wait3A_1044 : memref<2600000x16xf32, #tpu.memory_space<hbm>>) dst(%dma_wait3A_1038 : memref<128x16xf32, #tpu.memory_space<vmem>>)
    %dma_wait3A_1045 = arith.constant 37 : i32
    %dma_wait3A_1046 = arith.constant 1408 : i32
    %dma_wait3A_1047 = arith.constant 0 : i32
    %dma_wait3A_1048 = tpu.memref_slice %arg8[%dma_wait3A_1046, %dma_wait3A_1047] : memref<1664x16xf32, #tpu.memory_space<vmem>> -> memref<128x16xf32, #tpu.memory_space<vmem>>
    %dma_wait3A_1049 = arith.constant 0 : i32
    %dma_wait3A_1050 = tpu.memref_slice %arg5[%dma_wait3A_1045, %dma_wait3A_1049] : memref<104x128xi32, #tpu.memory_space<vmem>> -> memref<1x128xi32, #tpu.memory_space<vmem>>
    %dma_wait3A_1051 = tpu.memref_squeeze %dma_wait3A_1050 : memref<1x128xi32, #tpu.memory_space<vmem>> -> memref<128xi32, #tpu.memory_space<vmem>>
    %dma_wait3A_1052 = arith.constant 0 : i32
    %dma_wait3A_1053 = arith.constant 0 : i32
    %dma_wait3A_1054 = tpu.memref_slice %arg3[%dma_wait3A_1052, %dma_wait3A_1053] : memref<2600000x16xf32, #tpu.memory_space<hbm>> -> memref<2600000x16xf32, #tpu.memory_space<hbm>>
    tpu.wait_indirect_dma semaphore(%arg11 : memref<!tpu.dma_semaphore, #tpu.memory_space<semaphore_mem>>) src(%dma_wait3A_1054 : memref<2600000x16xf32, #tpu.memory_space<hbm>>) dst(%dma_wait3A_1048 : memref<128x16xf32, #tpu.memory_space<vmem>>)
    %dma_wait3A_1055 = arith.constant 38 : i32
    %dma_wait3A_1056 = arith.constant 1536 : i32
    %dma_wait3A_1057 = arith.constant 0 : i32
    %dma_wait3A_1058 = tpu.memref_slice %arg8[%dma_wait3A_1056, %dma_wait3A_1057] : memref<1664x16xf32, #tpu.memory_space<vmem>> -> memref<128x16xf32, #tpu.memory_space<vmem>>
    %dma_wait3A_1059 = arith.constant 0 : i32
    %dma_wait3A_1060 = tpu.memref_slice %arg5[%dma_wait3A_1055, %dma_wait3A_1059] : memref<104x128xi32, #tpu.memory_space<vmem>> -> memref<1x128xi32, #tpu.memory_space<vmem>>
    %dma_wait3A_1061 = tpu.memref_squeeze %dma_wait3A_1060 : memref<1x128xi32, #tpu.memory_space<vmem>> -> memref<128xi32, #tpu.memory_space<vmem>>
    %dma_wait3A_1062 = arith.constant 0 : i32
    %dma_wait3A_1063 = arith.constant 0 : i32
    %dma_wait3A_1064 = tpu.memref_slice %arg3[%dma_wait3A_1062, %dma_wait3A_1063] : memref<2600000x16xf32, #tpu.memory_space<hbm>> -> memref<2600000x16xf32, #tpu.memory_space<hbm>>
    tpu.wait_indirect_dma semaphore(%arg11 : memref<!tpu.dma_semaphore, #tpu.memory_space<semaphore_mem>>) src(%dma_wait3A_1064 : memref<2600000x16xf32, #tpu.memory_space<hbm>>) dst(%dma_wait3A_1058 : memref<128x16xf32, #tpu.memory_space<vmem>>)
    %add3A_1065 = arith.constant 26 : i32
    %add3A_1066 = arith.addi %mul3A_2, %add3A_1065 : i32
    %mul3A_1067 = arith.constant 128 : i32
    %mul3A_1068 = arith.muli %add3A_1066, %mul3A_1067 : i32
    %dma_start3A_1069 = arith.constant 0 : i32
    %dma_start3A_1070 = tpu.memref_slice %arg4[%mul3A_1068, %dma_start3A_1069] : memref<425984x16xf32, #tpu.memory_space<hbm>> -> memref<1664x16xf32, #tpu.memory_space<hbm>>
    %dma_start3A_1071 = arith.constant 0 : i32
    %dma_start3A_1072 = tpu.memref_slice %arg4[%mul3A_1068, %dma_start3A_1071] : memref<425984x16xf32, #tpu.memory_space<hbm>> -> memref<1664x16xf32, #tpu.memory_space<hbm>>
    tpu.enqueue_dma source(%arg8 : memref<1664x16xf32, #tpu.memory_space<vmem>>) target(%dma_start3A_1072 : memref<1664x16xf32, #tpu.memory_space<hbm>>) target_semaphore(%arg14 : memref<!tpu.dma_semaphore, #tpu.memory_space<semaphore_mem>>)
    %dma_wait3A_1073 = arith.constant 0 : i32
    %dma_wait3A_1074 = tpu.memref_slice %arg4[%mul3A_1068, %dma_wait3A_1073] : memref<425984x16xf32, #tpu.memory_space<hbm>> -> memref<1664x16xf32, #tpu.memory_space<hbm>>
    %dma_wait3A_1075 = arith.constant 0 : i32
    %dma_wait3A_1076 = tpu.memref_slice %arg4[%mul3A_1068, %dma_wait3A_1075] : memref<425984x16xf32, #tpu.memory_space<hbm>> -> memref<1664x16xf32, #tpu.memory_space<hbm>>
    tpu.wait_dma2 semaphore(%arg14 : memref<!tpu.dma_semaphore, #tpu.memory_space<semaphore_mem>>) src(%arg8 : memref<1664x16xf32, #tpu.memory_space<vmem>>) dst(%dma_wait3A_1076 : memref<1664x16xf32, #tpu.memory_space<hbm>>)
    %dma_start3A_1077 = arith.constant 65 : i32
    %dma_start3A_1078 = arith.constant 0 : i32
    %dma_start3A_1079 = arith.constant 0 : i32
    %dma_start3A_1080 = tpu.memref_slice %arg8[%dma_start3A_1078, %dma_start3A_1079] : memref<1664x16xf32, #tpu.memory_space<vmem>> -> memref<128x16xf32, #tpu.memory_space<vmem>>
    %dma_start3A_1081 = arith.constant 0 : i32
    %dma_start3A_1082 = tpu.memref_slice %arg5[%dma_start3A_1077, %dma_start3A_1081] : memref<104x128xi32, #tpu.memory_space<vmem>> -> memref<1x128xi32, #tpu.memory_space<vmem>>
    %dma_start3A_1083 = tpu.memref_squeeze %dma_start3A_1082 : memref<1x128xi32, #tpu.memory_space<vmem>> -> memref<128xi32, #tpu.memory_space<vmem>>
    %dma_start3A_1084 = arith.constant 0 : i32
    %dma_start3A_1085 = arith.constant 0 : i32
    %dma_start3A_1086 = tpu.memref_slice %arg3[%dma_start3A_1084, %dma_start3A_1085] : memref<2600000x16xf32, #tpu.memory_space<hbm>> -> memref<2600000x16xf32, #tpu.memory_space<hbm>>
    tpu.enqueue_indirect_dma source(%dma_start3A_1086 : memref<2600000x16xf32, #tpu.memory_space<hbm>>) target(%dma_start3A_1080 : memref<128x16xf32, #tpu.memory_space<vmem>>) offsets(%dma_start3A_1083 : memref<128xi32, #tpu.memory_space<vmem>>) semaphore(%arg11 : memref<!tpu.dma_semaphore, #tpu.memory_space<semaphore_mem>>)
    %dma_start3A_1087 = arith.constant 66 : i32
    %dma_start3A_1088 = arith.constant 128 : i32
    %dma_start3A_1089 = arith.constant 0 : i32
    %dma_start3A_1090 = tpu.memref_slice %arg8[%dma_start3A_1088, %dma_start3A_1089] : memref<1664x16xf32, #tpu.memory_space<vmem>> -> memref<128x16xf32, #tpu.memory_space<vmem>>
    %dma_start3A_1091 = arith.constant 0 : i32
    %dma_start3A_1092 = tpu.memref_slice %arg5[%dma_start3A_1087, %dma_start3A_1091] : memref<104x128xi32, #tpu.memory_space<vmem>> -> memref<1x128xi32, #tpu.memory_space<vmem>>
    %dma_start3A_1093 = tpu.memref_squeeze %dma_start3A_1092 : memref<1x128xi32, #tpu.memory_space<vmem>> -> memref<128xi32, #tpu.memory_space<vmem>>
    %dma_start3A_1094 = arith.constant 0 : i32
    %dma_start3A_1095 = arith.constant 0 : i32
    %dma_start3A_1096 = tpu.memref_slice %arg3[%dma_start3A_1094, %dma_start3A_1095] : memref<2600000x16xf32, #tpu.memory_space<hbm>> -> memref<2600000x16xf32, #tpu.memory_space<hbm>>
    tpu.enqueue_indirect_dma source(%dma_start3A_1096 : memref<2600000x16xf32, #tpu.memory_space<hbm>>) target(%dma_start3A_1090 : memref<128x16xf32, #tpu.memory_space<vmem>>) offsets(%dma_start3A_1093 : memref<128xi32, #tpu.memory_space<vmem>>) semaphore(%arg11 : memref<!tpu.dma_semaphore, #tpu.memory_space<semaphore_mem>>)
    %dma_start3A_1097 = arith.constant 67 : i32
    %dma_start3A_1098 = arith.constant 256 : i32
    %dma_start3A_1099 = arith.constant 0 : i32
    %dma_start3A_1100 = tpu.memref_slice %arg8[%dma_start3A_1098, %dma_start3A_1099] : memref<1664x16xf32, #tpu.memory_space<vmem>> -> memref<128x16xf32, #tpu.memory_space<vmem>>
    %dma_start3A_1101 = arith.constant 0 : i32
    %dma_start3A_1102 = tpu.memref_slice %arg5[%dma_start3A_1097, %dma_start3A_1101] : memref<104x128xi32, #tpu.memory_space<vmem>> -> memref<1x128xi32, #tpu.memory_space<vmem>>
    %dma_start3A_1103 = tpu.memref_squeeze %dma_start3A_1102 : memref<1x128xi32, #tpu.memory_space<vmem>> -> memref<128xi32, #tpu.memory_space<vmem>>
    %dma_start3A_1104 = arith.constant 0 : i32
    %dma_start3A_1105 = arith.constant 0 : i32
    %dma_start3A_1106 = tpu.memref_slice %arg3[%dma_start3A_1104, %dma_start3A_1105] : memref<2600000x16xf32, #tpu.memory_space<hbm>> -> memref<2600000x16xf32, #tpu.memory_space<hbm>>
    tpu.enqueue_indirect_dma source(%dma_start3A_1106 : memref<2600000x16xf32, #tpu.memory_space<hbm>>) target(%dma_start3A_1100 : memref<128x16xf32, #tpu.memory_space<vmem>>) offsets(%dma_start3A_1103 : memref<128xi32, #tpu.memory_space<vmem>>) semaphore(%arg11 : memref<!tpu.dma_semaphore, #tpu.memory_space<semaphore_mem>>)
    %dma_start3A_1107 = arith.constant 68 : i32
    %dma_start3A_1108 = arith.constant 384 : i32
    %dma_start3A_1109 = arith.constant 0 : i32
    %dma_start3A_1110 = tpu.memref_slice %arg8[%dma_start3A_1108, %dma_start3A_1109] : memref<1664x16xf32, #tpu.memory_space<vmem>> -> memref<128x16xf32, #tpu.memory_space<vmem>>
    %dma_start3A_1111 = arith.constant 0 : i32
    %dma_start3A_1112 = tpu.memref_slice %arg5[%dma_start3A_1107, %dma_start3A_1111] : memref<104x128xi32, #tpu.memory_space<vmem>> -> memref<1x128xi32, #tpu.memory_space<vmem>>
    %dma_start3A_1113 = tpu.memref_squeeze %dma_start3A_1112 : memref<1x128xi32, #tpu.memory_space<vmem>> -> memref<128xi32, #tpu.memory_space<vmem>>
    %dma_start3A_1114 = arith.constant 0 : i32
    %dma_start3A_1115 = arith.constant 0 : i32
    %dma_start3A_1116 = tpu.memref_slice %arg3[%dma_start3A_1114, %dma_start3A_1115] : memref<2600000x16xf32, #tpu.memory_space<hbm>> -> memref<2600000x16xf32, #tpu.memory_space<hbm>>
    tpu.enqueue_indirect_dma source(%dma_start3A_1116 : memref<2600000x16xf32, #tpu.memory_space<hbm>>) target(%dma_start3A_1110 : memref<128x16xf32, #tpu.memory_space<vmem>>) offsets(%dma_start3A_1113 : memref<128xi32, #tpu.memory_space<vmem>>) semaphore(%arg11 : memref<!tpu.dma_semaphore, #tpu.memory_space<semaphore_mem>>)
    %dma_start3A_1117 = arith.constant 69 : i32
    %dma_start3A_1118 = arith.constant 512 : i32
    %dma_start3A_1119 = arith.constant 0 : i32
    %dma_start3A_1120 = tpu.memref_slice %arg8[%dma_start3A_1118, %dma_start3A_1119] : memref<1664x16xf32, #tpu.memory_space<vmem>> -> memref<128x16xf32, #tpu.memory_space<vmem>>
    %dma_start3A_1121 = arith.constant 0 : i32
    %dma_start3A_1122 = tpu.memref_slice %arg5[%dma_start3A_1117, %dma_start3A_1121] : memref<104x128xi32, #tpu.memory_space<vmem>> -> memref<1x128xi32, #tpu.memory_space<vmem>>
    %dma_start3A_1123 = tpu.memref_squeeze %dma_start3A_1122 : memref<1x128xi32, #tpu.memory_space<vmem>> -> memref<128xi32, #tpu.memory_space<vmem>>
    %dma_start3A_1124 = arith.constant 0 : i32
    %dma_start3A_1125 = arith.constant 0 : i32
    %dma_start3A_1126 = tpu.memref_slice %arg3[%dma_start3A_1124, %dma_start3A_1125] : memref<2600000x16xf32, #tpu.memory_space<hbm>> -> memref<2600000x16xf32, #tpu.memory_space<hbm>>
    tpu.enqueue_indirect_dma source(%dma_start3A_1126 : memref<2600000x16xf32, #tpu.memory_space<hbm>>) target(%dma_start3A_1120 : memref<128x16xf32, #tpu.memory_space<vmem>>) offsets(%dma_start3A_1123 : memref<128xi32, #tpu.memory_space<vmem>>) semaphore(%arg11 : memref<!tpu.dma_semaphore, #tpu.memory_space<semaphore_mem>>)
    %dma_start3A_1127 = arith.constant 70 : i32
    %dma_start3A_1128 = arith.constant 640 : i32
    %dma_start3A_1129 = arith.constant 0 : i32
    %dma_start3A_1130 = tpu.memref_slice %arg8[%dma_start3A_1128, %dma_start3A_1129] : memref<1664x16xf32, #tpu.memory_space<vmem>> -> memref<128x16xf32, #tpu.memory_space<vmem>>
    %dma_start3A_1131 = arith.constant 0 : i32
    %dma_start3A_1132 = tpu.memref_slice %arg5[%dma_start3A_1127, %dma_start3A_1131] : memref<104x128xi32, #tpu.memory_space<vmem>> -> memref<1x128xi32, #tpu.memory_space<vmem>>
    %dma_start3A_1133 = tpu.memref_squeeze %dma_start3A_1132 : memref<1x128xi32, #tpu.memory_space<vmem>> -> memref<128xi32, #tpu.memory_space<vmem>>
    %dma_start3A_1134 = arith.constant 0 : i32
    %dma_start3A_1135 = arith.constant 0 : i32
    %dma_start3A_1136 = tpu.memref_slice %arg3[%dma_start3A_1134, %dma_start3A_1135] : memref<2600000x16xf32, #tpu.memory_space<hbm>> -> memref<2600000x16xf32, #tpu.memory_space<hbm>>
    tpu.enqueue_indirect_dma source(%dma_start3A_1136 : memref<2600000x16xf32, #tpu.memory_space<hbm>>) target(%dma_start3A_1130 : memref<128x16xf32, #tpu.memory_space<vmem>>) offsets(%dma_start3A_1133 : memref<128xi32, #tpu.memory_space<vmem>>) semaphore(%arg11 : memref<!tpu.dma_semaphore, #tpu.memory_space<semaphore_mem>>)
    %dma_start3A_1137 = arith.constant 71 : i32
    %dma_start3A_1138 = arith.constant 768 : i32
    %dma_start3A_1139 = arith.constant 0 : i32
    %dma_start3A_1140 = tpu.memref_slice %arg8[%dma_start3A_1138, %dma_start3A_1139] : memref<1664x16xf32, #tpu.memory_space<vmem>> -> memref<128x16xf32, #tpu.memory_space<vmem>>
    %dma_start3A_1141 = arith.constant 0 : i32
    %dma_start3A_1142 = tpu.memref_slice %arg5[%dma_start3A_1137, %dma_start3A_1141] : memref<104x128xi32, #tpu.memory_space<vmem>> -> memref<1x128xi32, #tpu.memory_space<vmem>>
    %dma_start3A_1143 = tpu.memref_squeeze %dma_start3A_1142 : memref<1x128xi32, #tpu.memory_space<vmem>> -> memref<128xi32, #tpu.memory_space<vmem>>
    %dma_start3A_1144 = arith.constant 0 : i32
    %dma_start3A_1145 = arith.constant 0 : i32
    %dma_start3A_1146 = tpu.memref_slice %arg3[%dma_start3A_1144, %dma_start3A_1145] : memref<2600000x16xf32, #tpu.memory_space<hbm>> -> memref<2600000x16xf32, #tpu.memory_space<hbm>>
    tpu.enqueue_indirect_dma source(%dma_start3A_1146 : memref<2600000x16xf32, #tpu.memory_space<hbm>>) target(%dma_start3A_1140 : memref<128x16xf32, #tpu.memory_space<vmem>>) offsets(%dma_start3A_1143 : memref<128xi32, #tpu.memory_space<vmem>>) semaphore(%arg11 : memref<!tpu.dma_semaphore, #tpu.memory_space<semaphore_mem>>)
    %dma_start3A_1147 = arith.constant 72 : i32
    %dma_start3A_1148 = arith.constant 896 : i32
    %dma_start3A_1149 = arith.constant 0 : i32
    %dma_start3A_1150 = tpu.memref_slice %arg8[%dma_start3A_1148, %dma_start3A_1149] : memref<1664x16xf32, #tpu.memory_space<vmem>> -> memref<128x16xf32, #tpu.memory_space<vmem>>
    %dma_start3A_1151 = arith.constant 0 : i32
    %dma_start3A_1152 = tpu.memref_slice %arg5[%dma_start3A_1147, %dma_start3A_1151] : memref<104x128xi32, #tpu.memory_space<vmem>> -> memref<1x128xi32, #tpu.memory_space<vmem>>
    %dma_start3A_1153 = tpu.memref_squeeze %dma_start3A_1152 : memref<1x128xi32, #tpu.memory_space<vmem>> -> memref<128xi32, #tpu.memory_space<vmem>>
    %dma_start3A_1154 = arith.constant 0 : i32
    %dma_start3A_1155 = arith.constant 0 : i32
    %dma_start3A_1156 = tpu.memref_slice %arg3[%dma_start3A_1154, %dma_start3A_1155] : memref<2600000x16xf32, #tpu.memory_space<hbm>> -> memref<2600000x16xf32, #tpu.memory_space<hbm>>
    tpu.enqueue_indirect_dma source(%dma_start3A_1156 : memref<2600000x16xf32, #tpu.memory_space<hbm>>) target(%dma_start3A_1150 : memref<128x16xf32, #tpu.memory_space<vmem>>) offsets(%dma_start3A_1153 : memref<128xi32, #tpu.memory_space<vmem>>) semaphore(%arg11 : memref<!tpu.dma_semaphore, #tpu.memory_space<semaphore_mem>>)
    %dma_start3A_1157 = arith.constant 73 : i32
    %dma_start3A_1158 = arith.constant 1024 : i32
    %dma_start3A_1159 = arith.constant 0 : i32
    %dma_start3A_1160 = tpu.memref_slice %arg8[%dma_start3A_1158, %dma_start3A_1159] : memref<1664x16xf32, #tpu.memory_space<vmem>> -> memref<128x16xf32, #tpu.memory_space<vmem>>
    %dma_start3A_1161 = arith.constant 0 : i32
    %dma_start3A_1162 = tpu.memref_slice %arg5[%dma_start3A_1157, %dma_start3A_1161] : memref<104x128xi32, #tpu.memory_space<vmem>> -> memref<1x128xi32, #tpu.memory_space<vmem>>
    %dma_start3A_1163 = tpu.memref_squeeze %dma_start3A_1162 : memref<1x128xi32, #tpu.memory_space<vmem>> -> memref<128xi32, #tpu.memory_space<vmem>>
    %dma_start3A_1164 = arith.constant 0 : i32
    %dma_start3A_1165 = arith.constant 0 : i32
    %dma_start3A_1166 = tpu.memref_slice %arg3[%dma_start3A_1164, %dma_start3A_1165] : memref<2600000x16xf32, #tpu.memory_space<hbm>> -> memref<2600000x16xf32, #tpu.memory_space<hbm>>
    tpu.enqueue_indirect_dma source(%dma_start3A_1166 : memref<2600000x16xf32, #tpu.memory_space<hbm>>) target(%dma_start3A_1160 : memref<128x16xf32, #tpu.memory_space<vmem>>) offsets(%dma_start3A_1163 : memref<128xi32, #tpu.memory_space<vmem>>) semaphore(%arg11 : memref<!tpu.dma_semaphore, #tpu.memory_space<semaphore_mem>>)
    %dma_start3A_1167 = arith.constant 74 : i32
    %dma_start3A_1168 = arith.constant 1152 : i32
    %dma_start3A_1169 = arith.constant 0 : i32
    %dma_start3A_1170 = tpu.memref_slice %arg8[%dma_start3A_1168, %dma_start3A_1169] : memref<1664x16xf32, #tpu.memory_space<vmem>> -> memref<128x16xf32, #tpu.memory_space<vmem>>
    %dma_start3A_1171 = arith.constant 0 : i32
    %dma_start3A_1172 = tpu.memref_slice %arg5[%dma_start3A_1167, %dma_start3A_1171] : memref<104x128xi32, #tpu.memory_space<vmem>> -> memref<1x128xi32, #tpu.memory_space<vmem>>
    %dma_start3A_1173 = tpu.memref_squeeze %dma_start3A_1172 : memref<1x128xi32, #tpu.memory_space<vmem>> -> memref<128xi32, #tpu.memory_space<vmem>>
    %dma_start3A_1174 = arith.constant 0 : i32
    %dma_start3A_1175 = arith.constant 0 : i32
    %dma_start3A_1176 = tpu.memref_slice %arg3[%dma_start3A_1174, %dma_start3A_1175] : memref<2600000x16xf32, #tpu.memory_space<hbm>> -> memref<2600000x16xf32, #tpu.memory_space<hbm>>
    tpu.enqueue_indirect_dma source(%dma_start3A_1176 : memref<2600000x16xf32, #tpu.memory_space<hbm>>) target(%dma_start3A_1170 : memref<128x16xf32, #tpu.memory_space<vmem>>) offsets(%dma_start3A_1173 : memref<128xi32, #tpu.memory_space<vmem>>) semaphore(%arg11 : memref<!tpu.dma_semaphore, #tpu.memory_space<semaphore_mem>>)
    %dma_start3A_1177 = arith.constant 75 : i32
    %dma_start3A_1178 = arith.constant 1280 : i32
    %dma_start3A_1179 = arith.constant 0 : i32
    %dma_start3A_1180 = tpu.memref_slice %arg8[%dma_start3A_1178, %dma_start3A_1179] : memref<1664x16xf32, #tpu.memory_space<vmem>> -> memref<128x16xf32, #tpu.memory_space<vmem>>
    %dma_start3A_1181 = arith.constant 0 : i32
    %dma_start3A_1182 = tpu.memref_slice %arg5[%dma_start3A_1177, %dma_start3A_1181] : memref<104x128xi32, #tpu.memory_space<vmem>> -> memref<1x128xi32, #tpu.memory_space<vmem>>
    %dma_start3A_1183 = tpu.memref_squeeze %dma_start3A_1182 : memref<1x128xi32, #tpu.memory_space<vmem>> -> memref<128xi32, #tpu.memory_space<vmem>>
    %dma_start3A_1184 = arith.constant 0 : i32
    %dma_start3A_1185 = arith.constant 0 : i32
    %dma_start3A_1186 = tpu.memref_slice %arg3[%dma_start3A_1184, %dma_start3A_1185] : memref<2600000x16xf32, #tpu.memory_space<hbm>> -> memref<2600000x16xf32, #tpu.memory_space<hbm>>
    tpu.enqueue_indirect_dma source(%dma_start3A_1186 : memref<2600000x16xf32, #tpu.memory_space<hbm>>) target(%dma_start3A_1180 : memref<128x16xf32, #tpu.memory_space<vmem>>) offsets(%dma_start3A_1183 : memref<128xi32, #tpu.memory_space<vmem>>) semaphore(%arg11 : memref<!tpu.dma_semaphore, #tpu.memory_space<semaphore_mem>>)
    %dma_start3A_1187 = arith.constant 76 : i32
    %dma_start3A_1188 = arith.constant 1408 : i32
    %dma_start3A_1189 = arith.constant 0 : i32
    %dma_start3A_1190 = tpu.memref_slice %arg8[%dma_start3A_1188, %dma_start3A_1189] : memref<1664x16xf32, #tpu.memory_space<vmem>> -> memref<128x16xf32, #tpu.memory_space<vmem>>
    %dma_start3A_1191 = arith.constant 0 : i32
    %dma_start3A_1192 = tpu.memref_slice %arg5[%dma_start3A_1187, %dma_start3A_1191] : memref<104x128xi32, #tpu.memory_space<vmem>> -> memref<1x128xi32, #tpu.memory_space<vmem>>
    %dma_start3A_1193 = tpu.memref_squeeze %dma_start3A_1192 : memref<1x128xi32, #tpu.memory_space<vmem>> -> memref<128xi32, #tpu.memory_space<vmem>>
    %dma_start3A_1194 = arith.constant 0 : i32
    %dma_start3A_1195 = arith.constant 0 : i32
    %dma_start3A_1196 = tpu.memref_slice %arg3[%dma_start3A_1194, %dma_start3A_1195] : memref<2600000x16xf32, #tpu.memory_space<hbm>> -> memref<2600000x16xf32, #tpu.memory_space<hbm>>
    tpu.enqueue_indirect_dma source(%dma_start3A_1196 : memref<2600000x16xf32, #tpu.memory_space<hbm>>) target(%dma_start3A_1190 : memref<128x16xf32, #tpu.memory_space<vmem>>) offsets(%dma_start3A_1193 : memref<128xi32, #tpu.memory_space<vmem>>) semaphore(%arg11 : memref<!tpu.dma_semaphore, #tpu.memory_space<semaphore_mem>>)
    %dma_start3A_1197 = arith.constant 77 : i32
    %dma_start3A_1198 = arith.constant 1536 : i32
    %dma_start3A_1199 = arith.constant 0 : i32
    %dma_start3A_1200 = tpu.memref_slice %arg8[%dma_start3A_1198, %dma_start3A_1199] : memref<1664x16xf32, #tpu.memory_space<vmem>> -> memref<128x16xf32, #tpu.memory_space<vmem>>
    %dma_start3A_1201 = arith.constant 0 : i32
    %dma_start3A_1202 = tpu.memref_slice %arg5[%dma_start3A_1197, %dma_start3A_1201] : memref<104x128xi32, #tpu.memory_space<vmem>> -> memref<1x128xi32, #tpu.memory_space<vmem>>
    %dma_start3A_1203 = tpu.memref_squeeze %dma_start3A_1202 : memref<1x128xi32, #tpu.memory_space<vmem>> -> memref<128xi32, #tpu.memory_space<vmem>>
    %dma_start3A_1204 = arith.constant 0 : i32
    %dma_start3A_1205 = arith.constant 0 : i32
    %dma_start3A_1206 = tpu.memref_slice %arg3[%dma_start3A_1204, %dma_start3A_1205] : memref<2600000x16xf32, #tpu.memory_space<hbm>> -> memref<2600000x16xf32, #tpu.memory_space<hbm>>
    tpu.enqueue_indirect_dma source(%dma_start3A_1206 : memref<2600000x16xf32, #tpu.memory_space<hbm>>) target(%dma_start3A_1200 : memref<128x16xf32, #tpu.memory_space<vmem>>) offsets(%dma_start3A_1203 : memref<128xi32, #tpu.memory_space<vmem>>) semaphore(%arg11 : memref<!tpu.dma_semaphore, #tpu.memory_space<semaphore_mem>>)
    %dma_wait3A_1207 = arith.constant 39 : i32
    %dma_wait3A_1208 = arith.constant 0 : i32
    %dma_wait3A_1209 = arith.constant 0 : i32
    %dma_wait3A_1210 = tpu.memref_slice %arg6[%dma_wait3A_1208, %dma_wait3A_1209] : memref<1664x16xf32, #tpu.memory_space<vmem>> -> memref<128x16xf32, #tpu.memory_space<vmem>>
    %dma_wait3A_1211 = arith.constant 0 : i32
    %dma_wait3A_1212 = tpu.memref_slice %arg5[%dma_wait3A_1207, %dma_wait3A_1211] : memref<104x128xi32, #tpu.memory_space<vmem>> -> memref<1x128xi32, #tpu.memory_space<vmem>>
    %dma_wait3A_1213 = tpu.memref_squeeze %dma_wait3A_1212 : memref<1x128xi32, #tpu.memory_space<vmem>> -> memref<128xi32, #tpu.memory_space<vmem>>
    %dma_wait3A_1214 = arith.constant 0 : i32
    %dma_wait3A_1215 = arith.constant 0 : i32
    %dma_wait3A_1216 = tpu.memref_slice %arg3[%dma_wait3A_1214, %dma_wait3A_1215] : memref<2600000x16xf32, #tpu.memory_space<hbm>> -> memref<2600000x16xf32, #tpu.memory_space<hbm>>
    tpu.wait_indirect_dma semaphore(%arg9 : memref<!tpu.dma_semaphore, #tpu.memory_space<semaphore_mem>>) src(%dma_wait3A_1216 : memref<2600000x16xf32, #tpu.memory_space<hbm>>) dst(%dma_wait3A_1210 : memref<128x16xf32, #tpu.memory_space<vmem>>)
    %dma_wait3A_1217 = arith.constant 40 : i32
    %dma_wait3A_1218 = arith.constant 128 : i32
    %dma_wait3A_1219 = arith.constant 0 : i32
    %dma_wait3A_1220 = tpu.memref_slice %arg6[%dma_wait3A_1218, %dma_wait3A_1219] : memref<1664x16xf32, #tpu.memory_space<vmem>> -> memref<128x16xf32, #tpu.memory_space<vmem>>
    %dma_wait3A_1221 = arith.constant 0 : i32
    %dma_wait3A_1222 = tpu.memref_slice %arg5[%dma_wait3A_1217, %dma_wait3A_1221] : memref<104x128xi32, #tpu.memory_space<vmem>> -> memref<1x128xi32, #tpu.memory_space<vmem>>
    %dma_wait3A_1223 = tpu.memref_squeeze %dma_wait3A_1222 : memref<1x128xi32, #tpu.memory_space<vmem>> -> memref<128xi32, #tpu.memory_space<vmem>>
    %dma_wait3A_1224 = arith.constant 0 : i32
    %dma_wait3A_1225 = arith.constant 0 : i32
    %dma_wait3A_1226 = tpu.memref_slice %arg3[%dma_wait3A_1224, %dma_wait3A_1225] : memref<2600000x16xf32, #tpu.memory_space<hbm>> -> memref<2600000x16xf32, #tpu.memory_space<hbm>>
    tpu.wait_indirect_dma semaphore(%arg9 : memref<!tpu.dma_semaphore, #tpu.memory_space<semaphore_mem>>) src(%dma_wait3A_1226 : memref<2600000x16xf32, #tpu.memory_space<hbm>>) dst(%dma_wait3A_1220 : memref<128x16xf32, #tpu.memory_space<vmem>>)
    %dma_wait3A_1227 = arith.constant 41 : i32
    %dma_wait3A_1228 = arith.constant 256 : i32
    %dma_wait3A_1229 = arith.constant 0 : i32
    %dma_wait3A_1230 = tpu.memref_slice %arg6[%dma_wait3A_1228, %dma_wait3A_1229] : memref<1664x16xf32, #tpu.memory_space<vmem>> -> memref<128x16xf32, #tpu.memory_space<vmem>>
    %dma_wait3A_1231 = arith.constant 0 : i32
    %dma_wait3A_1232 = tpu.memref_slice %arg5[%dma_wait3A_1227, %dma_wait3A_1231] : memref<104x128xi32, #tpu.memory_space<vmem>> -> memref<1x128xi32, #tpu.memory_space<vmem>>
    %dma_wait3A_1233 = tpu.memref_squeeze %dma_wait3A_1232 : memref<1x128xi32, #tpu.memory_space<vmem>> -> memref<128xi32, #tpu.memory_space<vmem>>
    %dma_wait3A_1234 = arith.constant 0 : i32
    %dma_wait3A_1235 = arith.constant 0 : i32
    %dma_wait3A_1236 = tpu.memref_slice %arg3[%dma_wait3A_1234, %dma_wait3A_1235] : memref<2600000x16xf32, #tpu.memory_space<hbm>> -> memref<2600000x16xf32, #tpu.memory_space<hbm>>
    tpu.wait_indirect_dma semaphore(%arg9 : memref<!tpu.dma_semaphore, #tpu.memory_space<semaphore_mem>>) src(%dma_wait3A_1236 : memref<2600000x16xf32, #tpu.memory_space<hbm>>) dst(%dma_wait3A_1230 : memref<128x16xf32, #tpu.memory_space<vmem>>)
    %dma_wait3A_1237 = arith.constant 42 : i32
    %dma_wait3A_1238 = arith.constant 384 : i32
    %dma_wait3A_1239 = arith.constant 0 : i32
    %dma_wait3A_1240 = tpu.memref_slice %arg6[%dma_wait3A_1238, %dma_wait3A_1239] : memref<1664x16xf32, #tpu.memory_space<vmem>> -> memref<128x16xf32, #tpu.memory_space<vmem>>
    %dma_wait3A_1241 = arith.constant 0 : i32
    %dma_wait3A_1242 = tpu.memref_slice %arg5[%dma_wait3A_1237, %dma_wait3A_1241] : memref<104x128xi32, #tpu.memory_space<vmem>> -> memref<1x128xi32, #tpu.memory_space<vmem>>
    %dma_wait3A_1243 = tpu.memref_squeeze %dma_wait3A_1242 : memref<1x128xi32, #tpu.memory_space<vmem>> -> memref<128xi32, #tpu.memory_space<vmem>>
    %dma_wait3A_1244 = arith.constant 0 : i32
    %dma_wait3A_1245 = arith.constant 0 : i32
    %dma_wait3A_1246 = tpu.memref_slice %arg3[%dma_wait3A_1244, %dma_wait3A_1245] : memref<2600000x16xf32, #tpu.memory_space<hbm>> -> memref<2600000x16xf32, #tpu.memory_space<hbm>>
    tpu.wait_indirect_dma semaphore(%arg9 : memref<!tpu.dma_semaphore, #tpu.memory_space<semaphore_mem>>) src(%dma_wait3A_1246 : memref<2600000x16xf32, #tpu.memory_space<hbm>>) dst(%dma_wait3A_1240 : memref<128x16xf32, #tpu.memory_space<vmem>>)
    %dma_wait3A_1247 = arith.constant 43 : i32
    %dma_wait3A_1248 = arith.constant 512 : i32
    %dma_wait3A_1249 = arith.constant 0 : i32
    %dma_wait3A_1250 = tpu.memref_slice %arg6[%dma_wait3A_1248, %dma_wait3A_1249] : memref<1664x16xf32, #tpu.memory_space<vmem>> -> memref<128x16xf32, #tpu.memory_space<vmem>>
    %dma_wait3A_1251 = arith.constant 0 : i32
    %dma_wait3A_1252 = tpu.memref_slice %arg5[%dma_wait3A_1247, %dma_wait3A_1251] : memref<104x128xi32, #tpu.memory_space<vmem>> -> memref<1x128xi32, #tpu.memory_space<vmem>>
    %dma_wait3A_1253 = tpu.memref_squeeze %dma_wait3A_1252 : memref<1x128xi32, #tpu.memory_space<vmem>> -> memref<128xi32, #tpu.memory_space<vmem>>
    %dma_wait3A_1254 = arith.constant 0 : i32
    %dma_wait3A_1255 = arith.constant 0 : i32
    %dma_wait3A_1256 = tpu.memref_slice %arg3[%dma_wait3A_1254, %dma_wait3A_1255] : memref<2600000x16xf32, #tpu.memory_space<hbm>> -> memref<2600000x16xf32, #tpu.memory_space<hbm>>
    tpu.wait_indirect_dma semaphore(%arg9 : memref<!tpu.dma_semaphore, #tpu.memory_space<semaphore_mem>>) src(%dma_wait3A_1256 : memref<2600000x16xf32, #tpu.memory_space<hbm>>) dst(%dma_wait3A_1250 : memref<128x16xf32, #tpu.memory_space<vmem>>)
    %dma_wait3A_1257 = arith.constant 44 : i32
    %dma_wait3A_1258 = arith.constant 640 : i32
    %dma_wait3A_1259 = arith.constant 0 : i32
    %dma_wait3A_1260 = tpu.memref_slice %arg6[%dma_wait3A_1258, %dma_wait3A_1259] : memref<1664x16xf32, #tpu.memory_space<vmem>> -> memref<128x16xf32, #tpu.memory_space<vmem>>
    %dma_wait3A_1261 = arith.constant 0 : i32
    %dma_wait3A_1262 = tpu.memref_slice %arg5[%dma_wait3A_1257, %dma_wait3A_1261] : memref<104x128xi32, #tpu.memory_space<vmem>> -> memref<1x128xi32, #tpu.memory_space<vmem>>
    %dma_wait3A_1263 = tpu.memref_squeeze %dma_wait3A_1262 : memref<1x128xi32, #tpu.memory_space<vmem>> -> memref<128xi32, #tpu.memory_space<vmem>>
    %dma_wait3A_1264 = arith.constant 0 : i32
    %dma_wait3A_1265 = arith.constant 0 : i32
    %dma_wait3A_1266 = tpu.memref_slice %arg3[%dma_wait3A_1264, %dma_wait3A_1265] : memref<2600000x16xf32, #tpu.memory_space<hbm>> -> memref<2600000x16xf32, #tpu.memory_space<hbm>>
    tpu.wait_indirect_dma semaphore(%arg9 : memref<!tpu.dma_semaphore, #tpu.memory_space<semaphore_mem>>) src(%dma_wait3A_1266 : memref<2600000x16xf32, #tpu.memory_space<hbm>>) dst(%dma_wait3A_1260 : memref<128x16xf32, #tpu.memory_space<vmem>>)
    %dma_wait3A_1267 = arith.constant 45 : i32
    %dma_wait3A_1268 = arith.constant 768 : i32
    %dma_wait3A_1269 = arith.constant 0 : i32
    %dma_wait3A_1270 = tpu.memref_slice %arg6[%dma_wait3A_1268, %dma_wait3A_1269] : memref<1664x16xf32, #tpu.memory_space<vmem>> -> memref<128x16xf32, #tpu.memory_space<vmem>>
    %dma_wait3A_1271 = arith.constant 0 : i32
    %dma_wait3A_1272 = tpu.memref_slice %arg5[%dma_wait3A_1267, %dma_wait3A_1271] : memref<104x128xi32, #tpu.memory_space<vmem>> -> memref<1x128xi32, #tpu.memory_space<vmem>>
    %dma_wait3A_1273 = tpu.memref_squeeze %dma_wait3A_1272 : memref<1x128xi32, #tpu.memory_space<vmem>> -> memref<128xi32, #tpu.memory_space<vmem>>
    %dma_wait3A_1274 = arith.constant 0 : i32
    %dma_wait3A_1275 = arith.constant 0 : i32
    %dma_wait3A_1276 = tpu.memref_slice %arg3[%dma_wait3A_1274, %dma_wait3A_1275] : memref<2600000x16xf32, #tpu.memory_space<hbm>> -> memref<2600000x16xf32, #tpu.memory_space<hbm>>
    tpu.wait_indirect_dma semaphore(%arg9 : memref<!tpu.dma_semaphore, #tpu.memory_space<semaphore_mem>>) src(%dma_wait3A_1276 : memref<2600000x16xf32, #tpu.memory_space<hbm>>) dst(%dma_wait3A_1270 : memref<128x16xf32, #tpu.memory_space<vmem>>)
    %dma_wait3A_1277 = arith.constant 46 : i32
    %dma_wait3A_1278 = arith.constant 896 : i32
    %dma_wait3A_1279 = arith.constant 0 : i32
    %dma_wait3A_1280 = tpu.memref_slice %arg6[%dma_wait3A_1278, %dma_wait3A_1279] : memref<1664x16xf32, #tpu.memory_space<vmem>> -> memref<128x16xf32, #tpu.memory_space<vmem>>
    %dma_wait3A_1281 = arith.constant 0 : i32
    %dma_wait3A_1282 = tpu.memref_slice %arg5[%dma_wait3A_1277, %dma_wait3A_1281] : memref<104x128xi32, #tpu.memory_space<vmem>> -> memref<1x128xi32, #tpu.memory_space<vmem>>
    %dma_wait3A_1283 = tpu.memref_squeeze %dma_wait3A_1282 : memref<1x128xi32, #tpu.memory_space<vmem>> -> memref<128xi32, #tpu.memory_space<vmem>>
    %dma_wait3A_1284 = arith.constant 0 : i32
    %dma_wait3A_1285 = arith.constant 0 : i32
    %dma_wait3A_1286 = tpu.memref_slice %arg3[%dma_wait3A_1284, %dma_wait3A_1285] : memref<2600000x16xf32, #tpu.memory_space<hbm>> -> memref<2600000x16xf32, #tpu.memory_space<hbm>>
    tpu.wait_indirect_dma semaphore(%arg9 : memref<!tpu.dma_semaphore, #tpu.memory_space<semaphore_mem>>) src(%dma_wait3A_1286 : memref<2600000x16xf32, #tpu.memory_space<hbm>>) dst(%dma_wait3A_1280 : memref<128x16xf32, #tpu.memory_space<vmem>>)
    %dma_wait3A_1287 = arith.constant 47 : i32
    %dma_wait3A_1288 = arith.constant 1024 : i32
    %dma_wait3A_1289 = arith.constant 0 : i32
    %dma_wait3A_1290 = tpu.memref_slice %arg6[%dma_wait3A_1288, %dma_wait3A_1289] : memref<1664x16xf32, #tpu.memory_space<vmem>> -> memref<128x16xf32, #tpu.memory_space<vmem>>
    %dma_wait3A_1291 = arith.constant 0 : i32
    %dma_wait3A_1292 = tpu.memref_slice %arg5[%dma_wait3A_1287, %dma_wait3A_1291] : memref<104x128xi32, #tpu.memory_space<vmem>> -> memref<1x128xi32, #tpu.memory_space<vmem>>
    %dma_wait3A_1293 = tpu.memref_squeeze %dma_wait3A_1292 : memref<1x128xi32, #tpu.memory_space<vmem>> -> memref<128xi32, #tpu.memory_space<vmem>>
    %dma_wait3A_1294 = arith.constant 0 : i32
    %dma_wait3A_1295 = arith.constant 0 : i32
    %dma_wait3A_1296 = tpu.memref_slice %arg3[%dma_wait3A_1294, %dma_wait3A_1295] : memref<2600000x16xf32, #tpu.memory_space<hbm>> -> memref<2600000x16xf32, #tpu.memory_space<hbm>>
    tpu.wait_indirect_dma semaphore(%arg9 : memref<!tpu.dma_semaphore, #tpu.memory_space<semaphore_mem>>) src(%dma_wait3A_1296 : memref<2600000x16xf32, #tpu.memory_space<hbm>>) dst(%dma_wait3A_1290 : memref<128x16xf32, #tpu.memory_space<vmem>>)
    %dma_wait3A_1297 = arith.constant 48 : i32
    %dma_wait3A_1298 = arith.constant 1152 : i32
    %dma_wait3A_1299 = arith.constant 0 : i32
    %dma_wait3A_1300 = tpu.memref_slice %arg6[%dma_wait3A_1298, %dma_wait3A_1299] : memref<1664x16xf32, #tpu.memory_space<vmem>> -> memref<128x16xf32, #tpu.memory_space<vmem>>
    %dma_wait3A_1301 = arith.constant 0 : i32
    %dma_wait3A_1302 = tpu.memref_slice %arg5[%dma_wait3A_1297, %dma_wait3A_1301] : memref<104x128xi32, #tpu.memory_space<vmem>> -> memref<1x128xi32, #tpu.memory_space<vmem>>
    %dma_wait3A_1303 = tpu.memref_squeeze %dma_wait3A_1302 : memref<1x128xi32, #tpu.memory_space<vmem>> -> memref<128xi32, #tpu.memory_space<vmem>>
    %dma_wait3A_1304 = arith.constant 0 : i32
    %dma_wait3A_1305 = arith.constant 0 : i32
    %dma_wait3A_1306 = tpu.memref_slice %arg3[%dma_wait3A_1304, %dma_wait3A_1305] : memref<2600000x16xf32, #tpu.memory_space<hbm>> -> memref<2600000x16xf32, #tpu.memory_space<hbm>>
    tpu.wait_indirect_dma semaphore(%arg9 : memref<!tpu.dma_semaphore, #tpu.memory_space<semaphore_mem>>) src(%dma_wait3A_1306 : memref<2600000x16xf32, #tpu.memory_space<hbm>>) dst(%dma_wait3A_1300 : memref<128x16xf32, #tpu.memory_space<vmem>>)
    %dma_wait3A_1307 = arith.constant 49 : i32
    %dma_wait3A_1308 = arith.constant 1280 : i32
    %dma_wait3A_1309 = arith.constant 0 : i32
    %dma_wait3A_1310 = tpu.memref_slice %arg6[%dma_wait3A_1308, %dma_wait3A_1309] : memref<1664x16xf32, #tpu.memory_space<vmem>> -> memref<128x16xf32, #tpu.memory_space<vmem>>
    %dma_wait3A_1311 = arith.constant 0 : i32
    %dma_wait3A_1312 = tpu.memref_slice %arg5[%dma_wait3A_1307, %dma_wait3A_1311] : memref<104x128xi32, #tpu.memory_space<vmem>> -> memref<1x128xi32, #tpu.memory_space<vmem>>
    %dma_wait3A_1313 = tpu.memref_squeeze %dma_wait3A_1312 : memref<1x128xi32, #tpu.memory_space<vmem>> -> memref<128xi32, #tpu.memory_space<vmem>>
    %dma_wait3A_1314 = arith.constant 0 : i32
    %dma_wait3A_1315 = arith.constant 0 : i32
    %dma_wait3A_1316 = tpu.memref_slice %arg3[%dma_wait3A_1314, %dma_wait3A_1315] : memref<2600000x16xf32, #tpu.memory_space<hbm>> -> memref<2600000x16xf32, #tpu.memory_space<hbm>>
    tpu.wait_indirect_dma semaphore(%arg9 : memref<!tpu.dma_semaphore, #tpu.memory_space<semaphore_mem>>) src(%dma_wait3A_1316 : memref<2600000x16xf32, #tpu.memory_space<hbm>>) dst(%dma_wait3A_1310 : memref<128x16xf32, #tpu.memory_space<vmem>>)
    %dma_wait3A_1317 = arith.constant 50 : i32
    %dma_wait3A_1318 = arith.constant 1408 : i32
    %dma_wait3A_1319 = arith.constant 0 : i32
    %dma_wait3A_1320 = tpu.memref_slice %arg6[%dma_wait3A_1318, %dma_wait3A_1319] : memref<1664x16xf32, #tpu.memory_space<vmem>> -> memref<128x16xf32, #tpu.memory_space<vmem>>
    %dma_wait3A_1321 = arith.constant 0 : i32
    %dma_wait3A_1322 = tpu.memref_slice %arg5[%dma_wait3A_1317, %dma_wait3A_1321] : memref<104x128xi32, #tpu.memory_space<vmem>> -> memref<1x128xi32, #tpu.memory_space<vmem>>
    %dma_wait3A_1323 = tpu.memref_squeeze %dma_wait3A_1322 : memref<1x128xi32, #tpu.memory_space<vmem>> -> memref<128xi32, #tpu.memory_space<vmem>>
    %dma_wait3A_1324 = arith.constant 0 : i32
    %dma_wait3A_1325 = arith.constant 0 : i32
    %dma_wait3A_1326 = tpu.memref_slice %arg3[%dma_wait3A_1324, %dma_wait3A_1325] : memref<2600000x16xf32, #tpu.memory_space<hbm>> -> memref<2600000x16xf32, #tpu.memory_space<hbm>>
    tpu.wait_indirect_dma semaphore(%arg9 : memref<!tpu.dma_semaphore, #tpu.memory_space<semaphore_mem>>) src(%dma_wait3A_1326 : memref<2600000x16xf32, #tpu.memory_space<hbm>>) dst(%dma_wait3A_1320 : memref<128x16xf32, #tpu.memory_space<vmem>>)
    %dma_wait3A_1327 = arith.constant 51 : i32
    %dma_wait3A_1328 = arith.constant 1536 : i32
    %dma_wait3A_1329 = arith.constant 0 : i32
    %dma_wait3A_1330 = tpu.memref_slice %arg6[%dma_wait3A_1328, %dma_wait3A_1329] : memref<1664x16xf32, #tpu.memory_space<vmem>> -> memref<128x16xf32, #tpu.memory_space<vmem>>
    %dma_wait3A_1331 = arith.constant 0 : i32
    %dma_wait3A_1332 = tpu.memref_slice %arg5[%dma_wait3A_1327, %dma_wait3A_1331] : memref<104x128xi32, #tpu.memory_space<vmem>> -> memref<1x128xi32, #tpu.memory_space<vmem>>
    %dma_wait3A_1333 = tpu.memref_squeeze %dma_wait3A_1332 : memref<1x128xi32, #tpu.memory_space<vmem>> -> memref<128xi32, #tpu.memory_space<vmem>>
    %dma_wait3A_1334 = arith.constant 0 : i32
    %dma_wait3A_1335 = arith.constant 0 : i32
    %dma_wait3A_1336 = tpu.memref_slice %arg3[%dma_wait3A_1334, %dma_wait3A_1335] : memref<2600000x16xf32, #tpu.memory_space<hbm>> -> memref<2600000x16xf32, #tpu.memory_space<hbm>>
    tpu.wait_indirect_dma semaphore(%arg9 : memref<!tpu.dma_semaphore, #tpu.memory_space<semaphore_mem>>) src(%dma_wait3A_1336 : memref<2600000x16xf32, #tpu.memory_space<hbm>>) dst(%dma_wait3A_1330 : memref<128x16xf32, #tpu.memory_space<vmem>>)
    %add3A_1337 = arith.constant 39 : i32
    %add3A_1338 = arith.addi %mul3A_2, %add3A_1337 : i32
    %mul3A_1339 = arith.constant 128 : i32
    %mul3A_1340 = arith.muli %add3A_1338, %mul3A_1339 : i32
    %dma_start3A_1341 = arith.constant 0 : i32
    %dma_start3A_1342 = tpu.memref_slice %arg4[%mul3A_1340, %dma_start3A_1341] : memref<425984x16xf32, #tpu.memory_space<hbm>> -> memref<1664x16xf32, #tpu.memory_space<hbm>>
    %dma_start3A_1343 = arith.constant 0 : i32
    %dma_start3A_1344 = tpu.memref_slice %arg4[%mul3A_1340, %dma_start3A_1343] : memref<425984x16xf32, #tpu.memory_space<hbm>> -> memref<1664x16xf32, #tpu.memory_space<hbm>>
    tpu.enqueue_dma source(%arg6 : memref<1664x16xf32, #tpu.memory_space<vmem>>) target(%dma_start3A_1344 : memref<1664x16xf32, #tpu.memory_space<hbm>>) target_semaphore(%arg12 : memref<!tpu.dma_semaphore, #tpu.memory_space<semaphore_mem>>)
    %dma_wait3A_1345 = arith.constant 0 : i32
    %dma_wait3A_1346 = tpu.memref_slice %arg4[%mul3A_1340, %dma_wait3A_1345] : memref<425984x16xf32, #tpu.memory_space<hbm>> -> memref<1664x16xf32, #tpu.memory_space<hbm>>
    %dma_wait3A_1347 = arith.constant 0 : i32
    %dma_wait3A_1348 = tpu.memref_slice %arg4[%mul3A_1340, %dma_wait3A_1347] : memref<425984x16xf32, #tpu.memory_space<hbm>> -> memref<1664x16xf32, #tpu.memory_space<hbm>>
    tpu.wait_dma2 semaphore(%arg12 : memref<!tpu.dma_semaphore, #tpu.memory_space<semaphore_mem>>) src(%arg6 : memref<1664x16xf32, #tpu.memory_space<vmem>>) dst(%dma_wait3A_1348 : memref<1664x16xf32, #tpu.memory_space<hbm>>)
    %dma_start3A_1349 = arith.constant 78 : i32
    %dma_start3A_1350 = arith.constant 0 : i32
    %dma_start3A_1351 = arith.constant 0 : i32
    %dma_start3A_1352 = tpu.memref_slice %arg6[%dma_start3A_1350, %dma_start3A_1351] : memref<1664x16xf32, #tpu.memory_space<vmem>> -> memref<128x16xf32, #tpu.memory_space<vmem>>
    %dma_start3A_1353 = arith.constant 0 : i32
    %dma_start3A_1354 = tpu.memref_slice %arg5[%dma_start3A_1349, %dma_start3A_1353] : memref<104x128xi32, #tpu.memory_space<vmem>> -> memref<1x128xi32, #tpu.memory_space<vmem>>
    %dma_start3A_1355 = tpu.memref_squeeze %dma_start3A_1354 : memref<1x128xi32, #tpu.memory_space<vmem>> -> memref<128xi32, #tpu.memory_space<vmem>>
    %dma_start3A_1356 = arith.constant 0 : i32
    %dma_start3A_1357 = arith.constant 0 : i32
    %dma_start3A_1358 = tpu.memref_slice %arg3[%dma_start3A_1356, %dma_start3A_1357] : memref<2600000x16xf32, #tpu.memory_space<hbm>> -> memref<2600000x16xf32, #tpu.memory_space<hbm>>
    tpu.enqueue_indirect_dma source(%dma_start3A_1358 : memref<2600000x16xf32, #tpu.memory_space<hbm>>) target(%dma_start3A_1352 : memref<128x16xf32, #tpu.memory_space<vmem>>) offsets(%dma_start3A_1355 : memref<128xi32, #tpu.memory_space<vmem>>) semaphore(%arg9 : memref<!tpu.dma_semaphore, #tpu.memory_space<semaphore_mem>>)
    %dma_start3A_1359 = arith.constant 79 : i32
    %dma_start3A_1360 = arith.constant 128 : i32
    %dma_start3A_1361 = arith.constant 0 : i32
    %dma_start3A_1362 = tpu.memref_slice %arg6[%dma_start3A_1360, %dma_start3A_1361] : memref<1664x16xf32, #tpu.memory_space<vmem>> -> memref<128x16xf32, #tpu.memory_space<vmem>>
    %dma_start3A_1363 = arith.constant 0 : i32
    %dma_start3A_1364 = tpu.memref_slice %arg5[%dma_start3A_1359, %dma_start3A_1363] : memref<104x128xi32, #tpu.memory_space<vmem>> -> memref<1x128xi32, #tpu.memory_space<vmem>>
    %dma_start3A_1365 = tpu.memref_squeeze %dma_start3A_1364 : memref<1x128xi32, #tpu.memory_space<vmem>> -> memref<128xi32, #tpu.memory_space<vmem>>
    %dma_start3A_1366 = arith.constant 0 : i32
    %dma_start3A_1367 = arith.constant 0 : i32
    %dma_start3A_1368 = tpu.memref_slice %arg3[%dma_start3A_1366, %dma_start3A_1367] : memref<2600000x16xf32, #tpu.memory_space<hbm>> -> memref<2600000x16xf32, #tpu.memory_space<hbm>>
    tpu.enqueue_indirect_dma source(%dma_start3A_1368 : memref<2600000x16xf32, #tpu.memory_space<hbm>>) target(%dma_start3A_1362 : memref<128x16xf32, #tpu.memory_space<vmem>>) offsets(%dma_start3A_1365 : memref<128xi32, #tpu.memory_space<vmem>>) semaphore(%arg9 : memref<!tpu.dma_semaphore, #tpu.memory_space<semaphore_mem>>)
    %dma_start3A_1369 = arith.constant 80 : i32
    %dma_start3A_1370 = arith.constant 256 : i32
    %dma_start3A_1371 = arith.constant 0 : i32
    %dma_start3A_1372 = tpu.memref_slice %arg6[%dma_start3A_1370, %dma_start3A_1371] : memref<1664x16xf32, #tpu.memory_space<vmem>> -> memref<128x16xf32, #tpu.memory_space<vmem>>
    %dma_start3A_1373 = arith.constant 0 : i32
    %dma_start3A_1374 = tpu.memref_slice %arg5[%dma_start3A_1369, %dma_start3A_1373] : memref<104x128xi32, #tpu.memory_space<vmem>> -> memref<1x128xi32, #tpu.memory_space<vmem>>
    %dma_start3A_1375 = tpu.memref_squeeze %dma_start3A_1374 : memref<1x128xi32, #tpu.memory_space<vmem>> -> memref<128xi32, #tpu.memory_space<vmem>>
    %dma_start3A_1376 = arith.constant 0 : i32
    %dma_start3A_1377 = arith.constant 0 : i32
    %dma_start3A_1378 = tpu.memref_slice %arg3[%dma_start3A_1376, %dma_start3A_1377] : memref<2600000x16xf32, #tpu.memory_space<hbm>> -> memref<2600000x16xf32, #tpu.memory_space<hbm>>
    tpu.enqueue_indirect_dma source(%dma_start3A_1378 : memref<2600000x16xf32, #tpu.memory_space<hbm>>) target(%dma_start3A_1372 : memref<128x16xf32, #tpu.memory_space<vmem>>) offsets(%dma_start3A_1375 : memref<128xi32, #tpu.memory_space<vmem>>) semaphore(%arg9 : memref<!tpu.dma_semaphore, #tpu.memory_space<semaphore_mem>>)
    %dma_start3A_1379 = arith.constant 81 : i32
    %dma_start3A_1380 = arith.constant 384 : i32
    %dma_start3A_1381 = arith.constant 0 : i32
    %dma_start3A_1382 = tpu.memref_slice %arg6[%dma_start3A_1380, %dma_start3A_1381] : memref<1664x16xf32, #tpu.memory_space<vmem>> -> memref<128x16xf32, #tpu.memory_space<vmem>>
    %dma_start3A_1383 = arith.constant 0 : i32
    %dma_start3A_1384 = tpu.memref_slice %arg5[%dma_start3A_1379, %dma_start3A_1383] : memref<104x128xi32, #tpu.memory_space<vmem>> -> memref<1x128xi32, #tpu.memory_space<vmem>>
    %dma_start3A_1385 = tpu.memref_squeeze %dma_start3A_1384 : memref<1x128xi32, #tpu.memory_space<vmem>> -> memref<128xi32, #tpu.memory_space<vmem>>
    %dma_start3A_1386 = arith.constant 0 : i32
    %dma_start3A_1387 = arith.constant 0 : i32
    %dma_start3A_1388 = tpu.memref_slice %arg3[%dma_start3A_1386, %dma_start3A_1387] : memref<2600000x16xf32, #tpu.memory_space<hbm>> -> memref<2600000x16xf32, #tpu.memory_space<hbm>>
    tpu.enqueue_indirect_dma source(%dma_start3A_1388 : memref<2600000x16xf32, #tpu.memory_space<hbm>>) target(%dma_start3A_1382 : memref<128x16xf32, #tpu.memory_space<vmem>>) offsets(%dma_start3A_1385 : memref<128xi32, #tpu.memory_space<vmem>>) semaphore(%arg9 : memref<!tpu.dma_semaphore, #tpu.memory_space<semaphore_mem>>)
    %dma_start3A_1389 = arith.constant 82 : i32
    %dma_start3A_1390 = arith.constant 512 : i32
    %dma_start3A_1391 = arith.constant 0 : i32
    %dma_start3A_1392 = tpu.memref_slice %arg6[%dma_start3A_1390, %dma_start3A_1391] : memref<1664x16xf32, #tpu.memory_space<vmem>> -> memref<128x16xf32, #tpu.memory_space<vmem>>
    %dma_start3A_1393 = arith.constant 0 : i32
    %dma_start3A_1394 = tpu.memref_slice %arg5[%dma_start3A_1389, %dma_start3A_1393] : memref<104x128xi32, #tpu.memory_space<vmem>> -> memref<1x128xi32, #tpu.memory_space<vmem>>
    %dma_start3A_1395 = tpu.memref_squeeze %dma_start3A_1394 : memref<1x128xi32, #tpu.memory_space<vmem>> -> memref<128xi32, #tpu.memory_space<vmem>>
    %dma_start3A_1396 = arith.constant 0 : i32
    %dma_start3A_1397 = arith.constant 0 : i32
    %dma_start3A_1398 = tpu.memref_slice %arg3[%dma_start3A_1396, %dma_start3A_1397] : memref<2600000x16xf32, #tpu.memory_space<hbm>> -> memref<2600000x16xf32, #tpu.memory_space<hbm>>
    tpu.enqueue_indirect_dma source(%dma_start3A_1398 : memref<2600000x16xf32, #tpu.memory_space<hbm>>) target(%dma_start3A_1392 : memref<128x16xf32, #tpu.memory_space<vmem>>) offsets(%dma_start3A_1395 : memref<128xi32, #tpu.memory_space<vmem>>) semaphore(%arg9 : memref<!tpu.dma_semaphore, #tpu.memory_space<semaphore_mem>>)
    %dma_start3A_1399 = arith.constant 83 : i32
    %dma_start3A_1400 = arith.constant 640 : i32
    %dma_start3A_1401 = arith.constant 0 : i32
    %dma_start3A_1402 = tpu.memref_slice %arg6[%dma_start3A_1400, %dma_start3A_1401] : memref<1664x16xf32, #tpu.memory_space<vmem>> -> memref<128x16xf32, #tpu.memory_space<vmem>>
    %dma_start3A_1403 = arith.constant 0 : i32
    %dma_start3A_1404 = tpu.memref_slice %arg5[%dma_start3A_1399, %dma_start3A_1403] : memref<104x128xi32, #tpu.memory_space<vmem>> -> memref<1x128xi32, #tpu.memory_space<vmem>>
    %dma_start3A_1405 = tpu.memref_squeeze %dma_start3A_1404 : memref<1x128xi32, #tpu.memory_space<vmem>> -> memref<128xi32, #tpu.memory_space<vmem>>
    %dma_start3A_1406 = arith.constant 0 : i32
    %dma_start3A_1407 = arith.constant 0 : i32
    %dma_start3A_1408 = tpu.memref_slice %arg3[%dma_start3A_1406, %dma_start3A_1407] : memref<2600000x16xf32, #tpu.memory_space<hbm>> -> memref<2600000x16xf32, #tpu.memory_space<hbm>>
    tpu.enqueue_indirect_dma source(%dma_start3A_1408 : memref<2600000x16xf32, #tpu.memory_space<hbm>>) target(%dma_start3A_1402 : memref<128x16xf32, #tpu.memory_space<vmem>>) offsets(%dma_start3A_1405 : memref<128xi32, #tpu.memory_space<vmem>>) semaphore(%arg9 : memref<!tpu.dma_semaphore, #tpu.memory_space<semaphore_mem>>)
    %dma_start3A_1409 = arith.constant 84 : i32
    %dma_start3A_1410 = arith.constant 768 : i32
    %dma_start3A_1411 = arith.constant 0 : i32
    %dma_start3A_1412 = tpu.memref_slice %arg6[%dma_start3A_1410, %dma_start3A_1411] : memref<1664x16xf32, #tpu.memory_space<vmem>> -> memref<128x16xf32, #tpu.memory_space<vmem>>
    %dma_start3A_1413 = arith.constant 0 : i32
    %dma_start3A_1414 = tpu.memref_slice %arg5[%dma_start3A_1409, %dma_start3A_1413] : memref<104x128xi32, #tpu.memory_space<vmem>> -> memref<1x128xi32, #tpu.memory_space<vmem>>
    %dma_start3A_1415 = tpu.memref_squeeze %dma_start3A_1414 : memref<1x128xi32, #tpu.memory_space<vmem>> -> memref<128xi32, #tpu.memory_space<vmem>>
    %dma_start3A_1416 = arith.constant 0 : i32
    %dma_start3A_1417 = arith.constant 0 : i32
    %dma_start3A_1418 = tpu.memref_slice %arg3[%dma_start3A_1416, %dma_start3A_1417] : memref<2600000x16xf32, #tpu.memory_space<hbm>> -> memref<2600000x16xf32, #tpu.memory_space<hbm>>
    tpu.enqueue_indirect_dma source(%dma_start3A_1418 : memref<2600000x16xf32, #tpu.memory_space<hbm>>) target(%dma_start3A_1412 : memref<128x16xf32, #tpu.memory_space<vmem>>) offsets(%dma_start3A_1415 : memref<128xi32, #tpu.memory_space<vmem>>) semaphore(%arg9 : memref<!tpu.dma_semaphore, #tpu.memory_space<semaphore_mem>>)
    %dma_start3A_1419 = arith.constant 85 : i32
    %dma_start3A_1420 = arith.constant 896 : i32
    %dma_start3A_1421 = arith.constant 0 : i32
    %dma_start3A_1422 = tpu.memref_slice %arg6[%dma_start3A_1420, %dma_start3A_1421] : memref<1664x16xf32, #tpu.memory_space<vmem>> -> memref<128x16xf32, #tpu.memory_space<vmem>>
    %dma_start3A_1423 = arith.constant 0 : i32
    %dma_start3A_1424 = tpu.memref_slice %arg5[%dma_start3A_1419, %dma_start3A_1423] : memref<104x128xi32, #tpu.memory_space<vmem>> -> memref<1x128xi32, #tpu.memory_space<vmem>>
    %dma_start3A_1425 = tpu.memref_squeeze %dma_start3A_1424 : memref<1x128xi32, #tpu.memory_space<vmem>> -> memref<128xi32, #tpu.memory_space<vmem>>
    %dma_start3A_1426 = arith.constant 0 : i32
    %dma_start3A_1427 = arith.constant 0 : i32
    %dma_start3A_1428 = tpu.memref_slice %arg3[%dma_start3A_1426, %dma_start3A_1427] : memref<2600000x16xf32, #tpu.memory_space<hbm>> -> memref<2600000x16xf32, #tpu.memory_space<hbm>>
    tpu.enqueue_indirect_dma source(%dma_start3A_1428 : memref<2600000x16xf32, #tpu.memory_space<hbm>>) target(%dma_start3A_1422 : memref<128x16xf32, #tpu.memory_space<vmem>>) offsets(%dma_start3A_1425 : memref<128xi32, #tpu.memory_space<vmem>>) semaphore(%arg9 : memref<!tpu.dma_semaphore, #tpu.memory_space<semaphore_mem>>)
    %dma_start3A_1429 = arith.constant 86 : i32
    %dma_start3A_1430 = arith.constant 1024 : i32
    %dma_start3A_1431 = arith.constant 0 : i32
    %dma_start3A_1432 = tpu.memref_slice %arg6[%dma_start3A_1430, %dma_start3A_1431] : memref<1664x16xf32, #tpu.memory_space<vmem>> -> memref<128x16xf32, #tpu.memory_space<vmem>>
    %dma_start3A_1433 = arith.constant 0 : i32
    %dma_start3A_1434 = tpu.memref_slice %arg5[%dma_start3A_1429, %dma_start3A_1433] : memref<104x128xi32, #tpu.memory_space<vmem>> -> memref<1x128xi32, #tpu.memory_space<vmem>>
    %dma_start3A_1435 = tpu.memref_squeeze %dma_start3A_1434 : memref<1x128xi32, #tpu.memory_space<vmem>> -> memref<128xi32, #tpu.memory_space<vmem>>
    %dma_start3A_1436 = arith.constant 0 : i32
    %dma_start3A_1437 = arith.constant 0 : i32
    %dma_start3A_1438 = tpu.memref_slice %arg3[%dma_start3A_1436, %dma_start3A_1437] : memref<2600000x16xf32, #tpu.memory_space<hbm>> -> memref<2600000x16xf32, #tpu.memory_space<hbm>>
    tpu.enqueue_indirect_dma source(%dma_start3A_1438 : memref<2600000x16xf32, #tpu.memory_space<hbm>>) target(%dma_start3A_1432 : memref<128x16xf32, #tpu.memory_space<vmem>>) offsets(%dma_start3A_1435 : memref<128xi32, #tpu.memory_space<vmem>>) semaphore(%arg9 : memref<!tpu.dma_semaphore, #tpu.memory_space<semaphore_mem>>)
    %dma_start3A_1439 = arith.constant 87 : i32
    %dma_start3A_1440 = arith.constant 1152 : i32
    %dma_start3A_1441 = arith.constant 0 : i32
    %dma_start3A_1442 = tpu.memref_slice %arg6[%dma_start3A_1440, %dma_start3A_1441] : memref<1664x16xf32, #tpu.memory_space<vmem>> -> memref<128x16xf32, #tpu.memory_space<vmem>>
    %dma_start3A_1443 = arith.constant 0 : i32
    %dma_start3A_1444 = tpu.memref_slice %arg5[%dma_start3A_1439, %dma_start3A_1443] : memref<104x128xi32, #tpu.memory_space<vmem>> -> memref<1x128xi32, #tpu.memory_space<vmem>>
    %dma_start3A_1445 = tpu.memref_squeeze %dma_start3A_1444 : memref<1x128xi32, #tpu.memory_space<vmem>> -> memref<128xi32, #tpu.memory_space<vmem>>
    %dma_start3A_1446 = arith.constant 0 : i32
    %dma_start3A_1447 = arith.constant 0 : i32
    %dma_start3A_1448 = tpu.memref_slice %arg3[%dma_start3A_1446, %dma_start3A_1447] : memref<2600000x16xf32, #tpu.memory_space<hbm>> -> memref<2600000x16xf32, #tpu.memory_space<hbm>>
    tpu.enqueue_indirect_dma source(%dma_start3A_1448 : memref<2600000x16xf32, #tpu.memory_space<hbm>>) target(%dma_start3A_1442 : memref<128x16xf32, #tpu.memory_space<vmem>>) offsets(%dma_start3A_1445 : memref<128xi32, #tpu.memory_space<vmem>>) semaphore(%arg9 : memref<!tpu.dma_semaphore, #tpu.memory_space<semaphore_mem>>)
    %dma_start3A_1449 = arith.constant 88 : i32
    %dma_start3A_1450 = arith.constant 1280 : i32
    %dma_start3A_1451 = arith.constant 0 : i32
    %dma_start3A_1452 = tpu.memref_slice %arg6[%dma_start3A_1450, %dma_start3A_1451] : memref<1664x16xf32, #tpu.memory_space<vmem>> -> memref<128x16xf32, #tpu.memory_space<vmem>>
    %dma_start3A_1453 = arith.constant 0 : i32
    %dma_start3A_1454 = tpu.memref_slice %arg5[%dma_start3A_1449, %dma_start3A_1453] : memref<104x128xi32, #tpu.memory_space<vmem>> -> memref<1x128xi32, #tpu.memory_space<vmem>>
    %dma_start3A_1455 = tpu.memref_squeeze %dma_start3A_1454 : memref<1x128xi32, #tpu.memory_space<vmem>> -> memref<128xi32, #tpu.memory_space<vmem>>
    %dma_start3A_1456 = arith.constant 0 : i32
    %dma_start3A_1457 = arith.constant 0 : i32
    %dma_start3A_1458 = tpu.memref_slice %arg3[%dma_start3A_1456, %dma_start3A_1457] : memref<2600000x16xf32, #tpu.memory_space<hbm>> -> memref<2600000x16xf32, #tpu.memory_space<hbm>>
    tpu.enqueue_indirect_dma source(%dma_start3A_1458 : memref<2600000x16xf32, #tpu.memory_space<hbm>>) target(%dma_start3A_1452 : memref<128x16xf32, #tpu.memory_space<vmem>>) offsets(%dma_start3A_1455 : memref<128xi32, #tpu.memory_space<vmem>>) semaphore(%arg9 : memref<!tpu.dma_semaphore, #tpu.memory_space<semaphore_mem>>)
    %dma_start3A_1459 = arith.constant 89 : i32
    %dma_start3A_1460 = arith.constant 1408 : i32
    %dma_start3A_1461 = arith.constant 0 : i32
    %dma_start3A_1462 = tpu.memref_slice %arg6[%dma_start3A_1460, %dma_start3A_1461] : memref<1664x16xf32, #tpu.memory_space<vmem>> -> memref<128x16xf32, #tpu.memory_space<vmem>>
    %dma_start3A_1463 = arith.constant 0 : i32
    %dma_start3A_1464 = tpu.memref_slice %arg5[%dma_start3A_1459, %dma_start3A_1463] : memref<104x128xi32, #tpu.memory_space<vmem>> -> memref<1x128xi32, #tpu.memory_space<vmem>>
    %dma_start3A_1465 = tpu.memref_squeeze %dma_start3A_1464 : memref<1x128xi32, #tpu.memory_space<vmem>> -> memref<128xi32, #tpu.memory_space<vmem>>
    %dma_start3A_1466 = arith.constant 0 : i32
    %dma_start3A_1467 = arith.constant 0 : i32
    %dma_start3A_1468 = tpu.memref_slice %arg3[%dma_start3A_1466, %dma_start3A_1467] : memref<2600000x16xf32, #tpu.memory_space<hbm>> -> memref<2600000x16xf32, #tpu.memory_space<hbm>>
    tpu.enqueue_indirect_dma source(%dma_start3A_1468 : memref<2600000x16xf32, #tpu.memory_space<hbm>>) target(%dma_start3A_1462 : memref<128x16xf32, #tpu.memory_space<vmem>>) offsets(%dma_start3A_1465 : memref<128xi32, #tpu.memory_space<vmem>>) semaphore(%arg9 : memref<!tpu.dma_semaphore, #tpu.memory_space<semaphore_mem>>)
    %dma_start3A_1469 = arith.constant 90 : i32
    %dma_start3A_1470 = arith.constant 1536 : i32
    %dma_start3A_1471 = arith.constant 0 : i32
    %dma_start3A_1472 = tpu.memref_slice %arg6[%dma_start3A_1470, %dma_start3A_1471] : memref<1664x16xf32, #tpu.memory_space<vmem>> -> memref<128x16xf32, #tpu.memory_space<vmem>>
    %dma_start3A_1473 = arith.constant 0 : i32
    %dma_start3A_1474 = tpu.memref_slice %arg5[%dma_start3A_1469, %dma_start3A_1473] : memref<104x128xi32, #tpu.memory_space<vmem>> -> memref<1x128xi32, #tpu.memory_space<vmem>>
    %dma_start3A_1475 = tpu.memref_squeeze %dma_start3A_1474 : memref<1x128xi32, #tpu.memory_space<vmem>> -> memref<128xi32, #tpu.memory_space<vmem>>
    %dma_start3A_1476 = arith.constant 0 : i32
    %dma_start3A_1477 = arith.constant 0 : i32
    %dma_start3A_1478 = tpu.memref_slice %arg3[%dma_start3A_1476, %dma_start3A_1477] : memref<2600000x16xf32, #tpu.memory_space<hbm>> -> memref<2600000x16xf32, #tpu.memory_space<hbm>>
    tpu.enqueue_indirect_dma source(%dma_start3A_1478 : memref<2600000x16xf32, #tpu.memory_space<hbm>>) target(%dma_start3A_1472 : memref<128x16xf32, #tpu.memory_space<vmem>>) offsets(%dma_start3A_1475 : memref<128xi32, #tpu.memory_space<vmem>>) semaphore(%arg9 : memref<!tpu.dma_semaphore, #tpu.memory_space<semaphore_mem>>)
    %dma_wait3A_1479 = arith.constant 52 : i32
    %dma_wait3A_1480 = arith.constant 0 : i32
    %dma_wait3A_1481 = arith.constant 0 : i32
    %dma_wait3A_1482 = tpu.memref_slice %arg7[%dma_wait3A_1480, %dma_wait3A_1481] : memref<1664x16xf32, #tpu.memory_space<vmem>> -> memref<128x16xf32, #tpu.memory_space<vmem>>
    %dma_wait3A_1483 = arith.constant 0 : i32
    %dma_wait3A_1484 = tpu.memref_slice %arg5[%dma_wait3A_1479, %dma_wait3A_1483] : memref<104x128xi32, #tpu.memory_space<vmem>> -> memref<1x128xi32, #tpu.memory_space<vmem>>
    %dma_wait3A_1485 = tpu.memref_squeeze %dma_wait3A_1484 : memref<1x128xi32, #tpu.memory_space<vmem>> -> memref<128xi32, #tpu.memory_space<vmem>>
    %dma_wait3A_1486 = arith.constant 0 : i32
    %dma_wait3A_1487 = arith.constant 0 : i32
    %dma_wait3A_1488 = tpu.memref_slice %arg3[%dma_wait3A_1486, %dma_wait3A_1487] : memref<2600000x16xf32, #tpu.memory_space<hbm>> -> memref<2600000x16xf32, #tpu.memory_space<hbm>>
    tpu.wait_indirect_dma semaphore(%arg10 : memref<!tpu.dma_semaphore, #tpu.memory_space<semaphore_mem>>) src(%dma_wait3A_1488 : memref<2600000x16xf32, #tpu.memory_space<hbm>>) dst(%dma_wait3A_1482 : memref<128x16xf32, #tpu.memory_space<vmem>>)
    %dma_wait3A_1489 = arith.constant 53 : i32
    %dma_wait3A_1490 = arith.constant 128 : i32
    %dma_wait3A_1491 = arith.constant 0 : i32
    %dma_wait3A_1492 = tpu.memref_slice %arg7[%dma_wait3A_1490, %dma_wait3A_1491] : memref<1664x16xf32, #tpu.memory_space<vmem>> -> memref<128x16xf32, #tpu.memory_space<vmem>>
    %dma_wait3A_1493 = arith.constant 0 : i32
    %dma_wait3A_1494 = tpu.memref_slice %arg5[%dma_wait3A_1489, %dma_wait3A_1493] : memref<104x128xi32, #tpu.memory_space<vmem>> -> memref<1x128xi32, #tpu.memory_space<vmem>>
    %dma_wait3A_1495 = tpu.memref_squeeze %dma_wait3A_1494 : memref<1x128xi32, #tpu.memory_space<vmem>> -> memref<128xi32, #tpu.memory_space<vmem>>
    %dma_wait3A_1496 = arith.constant 0 : i32
    %dma_wait3A_1497 = arith.constant 0 : i32
    %dma_wait3A_1498 = tpu.memref_slice %arg3[%dma_wait3A_1496, %dma_wait3A_1497] : memref<2600000x16xf32, #tpu.memory_space<hbm>> -> memref<2600000x16xf32, #tpu.memory_space<hbm>>
    tpu.wait_indirect_dma semaphore(%arg10 : memref<!tpu.dma_semaphore, #tpu.memory_space<semaphore_mem>>) src(%dma_wait3A_1498 : memref<2600000x16xf32, #tpu.memory_space<hbm>>) dst(%dma_wait3A_1492 : memref<128x16xf32, #tpu.memory_space<vmem>>)
    %dma_wait3A_1499 = arith.constant 54 : i32
    %dma_wait3A_1500 = arith.constant 256 : i32
    %dma_wait3A_1501 = arith.constant 0 : i32
    %dma_wait3A_1502 = tpu.memref_slice %arg7[%dma_wait3A_1500, %dma_wait3A_1501] : memref<1664x16xf32, #tpu.memory_space<vmem>> -> memref<128x16xf32, #tpu.memory_space<vmem>>
    %dma_wait3A_1503 = arith.constant 0 : i32
    %dma_wait3A_1504 = tpu.memref_slice %arg5[%dma_wait3A_1499, %dma_wait3A_1503] : memref<104x128xi32, #tpu.memory_space<vmem>> -> memref<1x128xi32, #tpu.memory_space<vmem>>
    %dma_wait3A_1505 = tpu.memref_squeeze %dma_wait3A_1504 : memref<1x128xi32, #tpu.memory_space<vmem>> -> memref<128xi32, #tpu.memory_space<vmem>>
    %dma_wait3A_1506 = arith.constant 0 : i32
    %dma_wait3A_1507 = arith.constant 0 : i32
    %dma_wait3A_1508 = tpu.memref_slice %arg3[%dma_wait3A_1506, %dma_wait3A_1507] : memref<2600000x16xf32, #tpu.memory_space<hbm>> -> memref<2600000x16xf32, #tpu.memory_space<hbm>>
    tpu.wait_indirect_dma semaphore(%arg10 : memref<!tpu.dma_semaphore, #tpu.memory_space<semaphore_mem>>) src(%dma_wait3A_1508 : memref<2600000x16xf32, #tpu.memory_space<hbm>>) dst(%dma_wait3A_1502 : memref<128x16xf32, #tpu.memory_space<vmem>>)
    %dma_wait3A_1509 = arith.constant 55 : i32
    %dma_wait3A_1510 = arith.constant 384 : i32
    %dma_wait3A_1511 = arith.constant 0 : i32
    %dma_wait3A_1512 = tpu.memref_slice %arg7[%dma_wait3A_1510, %dma_wait3A_1511] : memref<1664x16xf32, #tpu.memory_space<vmem>> -> memref<128x16xf32, #tpu.memory_space<vmem>>
    %dma_wait3A_1513 = arith.constant 0 : i32
    %dma_wait3A_1514 = tpu.memref_slice %arg5[%dma_wait3A_1509, %dma_wait3A_1513] : memref<104x128xi32, #tpu.memory_space<vmem>> -> memref<1x128xi32, #tpu.memory_space<vmem>>
    %dma_wait3A_1515 = tpu.memref_squeeze %dma_wait3A_1514 : memref<1x128xi32, #tpu.memory_space<vmem>> -> memref<128xi32, #tpu.memory_space<vmem>>
    %dma_wait3A_1516 = arith.constant 0 : i32
    %dma_wait3A_1517 = arith.constant 0 : i32
    %dma_wait3A_1518 = tpu.memref_slice %arg3[%dma_wait3A_1516, %dma_wait3A_1517] : memref<2600000x16xf32, #tpu.memory_space<hbm>> -> memref<2600000x16xf32, #tpu.memory_space<hbm>>
    tpu.wait_indirect_dma semaphore(%arg10 : memref<!tpu.dma_semaphore, #tpu.memory_space<semaphore_mem>>) src(%dma_wait3A_1518 : memref<2600000x16xf32, #tpu.memory_space<hbm>>) dst(%dma_wait3A_1512 : memref<128x16xf32, #tpu.memory_space<vmem>>)
    %dma_wait3A_1519 = arith.constant 56 : i32
    %dma_wait3A_1520 = arith.constant 512 : i32
    %dma_wait3A_1521 = arith.constant 0 : i32
    %dma_wait3A_1522 = tpu.memref_slice %arg7[%dma_wait3A_1520, %dma_wait3A_1521] : memref<1664x16xf32, #tpu.memory_space<vmem>> -> memref<128x16xf32, #tpu.memory_space<vmem>>
    %dma_wait3A_1523 = arith.constant 0 : i32
    %dma_wait3A_1524 = tpu.memref_slice %arg5[%dma_wait3A_1519, %dma_wait3A_1523] : memref<104x128xi32, #tpu.memory_space<vmem>> -> memref<1x128xi32, #tpu.memory_space<vmem>>
    %dma_wait3A_1525 = tpu.memref_squeeze %dma_wait3A_1524 : memref<1x128xi32, #tpu.memory_space<vmem>> -> memref<128xi32, #tpu.memory_space<vmem>>
    %dma_wait3A_1526 = arith.constant 0 : i32
    %dma_wait3A_1527 = arith.constant 0 : i32
    %dma_wait3A_1528 = tpu.memref_slice %arg3[%dma_wait3A_1526, %dma_wait3A_1527] : memref<2600000x16xf32, #tpu.memory_space<hbm>> -> memref<2600000x16xf32, #tpu.memory_space<hbm>>
    tpu.wait_indirect_dma semaphore(%arg10 : memref<!tpu.dma_semaphore, #tpu.memory_space<semaphore_mem>>) src(%dma_wait3A_1528 : memref<2600000x16xf32, #tpu.memory_space<hbm>>) dst(%dma_wait3A_1522 : memref<128x16xf32, #tpu.memory_space<vmem>>)
    %dma_wait3A_1529 = arith.constant 57 : i32
    %dma_wait3A_1530 = arith.constant 640 : i32
    %dma_wait3A_1531 = arith.constant 0 : i32
    %dma_wait3A_1532 = tpu.memref_slice %arg7[%dma_wait3A_1530, %dma_wait3A_1531] : memref<1664x16xf32, #tpu.memory_space<vmem>> -> memref<128x16xf32, #tpu.memory_space<vmem>>
    %dma_wait3A_1533 = arith.constant 0 : i32
    %dma_wait3A_1534 = tpu.memref_slice %arg5[%dma_wait3A_1529, %dma_wait3A_1533] : memref<104x128xi32, #tpu.memory_space<vmem>> -> memref<1x128xi32, #tpu.memory_space<vmem>>
    %dma_wait3A_1535 = tpu.memref_squeeze %dma_wait3A_1534 : memref<1x128xi32, #tpu.memory_space<vmem>> -> memref<128xi32, #tpu.memory_space<vmem>>
    %dma_wait3A_1536 = arith.constant 0 : i32
    %dma_wait3A_1537 = arith.constant 0 : i32
    %dma_wait3A_1538 = tpu.memref_slice %arg3[%dma_wait3A_1536, %dma_wait3A_1537] : memref<2600000x16xf32, #tpu.memory_space<hbm>> -> memref<2600000x16xf32, #tpu.memory_space<hbm>>
    tpu.wait_indirect_dma semaphore(%arg10 : memref<!tpu.dma_semaphore, #tpu.memory_space<semaphore_mem>>) src(%dma_wait3A_1538 : memref<2600000x16xf32, #tpu.memory_space<hbm>>) dst(%dma_wait3A_1532 : memref<128x16xf32, #tpu.memory_space<vmem>>)
    %dma_wait3A_1539 = arith.constant 58 : i32
    %dma_wait3A_1540 = arith.constant 768 : i32
    %dma_wait3A_1541 = arith.constant 0 : i32
    %dma_wait3A_1542 = tpu.memref_slice %arg7[%dma_wait3A_1540, %dma_wait3A_1541] : memref<1664x16xf32, #tpu.memory_space<vmem>> -> memref<128x16xf32, #tpu.memory_space<vmem>>
    %dma_wait3A_1543 = arith.constant 0 : i32
    %dma_wait3A_1544 = tpu.memref_slice %arg5[%dma_wait3A_1539, %dma_wait3A_1543] : memref<104x128xi32, #tpu.memory_space<vmem>> -> memref<1x128xi32, #tpu.memory_space<vmem>>
    %dma_wait3A_1545 = tpu.memref_squeeze %dma_wait3A_1544 : memref<1x128xi32, #tpu.memory_space<vmem>> -> memref<128xi32, #tpu.memory_space<vmem>>
    %dma_wait3A_1546 = arith.constant 0 : i32
    %dma_wait3A_1547 = arith.constant 0 : i32
    %dma_wait3A_1548 = tpu.memref_slice %arg3[%dma_wait3A_1546, %dma_wait3A_1547] : memref<2600000x16xf32, #tpu.memory_space<hbm>> -> memref<2600000x16xf32, #tpu.memory_space<hbm>>
    tpu.wait_indirect_dma semaphore(%arg10 : memref<!tpu.dma_semaphore, #tpu.memory_space<semaphore_mem>>) src(%dma_wait3A_1548 : memref<2600000x16xf32, #tpu.memory_space<hbm>>) dst(%dma_wait3A_1542 : memref<128x16xf32, #tpu.memory_space<vmem>>)
    %dma_wait3A_1549 = arith.constant 59 : i32
    %dma_wait3A_1550 = arith.constant 896 : i32
    %dma_wait3A_1551 = arith.constant 0 : i32
    %dma_wait3A_1552 = tpu.memref_slice %arg7[%dma_wait3A_1550, %dma_wait3A_1551] : memref<1664x16xf32, #tpu.memory_space<vmem>> -> memref<128x16xf32, #tpu.memory_space<vmem>>
    %dma_wait3A_1553 = arith.constant 0 : i32
    %dma_wait3A_1554 = tpu.memref_slice %arg5[%dma_wait3A_1549, %dma_wait3A_1553] : memref<104x128xi32, #tpu.memory_space<vmem>> -> memref<1x128xi32, #tpu.memory_space<vmem>>
    %dma_wait3A_1555 = tpu.memref_squeeze %dma_wait3A_1554 : memref<1x128xi32, #tpu.memory_space<vmem>> -> memref<128xi32, #tpu.memory_space<vmem>>
    %dma_wait3A_1556 = arith.constant 0 : i32
    %dma_wait3A_1557 = arith.constant 0 : i32
    %dma_wait3A_1558 = tpu.memref_slice %arg3[%dma_wait3A_1556, %dma_wait3A_1557] : memref<2600000x16xf32, #tpu.memory_space<hbm>> -> memref<2600000x16xf32, #tpu.memory_space<hbm>>
    tpu.wait_indirect_dma semaphore(%arg10 : memref<!tpu.dma_semaphore, #tpu.memory_space<semaphore_mem>>) src(%dma_wait3A_1558 : memref<2600000x16xf32, #tpu.memory_space<hbm>>) dst(%dma_wait3A_1552 : memref<128x16xf32, #tpu.memory_space<vmem>>)
    %dma_wait3A_1559 = arith.constant 60 : i32
    %dma_wait3A_1560 = arith.constant 1024 : i32
    %dma_wait3A_1561 = arith.constant 0 : i32
    %dma_wait3A_1562 = tpu.memref_slice %arg7[%dma_wait3A_1560, %dma_wait3A_1561] : memref<1664x16xf32, #tpu.memory_space<vmem>> -> memref<128x16xf32, #tpu.memory_space<vmem>>
    %dma_wait3A_1563 = arith.constant 0 : i32
    %dma_wait3A_1564 = tpu.memref_slice %arg5[%dma_wait3A_1559, %dma_wait3A_1563] : memref<104x128xi32, #tpu.memory_space<vmem>> -> memref<1x128xi32, #tpu.memory_space<vmem>>
    %dma_wait3A_1565 = tpu.memref_squeeze %dma_wait3A_1564 : memref<1x128xi32, #tpu.memory_space<vmem>> -> memref<128xi32, #tpu.memory_space<vmem>>
    %dma_wait3A_1566 = arith.constant 0 : i32
    %dma_wait3A_1567 = arith.constant 0 : i32
    %dma_wait3A_1568 = tpu.memref_slice %arg3[%dma_wait3A_1566, %dma_wait3A_1567] : memref<2600000x16xf32, #tpu.memory_space<hbm>> -> memref<2600000x16xf32, #tpu.memory_space<hbm>>
    tpu.wait_indirect_dma semaphore(%arg10 : memref<!tpu.dma_semaphore, #tpu.memory_space<semaphore_mem>>) src(%dma_wait3A_1568 : memref<2600000x16xf32, #tpu.memory_space<hbm>>) dst(%dma_wait3A_1562 : memref<128x16xf32, #tpu.memory_space<vmem>>)
    %dma_wait3A_1569 = arith.constant 61 : i32
    %dma_wait3A_1570 = arith.constant 1152 : i32
    %dma_wait3A_1571 = arith.constant 0 : i32
    %dma_wait3A_1572 = tpu.memref_slice %arg7[%dma_wait3A_1570, %dma_wait3A_1571] : memref<1664x16xf32, #tpu.memory_space<vmem>> -> memref<128x16xf32, #tpu.memory_space<vmem>>
    %dma_wait3A_1573 = arith.constant 0 : i32
    %dma_wait3A_1574 = tpu.memref_slice %arg5[%dma_wait3A_1569, %dma_wait3A_1573] : memref<104x128xi32, #tpu.memory_space<vmem>> -> memref<1x128xi32, #tpu.memory_space<vmem>>
    %dma_wait3A_1575 = tpu.memref_squeeze %dma_wait3A_1574 : memref<1x128xi32, #tpu.memory_space<vmem>> -> memref<128xi32, #tpu.memory_space<vmem>>
    %dma_wait3A_1576 = arith.constant 0 : i32
    %dma_wait3A_1577 = arith.constant 0 : i32
    %dma_wait3A_1578 = tpu.memref_slice %arg3[%dma_wait3A_1576, %dma_wait3A_1577] : memref<2600000x16xf32, #tpu.memory_space<hbm>> -> memref<2600000x16xf32, #tpu.memory_space<hbm>>
    tpu.wait_indirect_dma semaphore(%arg10 : memref<!tpu.dma_semaphore, #tpu.memory_space<semaphore_mem>>) src(%dma_wait3A_1578 : memref<2600000x16xf32, #tpu.memory_space<hbm>>) dst(%dma_wait3A_1572 : memref<128x16xf32, #tpu.memory_space<vmem>>)
    %dma_wait3A_1579 = arith.constant 62 : i32
    %dma_wait3A_1580 = arith.constant 1280 : i32
    %dma_wait3A_1581 = arith.constant 0 : i32
    %dma_wait3A_1582 = tpu.memref_slice %arg7[%dma_wait3A_1580, %dma_wait3A_1581] : memref<1664x16xf32, #tpu.memory_space<vmem>> -> memref<128x16xf32, #tpu.memory_space<vmem>>
    %dma_wait3A_1583 = arith.constant 0 : i32
    %dma_wait3A_1584 = tpu.memref_slice %arg5[%dma_wait3A_1579, %dma_wait3A_1583] : memref<104x128xi32, #tpu.memory_space<vmem>> -> memref<1x128xi32, #tpu.memory_space<vmem>>
    %dma_wait3A_1585 = tpu.memref_squeeze %dma_wait3A_1584 : memref<1x128xi32, #tpu.memory_space<vmem>> -> memref<128xi32, #tpu.memory_space<vmem>>
    %dma_wait3A_1586 = arith.constant 0 : i32
    %dma_wait3A_1587 = arith.constant 0 : i32
    %dma_wait3A_1588 = tpu.memref_slice %arg3[%dma_wait3A_1586, %dma_wait3A_1587] : memref<2600000x16xf32, #tpu.memory_space<hbm>> -> memref<2600000x16xf32, #tpu.memory_space<hbm>>
    tpu.wait_indirect_dma semaphore(%arg10 : memref<!tpu.dma_semaphore, #tpu.memory_space<semaphore_mem>>) src(%dma_wait3A_1588 : memref<2600000x16xf32, #tpu.memory_space<hbm>>) dst(%dma_wait3A_1582 : memref<128x16xf32, #tpu.memory_space<vmem>>)
    %dma_wait3A_1589 = arith.constant 63 : i32
    %dma_wait3A_1590 = arith.constant 1408 : i32
    %dma_wait3A_1591 = arith.constant 0 : i32
    %dma_wait3A_1592 = tpu.memref_slice %arg7[%dma_wait3A_1590, %dma_wait3A_1591] : memref<1664x16xf32, #tpu.memory_space<vmem>> -> memref<128x16xf32, #tpu.memory_space<vmem>>
    %dma_wait3A_1593 = arith.constant 0 : i32
    %dma_wait3A_1594 = tpu.memref_slice %arg5[%dma_wait3A_1589, %dma_wait3A_1593] : memref<104x128xi32, #tpu.memory_space<vmem>> -> memref<1x128xi32, #tpu.memory_space<vmem>>
    %dma_wait3A_1595 = tpu.memref_squeeze %dma_wait3A_1594 : memref<1x128xi32, #tpu.memory_space<vmem>> -> memref<128xi32, #tpu.memory_space<vmem>>
    %dma_wait3A_1596 = arith.constant 0 : i32
    %dma_wait3A_1597 = arith.constant 0 : i32
    %dma_wait3A_1598 = tpu.memref_slice %arg3[%dma_wait3A_1596, %dma_wait3A_1597] : memref<2600000x16xf32, #tpu.memory_space<hbm>> -> memref<2600000x16xf32, #tpu.memory_space<hbm>>
    tpu.wait_indirect_dma semaphore(%arg10 : memref<!tpu.dma_semaphore, #tpu.memory_space<semaphore_mem>>) src(%dma_wait3A_1598 : memref<2600000x16xf32, #tpu.memory_space<hbm>>) dst(%dma_wait3A_1592 : memref<128x16xf32, #tpu.memory_space<vmem>>)
    %dma_wait3A_1599 = arith.constant 64 : i32
    %dma_wait3A_1600 = arith.constant 1536 : i32
    %dma_wait3A_1601 = arith.constant 0 : i32
    %dma_wait3A_1602 = tpu.memref_slice %arg7[%dma_wait3A_1600, %dma_wait3A_1601] : memref<1664x16xf32, #tpu.memory_space<vmem>> -> memref<128x16xf32, #tpu.memory_space<vmem>>
    %dma_wait3A_1603 = arith.constant 0 : i32
    %dma_wait3A_1604 = tpu.memref_slice %arg5[%dma_wait3A_1599, %dma_wait3A_1603] : memref<104x128xi32, #tpu.memory_space<vmem>> -> memref<1x128xi32, #tpu.memory_space<vmem>>
    %dma_wait3A_1605 = tpu.memref_squeeze %dma_wait3A_1604 : memref<1x128xi32, #tpu.memory_space<vmem>> -> memref<128xi32, #tpu.memory_space<vmem>>
    %dma_wait3A_1606 = arith.constant 0 : i32
    %dma_wait3A_1607 = arith.constant 0 : i32
    %dma_wait3A_1608 = tpu.memref_slice %arg3[%dma_wait3A_1606, %dma_wait3A_1607] : memref<2600000x16xf32, #tpu.memory_space<hbm>> -> memref<2600000x16xf32, #tpu.memory_space<hbm>>
    tpu.wait_indirect_dma semaphore(%arg10 : memref<!tpu.dma_semaphore, #tpu.memory_space<semaphore_mem>>) src(%dma_wait3A_1608 : memref<2600000x16xf32, #tpu.memory_space<hbm>>) dst(%dma_wait3A_1602 : memref<128x16xf32, #tpu.memory_space<vmem>>)
    %add3A_1609 = arith.constant 52 : i32
    %add3A_1610 = arith.addi %mul3A_2, %add3A_1609 : i32
    %mul3A_1611 = arith.constant 128 : i32
    %mul3A_1612 = arith.muli %add3A_1610, %mul3A_1611 : i32
    %dma_start3A_1613 = arith.constant 0 : i32
    %dma_start3A_1614 = tpu.memref_slice %arg4[%mul3A_1612, %dma_start3A_1613] : memref<425984x16xf32, #tpu.memory_space<hbm>> -> memref<1664x16xf32, #tpu.memory_space<hbm>>
    %dma_start3A_1615 = arith.constant 0 : i32
    %dma_start3A_1616 = tpu.memref_slice %arg4[%mul3A_1612, %dma_start3A_1615] : memref<425984x16xf32, #tpu.memory_space<hbm>> -> memref<1664x16xf32, #tpu.memory_space<hbm>>
    tpu.enqueue_dma source(%arg7 : memref<1664x16xf32, #tpu.memory_space<vmem>>) target(%dma_start3A_1616 : memref<1664x16xf32, #tpu.memory_space<hbm>>) target_semaphore(%arg13 : memref<!tpu.dma_semaphore, #tpu.memory_space<semaphore_mem>>)
    %dma_wait3A_1617 = arith.constant 0 : i32
    %dma_wait3A_1618 = tpu.memref_slice %arg4[%mul3A_1612, %dma_wait3A_1617] : memref<425984x16xf32, #tpu.memory_space<hbm>> -> memref<1664x16xf32, #tpu.memory_space<hbm>>
    %dma_wait3A_1619 = arith.constant 0 : i32
    %dma_wait3A_1620 = tpu.memref_slice %arg4[%mul3A_1612, %dma_wait3A_1619] : memref<425984x16xf32, #tpu.memory_space<hbm>> -> memref<1664x16xf32, #tpu.memory_space<hbm>>
    tpu.wait_dma2 semaphore(%arg13 : memref<!tpu.dma_semaphore, #tpu.memory_space<semaphore_mem>>) src(%arg7 : memref<1664x16xf32, #tpu.memory_space<vmem>>) dst(%dma_wait3A_1620 : memref<1664x16xf32, #tpu.memory_space<hbm>>)
    %dma_start3A_1621 = arith.constant 91 : i32
    %dma_start3A_1622 = arith.constant 0 : i32
    %dma_start3A_1623 = arith.constant 0 : i32
    %dma_start3A_1624 = tpu.memref_slice %arg7[%dma_start3A_1622, %dma_start3A_1623] : memref<1664x16xf32, #tpu.memory_space<vmem>> -> memref<128x16xf32, #tpu.memory_space<vmem>>
    %dma_start3A_1625 = arith.constant 0 : i32
    %dma_start3A_1626 = tpu.memref_slice %arg5[%dma_start3A_1621, %dma_start3A_1625] : memref<104x128xi32, #tpu.memory_space<vmem>> -> memref<1x128xi32, #tpu.memory_space<vmem>>
    %dma_start3A_1627 = tpu.memref_squeeze %dma_start3A_1626 : memref<1x128xi32, #tpu.memory_space<vmem>> -> memref<128xi32, #tpu.memory_space<vmem>>
    %dma_start3A_1628 = arith.constant 0 : i32
    %dma_start3A_1629 = arith.constant 0 : i32
    %dma_start3A_1630 = tpu.memref_slice %arg3[%dma_start3A_1628, %dma_start3A_1629] : memref<2600000x16xf32, #tpu.memory_space<hbm>> -> memref<2600000x16xf32, #tpu.memory_space<hbm>>
    tpu.enqueue_indirect_dma source(%dma_start3A_1630 : memref<2600000x16xf32, #tpu.memory_space<hbm>>) target(%dma_start3A_1624 : memref<128x16xf32, #tpu.memory_space<vmem>>) offsets(%dma_start3A_1627 : memref<128xi32, #tpu.memory_space<vmem>>) semaphore(%arg10 : memref<!tpu.dma_semaphore, #tpu.memory_space<semaphore_mem>>)
    %dma_start3A_1631 = arith.constant 92 : i32
    %dma_start3A_1632 = arith.constant 128 : i32
    %dma_start3A_1633 = arith.constant 0 : i32
    %dma_start3A_1634 = tpu.memref_slice %arg7[%dma_start3A_1632, %dma_start3A_1633] : memref<1664x16xf32, #tpu.memory_space<vmem>> -> memref<128x16xf32, #tpu.memory_space<vmem>>
    %dma_start3A_1635 = arith.constant 0 : i32
    %dma_start3A_1636 = tpu.memref_slice %arg5[%dma_start3A_1631, %dma_start3A_1635] : memref<104x128xi32, #tpu.memory_space<vmem>> -> memref<1x128xi32, #tpu.memory_space<vmem>>
    %dma_start3A_1637 = tpu.memref_squeeze %dma_start3A_1636 : memref<1x128xi32, #tpu.memory_space<vmem>> -> memref<128xi32, #tpu.memory_space<vmem>>
    %dma_start3A_1638 = arith.constant 0 : i32
    %dma_start3A_1639 = arith.constant 0 : i32
    %dma_start3A_1640 = tpu.memref_slice %arg3[%dma_start3A_1638, %dma_start3A_1639] : memref<2600000x16xf32, #tpu.memory_space<hbm>> -> memref<2600000x16xf32, #tpu.memory_space<hbm>>
    tpu.enqueue_indirect_dma source(%dma_start3A_1640 : memref<2600000x16xf32, #tpu.memory_space<hbm>>) target(%dma_start3A_1634 : memref<128x16xf32, #tpu.memory_space<vmem>>) offsets(%dma_start3A_1637 : memref<128xi32, #tpu.memory_space<vmem>>) semaphore(%arg10 : memref<!tpu.dma_semaphore, #tpu.memory_space<semaphore_mem>>)
    %dma_start3A_1641 = arith.constant 93 : i32
    %dma_start3A_1642 = arith.constant 256 : i32
    %dma_start3A_1643 = arith.constant 0 : i32
    %dma_start3A_1644 = tpu.memref_slice %arg7[%dma_start3A_1642, %dma_start3A_1643] : memref<1664x16xf32, #tpu.memory_space<vmem>> -> memref<128x16xf32, #tpu.memory_space<vmem>>
    %dma_start3A_1645 = arith.constant 0 : i32
    %dma_start3A_1646 = tpu.memref_slice %arg5[%dma_start3A_1641, %dma_start3A_1645] : memref<104x128xi32, #tpu.memory_space<vmem>> -> memref<1x128xi32, #tpu.memory_space<vmem>>
    %dma_start3A_1647 = tpu.memref_squeeze %dma_start3A_1646 : memref<1x128xi32, #tpu.memory_space<vmem>> -> memref<128xi32, #tpu.memory_space<vmem>>
    %dma_start3A_1648 = arith.constant 0 : i32
    %dma_start3A_1649 = arith.constant 0 : i32
    %dma_start3A_1650 = tpu.memref_slice %arg3[%dma_start3A_1648, %dma_start3A_1649] : memref<2600000x16xf32, #tpu.memory_space<hbm>> -> memref<2600000x16xf32, #tpu.memory_space<hbm>>
    tpu.enqueue_indirect_dma source(%dma_start3A_1650 : memref<2600000x16xf32, #tpu.memory_space<hbm>>) target(%dma_start3A_1644 : memref<128x16xf32, #tpu.memory_space<vmem>>) offsets(%dma_start3A_1647 : memref<128xi32, #tpu.memory_space<vmem>>) semaphore(%arg10 : memref<!tpu.dma_semaphore, #tpu.memory_space<semaphore_mem>>)
    %dma_start3A_1651 = arith.constant 94 : i32
    %dma_start3A_1652 = arith.constant 384 : i32
    %dma_start3A_1653 = arith.constant 0 : i32
    %dma_start3A_1654 = tpu.memref_slice %arg7[%dma_start3A_1652, %dma_start3A_1653] : memref<1664x16xf32, #tpu.memory_space<vmem>> -> memref<128x16xf32, #tpu.memory_space<vmem>>
    %dma_start3A_1655 = arith.constant 0 : i32
    %dma_start3A_1656 = tpu.memref_slice %arg5[%dma_start3A_1651, %dma_start3A_1655] : memref<104x128xi32, #tpu.memory_space<vmem>> -> memref<1x128xi32, #tpu.memory_space<vmem>>
    %dma_start3A_1657 = tpu.memref_squeeze %dma_start3A_1656 : memref<1x128xi32, #tpu.memory_space<vmem>> -> memref<128xi32, #tpu.memory_space<vmem>>
    %dma_start3A_1658 = arith.constant 0 : i32
    %dma_start3A_1659 = arith.constant 0 : i32
    %dma_start3A_1660 = tpu.memref_slice %arg3[%dma_start3A_1658, %dma_start3A_1659] : memref<2600000x16xf32, #tpu.memory_space<hbm>> -> memref<2600000x16xf32, #tpu.memory_space<hbm>>
    tpu.enqueue_indirect_dma source(%dma_start3A_1660 : memref<2600000x16xf32, #tpu.memory_space<hbm>>) target(%dma_start3A_1654 : memref<128x16xf32, #tpu.memory_space<vmem>>) offsets(%dma_start3A_1657 : memref<128xi32, #tpu.memory_space<vmem>>) semaphore(%arg10 : memref<!tpu.dma_semaphore, #tpu.memory_space<semaphore_mem>>)
    %dma_start3A_1661 = arith.constant 95 : i32
    %dma_start3A_1662 = arith.constant 512 : i32
    %dma_start3A_1663 = arith.constant 0 : i32
    %dma_start3A_1664 = tpu.memref_slice %arg7[%dma_start3A_1662, %dma_start3A_1663] : memref<1664x16xf32, #tpu.memory_space<vmem>> -> memref<128x16xf32, #tpu.memory_space<vmem>>
    %dma_start3A_1665 = arith.constant 0 : i32
    %dma_start3A_1666 = tpu.memref_slice %arg5[%dma_start3A_1661, %dma_start3A_1665] : memref<104x128xi32, #tpu.memory_space<vmem>> -> memref<1x128xi32, #tpu.memory_space<vmem>>
    %dma_start3A_1667 = tpu.memref_squeeze %dma_start3A_1666 : memref<1x128xi32, #tpu.memory_space<vmem>> -> memref<128xi32, #tpu.memory_space<vmem>>
    %dma_start3A_1668 = arith.constant 0 : i32
    %dma_start3A_1669 = arith.constant 0 : i32
    %dma_start3A_1670 = tpu.memref_slice %arg3[%dma_start3A_1668, %dma_start3A_1669] : memref<2600000x16xf32, #tpu.memory_space<hbm>> -> memref<2600000x16xf32, #tpu.memory_space<hbm>>
    tpu.enqueue_indirect_dma source(%dma_start3A_1670 : memref<2600000x16xf32, #tpu.memory_space<hbm>>) target(%dma_start3A_1664 : memref<128x16xf32, #tpu.memory_space<vmem>>) offsets(%dma_start3A_1667 : memref<128xi32, #tpu.memory_space<vmem>>) semaphore(%arg10 : memref<!tpu.dma_semaphore, #tpu.memory_space<semaphore_mem>>)
    %dma_start3A_1671 = arith.constant 96 : i32
    %dma_start3A_1672 = arith.constant 640 : i32
    %dma_start3A_1673 = arith.constant 0 : i32
    %dma_start3A_1674 = tpu.memref_slice %arg7[%dma_start3A_1672, %dma_start3A_1673] : memref<1664x16xf32, #tpu.memory_space<vmem>> -> memref<128x16xf32, #tpu.memory_space<vmem>>
    %dma_start3A_1675 = arith.constant 0 : i32
    %dma_start3A_1676 = tpu.memref_slice %arg5[%dma_start3A_1671, %dma_start3A_1675] : memref<104x128xi32, #tpu.memory_space<vmem>> -> memref<1x128xi32, #tpu.memory_space<vmem>>
    %dma_start3A_1677 = tpu.memref_squeeze %dma_start3A_1676 : memref<1x128xi32, #tpu.memory_space<vmem>> -> memref<128xi32, #tpu.memory_space<vmem>>
    %dma_start3A_1678 = arith.constant 0 : i32
    %dma_start3A_1679 = arith.constant 0 : i32
    %dma_start3A_1680 = tpu.memref_slice %arg3[%dma_start3A_1678, %dma_start3A_1679] : memref<2600000x16xf32, #tpu.memory_space<hbm>> -> memref<2600000x16xf32, #tpu.memory_space<hbm>>
    tpu.enqueue_indirect_dma source(%dma_start3A_1680 : memref<2600000x16xf32, #tpu.memory_space<hbm>>) target(%dma_start3A_1674 : memref<128x16xf32, #tpu.memory_space<vmem>>) offsets(%dma_start3A_1677 : memref<128xi32, #tpu.memory_space<vmem>>) semaphore(%arg10 : memref<!tpu.dma_semaphore, #tpu.memory_space<semaphore_mem>>)
    %dma_start3A_1681 = arith.constant 97 : i32
    %dma_start3A_1682 = arith.constant 768 : i32
    %dma_start3A_1683 = arith.constant 0 : i32
    %dma_start3A_1684 = tpu.memref_slice %arg7[%dma_start3A_1682, %dma_start3A_1683] : memref<1664x16xf32, #tpu.memory_space<vmem>> -> memref<128x16xf32, #tpu.memory_space<vmem>>
    %dma_start3A_1685 = arith.constant 0 : i32
    %dma_start3A_1686 = tpu.memref_slice %arg5[%dma_start3A_1681, %dma_start3A_1685] : memref<104x128xi32, #tpu.memory_space<vmem>> -> memref<1x128xi32, #tpu.memory_space<vmem>>
    %dma_start3A_1687 = tpu.memref_squeeze %dma_start3A_1686 : memref<1x128xi32, #tpu.memory_space<vmem>> -> memref<128xi32, #tpu.memory_space<vmem>>
    %dma_start3A_1688 = arith.constant 0 : i32
    %dma_start3A_1689 = arith.constant 0 : i32
    %dma_start3A_1690 = tpu.memref_slice %arg3[%dma_start3A_1688, %dma_start3A_1689] : memref<2600000x16xf32, #tpu.memory_space<hbm>> -> memref<2600000x16xf32, #tpu.memory_space<hbm>>
    tpu.enqueue_indirect_dma source(%dma_start3A_1690 : memref<2600000x16xf32, #tpu.memory_space<hbm>>) target(%dma_start3A_1684 : memref<128x16xf32, #tpu.memory_space<vmem>>) offsets(%dma_start3A_1687 : memref<128xi32, #tpu.memory_space<vmem>>) semaphore(%arg10 : memref<!tpu.dma_semaphore, #tpu.memory_space<semaphore_mem>>)
    %dma_start3A_1691 = arith.constant 98 : i32
    %dma_start3A_1692 = arith.constant 896 : i32
    %dma_start3A_1693 = arith.constant 0 : i32
    %dma_start3A_1694 = tpu.memref_slice %arg7[%dma_start3A_1692, %dma_start3A_1693] : memref<1664x16xf32, #tpu.memory_space<vmem>> -> memref<128x16xf32, #tpu.memory_space<vmem>>
    %dma_start3A_1695 = arith.constant 0 : i32
    %dma_start3A_1696 = tpu.memref_slice %arg5[%dma_start3A_1691, %dma_start3A_1695] : memref<104x128xi32, #tpu.memory_space<vmem>> -> memref<1x128xi32, #tpu.memory_space<vmem>>
    %dma_start3A_1697 = tpu.memref_squeeze %dma_start3A_1696 : memref<1x128xi32, #tpu.memory_space<vmem>> -> memref<128xi32, #tpu.memory_space<vmem>>
    %dma_start3A_1698 = arith.constant 0 : i32
    %dma_start3A_1699 = arith.constant 0 : i32
    %dma_start3A_1700 = tpu.memref_slice %arg3[%dma_start3A_1698, %dma_start3A_1699] : memref<2600000x16xf32, #tpu.memory_space<hbm>> -> memref<2600000x16xf32, #tpu.memory_space<hbm>>
    tpu.enqueue_indirect_dma source(%dma_start3A_1700 : memref<2600000x16xf32, #tpu.memory_space<hbm>>) target(%dma_start3A_1694 : memref<128x16xf32, #tpu.memory_space<vmem>>) offsets(%dma_start3A_1697 : memref<128xi32, #tpu.memory_space<vmem>>) semaphore(%arg10 : memref<!tpu.dma_semaphore, #tpu.memory_space<semaphore_mem>>)
    %dma_start3A_1701 = arith.constant 99 : i32
    %dma_start3A_1702 = arith.constant 1024 : i32
    %dma_start3A_1703 = arith.constant 0 : i32
    %dma_start3A_1704 = tpu.memref_slice %arg7[%dma_start3A_1702, %dma_start3A_1703] : memref<1664x16xf32, #tpu.memory_space<vmem>> -> memref<128x16xf32, #tpu.memory_space<vmem>>
    %dma_start3A_1705 = arith.constant 0 : i32
    %dma_start3A_1706 = tpu.memref_slice %arg5[%dma_start3A_1701, %dma_start3A_1705] : memref<104x128xi32, #tpu.memory_space<vmem>> -> memref<1x128xi32, #tpu.memory_space<vmem>>
    %dma_start3A_1707 = tpu.memref_squeeze %dma_start3A_1706 : memref<1x128xi32, #tpu.memory_space<vmem>> -> memref<128xi32, #tpu.memory_space<vmem>>
    %dma_start3A_1708 = arith.constant 0 : i32
    %dma_start3A_1709 = arith.constant 0 : i32
    %dma_start3A_1710 = tpu.memref_slice %arg3[%dma_start3A_1708, %dma_start3A_1709] : memref<2600000x16xf32, #tpu.memory_space<hbm>> -> memref<2600000x16xf32, #tpu.memory_space<hbm>>
    tpu.enqueue_indirect_dma source(%dma_start3A_1710 : memref<2600000x16xf32, #tpu.memory_space<hbm>>) target(%dma_start3A_1704 : memref<128x16xf32, #tpu.memory_space<vmem>>) offsets(%dma_start3A_1707 : memref<128xi32, #tpu.memory_space<vmem>>) semaphore(%arg10 : memref<!tpu.dma_semaphore, #tpu.memory_space<semaphore_mem>>)
    %dma_start3A_1711 = arith.constant 100 : i32
    %dma_start3A_1712 = arith.constant 1152 : i32
    %dma_start3A_1713 = arith.constant 0 : i32
    %dma_start3A_1714 = tpu.memref_slice %arg7[%dma_start3A_1712, %dma_start3A_1713] : memref<1664x16xf32, #tpu.memory_space<vmem>> -> memref<128x16xf32, #tpu.memory_space<vmem>>
    %dma_start3A_1715 = arith.constant 0 : i32
    %dma_start3A_1716 = tpu.memref_slice %arg5[%dma_start3A_1711, %dma_start3A_1715] : memref<104x128xi32, #tpu.memory_space<vmem>> -> memref<1x128xi32, #tpu.memory_space<vmem>>
    %dma_start3A_1717 = tpu.memref_squeeze %dma_start3A_1716 : memref<1x128xi32, #tpu.memory_space<vmem>> -> memref<128xi32, #tpu.memory_space<vmem>>
    %dma_start3A_1718 = arith.constant 0 : i32
    %dma_start3A_1719 = arith.constant 0 : i32
    %dma_start3A_1720 = tpu.memref_slice %arg3[%dma_start3A_1718, %dma_start3A_1719] : memref<2600000x16xf32, #tpu.memory_space<hbm>> -> memref<2600000x16xf32, #tpu.memory_space<hbm>>
    tpu.enqueue_indirect_dma source(%dma_start3A_1720 : memref<2600000x16xf32, #tpu.memory_space<hbm>>) target(%dma_start3A_1714 : memref<128x16xf32, #tpu.memory_space<vmem>>) offsets(%dma_start3A_1717 : memref<128xi32, #tpu.memory_space<vmem>>) semaphore(%arg10 : memref<!tpu.dma_semaphore, #tpu.memory_space<semaphore_mem>>)
    %dma_start3A_1721 = arith.constant 101 : i32
    %dma_start3A_1722 = arith.constant 1280 : i32
    %dma_start3A_1723 = arith.constant 0 : i32
    %dma_start3A_1724 = tpu.memref_slice %arg7[%dma_start3A_1722, %dma_start3A_1723] : memref<1664x16xf32, #tpu.memory_space<vmem>> -> memref<128x16xf32, #tpu.memory_space<vmem>>
    %dma_start3A_1725 = arith.constant 0 : i32
    %dma_start3A_1726 = tpu.memref_slice %arg5[%dma_start3A_1721, %dma_start3A_1725] : memref<104x128xi32, #tpu.memory_space<vmem>> -> memref<1x128xi32, #tpu.memory_space<vmem>>
    %dma_start3A_1727 = tpu.memref_squeeze %dma_start3A_1726 : memref<1x128xi32, #tpu.memory_space<vmem>> -> memref<128xi32, #tpu.memory_space<vmem>>
    %dma_start3A_1728 = arith.constant 0 : i32
    %dma_start3A_1729 = arith.constant 0 : i32
    %dma_start3A_1730 = tpu.memref_slice %arg3[%dma_start3A_1728, %dma_start3A_1729] : memref<2600000x16xf32, #tpu.memory_space<hbm>> -> memref<2600000x16xf32, #tpu.memory_space<hbm>>
    tpu.enqueue_indirect_dma source(%dma_start3A_1730 : memref<2600000x16xf32, #tpu.memory_space<hbm>>) target(%dma_start3A_1724 : memref<128x16xf32, #tpu.memory_space<vmem>>) offsets(%dma_start3A_1727 : memref<128xi32, #tpu.memory_space<vmem>>) semaphore(%arg10 : memref<!tpu.dma_semaphore, #tpu.memory_space<semaphore_mem>>)
    %dma_start3A_1731 = arith.constant 102 : i32
    %dma_start3A_1732 = arith.constant 1408 : i32
    %dma_start3A_1733 = arith.constant 0 : i32
    %dma_start3A_1734 = tpu.memref_slice %arg7[%dma_start3A_1732, %dma_start3A_1733] : memref<1664x16xf32, #tpu.memory_space<vmem>> -> memref<128x16xf32, #tpu.memory_space<vmem>>
    %dma_start3A_1735 = arith.constant 0 : i32
    %dma_start3A_1736 = tpu.memref_slice %arg5[%dma_start3A_1731, %dma_start3A_1735] : memref<104x128xi32, #tpu.memory_space<vmem>> -> memref<1x128xi32, #tpu.memory_space<vmem>>
    %dma_start3A_1737 = tpu.memref_squeeze %dma_start3A_1736 : memref<1x128xi32, #tpu.memory_space<vmem>> -> memref<128xi32, #tpu.memory_space<vmem>>
    %dma_start3A_1738 = arith.constant 0 : i32
    %dma_start3A_1739 = arith.constant 0 : i32
    %dma_start3A_1740 = tpu.memref_slice %arg3[%dma_start3A_1738, %dma_start3A_1739] : memref<2600000x16xf32, #tpu.memory_space<hbm>> -> memref<2600000x16xf32, #tpu.memory_space<hbm>>
    tpu.enqueue_indirect_dma source(%dma_start3A_1740 : memref<2600000x16xf32, #tpu.memory_space<hbm>>) target(%dma_start3A_1734 : memref<128x16xf32, #tpu.memory_space<vmem>>) offsets(%dma_start3A_1737 : memref<128xi32, #tpu.memory_space<vmem>>) semaphore(%arg10 : memref<!tpu.dma_semaphore, #tpu.memory_space<semaphore_mem>>)
    %dma_start3A_1741 = arith.constant 103 : i32
    %dma_start3A_1742 = arith.constant 1536 : i32
    %dma_start3A_1743 = arith.constant 0 : i32
    %dma_start3A_1744 = tpu.memref_slice %arg7[%dma_start3A_1742, %dma_start3A_1743] : memref<1664x16xf32, #tpu.memory_space<vmem>> -> memref<128x16xf32, #tpu.memory_space<vmem>>
    %dma_start3A_1745 = arith.constant 0 : i32
    %dma_start3A_1746 = tpu.memref_slice %arg5[%dma_start3A_1741, %dma_start3A_1745] : memref<104x128xi32, #tpu.memory_space<vmem>> -> memref<1x128xi32, #tpu.memory_space<vmem>>
    %dma_start3A_1747 = tpu.memref_squeeze %dma_start3A_1746 : memref<1x128xi32, #tpu.memory_space<vmem>> -> memref<128xi32, #tpu.memory_space<vmem>>
    %dma_start3A_1748 = arith.constant 0 : i32
    %dma_start3A_1749 = arith.constant 0 : i32
    %dma_start3A_1750 = tpu.memref_slice %arg3[%dma_start3A_1748, %dma_start3A_1749] : memref<2600000x16xf32, #tpu.memory_space<hbm>> -> memref<2600000x16xf32, #tpu.memory_space<hbm>>
    tpu.enqueue_indirect_dma source(%dma_start3A_1750 : memref<2600000x16xf32, #tpu.memory_space<hbm>>) target(%dma_start3A_1744 : memref<128x16xf32, #tpu.memory_space<vmem>>) offsets(%dma_start3A_1747 : memref<128xi32, #tpu.memory_space<vmem>>) semaphore(%arg10 : memref<!tpu.dma_semaphore, #tpu.memory_space<semaphore_mem>>)
    %dma_wait3A_1751 = arith.constant 65 : i32
    %dma_wait3A_1752 = arith.constant 0 : i32
    %dma_wait3A_1753 = arith.constant 0 : i32
    %dma_wait3A_1754 = tpu.memref_slice %arg8[%dma_wait3A_1752, %dma_wait3A_1753] : memref<1664x16xf32, #tpu.memory_space<vmem>> -> memref<128x16xf32, #tpu.memory_space<vmem>>
    %dma_wait3A_1755 = arith.constant 0 : i32
    %dma_wait3A_1756 = tpu.memref_slice %arg5[%dma_wait3A_1751, %dma_wait3A_1755] : memref<104x128xi32, #tpu.memory_space<vmem>> -> memref<1x128xi32, #tpu.memory_space<vmem>>
    %dma_wait3A_1757 = tpu.memref_squeeze %dma_wait3A_1756 : memref<1x128xi32, #tpu.memory_space<vmem>> -> memref<128xi32, #tpu.memory_space<vmem>>
    %dma_wait3A_1758 = arith.constant 0 : i32
    %dma_wait3A_1759 = arith.constant 0 : i32
    %dma_wait3A_1760 = tpu.memref_slice %arg3[%dma_wait3A_1758, %dma_wait3A_1759] : memref<2600000x16xf32, #tpu.memory_space<hbm>> -> memref<2600000x16xf32, #tpu.memory_space<hbm>>
    tpu.wait_indirect_dma semaphore(%arg11 : memref<!tpu.dma_semaphore, #tpu.memory_space<semaphore_mem>>) src(%dma_wait3A_1760 : memref<2600000x16xf32, #tpu.memory_space<hbm>>) dst(%dma_wait3A_1754 : memref<128x16xf32, #tpu.memory_space<vmem>>)
    %dma_wait3A_1761 = arith.constant 66 : i32
    %dma_wait3A_1762 = arith.constant 128 : i32
    %dma_wait3A_1763 = arith.constant 0 : i32
    %dma_wait3A_1764 = tpu.memref_slice %arg8[%dma_wait3A_1762, %dma_wait3A_1763] : memref<1664x16xf32, #tpu.memory_space<vmem>> -> memref<128x16xf32, #tpu.memory_space<vmem>>
    %dma_wait3A_1765 = arith.constant 0 : i32
    %dma_wait3A_1766 = tpu.memref_slice %arg5[%dma_wait3A_1761, %dma_wait3A_1765] : memref<104x128xi32, #tpu.memory_space<vmem>> -> memref<1x128xi32, #tpu.memory_space<vmem>>
    %dma_wait3A_1767 = tpu.memref_squeeze %dma_wait3A_1766 : memref<1x128xi32, #tpu.memory_space<vmem>> -> memref<128xi32, #tpu.memory_space<vmem>>
    %dma_wait3A_1768 = arith.constant 0 : i32
    %dma_wait3A_1769 = arith.constant 0 : i32
    %dma_wait3A_1770 = tpu.memref_slice %arg3[%dma_wait3A_1768, %dma_wait3A_1769] : memref<2600000x16xf32, #tpu.memory_space<hbm>> -> memref<2600000x16xf32, #tpu.memory_space<hbm>>
    tpu.wait_indirect_dma semaphore(%arg11 : memref<!tpu.dma_semaphore, #tpu.memory_space<semaphore_mem>>) src(%dma_wait3A_1770 : memref<2600000x16xf32, #tpu.memory_space<hbm>>) dst(%dma_wait3A_1764 : memref<128x16xf32, #tpu.memory_space<vmem>>)
    %dma_wait3A_1771 = arith.constant 67 : i32
    %dma_wait3A_1772 = arith.constant 256 : i32
    %dma_wait3A_1773 = arith.constant 0 : i32
    %dma_wait3A_1774 = tpu.memref_slice %arg8[%dma_wait3A_1772, %dma_wait3A_1773] : memref<1664x16xf32, #tpu.memory_space<vmem>> -> memref<128x16xf32, #tpu.memory_space<vmem>>
    %dma_wait3A_1775 = arith.constant 0 : i32
    %dma_wait3A_1776 = tpu.memref_slice %arg5[%dma_wait3A_1771, %dma_wait3A_1775] : memref<104x128xi32, #tpu.memory_space<vmem>> -> memref<1x128xi32, #tpu.memory_space<vmem>>
    %dma_wait3A_1777 = tpu.memref_squeeze %dma_wait3A_1776 : memref<1x128xi32, #tpu.memory_space<vmem>> -> memref<128xi32, #tpu.memory_space<vmem>>
    %dma_wait3A_1778 = arith.constant 0 : i32
    %dma_wait3A_1779 = arith.constant 0 : i32
    %dma_wait3A_1780 = tpu.memref_slice %arg3[%dma_wait3A_1778, %dma_wait3A_1779] : memref<2600000x16xf32, #tpu.memory_space<hbm>> -> memref<2600000x16xf32, #tpu.memory_space<hbm>>
    tpu.wait_indirect_dma semaphore(%arg11 : memref<!tpu.dma_semaphore, #tpu.memory_space<semaphore_mem>>) src(%dma_wait3A_1780 : memref<2600000x16xf32, #tpu.memory_space<hbm>>) dst(%dma_wait3A_1774 : memref<128x16xf32, #tpu.memory_space<vmem>>)
    %dma_wait3A_1781 = arith.constant 68 : i32
    %dma_wait3A_1782 = arith.constant 384 : i32
    %dma_wait3A_1783 = arith.constant 0 : i32
    %dma_wait3A_1784 = tpu.memref_slice %arg8[%dma_wait3A_1782, %dma_wait3A_1783] : memref<1664x16xf32, #tpu.memory_space<vmem>> -> memref<128x16xf32, #tpu.memory_space<vmem>>
    %dma_wait3A_1785 = arith.constant 0 : i32
    %dma_wait3A_1786 = tpu.memref_slice %arg5[%dma_wait3A_1781, %dma_wait3A_1785] : memref<104x128xi32, #tpu.memory_space<vmem>> -> memref<1x128xi32, #tpu.memory_space<vmem>>
    %dma_wait3A_1787 = tpu.memref_squeeze %dma_wait3A_1786 : memref<1x128xi32, #tpu.memory_space<vmem>> -> memref<128xi32, #tpu.memory_space<vmem>>
    %dma_wait3A_1788 = arith.constant 0 : i32
    %dma_wait3A_1789 = arith.constant 0 : i32
    %dma_wait3A_1790 = tpu.memref_slice %arg3[%dma_wait3A_1788, %dma_wait3A_1789] : memref<2600000x16xf32, #tpu.memory_space<hbm>> -> memref<2600000x16xf32, #tpu.memory_space<hbm>>
    tpu.wait_indirect_dma semaphore(%arg11 : memref<!tpu.dma_semaphore, #tpu.memory_space<semaphore_mem>>) src(%dma_wait3A_1790 : memref<2600000x16xf32, #tpu.memory_space<hbm>>) dst(%dma_wait3A_1784 : memref<128x16xf32, #tpu.memory_space<vmem>>)
    %dma_wait3A_1791 = arith.constant 69 : i32
    %dma_wait3A_1792 = arith.constant 512 : i32
    %dma_wait3A_1793 = arith.constant 0 : i32
    %dma_wait3A_1794 = tpu.memref_slice %arg8[%dma_wait3A_1792, %dma_wait3A_1793] : memref<1664x16xf32, #tpu.memory_space<vmem>> -> memref<128x16xf32, #tpu.memory_space<vmem>>
    %dma_wait3A_1795 = arith.constant 0 : i32
    %dma_wait3A_1796 = tpu.memref_slice %arg5[%dma_wait3A_1791, %dma_wait3A_1795] : memref<104x128xi32, #tpu.memory_space<vmem>> -> memref<1x128xi32, #tpu.memory_space<vmem>>
    %dma_wait3A_1797 = tpu.memref_squeeze %dma_wait3A_1796 : memref<1x128xi32, #tpu.memory_space<vmem>> -> memref<128xi32, #tpu.memory_space<vmem>>
    %dma_wait3A_1798 = arith.constant 0 : i32
    %dma_wait3A_1799 = arith.constant 0 : i32
    %dma_wait3A_1800 = tpu.memref_slice %arg3[%dma_wait3A_1798, %dma_wait3A_1799] : memref<2600000x16xf32, #tpu.memory_space<hbm>> -> memref<2600000x16xf32, #tpu.memory_space<hbm>>
    tpu.wait_indirect_dma semaphore(%arg11 : memref<!tpu.dma_semaphore, #tpu.memory_space<semaphore_mem>>) src(%dma_wait3A_1800 : memref<2600000x16xf32, #tpu.memory_space<hbm>>) dst(%dma_wait3A_1794 : memref<128x16xf32, #tpu.memory_space<vmem>>)
    %dma_wait3A_1801 = arith.constant 70 : i32
    %dma_wait3A_1802 = arith.constant 640 : i32
    %dma_wait3A_1803 = arith.constant 0 : i32
    %dma_wait3A_1804 = tpu.memref_slice %arg8[%dma_wait3A_1802, %dma_wait3A_1803] : memref<1664x16xf32, #tpu.memory_space<vmem>> -> memref<128x16xf32, #tpu.memory_space<vmem>>
    %dma_wait3A_1805 = arith.constant 0 : i32
    %dma_wait3A_1806 = tpu.memref_slice %arg5[%dma_wait3A_1801, %dma_wait3A_1805] : memref<104x128xi32, #tpu.memory_space<vmem>> -> memref<1x128xi32, #tpu.memory_space<vmem>>
    %dma_wait3A_1807 = tpu.memref_squeeze %dma_wait3A_1806 : memref<1x128xi32, #tpu.memory_space<vmem>> -> memref<128xi32, #tpu.memory_space<vmem>>
    %dma_wait3A_1808 = arith.constant 0 : i32
    %dma_wait3A_1809 = arith.constant 0 : i32
    %dma_wait3A_1810 = tpu.memref_slice %arg3[%dma_wait3A_1808, %dma_wait3A_1809] : memref<2600000x16xf32, #tpu.memory_space<hbm>> -> memref<2600000x16xf32, #tpu.memory_space<hbm>>
    tpu.wait_indirect_dma semaphore(%arg11 : memref<!tpu.dma_semaphore, #tpu.memory_space<semaphore_mem>>) src(%dma_wait3A_1810 : memref<2600000x16xf32, #tpu.memory_space<hbm>>) dst(%dma_wait3A_1804 : memref<128x16xf32, #tpu.memory_space<vmem>>)
    %dma_wait3A_1811 = arith.constant 71 : i32
    %dma_wait3A_1812 = arith.constant 768 : i32
    %dma_wait3A_1813 = arith.constant 0 : i32
    %dma_wait3A_1814 = tpu.memref_slice %arg8[%dma_wait3A_1812, %dma_wait3A_1813] : memref<1664x16xf32, #tpu.memory_space<vmem>> -> memref<128x16xf32, #tpu.memory_space<vmem>>
    %dma_wait3A_1815 = arith.constant 0 : i32
    %dma_wait3A_1816 = tpu.memref_slice %arg5[%dma_wait3A_1811, %dma_wait3A_1815] : memref<104x128xi32, #tpu.memory_space<vmem>> -> memref<1x128xi32, #tpu.memory_space<vmem>>
    %dma_wait3A_1817 = tpu.memref_squeeze %dma_wait3A_1816 : memref<1x128xi32, #tpu.memory_space<vmem>> -> memref<128xi32, #tpu.memory_space<vmem>>
    %dma_wait3A_1818 = arith.constant 0 : i32
    %dma_wait3A_1819 = arith.constant 0 : i32
    %dma_wait3A_1820 = tpu.memref_slice %arg3[%dma_wait3A_1818, %dma_wait3A_1819] : memref<2600000x16xf32, #tpu.memory_space<hbm>> -> memref<2600000x16xf32, #tpu.memory_space<hbm>>
    tpu.wait_indirect_dma semaphore(%arg11 : memref<!tpu.dma_semaphore, #tpu.memory_space<semaphore_mem>>) src(%dma_wait3A_1820 : memref<2600000x16xf32, #tpu.memory_space<hbm>>) dst(%dma_wait3A_1814 : memref<128x16xf32, #tpu.memory_space<vmem>>)
    %dma_wait3A_1821 = arith.constant 72 : i32
    %dma_wait3A_1822 = arith.constant 896 : i32
    %dma_wait3A_1823 = arith.constant 0 : i32
    %dma_wait3A_1824 = tpu.memref_slice %arg8[%dma_wait3A_1822, %dma_wait3A_1823] : memref<1664x16xf32, #tpu.memory_space<vmem>> -> memref<128x16xf32, #tpu.memory_space<vmem>>
    %dma_wait3A_1825 = arith.constant 0 : i32
    %dma_wait3A_1826 = tpu.memref_slice %arg5[%dma_wait3A_1821, %dma_wait3A_1825] : memref<104x128xi32, #tpu.memory_space<vmem>> -> memref<1x128xi32, #tpu.memory_space<vmem>>
    %dma_wait3A_1827 = tpu.memref_squeeze %dma_wait3A_1826 : memref<1x128xi32, #tpu.memory_space<vmem>> -> memref<128xi32, #tpu.memory_space<vmem>>
    %dma_wait3A_1828 = arith.constant 0 : i32
    %dma_wait3A_1829 = arith.constant 0 : i32
    %dma_wait3A_1830 = tpu.memref_slice %arg3[%dma_wait3A_1828, %dma_wait3A_1829] : memref<2600000x16xf32, #tpu.memory_space<hbm>> -> memref<2600000x16xf32, #tpu.memory_space<hbm>>
    tpu.wait_indirect_dma semaphore(%arg11 : memref<!tpu.dma_semaphore, #tpu.memory_space<semaphore_mem>>) src(%dma_wait3A_1830 : memref<2600000x16xf32, #tpu.memory_space<hbm>>) dst(%dma_wait3A_1824 : memref<128x16xf32, #tpu.memory_space<vmem>>)
    %dma_wait3A_1831 = arith.constant 73 : i32
    %dma_wait3A_1832 = arith.constant 1024 : i32
    %dma_wait3A_1833 = arith.constant 0 : i32
    %dma_wait3A_1834 = tpu.memref_slice %arg8[%dma_wait3A_1832, %dma_wait3A_1833] : memref<1664x16xf32, #tpu.memory_space<vmem>> -> memref<128x16xf32, #tpu.memory_space<vmem>>
    %dma_wait3A_1835 = arith.constant 0 : i32
    %dma_wait3A_1836 = tpu.memref_slice %arg5[%dma_wait3A_1831, %dma_wait3A_1835] : memref<104x128xi32, #tpu.memory_space<vmem>> -> memref<1x128xi32, #tpu.memory_space<vmem>>
    %dma_wait3A_1837 = tpu.memref_squeeze %dma_wait3A_1836 : memref<1x128xi32, #tpu.memory_space<vmem>> -> memref<128xi32, #tpu.memory_space<vmem>>
    %dma_wait3A_1838 = arith.constant 0 : i32
    %dma_wait3A_1839 = arith.constant 0 : i32
    %dma_wait3A_1840 = tpu.memref_slice %arg3[%dma_wait3A_1838, %dma_wait3A_1839] : memref<2600000x16xf32, #tpu.memory_space<hbm>> -> memref<2600000x16xf32, #tpu.memory_space<hbm>>
    tpu.wait_indirect_dma semaphore(%arg11 : memref<!tpu.dma_semaphore, #tpu.memory_space<semaphore_mem>>) src(%dma_wait3A_1840 : memref<2600000x16xf32, #tpu.memory_space<hbm>>) dst(%dma_wait3A_1834 : memref<128x16xf32, #tpu.memory_space<vmem>>)
    %dma_wait3A_1841 = arith.constant 74 : i32
    %dma_wait3A_1842 = arith.constant 1152 : i32
    %dma_wait3A_1843 = arith.constant 0 : i32
    %dma_wait3A_1844 = tpu.memref_slice %arg8[%dma_wait3A_1842, %dma_wait3A_1843] : memref<1664x16xf32, #tpu.memory_space<vmem>> -> memref<128x16xf32, #tpu.memory_space<vmem>>
    %dma_wait3A_1845 = arith.constant 0 : i32
    %dma_wait3A_1846 = tpu.memref_slice %arg5[%dma_wait3A_1841, %dma_wait3A_1845] : memref<104x128xi32, #tpu.memory_space<vmem>> -> memref<1x128xi32, #tpu.memory_space<vmem>>
    %dma_wait3A_1847 = tpu.memref_squeeze %dma_wait3A_1846 : memref<1x128xi32, #tpu.memory_space<vmem>> -> memref<128xi32, #tpu.memory_space<vmem>>
    %dma_wait3A_1848 = arith.constant 0 : i32
    %dma_wait3A_1849 = arith.constant 0 : i32
    %dma_wait3A_1850 = tpu.memref_slice %arg3[%dma_wait3A_1848, %dma_wait3A_1849] : memref<2600000x16xf32, #tpu.memory_space<hbm>> -> memref<2600000x16xf32, #tpu.memory_space<hbm>>
    tpu.wait_indirect_dma semaphore(%arg11 : memref<!tpu.dma_semaphore, #tpu.memory_space<semaphore_mem>>) src(%dma_wait3A_1850 : memref<2600000x16xf32, #tpu.memory_space<hbm>>) dst(%dma_wait3A_1844 : memref<128x16xf32, #tpu.memory_space<vmem>>)
    %dma_wait3A_1851 = arith.constant 75 : i32
    %dma_wait3A_1852 = arith.constant 1280 : i32
    %dma_wait3A_1853 = arith.constant 0 : i32
    %dma_wait3A_1854 = tpu.memref_slice %arg8[%dma_wait3A_1852, %dma_wait3A_1853] : memref<1664x16xf32, #tpu.memory_space<vmem>> -> memref<128x16xf32, #tpu.memory_space<vmem>>
    %dma_wait3A_1855 = arith.constant 0 : i32
    %dma_wait3A_1856 = tpu.memref_slice %arg5[%dma_wait3A_1851, %dma_wait3A_1855] : memref<104x128xi32, #tpu.memory_space<vmem>> -> memref<1x128xi32, #tpu.memory_space<vmem>>
    %dma_wait3A_1857 = tpu.memref_squeeze %dma_wait3A_1856 : memref<1x128xi32, #tpu.memory_space<vmem>> -> memref<128xi32, #tpu.memory_space<vmem>>
    %dma_wait3A_1858 = arith.constant 0 : i32
    %dma_wait3A_1859 = arith.constant 0 : i32
    %dma_wait3A_1860 = tpu.memref_slice %arg3[%dma_wait3A_1858, %dma_wait3A_1859] : memref<2600000x16xf32, #tpu.memory_space<hbm>> -> memref<2600000x16xf32, #tpu.memory_space<hbm>>
    tpu.wait_indirect_dma semaphore(%arg11 : memref<!tpu.dma_semaphore, #tpu.memory_space<semaphore_mem>>) src(%dma_wait3A_1860 : memref<2600000x16xf32, #tpu.memory_space<hbm>>) dst(%dma_wait3A_1854 : memref<128x16xf32, #tpu.memory_space<vmem>>)
    %dma_wait3A_1861 = arith.constant 76 : i32
    %dma_wait3A_1862 = arith.constant 1408 : i32
    %dma_wait3A_1863 = arith.constant 0 : i32
    %dma_wait3A_1864 = tpu.memref_slice %arg8[%dma_wait3A_1862, %dma_wait3A_1863] : memref<1664x16xf32, #tpu.memory_space<vmem>> -> memref<128x16xf32, #tpu.memory_space<vmem>>
    %dma_wait3A_1865 = arith.constant 0 : i32
    %dma_wait3A_1866 = tpu.memref_slice %arg5[%dma_wait3A_1861, %dma_wait3A_1865] : memref<104x128xi32, #tpu.memory_space<vmem>> -> memref<1x128xi32, #tpu.memory_space<vmem>>
    %dma_wait3A_1867 = tpu.memref_squeeze %dma_wait3A_1866 : memref<1x128xi32, #tpu.memory_space<vmem>> -> memref<128xi32, #tpu.memory_space<vmem>>
    %dma_wait3A_1868 = arith.constant 0 : i32
    %dma_wait3A_1869 = arith.constant 0 : i32
    %dma_wait3A_1870 = tpu.memref_slice %arg3[%dma_wait3A_1868, %dma_wait3A_1869] : memref<2600000x16xf32, #tpu.memory_space<hbm>> -> memref<2600000x16xf32, #tpu.memory_space<hbm>>
    tpu.wait_indirect_dma semaphore(%arg11 : memref<!tpu.dma_semaphore, #tpu.memory_space<semaphore_mem>>) src(%dma_wait3A_1870 : memref<2600000x16xf32, #tpu.memory_space<hbm>>) dst(%dma_wait3A_1864 : memref<128x16xf32, #tpu.memory_space<vmem>>)
    %dma_wait3A_1871 = arith.constant 77 : i32
    %dma_wait3A_1872 = arith.constant 1536 : i32
    %dma_wait3A_1873 = arith.constant 0 : i32
    %dma_wait3A_1874 = tpu.memref_slice %arg8[%dma_wait3A_1872, %dma_wait3A_1873] : memref<1664x16xf32, #tpu.memory_space<vmem>> -> memref<128x16xf32, #tpu.memory_space<vmem>>
    %dma_wait3A_1875 = arith.constant 0 : i32
    %dma_wait3A_1876 = tpu.memref_slice %arg5[%dma_wait3A_1871, %dma_wait3A_1875] : memref<104x128xi32, #tpu.memory_space<vmem>> -> memref<1x128xi32, #tpu.memory_space<vmem>>
    %dma_wait3A_1877 = tpu.memref_squeeze %dma_wait3A_1876 : memref<1x128xi32, #tpu.memory_space<vmem>> -> memref<128xi32, #tpu.memory_space<vmem>>
    %dma_wait3A_1878 = arith.constant 0 : i32
    %dma_wait3A_1879 = arith.constant 0 : i32
    %dma_wait3A_1880 = tpu.memref_slice %arg3[%dma_wait3A_1878, %dma_wait3A_1879] : memref<2600000x16xf32, #tpu.memory_space<hbm>> -> memref<2600000x16xf32, #tpu.memory_space<hbm>>
    tpu.wait_indirect_dma semaphore(%arg11 : memref<!tpu.dma_semaphore, #tpu.memory_space<semaphore_mem>>) src(%dma_wait3A_1880 : memref<2600000x16xf32, #tpu.memory_space<hbm>>) dst(%dma_wait3A_1874 : memref<128x16xf32, #tpu.memory_space<vmem>>)
    %add3A_1881 = arith.constant 65 : i32
    %add3A_1882 = arith.addi %mul3A_2, %add3A_1881 : i32
    %mul3A_1883 = arith.constant 128 : i32
    %mul3A_1884 = arith.muli %add3A_1882, %mul3A_1883 : i32
    %dma_start3A_1885 = arith.constant 0 : i32
    %dma_start3A_1886 = tpu.memref_slice %arg4[%mul3A_1884, %dma_start3A_1885] : memref<425984x16xf32, #tpu.memory_space<hbm>> -> memref<1664x16xf32, #tpu.memory_space<hbm>>
    %dma_start3A_1887 = arith.constant 0 : i32
    %dma_start3A_1888 = tpu.memref_slice %arg4[%mul3A_1884, %dma_start3A_1887] : memref<425984x16xf32, #tpu.memory_space<hbm>> -> memref<1664x16xf32, #tpu.memory_space<hbm>>
    tpu.enqueue_dma source(%arg8 : memref<1664x16xf32, #tpu.memory_space<vmem>>) target(%dma_start3A_1888 : memref<1664x16xf32, #tpu.memory_space<hbm>>) target_semaphore(%arg14 : memref<!tpu.dma_semaphore, #tpu.memory_space<semaphore_mem>>)
    %dma_wait3A_1889 = arith.constant 78 : i32
    %dma_wait3A_1890 = arith.constant 0 : i32
    %dma_wait3A_1891 = arith.constant 0 : i32
    %dma_wait3A_1892 = tpu.memref_slice %arg6[%dma_wait3A_1890, %dma_wait3A_1891] : memref<1664x16xf32, #tpu.memory_space<vmem>> -> memref<128x16xf32, #tpu.memory_space<vmem>>
    %dma_wait3A_1893 = arith.constant 0 : i32
    %dma_wait3A_1894 = tpu.memref_slice %arg5[%dma_wait3A_1889, %dma_wait3A_1893] : memref<104x128xi32, #tpu.memory_space<vmem>> -> memref<1x128xi32, #tpu.memory_space<vmem>>
    %dma_wait3A_1895 = tpu.memref_squeeze %dma_wait3A_1894 : memref<1x128xi32, #tpu.memory_space<vmem>> -> memref<128xi32, #tpu.memory_space<vmem>>
    %dma_wait3A_1896 = arith.constant 0 : i32
    %dma_wait3A_1897 = arith.constant 0 : i32
    %dma_wait3A_1898 = tpu.memref_slice %arg3[%dma_wait3A_1896, %dma_wait3A_1897] : memref<2600000x16xf32, #tpu.memory_space<hbm>> -> memref<2600000x16xf32, #tpu.memory_space<hbm>>
    tpu.wait_indirect_dma semaphore(%arg9 : memref<!tpu.dma_semaphore, #tpu.memory_space<semaphore_mem>>) src(%dma_wait3A_1898 : memref<2600000x16xf32, #tpu.memory_space<hbm>>) dst(%dma_wait3A_1892 : memref<128x16xf32, #tpu.memory_space<vmem>>)
    %dma_wait3A_1899 = arith.constant 79 : i32
    %dma_wait3A_1900 = arith.constant 128 : i32
    %dma_wait3A_1901 = arith.constant 0 : i32
    %dma_wait3A_1902 = tpu.memref_slice %arg6[%dma_wait3A_1900, %dma_wait3A_1901] : memref<1664x16xf32, #tpu.memory_space<vmem>> -> memref<128x16xf32, #tpu.memory_space<vmem>>
    %dma_wait3A_1903 = arith.constant 0 : i32
    %dma_wait3A_1904 = tpu.memref_slice %arg5[%dma_wait3A_1899, %dma_wait3A_1903] : memref<104x128xi32, #tpu.memory_space<vmem>> -> memref<1x128xi32, #tpu.memory_space<vmem>>
    %dma_wait3A_1905 = tpu.memref_squeeze %dma_wait3A_1904 : memref<1x128xi32, #tpu.memory_space<vmem>> -> memref<128xi32, #tpu.memory_space<vmem>>
    %dma_wait3A_1906 = arith.constant 0 : i32
    %dma_wait3A_1907 = arith.constant 0 : i32
    %dma_wait3A_1908 = tpu.memref_slice %arg3[%dma_wait3A_1906, %dma_wait3A_1907] : memref<2600000x16xf32, #tpu.memory_space<hbm>> -> memref<2600000x16xf32, #tpu.memory_space<hbm>>
    tpu.wait_indirect_dma semaphore(%arg9 : memref<!tpu.dma_semaphore, #tpu.memory_space<semaphore_mem>>) src(%dma_wait3A_1908 : memref<2600000x16xf32, #tpu.memory_space<hbm>>) dst(%dma_wait3A_1902 : memref<128x16xf32, #tpu.memory_space<vmem>>)
    %dma_wait3A_1909 = arith.constant 80 : i32
    %dma_wait3A_1910 = arith.constant 256 : i32
    %dma_wait3A_1911 = arith.constant 0 : i32
    %dma_wait3A_1912 = tpu.memref_slice %arg6[%dma_wait3A_1910, %dma_wait3A_1911] : memref<1664x16xf32, #tpu.memory_space<vmem>> -> memref<128x16xf32, #tpu.memory_space<vmem>>
    %dma_wait3A_1913 = arith.constant 0 : i32
    %dma_wait3A_1914 = tpu.memref_slice %arg5[%dma_wait3A_1909, %dma_wait3A_1913] : memref<104x128xi32, #tpu.memory_space<vmem>> -> memref<1x128xi32, #tpu.memory_space<vmem>>
    %dma_wait3A_1915 = tpu.memref_squeeze %dma_wait3A_1914 : memref<1x128xi32, #tpu.memory_space<vmem>> -> memref<128xi32, #tpu.memory_space<vmem>>
    %dma_wait3A_1916 = arith.constant 0 : i32
    %dma_wait3A_1917 = arith.constant 0 : i32
    %dma_wait3A_1918 = tpu.memref_slice %arg3[%dma_wait3A_1916, %dma_wait3A_1917] : memref<2600000x16xf32, #tpu.memory_space<hbm>> -> memref<2600000x16xf32, #tpu.memory_space<hbm>>
    tpu.wait_indirect_dma semaphore(%arg9 : memref<!tpu.dma_semaphore, #tpu.memory_space<semaphore_mem>>) src(%dma_wait3A_1918 : memref<2600000x16xf32, #tpu.memory_space<hbm>>) dst(%dma_wait3A_1912 : memref<128x16xf32, #tpu.memory_space<vmem>>)
    %dma_wait3A_1919 = arith.constant 81 : i32
    %dma_wait3A_1920 = arith.constant 384 : i32
    %dma_wait3A_1921 = arith.constant 0 : i32
    %dma_wait3A_1922 = tpu.memref_slice %arg6[%dma_wait3A_1920, %dma_wait3A_1921] : memref<1664x16xf32, #tpu.memory_space<vmem>> -> memref<128x16xf32, #tpu.memory_space<vmem>>
    %dma_wait3A_1923 = arith.constant 0 : i32
    %dma_wait3A_1924 = tpu.memref_slice %arg5[%dma_wait3A_1919, %dma_wait3A_1923] : memref<104x128xi32, #tpu.memory_space<vmem>> -> memref<1x128xi32, #tpu.memory_space<vmem>>
    %dma_wait3A_1925 = tpu.memref_squeeze %dma_wait3A_1924 : memref<1x128xi32, #tpu.memory_space<vmem>> -> memref<128xi32, #tpu.memory_space<vmem>>
    %dma_wait3A_1926 = arith.constant 0 : i32
    %dma_wait3A_1927 = arith.constant 0 : i32
    %dma_wait3A_1928 = tpu.memref_slice %arg3[%dma_wait3A_1926, %dma_wait3A_1927] : memref<2600000x16xf32, #tpu.memory_space<hbm>> -> memref<2600000x16xf32, #tpu.memory_space<hbm>>
    tpu.wait_indirect_dma semaphore(%arg9 : memref<!tpu.dma_semaphore, #tpu.memory_space<semaphore_mem>>) src(%dma_wait3A_1928 : memref<2600000x16xf32, #tpu.memory_space<hbm>>) dst(%dma_wait3A_1922 : memref<128x16xf32, #tpu.memory_space<vmem>>)
    %dma_wait3A_1929 = arith.constant 82 : i32
    %dma_wait3A_1930 = arith.constant 512 : i32
    %dma_wait3A_1931 = arith.constant 0 : i32
    %dma_wait3A_1932 = tpu.memref_slice %arg6[%dma_wait3A_1930, %dma_wait3A_1931] : memref<1664x16xf32, #tpu.memory_space<vmem>> -> memref<128x16xf32, #tpu.memory_space<vmem>>
    %dma_wait3A_1933 = arith.constant 0 : i32
    %dma_wait3A_1934 = tpu.memref_slice %arg5[%dma_wait3A_1929, %dma_wait3A_1933] : memref<104x128xi32, #tpu.memory_space<vmem>> -> memref<1x128xi32, #tpu.memory_space<vmem>>
    %dma_wait3A_1935 = tpu.memref_squeeze %dma_wait3A_1934 : memref<1x128xi32, #tpu.memory_space<vmem>> -> memref<128xi32, #tpu.memory_space<vmem>>
    %dma_wait3A_1936 = arith.constant 0 : i32
    %dma_wait3A_1937 = arith.constant 0 : i32
    %dma_wait3A_1938 = tpu.memref_slice %arg3[%dma_wait3A_1936, %dma_wait3A_1937] : memref<2600000x16xf32, #tpu.memory_space<hbm>> -> memref<2600000x16xf32, #tpu.memory_space<hbm>>
    tpu.wait_indirect_dma semaphore(%arg9 : memref<!tpu.dma_semaphore, #tpu.memory_space<semaphore_mem>>) src(%dma_wait3A_1938 : memref<2600000x16xf32, #tpu.memory_space<hbm>>) dst(%dma_wait3A_1932 : memref<128x16xf32, #tpu.memory_space<vmem>>)
    %dma_wait3A_1939 = arith.constant 83 : i32
    %dma_wait3A_1940 = arith.constant 640 : i32
    %dma_wait3A_1941 = arith.constant 0 : i32
    %dma_wait3A_1942 = tpu.memref_slice %arg6[%dma_wait3A_1940, %dma_wait3A_1941] : memref<1664x16xf32, #tpu.memory_space<vmem>> -> memref<128x16xf32, #tpu.memory_space<vmem>>
    %dma_wait3A_1943 = arith.constant 0 : i32
    %dma_wait3A_1944 = tpu.memref_slice %arg5[%dma_wait3A_1939, %dma_wait3A_1943] : memref<104x128xi32, #tpu.memory_space<vmem>> -> memref<1x128xi32, #tpu.memory_space<vmem>>
    %dma_wait3A_1945 = tpu.memref_squeeze %dma_wait3A_1944 : memref<1x128xi32, #tpu.memory_space<vmem>> -> memref<128xi32, #tpu.memory_space<vmem>>
    %dma_wait3A_1946 = arith.constant 0 : i32
    %dma_wait3A_1947 = arith.constant 0 : i32
    %dma_wait3A_1948 = tpu.memref_slice %arg3[%dma_wait3A_1946, %dma_wait3A_1947] : memref<2600000x16xf32, #tpu.memory_space<hbm>> -> memref<2600000x16xf32, #tpu.memory_space<hbm>>
    tpu.wait_indirect_dma semaphore(%arg9 : memref<!tpu.dma_semaphore, #tpu.memory_space<semaphore_mem>>) src(%dma_wait3A_1948 : memref<2600000x16xf32, #tpu.memory_space<hbm>>) dst(%dma_wait3A_1942 : memref<128x16xf32, #tpu.memory_space<vmem>>)
    %dma_wait3A_1949 = arith.constant 84 : i32
    %dma_wait3A_1950 = arith.constant 768 : i32
    %dma_wait3A_1951 = arith.constant 0 : i32
    %dma_wait3A_1952 = tpu.memref_slice %arg6[%dma_wait3A_1950, %dma_wait3A_1951] : memref<1664x16xf32, #tpu.memory_space<vmem>> -> memref<128x16xf32, #tpu.memory_space<vmem>>
    %dma_wait3A_1953 = arith.constant 0 : i32
    %dma_wait3A_1954 = tpu.memref_slice %arg5[%dma_wait3A_1949, %dma_wait3A_1953] : memref<104x128xi32, #tpu.memory_space<vmem>> -> memref<1x128xi32, #tpu.memory_space<vmem>>
    %dma_wait3A_1955 = tpu.memref_squeeze %dma_wait3A_1954 : memref<1x128xi32, #tpu.memory_space<vmem>> -> memref<128xi32, #tpu.memory_space<vmem>>
    %dma_wait3A_1956 = arith.constant 0 : i32
    %dma_wait3A_1957 = arith.constant 0 : i32
    %dma_wait3A_1958 = tpu.memref_slice %arg3[%dma_wait3A_1956, %dma_wait3A_1957] : memref<2600000x16xf32, #tpu.memory_space<hbm>> -> memref<2600000x16xf32, #tpu.memory_space<hbm>>
    tpu.wait_indirect_dma semaphore(%arg9 : memref<!tpu.dma_semaphore, #tpu.memory_space<semaphore_mem>>) src(%dma_wait3A_1958 : memref<2600000x16xf32, #tpu.memory_space<hbm>>) dst(%dma_wait3A_1952 : memref<128x16xf32, #tpu.memory_space<vmem>>)
    %dma_wait3A_1959 = arith.constant 85 : i32
    %dma_wait3A_1960 = arith.constant 896 : i32
    %dma_wait3A_1961 = arith.constant 0 : i32
    %dma_wait3A_1962 = tpu.memref_slice %arg6[%dma_wait3A_1960, %dma_wait3A_1961] : memref<1664x16xf32, #tpu.memory_space<vmem>> -> memref<128x16xf32, #tpu.memory_space<vmem>>
    %dma_wait3A_1963 = arith.constant 0 : i32
    %dma_wait3A_1964 = tpu.memref_slice %arg5[%dma_wait3A_1959, %dma_wait3A_1963] : memref<104x128xi32, #tpu.memory_space<vmem>> -> memref<1x128xi32, #tpu.memory_space<vmem>>
    %dma_wait3A_1965 = tpu.memref_squeeze %dma_wait3A_1964 : memref<1x128xi32, #tpu.memory_space<vmem>> -> memref<128xi32, #tpu.memory_space<vmem>>
    %dma_wait3A_1966 = arith.constant 0 : i32
    %dma_wait3A_1967 = arith.constant 0 : i32
    %dma_wait3A_1968 = tpu.memref_slice %arg3[%dma_wait3A_1966, %dma_wait3A_1967] : memref<2600000x16xf32, #tpu.memory_space<hbm>> -> memref<2600000x16xf32, #tpu.memory_space<hbm>>
    tpu.wait_indirect_dma semaphore(%arg9 : memref<!tpu.dma_semaphore, #tpu.memory_space<semaphore_mem>>) src(%dma_wait3A_1968 : memref<2600000x16xf32, #tpu.memory_space<hbm>>) dst(%dma_wait3A_1962 : memref<128x16xf32, #tpu.memory_space<vmem>>)
    %dma_wait3A_1969 = arith.constant 86 : i32
    %dma_wait3A_1970 = arith.constant 1024 : i32
    %dma_wait3A_1971 = arith.constant 0 : i32
    %dma_wait3A_1972 = tpu.memref_slice %arg6[%dma_wait3A_1970, %dma_wait3A_1971] : memref<1664x16xf32, #tpu.memory_space<vmem>> -> memref<128x16xf32, #tpu.memory_space<vmem>>
    %dma_wait3A_1973 = arith.constant 0 : i32
    %dma_wait3A_1974 = tpu.memref_slice %arg5[%dma_wait3A_1969, %dma_wait3A_1973] : memref<104x128xi32, #tpu.memory_space<vmem>> -> memref<1x128xi32, #tpu.memory_space<vmem>>
    %dma_wait3A_1975 = tpu.memref_squeeze %dma_wait3A_1974 : memref<1x128xi32, #tpu.memory_space<vmem>> -> memref<128xi32, #tpu.memory_space<vmem>>
    %dma_wait3A_1976 = arith.constant 0 : i32
    %dma_wait3A_1977 = arith.constant 0 : i32
    %dma_wait3A_1978 = tpu.memref_slice %arg3[%dma_wait3A_1976, %dma_wait3A_1977] : memref<2600000x16xf32, #tpu.memory_space<hbm>> -> memref<2600000x16xf32, #tpu.memory_space<hbm>>
    tpu.wait_indirect_dma semaphore(%arg9 : memref<!tpu.dma_semaphore, #tpu.memory_space<semaphore_mem>>) src(%dma_wait3A_1978 : memref<2600000x16xf32, #tpu.memory_space<hbm>>) dst(%dma_wait3A_1972 : memref<128x16xf32, #tpu.memory_space<vmem>>)
    %dma_wait3A_1979 = arith.constant 87 : i32
    %dma_wait3A_1980 = arith.constant 1152 : i32
    %dma_wait3A_1981 = arith.constant 0 : i32
    %dma_wait3A_1982 = tpu.memref_slice %arg6[%dma_wait3A_1980, %dma_wait3A_1981] : memref<1664x16xf32, #tpu.memory_space<vmem>> -> memref<128x16xf32, #tpu.memory_space<vmem>>
    %dma_wait3A_1983 = arith.constant 0 : i32
    %dma_wait3A_1984 = tpu.memref_slice %arg5[%dma_wait3A_1979, %dma_wait3A_1983] : memref<104x128xi32, #tpu.memory_space<vmem>> -> memref<1x128xi32, #tpu.memory_space<vmem>>
    %dma_wait3A_1985 = tpu.memref_squeeze %dma_wait3A_1984 : memref<1x128xi32, #tpu.memory_space<vmem>> -> memref<128xi32, #tpu.memory_space<vmem>>
    %dma_wait3A_1986 = arith.constant 0 : i32
    %dma_wait3A_1987 = arith.constant 0 : i32
    %dma_wait3A_1988 = tpu.memref_slice %arg3[%dma_wait3A_1986, %dma_wait3A_1987] : memref<2600000x16xf32, #tpu.memory_space<hbm>> -> memref<2600000x16xf32, #tpu.memory_space<hbm>>
    tpu.wait_indirect_dma semaphore(%arg9 : memref<!tpu.dma_semaphore, #tpu.memory_space<semaphore_mem>>) src(%dma_wait3A_1988 : memref<2600000x16xf32, #tpu.memory_space<hbm>>) dst(%dma_wait3A_1982 : memref<128x16xf32, #tpu.memory_space<vmem>>)
    %dma_wait3A_1989 = arith.constant 88 : i32
    %dma_wait3A_1990 = arith.constant 1280 : i32
    %dma_wait3A_1991 = arith.constant 0 : i32
    %dma_wait3A_1992 = tpu.memref_slice %arg6[%dma_wait3A_1990, %dma_wait3A_1991] : memref<1664x16xf32, #tpu.memory_space<vmem>> -> memref<128x16xf32, #tpu.memory_space<vmem>>
    %dma_wait3A_1993 = arith.constant 0 : i32
    %dma_wait3A_1994 = tpu.memref_slice %arg5[%dma_wait3A_1989, %dma_wait3A_1993] : memref<104x128xi32, #tpu.memory_space<vmem>> -> memref<1x128xi32, #tpu.memory_space<vmem>>
    %dma_wait3A_1995 = tpu.memref_squeeze %dma_wait3A_1994 : memref<1x128xi32, #tpu.memory_space<vmem>> -> memref<128xi32, #tpu.memory_space<vmem>>
    %dma_wait3A_1996 = arith.constant 0 : i32
    %dma_wait3A_1997 = arith.constant 0 : i32
    %dma_wait3A_1998 = tpu.memref_slice %arg3[%dma_wait3A_1996, %dma_wait3A_1997] : memref<2600000x16xf32, #tpu.memory_space<hbm>> -> memref<2600000x16xf32, #tpu.memory_space<hbm>>
    tpu.wait_indirect_dma semaphore(%arg9 : memref<!tpu.dma_semaphore, #tpu.memory_space<semaphore_mem>>) src(%dma_wait3A_1998 : memref<2600000x16xf32, #tpu.memory_space<hbm>>) dst(%dma_wait3A_1992 : memref<128x16xf32, #tpu.memory_space<vmem>>)
    %dma_wait3A_1999 = arith.constant 89 : i32
    %dma_wait3A_2000 = arith.constant 1408 : i32
    %dma_wait3A_2001 = arith.constant 0 : i32
    %dma_wait3A_2002 = tpu.memref_slice %arg6[%dma_wait3A_2000, %dma_wait3A_2001] : memref<1664x16xf32, #tpu.memory_space<vmem>> -> memref<128x16xf32, #tpu.memory_space<vmem>>
    %dma_wait3A_2003 = arith.constant 0 : i32
    %dma_wait3A_2004 = tpu.memref_slice %arg5[%dma_wait3A_1999, %dma_wait3A_2003] : memref<104x128xi32, #tpu.memory_space<vmem>> -> memref<1x128xi32, #tpu.memory_space<vmem>>
    %dma_wait3A_2005 = tpu.memref_squeeze %dma_wait3A_2004 : memref<1x128xi32, #tpu.memory_space<vmem>> -> memref<128xi32, #tpu.memory_space<vmem>>
    %dma_wait3A_2006 = arith.constant 0 : i32
    %dma_wait3A_2007 = arith.constant 0 : i32
    %dma_wait3A_2008 = tpu.memref_slice %arg3[%dma_wait3A_2006, %dma_wait3A_2007] : memref<2600000x16xf32, #tpu.memory_space<hbm>> -> memref<2600000x16xf32, #tpu.memory_space<hbm>>
    tpu.wait_indirect_dma semaphore(%arg9 : memref<!tpu.dma_semaphore, #tpu.memory_space<semaphore_mem>>) src(%dma_wait3A_2008 : memref<2600000x16xf32, #tpu.memory_space<hbm>>) dst(%dma_wait3A_2002 : memref<128x16xf32, #tpu.memory_space<vmem>>)
    %dma_wait3A_2009 = arith.constant 90 : i32
    %dma_wait3A_2010 = arith.constant 1536 : i32
    %dma_wait3A_2011 = arith.constant 0 : i32
    %dma_wait3A_2012 = tpu.memref_slice %arg6[%dma_wait3A_2010, %dma_wait3A_2011] : memref<1664x16xf32, #tpu.memory_space<vmem>> -> memref<128x16xf32, #tpu.memory_space<vmem>>
    %dma_wait3A_2013 = arith.constant 0 : i32
    %dma_wait3A_2014 = tpu.memref_slice %arg5[%dma_wait3A_2009, %dma_wait3A_2013] : memref<104x128xi32, #tpu.memory_space<vmem>> -> memref<1x128xi32, #tpu.memory_space<vmem>>
    %dma_wait3A_2015 = tpu.memref_squeeze %dma_wait3A_2014 : memref<1x128xi32, #tpu.memory_space<vmem>> -> memref<128xi32, #tpu.memory_space<vmem>>
    %dma_wait3A_2016 = arith.constant 0 : i32
    %dma_wait3A_2017 = arith.constant 0 : i32
    %dma_wait3A_2018 = tpu.memref_slice %arg3[%dma_wait3A_2016, %dma_wait3A_2017] : memref<2600000x16xf32, #tpu.memory_space<hbm>> -> memref<2600000x16xf32, #tpu.memory_space<hbm>>
    tpu.wait_indirect_dma semaphore(%arg9 : memref<!tpu.dma_semaphore, #tpu.memory_space<semaphore_mem>>) src(%dma_wait3A_2018 : memref<2600000x16xf32, #tpu.memory_space<hbm>>) dst(%dma_wait3A_2012 : memref<128x16xf32, #tpu.memory_space<vmem>>)
    %add3A_2019 = arith.constant 78 : i32
    %add3A_2020 = arith.addi %mul3A_2, %add3A_2019 : i32
    %mul3A_2021 = arith.constant 128 : i32
    %mul3A_2022 = arith.muli %add3A_2020, %mul3A_2021 : i32
    %dma_start3A_2023 = arith.constant 0 : i32
    %dma_start3A_2024 = tpu.memref_slice %arg4[%mul3A_2022, %dma_start3A_2023] : memref<425984x16xf32, #tpu.memory_space<hbm>> -> memref<1664x16xf32, #tpu.memory_space<hbm>>
    %dma_start3A_2025 = arith.constant 0 : i32
    %dma_start3A_2026 = tpu.memref_slice %arg4[%mul3A_2022, %dma_start3A_2025] : memref<425984x16xf32, #tpu.memory_space<hbm>> -> memref<1664x16xf32, #tpu.memory_space<hbm>>
    tpu.enqueue_dma source(%arg6 : memref<1664x16xf32, #tpu.memory_space<vmem>>) target(%dma_start3A_2026 : memref<1664x16xf32, #tpu.memory_space<hbm>>) target_semaphore(%arg12 : memref<!tpu.dma_semaphore, #tpu.memory_space<semaphore_mem>>)
    %dma_wait3A_2027 = arith.constant 91 : i32
    %dma_wait3A_2028 = arith.constant 0 : i32
    %dma_wait3A_2029 = arith.constant 0 : i32
    %dma_wait3A_2030 = tpu.memref_slice %arg7[%dma_wait3A_2028, %dma_wait3A_2029] : memref<1664x16xf32, #tpu.memory_space<vmem>> -> memref<128x16xf32, #tpu.memory_space<vmem>>
    %dma_wait3A_2031 = arith.constant 0 : i32
    %dma_wait3A_2032 = tpu.memref_slice %arg5[%dma_wait3A_2027, %dma_wait3A_2031] : memref<104x128xi32, #tpu.memory_space<vmem>> -> memref<1x128xi32, #tpu.memory_space<vmem>>
    %dma_wait3A_2033 = tpu.memref_squeeze %dma_wait3A_2032 : memref<1x128xi32, #tpu.memory_space<vmem>> -> memref<128xi32, #tpu.memory_space<vmem>>
    %dma_wait3A_2034 = arith.constant 0 : i32
    %dma_wait3A_2035 = arith.constant 0 : i32
    %dma_wait3A_2036 = tpu.memref_slice %arg3[%dma_wait3A_2034, %dma_wait3A_2035] : memref<2600000x16xf32, #tpu.memory_space<hbm>> -> memref<2600000x16xf32, #tpu.memory_space<hbm>>
    tpu.wait_indirect_dma semaphore(%arg10 : memref<!tpu.dma_semaphore, #tpu.memory_space<semaphore_mem>>) src(%dma_wait3A_2036 : memref<2600000x16xf32, #tpu.memory_space<hbm>>) dst(%dma_wait3A_2030 : memref<128x16xf32, #tpu.memory_space<vmem>>)
    %dma_wait3A_2037 = arith.constant 92 : i32
    %dma_wait3A_2038 = arith.constant 128 : i32
    %dma_wait3A_2039 = arith.constant 0 : i32
    %dma_wait3A_2040 = tpu.memref_slice %arg7[%dma_wait3A_2038, %dma_wait3A_2039] : memref<1664x16xf32, #tpu.memory_space<vmem>> -> memref<128x16xf32, #tpu.memory_space<vmem>>
    %dma_wait3A_2041 = arith.constant 0 : i32
    %dma_wait3A_2042 = tpu.memref_slice %arg5[%dma_wait3A_2037, %dma_wait3A_2041] : memref<104x128xi32, #tpu.memory_space<vmem>> -> memref<1x128xi32, #tpu.memory_space<vmem>>
    %dma_wait3A_2043 = tpu.memref_squeeze %dma_wait3A_2042 : memref<1x128xi32, #tpu.memory_space<vmem>> -> memref<128xi32, #tpu.memory_space<vmem>>
    %dma_wait3A_2044 = arith.constant 0 : i32
    %dma_wait3A_2045 = arith.constant 0 : i32
    %dma_wait3A_2046 = tpu.memref_slice %arg3[%dma_wait3A_2044, %dma_wait3A_2045] : memref<2600000x16xf32, #tpu.memory_space<hbm>> -> memref<2600000x16xf32, #tpu.memory_space<hbm>>
    tpu.wait_indirect_dma semaphore(%arg10 : memref<!tpu.dma_semaphore, #tpu.memory_space<semaphore_mem>>) src(%dma_wait3A_2046 : memref<2600000x16xf32, #tpu.memory_space<hbm>>) dst(%dma_wait3A_2040 : memref<128x16xf32, #tpu.memory_space<vmem>>)
    %dma_wait3A_2047 = arith.constant 93 : i32
    %dma_wait3A_2048 = arith.constant 256 : i32
    %dma_wait3A_2049 = arith.constant 0 : i32
    %dma_wait3A_2050 = tpu.memref_slice %arg7[%dma_wait3A_2048, %dma_wait3A_2049] : memref<1664x16xf32, #tpu.memory_space<vmem>> -> memref<128x16xf32, #tpu.memory_space<vmem>>
    %dma_wait3A_2051 = arith.constant 0 : i32
    %dma_wait3A_2052 = tpu.memref_slice %arg5[%dma_wait3A_2047, %dma_wait3A_2051] : memref<104x128xi32, #tpu.memory_space<vmem>> -> memref<1x128xi32, #tpu.memory_space<vmem>>
    %dma_wait3A_2053 = tpu.memref_squeeze %dma_wait3A_2052 : memref<1x128xi32, #tpu.memory_space<vmem>> -> memref<128xi32, #tpu.memory_space<vmem>>
    %dma_wait3A_2054 = arith.constant 0 : i32
    %dma_wait3A_2055 = arith.constant 0 : i32
    %dma_wait3A_2056 = tpu.memref_slice %arg3[%dma_wait3A_2054, %dma_wait3A_2055] : memref<2600000x16xf32, #tpu.memory_space<hbm>> -> memref<2600000x16xf32, #tpu.memory_space<hbm>>
    tpu.wait_indirect_dma semaphore(%arg10 : memref<!tpu.dma_semaphore, #tpu.memory_space<semaphore_mem>>) src(%dma_wait3A_2056 : memref<2600000x16xf32, #tpu.memory_space<hbm>>) dst(%dma_wait3A_2050 : memref<128x16xf32, #tpu.memory_space<vmem>>)
    %dma_wait3A_2057 = arith.constant 94 : i32
    %dma_wait3A_2058 = arith.constant 384 : i32
    %dma_wait3A_2059 = arith.constant 0 : i32
    %dma_wait3A_2060 = tpu.memref_slice %arg7[%dma_wait3A_2058, %dma_wait3A_2059] : memref<1664x16xf32, #tpu.memory_space<vmem>> -> memref<128x16xf32, #tpu.memory_space<vmem>>
    %dma_wait3A_2061 = arith.constant 0 : i32
    %dma_wait3A_2062 = tpu.memref_slice %arg5[%dma_wait3A_2057, %dma_wait3A_2061] : memref<104x128xi32, #tpu.memory_space<vmem>> -> memref<1x128xi32, #tpu.memory_space<vmem>>
    %dma_wait3A_2063 = tpu.memref_squeeze %dma_wait3A_2062 : memref<1x128xi32, #tpu.memory_space<vmem>> -> memref<128xi32, #tpu.memory_space<vmem>>
    %dma_wait3A_2064 = arith.constant 0 : i32
    %dma_wait3A_2065 = arith.constant 0 : i32
    %dma_wait3A_2066 = tpu.memref_slice %arg3[%dma_wait3A_2064, %dma_wait3A_2065] : memref<2600000x16xf32, #tpu.memory_space<hbm>> -> memref<2600000x16xf32, #tpu.memory_space<hbm>>
    tpu.wait_indirect_dma semaphore(%arg10 : memref<!tpu.dma_semaphore, #tpu.memory_space<semaphore_mem>>) src(%dma_wait3A_2066 : memref<2600000x16xf32, #tpu.memory_space<hbm>>) dst(%dma_wait3A_2060 : memref<128x16xf32, #tpu.memory_space<vmem>>)
    %dma_wait3A_2067 = arith.constant 95 : i32
    %dma_wait3A_2068 = arith.constant 512 : i32
    %dma_wait3A_2069 = arith.constant 0 : i32
    %dma_wait3A_2070 = tpu.memref_slice %arg7[%dma_wait3A_2068, %dma_wait3A_2069] : memref<1664x16xf32, #tpu.memory_space<vmem>> -> memref<128x16xf32, #tpu.memory_space<vmem>>
    %dma_wait3A_2071 = arith.constant 0 : i32
    %dma_wait3A_2072 = tpu.memref_slice %arg5[%dma_wait3A_2067, %dma_wait3A_2071] : memref<104x128xi32, #tpu.memory_space<vmem>> -> memref<1x128xi32, #tpu.memory_space<vmem>>
    %dma_wait3A_2073 = tpu.memref_squeeze %dma_wait3A_2072 : memref<1x128xi32, #tpu.memory_space<vmem>> -> memref<128xi32, #tpu.memory_space<vmem>>
    %dma_wait3A_2074 = arith.constant 0 : i32
    %dma_wait3A_2075 = arith.constant 0 : i32
    %dma_wait3A_2076 = tpu.memref_slice %arg3[%dma_wait3A_2074, %dma_wait3A_2075] : memref<2600000x16xf32, #tpu.memory_space<hbm>> -> memref<2600000x16xf32, #tpu.memory_space<hbm>>
    tpu.wait_indirect_dma semaphore(%arg10 : memref<!tpu.dma_semaphore, #tpu.memory_space<semaphore_mem>>) src(%dma_wait3A_2076 : memref<2600000x16xf32, #tpu.memory_space<hbm>>) dst(%dma_wait3A_2070 : memref<128x16xf32, #tpu.memory_space<vmem>>)
    %dma_wait3A_2077 = arith.constant 96 : i32
    %dma_wait3A_2078 = arith.constant 640 : i32
    %dma_wait3A_2079 = arith.constant 0 : i32
    %dma_wait3A_2080 = tpu.memref_slice %arg7[%dma_wait3A_2078, %dma_wait3A_2079] : memref<1664x16xf32, #tpu.memory_space<vmem>> -> memref<128x16xf32, #tpu.memory_space<vmem>>
    %dma_wait3A_2081 = arith.constant 0 : i32
    %dma_wait3A_2082 = tpu.memref_slice %arg5[%dma_wait3A_2077, %dma_wait3A_2081] : memref<104x128xi32, #tpu.memory_space<vmem>> -> memref<1x128xi32, #tpu.memory_space<vmem>>
    %dma_wait3A_2083 = tpu.memref_squeeze %dma_wait3A_2082 : memref<1x128xi32, #tpu.memory_space<vmem>> -> memref<128xi32, #tpu.memory_space<vmem>>
    %dma_wait3A_2084 = arith.constant 0 : i32
    %dma_wait3A_2085 = arith.constant 0 : i32
    %dma_wait3A_2086 = tpu.memref_slice %arg3[%dma_wait3A_2084, %dma_wait3A_2085] : memref<2600000x16xf32, #tpu.memory_space<hbm>> -> memref<2600000x16xf32, #tpu.memory_space<hbm>>
    tpu.wait_indirect_dma semaphore(%arg10 : memref<!tpu.dma_semaphore, #tpu.memory_space<semaphore_mem>>) src(%dma_wait3A_2086 : memref<2600000x16xf32, #tpu.memory_space<hbm>>) dst(%dma_wait3A_2080 : memref<128x16xf32, #tpu.memory_space<vmem>>)
    %dma_wait3A_2087 = arith.constant 97 : i32
    %dma_wait3A_2088 = arith.constant 768 : i32
    %dma_wait3A_2089 = arith.constant 0 : i32
    %dma_wait3A_2090 = tpu.memref_slice %arg7[%dma_wait3A_2088, %dma_wait3A_2089] : memref<1664x16xf32, #tpu.memory_space<vmem>> -> memref<128x16xf32, #tpu.memory_space<vmem>>
    %dma_wait3A_2091 = arith.constant 0 : i32
    %dma_wait3A_2092 = tpu.memref_slice %arg5[%dma_wait3A_2087, %dma_wait3A_2091] : memref<104x128xi32, #tpu.memory_space<vmem>> -> memref<1x128xi32, #tpu.memory_space<vmem>>
    %dma_wait3A_2093 = tpu.memref_squeeze %dma_wait3A_2092 : memref<1x128xi32, #tpu.memory_space<vmem>> -> memref<128xi32, #tpu.memory_space<vmem>>
    %dma_wait3A_2094 = arith.constant 0 : i32
    %dma_wait3A_2095 = arith.constant 0 : i32
    %dma_wait3A_2096 = tpu.memref_slice %arg3[%dma_wait3A_2094, %dma_wait3A_2095] : memref<2600000x16xf32, #tpu.memory_space<hbm>> -> memref<2600000x16xf32, #tpu.memory_space<hbm>>
    tpu.wait_indirect_dma semaphore(%arg10 : memref<!tpu.dma_semaphore, #tpu.memory_space<semaphore_mem>>) src(%dma_wait3A_2096 : memref<2600000x16xf32, #tpu.memory_space<hbm>>) dst(%dma_wait3A_2090 : memref<128x16xf32, #tpu.memory_space<vmem>>)
    %dma_wait3A_2097 = arith.constant 98 : i32
    %dma_wait3A_2098 = arith.constant 896 : i32
    %dma_wait3A_2099 = arith.constant 0 : i32
    %dma_wait3A_2100 = tpu.memref_slice %arg7[%dma_wait3A_2098, %dma_wait3A_2099] : memref<1664x16xf32, #tpu.memory_space<vmem>> -> memref<128x16xf32, #tpu.memory_space<vmem>>
    %dma_wait3A_2101 = arith.constant 0 : i32
    %dma_wait3A_2102 = tpu.memref_slice %arg5[%dma_wait3A_2097, %dma_wait3A_2101] : memref<104x128xi32, #tpu.memory_space<vmem>> -> memref<1x128xi32, #tpu.memory_space<vmem>>
    %dma_wait3A_2103 = tpu.memref_squeeze %dma_wait3A_2102 : memref<1x128xi32, #tpu.memory_space<vmem>> -> memref<128xi32, #tpu.memory_space<vmem>>
    %dma_wait3A_2104 = arith.constant 0 : i32
    %dma_wait3A_2105 = arith.constant 0 : i32
    %dma_wait3A_2106 = tpu.memref_slice %arg3[%dma_wait3A_2104, %dma_wait3A_2105] : memref<2600000x16xf32, #tpu.memory_space<hbm>> -> memref<2600000x16xf32, #tpu.memory_space<hbm>>
    tpu.wait_indirect_dma semaphore(%arg10 : memref<!tpu.dma_semaphore, #tpu.memory_space<semaphore_mem>>) src(%dma_wait3A_2106 : memref<2600000x16xf32, #tpu.memory_space<hbm>>) dst(%dma_wait3A_2100 : memref<128x16xf32, #tpu.memory_space<vmem>>)
    %dma_wait3A_2107 = arith.constant 99 : i32
    %dma_wait3A_2108 = arith.constant 1024 : i32
    %dma_wait3A_2109 = arith.constant 0 : i32
    %dma_wait3A_2110 = tpu.memref_slice %arg7[%dma_wait3A_2108, %dma_wait3A_2109] : memref<1664x16xf32, #tpu.memory_space<vmem>> -> memref<128x16xf32, #tpu.memory_space<vmem>>
    %dma_wait3A_2111 = arith.constant 0 : i32
    %dma_wait3A_2112 = tpu.memref_slice %arg5[%dma_wait3A_2107, %dma_wait3A_2111] : memref<104x128xi32, #tpu.memory_space<vmem>> -> memref<1x128xi32, #tpu.memory_space<vmem>>
    %dma_wait3A_2113 = tpu.memref_squeeze %dma_wait3A_2112 : memref<1x128xi32, #tpu.memory_space<vmem>> -> memref<128xi32, #tpu.memory_space<vmem>>
    %dma_wait3A_2114 = arith.constant 0 : i32
    %dma_wait3A_2115 = arith.constant 0 : i32
    %dma_wait3A_2116 = tpu.memref_slice %arg3[%dma_wait3A_2114, %dma_wait3A_2115] : memref<2600000x16xf32, #tpu.memory_space<hbm>> -> memref<2600000x16xf32, #tpu.memory_space<hbm>>
    tpu.wait_indirect_dma semaphore(%arg10 : memref<!tpu.dma_semaphore, #tpu.memory_space<semaphore_mem>>) src(%dma_wait3A_2116 : memref<2600000x16xf32, #tpu.memory_space<hbm>>) dst(%dma_wait3A_2110 : memref<128x16xf32, #tpu.memory_space<vmem>>)
    %dma_wait3A_2117 = arith.constant 100 : i32
    %dma_wait3A_2118 = arith.constant 1152 : i32
    %dma_wait3A_2119 = arith.constant 0 : i32
    %dma_wait3A_2120 = tpu.memref_slice %arg7[%dma_wait3A_2118, %dma_wait3A_2119] : memref<1664x16xf32, #tpu.memory_space<vmem>> -> memref<128x16xf32, #tpu.memory_space<vmem>>
    %dma_wait3A_2121 = arith.constant 0 : i32
    %dma_wait3A_2122 = tpu.memref_slice %arg5[%dma_wait3A_2117, %dma_wait3A_2121] : memref<104x128xi32, #tpu.memory_space<vmem>> -> memref<1x128xi32, #tpu.memory_space<vmem>>
    %dma_wait3A_2123 = tpu.memref_squeeze %dma_wait3A_2122 : memref<1x128xi32, #tpu.memory_space<vmem>> -> memref<128xi32, #tpu.memory_space<vmem>>
    %dma_wait3A_2124 = arith.constant 0 : i32
    %dma_wait3A_2125 = arith.constant 0 : i32
    %dma_wait3A_2126 = tpu.memref_slice %arg3[%dma_wait3A_2124, %dma_wait3A_2125] : memref<2600000x16xf32, #tpu.memory_space<hbm>> -> memref<2600000x16xf32, #tpu.memory_space<hbm>>
    tpu.wait_indirect_dma semaphore(%arg10 : memref<!tpu.dma_semaphore, #tpu.memory_space<semaphore_mem>>) src(%dma_wait3A_2126 : memref<2600000x16xf32, #tpu.memory_space<hbm>>) dst(%dma_wait3A_2120 : memref<128x16xf32, #tpu.memory_space<vmem>>)
    %dma_wait3A_2127 = arith.constant 101 : i32
    %dma_wait3A_2128 = arith.constant 1280 : i32
    %dma_wait3A_2129 = arith.constant 0 : i32
    %dma_wait3A_2130 = tpu.memref_slice %arg7[%dma_wait3A_2128, %dma_wait3A_2129] : memref<1664x16xf32, #tpu.memory_space<vmem>> -> memref<128x16xf32, #tpu.memory_space<vmem>>
    %dma_wait3A_2131 = arith.constant 0 : i32
    %dma_wait3A_2132 = tpu.memref_slice %arg5[%dma_wait3A_2127, %dma_wait3A_2131] : memref<104x128xi32, #tpu.memory_space<vmem>> -> memref<1x128xi32, #tpu.memory_space<vmem>>
    %dma_wait3A_2133 = tpu.memref_squeeze %dma_wait3A_2132 : memref<1x128xi32, #tpu.memory_space<vmem>> -> memref<128xi32, #tpu.memory_space<vmem>>
    %dma_wait3A_2134 = arith.constant 0 : i32
    %dma_wait3A_2135 = arith.constant 0 : i32
    %dma_wait3A_2136 = tpu.memref_slice %arg3[%dma_wait3A_2134, %dma_wait3A_2135] : memref<2600000x16xf32, #tpu.memory_space<hbm>> -> memref<2600000x16xf32, #tpu.memory_space<hbm>>
    tpu.wait_indirect_dma semaphore(%arg10 : memref<!tpu.dma_semaphore, #tpu.memory_space<semaphore_mem>>) src(%dma_wait3A_2136 : memref<2600000x16xf32, #tpu.memory_space<hbm>>) dst(%dma_wait3A_2130 : memref<128x16xf32, #tpu.memory_space<vmem>>)
    %dma_wait3A_2137 = arith.constant 102 : i32
    %dma_wait3A_2138 = arith.constant 1408 : i32
    %dma_wait3A_2139 = arith.constant 0 : i32
    %dma_wait3A_2140 = tpu.memref_slice %arg7[%dma_wait3A_2138, %dma_wait3A_2139] : memref<1664x16xf32, #tpu.memory_space<vmem>> -> memref<128x16xf32, #tpu.memory_space<vmem>>
    %dma_wait3A_2141 = arith.constant 0 : i32
    %dma_wait3A_2142 = tpu.memref_slice %arg5[%dma_wait3A_2137, %dma_wait3A_2141] : memref<104x128xi32, #tpu.memory_space<vmem>> -> memref<1x128xi32, #tpu.memory_space<vmem>>
    %dma_wait3A_2143 = tpu.memref_squeeze %dma_wait3A_2142 : memref<1x128xi32, #tpu.memory_space<vmem>> -> memref<128xi32, #tpu.memory_space<vmem>>
    %dma_wait3A_2144 = arith.constant 0 : i32
    %dma_wait3A_2145 = arith.constant 0 : i32
    %dma_wait3A_2146 = tpu.memref_slice %arg3[%dma_wait3A_2144, %dma_wait3A_2145] : memref<2600000x16xf32, #tpu.memory_space<hbm>> -> memref<2600000x16xf32, #tpu.memory_space<hbm>>
    tpu.wait_indirect_dma semaphore(%arg10 : memref<!tpu.dma_semaphore, #tpu.memory_space<semaphore_mem>>) src(%dma_wait3A_2146 : memref<2600000x16xf32, #tpu.memory_space<hbm>>) dst(%dma_wait3A_2140 : memref<128x16xf32, #tpu.memory_space<vmem>>)
    %dma_wait3A_2147 = arith.constant 103 : i32
    %dma_wait3A_2148 = arith.constant 1536 : i32
    %dma_wait3A_2149 = arith.constant 0 : i32
    %dma_wait3A_2150 = tpu.memref_slice %arg7[%dma_wait3A_2148, %dma_wait3A_2149] : memref<1664x16xf32, #tpu.memory_space<vmem>> -> memref<128x16xf32, #tpu.memory_space<vmem>>
    %dma_wait3A_2151 = arith.constant 0 : i32
    %dma_wait3A_2152 = tpu.memref_slice %arg5[%dma_wait3A_2147, %dma_wait3A_2151] : memref<104x128xi32, #tpu.memory_space<vmem>> -> memref<1x128xi32, #tpu.memory_space<vmem>>
    %dma_wait3A_2153 = tpu.memref_squeeze %dma_wait3A_2152 : memref<1x128xi32, #tpu.memory_space<vmem>> -> memref<128xi32, #tpu.memory_space<vmem>>
    %dma_wait3A_2154 = arith.constant 0 : i32
    %dma_wait3A_2155 = arith.constant 0 : i32
    %dma_wait3A_2156 = tpu.memref_slice %arg3[%dma_wait3A_2154, %dma_wait3A_2155] : memref<2600000x16xf32, #tpu.memory_space<hbm>> -> memref<2600000x16xf32, #tpu.memory_space<hbm>>
    tpu.wait_indirect_dma semaphore(%arg10 : memref<!tpu.dma_semaphore, #tpu.memory_space<semaphore_mem>>) src(%dma_wait3A_2156 : memref<2600000x16xf32, #tpu.memory_space<hbm>>) dst(%dma_wait3A_2150 : memref<128x16xf32, #tpu.memory_space<vmem>>)
    %add3A_2157 = arith.constant 91 : i32
    %add3A_2158 = arith.addi %mul3A_2, %add3A_2157 : i32
    %mul3A_2159 = arith.constant 128 : i32
    %mul3A_2160 = arith.muli %add3A_2158, %mul3A_2159 : i32
    %dma_start3A_2161 = arith.constant 0 : i32
    %dma_start3A_2162 = tpu.memref_slice %arg4[%mul3A_2160, %dma_start3A_2161] : memref<425984x16xf32, #tpu.memory_space<hbm>> -> memref<1664x16xf32, #tpu.memory_space<hbm>>
    %dma_start3A_2163 = arith.constant 0 : i32
    %dma_start3A_2164 = tpu.memref_slice %arg4[%mul3A_2160, %dma_start3A_2163] : memref<425984x16xf32, #tpu.memory_space<hbm>> -> memref<1664x16xf32, #tpu.memory_space<hbm>>
    tpu.enqueue_dma source(%arg7 : memref<1664x16xf32, #tpu.memory_space<vmem>>) target(%dma_start3A_2164 : memref<1664x16xf32, #tpu.memory_space<hbm>>) target_semaphore(%arg13 : memref<!tpu.dma_semaphore, #tpu.memory_space<semaphore_mem>>)
    %dma_wait3A_2165 = arith.constant 0 : i32
    %dma_wait3A_2166 = tpu.memref_slice %arg4[%mul3A_1884, %dma_wait3A_2165] : memref<425984x16xf32, #tpu.memory_space<hbm>> -> memref<1664x16xf32, #tpu.memory_space<hbm>>
    %dma_wait3A_2167 = arith.constant 0 : i32
    %dma_wait3A_2168 = tpu.memref_slice %arg4[%mul3A_1884, %dma_wait3A_2167] : memref<425984x16xf32, #tpu.memory_space<hbm>> -> memref<1664x16xf32, #tpu.memory_space<hbm>>
    tpu.wait_dma2 semaphore(%arg14 : memref<!tpu.dma_semaphore, #tpu.memory_space<semaphore_mem>>) src(%arg8 : memref<1664x16xf32, #tpu.memory_space<vmem>>) dst(%dma_wait3A_2168 : memref<1664x16xf32, #tpu.memory_space<hbm>>)
    %dma_wait3A_2169 = arith.constant 0 : i32
    %dma_wait3A_2170 = tpu.memref_slice %arg4[%mul3A_2022, %dma_wait3A_2169] : memref<425984x16xf32, #tpu.memory_space<hbm>> -> memref<1664x16xf32, #tpu.memory_space<hbm>>
    %dma_wait3A_2171 = arith.constant 0 : i32
    %dma_wait3A_2172 = tpu.memref_slice %arg4[%mul3A_2022, %dma_wait3A_2171] : memref<425984x16xf32, #tpu.memory_space<hbm>> -> memref<1664x16xf32, #tpu.memory_space<hbm>>
    tpu.wait_dma2 semaphore(%arg12 : memref<!tpu.dma_semaphore, #tpu.memory_space<semaphore_mem>>) src(%arg6 : memref<1664x16xf32, #tpu.memory_space<vmem>>) dst(%dma_wait3A_2172 : memref<1664x16xf32, #tpu.memory_space<hbm>>)
    %dma_wait3A_2173 = arith.constant 0 : i32
    %dma_wait3A_2174 = tpu.memref_slice %arg4[%mul3A_2160, %dma_wait3A_2173] : memref<425984x16xf32, #tpu.memory_space<hbm>> -> memref<1664x16xf32, #tpu.memory_space<hbm>>
    %dma_wait3A_2175 = arith.constant 0 : i32
    %dma_wait3A_2176 = tpu.memref_slice %arg4[%mul3A_2160, %dma_wait3A_2175] : memref<425984x16xf32, #tpu.memory_space<hbm>> -> memref<1664x16xf32, #tpu.memory_space<hbm>>
    tpu.wait_dma2 semaphore(%arg13 : memref<!tpu.dma_semaphore, #tpu.memory_space<semaphore_mem>>) src(%arg7 : memref<1664x16xf32, #tpu.memory_space<vmem>>) dst(%dma_wait3A_2176 : memref<1664x16xf32, #tpu.memory_space<hbm>>)
    return
  }
}

module attributes {stable_mosaic.version = 14 : i64} {
  func.func @body(%arg0: i32, %arg1: memref<2x16x100000xf32, #tpu.memory_space<vmem>>, %arg2: memref<1x25000x128xf32, #tpu.memory_space<vmem>>) attributes {dimension_semantics = [#tpu.dimension_semantics<arbitrary>], iteration_bounds = array<i64: 13>, scalar_prefetch = 0 : i64, scratch_operands = 0 : i64, tpu.core_type = #tpu.core_type<tc>, window_params = [{transform_indices = @transform_0, window_bounds = array<i64: 2, 16, 100000>}, {transform_indices = @transform_1, window_bounds = array<i64: 1, 25000, 128>}]} {
    %get3A = arith.constant 0 : index
    %get3A_0 = arith.constant 0 : index
    %get3A_1 = arith.constant 0 : index
    %get3A_2 = vector.load %arg1[%get3A, %get3A_0, %get3A_1] : memref<2x16x100000xf32, #tpu.memory_space<vmem>>, vector<1x16x100000xf32>
    %get3A_3 = vector.shape_cast %get3A_2 : vector<1x16x100000xf32> to vector<16x100000xf32>
    %slice3A = vector.extract_strided_slice %get3A_3 {offsets = [0, 0], sizes = [16, 12500], strides = [1, 1]} : vector<16x100000xf32> to vector<16x12500xf32>
    %slice3A_4 = vector.extract_strided_slice %get3A_3 {offsets = [0, 12500], sizes = [16, 12500], strides = [1, 1]} : vector<16x100000xf32> to vector<16x12500xf32>
    %slice3A_5 = vector.extract_strided_slice %get3A_3 {offsets = [0, 25000], sizes = [16, 12500], strides = [1, 1]} : vector<16x100000xf32> to vector<16x12500xf32>
    %slice3A_6 = vector.extract_strided_slice %get3A_3 {offsets = [0, 37500], sizes = [16, 12500], strides = [1, 1]} : vector<16x100000xf32> to vector<16x12500xf32>
    %slice3A_7 = vector.extract_strided_slice %get3A_3 {offsets = [0, 50000], sizes = [16, 12500], strides = [1, 1]} : vector<16x100000xf32> to vector<16x12500xf32>
    %slice3A_8 = vector.extract_strided_slice %get3A_3 {offsets = [0, 62500], sizes = [16, 12500], strides = [1, 1]} : vector<16x100000xf32> to vector<16x12500xf32>
    %slice3A_9 = vector.extract_strided_slice %get3A_3 {offsets = [0, 75000], sizes = [16, 12500], strides = [1, 1]} : vector<16x100000xf32> to vector<16x12500xf32>
    %slice3A_10 = vector.extract_strided_slice %get3A_3 {offsets = [0, 87500], sizes = [16, 12500], strides = [1, 1]} : vector<16x100000xf32> to vector<16x12500xf32>
    %concatenate3A = tpu.concatenate %slice3A, %slice3A_4, %slice3A_5, %slice3A_6, %slice3A_7, %slice3A_8, %slice3A_9, %slice3A_10 in 0 : vector<16x12500xf32>, vector<16x12500xf32>, vector<16x12500xf32>, vector<16x12500xf32>, vector<16x12500xf32>, vector<16x12500xf32>, vector<16x12500xf32>, vector<16x12500xf32> -> vector<128x12500xf32>
    %transpose3A = tpu.transpose %concatenate3A, [1, 0] : vector<128x12500xf32> -> vector<12500x128xf32>
    %swap3A = arith.constant 0 : index
    %swap3A_11 = arith.constant 0 : index
    %swap3A_12 = arith.constant 0 : index
    %swap3A_13 = vector.load %arg2[%swap3A, %swap3A_11, %swap3A_12] : memref<1x25000x128xf32, #tpu.memory_space<vmem>>, vector<1x12500x128xf32>
    %swap3A_14 = vector.shape_cast %swap3A_13 : vector<1x12500x128xf32> to vector<12500x128xf32>
    %swap3A_15 = vector.shape_cast %transpose3A : vector<12500x128xf32> to vector<1x12500x128xf32>
    tpu.vector_store %arg2[%swap3A, %swap3A_11, %swap3A_12], %swap3A_15 {strides = array<i32>} : memref<1x25000x128xf32, #tpu.memory_space<vmem>>, vector<1x12500x128xf32>,
    %get3A_16 = arith.constant 1 : index
    %get3A_17 = arith.constant 0 : index
    %get3A_18 = arith.constant 0 : index
    %get3A_19 = vector.load %arg1[%get3A_16, %get3A_17, %get3A_18] : memref<2x16x100000xf32, #tpu.memory_space<vmem>>, vector<1x16x100000xf32>
    %get3A_20 = vector.shape_cast %get3A_19 : vector<1x16x100000xf32> to vector<16x100000xf32>
    %slice3A_21 = vector.extract_strided_slice %get3A_20 {offsets = [0, 0], sizes = [16, 12500], strides = [1, 1]} : vector<16x100000xf32> to vector<16x12500xf32>
    %slice3A_22 = vector.extract_strided_slice %get3A_20 {offsets = [0, 12500], sizes = [16, 12500], strides = [1, 1]} : vector<16x100000xf32> to vector<16x12500xf32>
    %slice3A_23 = vector.extract_strided_slice %get3A_20 {offsets = [0, 25000], sizes = [16, 12500], strides = [1, 1]} : vector<16x100000xf32> to vector<16x12500xf32>
    %slice3A_24 = vector.extract_strided_slice %get3A_20 {offsets = [0, 37500], sizes = [16, 12500], strides = [1, 1]} : vector<16x100000xf32> to vector<16x12500xf32>
    %slice3A_25 = vector.extract_strided_slice %get3A_20 {offsets = [0, 50000], sizes = [16, 12500], strides = [1, 1]} : vector<16x100000xf32> to vector<16x12500xf32>
    %slice3A_26 = vector.extract_strided_slice %get3A_20 {offsets = [0, 62500], sizes = [16, 12500], strides = [1, 1]} : vector<16x100000xf32> to vector<16x12500xf32>
    %slice3A_27 = vector.extract_strided_slice %get3A_20 {offsets = [0, 75000], sizes = [16, 12500], strides = [1, 1]} : vector<16x100000xf32> to vector<16x12500xf32>
    %slice3A_28 = vector.extract_strided_slice %get3A_20 {offsets = [0, 87500], sizes = [16, 12500], strides = [1, 1]} : vector<16x100000xf32> to vector<16x12500xf32>
    %concatenate3A_29 = tpu.concatenate %slice3A_21, %slice3A_22, %slice3A_23, %slice3A_24, %slice3A_25, %slice3A_26, %slice3A_27, %slice3A_28 in 0 : vector<16x12500xf32>, vector<16x12500xf32>, vector<16x12500xf32>, vector<16x12500xf32>, vector<16x12500xf32>, vector<16x12500xf32>, vector<16x12500xf32>, vector<16x12500xf32> -> vector<128x12500xf32>
    %transpose3A_30 = tpu.transpose %concatenate3A_29, [1, 0] : vector<128x12500xf32> -> vector<12500x128xf32>
    %swap3A_31 = arith.constant 0 : index
    %swap3A_32 = arith.constant 12500 : index
    %swap3A_33 = arith.constant 0 : index
    %swap3A_34 = vector.load %arg2[%swap3A_31, %swap3A_32, %swap3A_33] : memref<1x25000x128xf32, #tpu.memory_space<vmem>>, vector<1x12500x128xf32>
    %swap3A_35 = vector.shape_cast %swap3A_34 : vector<1x12500x128xf32> to vector<12500x128xf32>
    %swap3A_36 = vector.shape_cast %transpose3A_30 : vector<12500x128xf32> to vector<1x12500x128xf32>
    tpu.vector_store %arg2[%swap3A_31, %swap3A_32, %swap3A_33], %swap3A_36 {strides = array<i32>} : memref<1x25000x128xf32, #tpu.memory_space<vmem>>, vector<1x12500x128xf32>,
    return
  }
  func.func @transform_0(%arg0: i32) -> (i32, i32, i32) {
    %c0_i32 = arith.constant 0 : i32
    %c0_i32_0 = arith.constant 0 : i32
    %c0_i32_1 = arith.constant 0 : i32
    return %arg0, %c0_i32, %c0_i32_0 : i32, i32, i32
  }
  func.func @transform_1(%arg0: i32) -> (i32, i32, i32) {
    %c0_i32 = arith.constant 0 : i32
    %c0_i32_0 = arith.constant 0 : i32
    %c0_i32_1 = arith.constant 0 : i32
    return %arg0, %c0_i32, %c0_i32_0 : i32, i32, i32
  }
}

module attributes {stable_mosaic.version = 14 : i64} {
  func.func @body(%arg0: i32, %arg1: memref<512x52xf32, #tpu.memory_space<vmem>>, %arg2: memref<6656x128xf32, #tpu.memory_space<vmem>>, %arg3: memref<13x32xf32, #tpu.memory_space<vmem>>, %arg4: memref<1x32xf32, #tpu.memory_space<vmem>>, %arg5: memref<448x512xf32, #tpu.memory_space<vmem>>, %arg6: memref<1x512xf32, #tpu.memory_space<vmem>>, %arg7: memref<512x1xf32, #tpu.memory_space<vmem>>, %arg8: memref<1x1xf32, #tpu.memory_space<vmem>>, %arg9: memref<448x512xf32, #tpu.memory_space<vmem>>, %arg10: memref<1x512xf32, #tpu.memory_space<vmem>>, %arg11: memref<512x1xf32, #tpu.memory_space<vmem>>, %arg12: memref<1x1xf32, #tpu.memory_space<vmem>>, %arg13: memref<512x4xf32, #tpu.memory_space<vmem>>, %arg14: memref<512x4xf32, #tpu.memory_space<vmem>>) attributes {dimension_semantics = [#tpu.dimension_semantics<arbitrary>], iteration_bounds = array<i64: 8>, scalar_prefetch = 0 : i64, scratch_operands = 0 : i64, tpu.core_type = #tpu.core_type<tc>, window_params = [{transform_indices = @transform_0, window_bounds = array<i64: 512, 52>}, {transform_indices = @transform_1, window_bounds = array<i64: 6656, 128>}, {pipeline_mode = #tpu.pipeline_mode<synchronous>, transform_indices = @transform_2, window_bounds = array<i64: 13, 32>}, {pipeline_mode = #tpu.pipeline_mode<synchronous>, transform_indices = @transform_3, window_bounds = array<i64: 1, 32>}, {pipeline_mode = #tpu.pipeline_mode<synchronous>, transform_indices = @transform_4, window_bounds = array<i64: 448, 512>}, {pipeline_mode = #tpu.pipeline_mode<synchronous>, transform_indices = @transform_5, window_bounds = array<i64: 1, 512>}, {pipeline_mode = #tpu.pipeline_mode<synchronous>, transform_indices = @transform_6, window_bounds = array<i64: 512, 1>}, {pipeline_mode = #tpu.pipeline_mode<synchronous>, transform_indices = @transform_7, window_bounds = array<i64: 1, 1>}, {pipeline_mode = #tpu.pipeline_mode<synchronous>, transform_indices = @transform_8, window_bounds = array<i64: 448, 512>}, {pipeline_mode = #tpu.pipeline_mode<synchronous>, transform_indices = @transform_9, window_bounds = array<i64: 1, 512>}, {pipeline_mode = #tpu.pipeline_mode<synchronous>, transform_indices = @transform_10, window_bounds = array<i64: 512, 1>}, {pipeline_mode = #tpu.pipeline_mode<synchronous>, transform_indices = @transform_11, window_bounds = array<i64: 1, 1>}, {transform_indices = @transform_12, window_bounds = array<i64: 512, 4>}, {transform_indices = @transform_13, window_bounds = array<i64: 512, 4>}]} {
    %get3A = arith.constant 0 : index
    %get3A_0 = arith.constant 0 : index
    %get3A_1 = vector.load %arg1[%get3A, %get3A_0] : memref<512x52xf32, #tpu.memory_space<vmem>>, vector<512x52xf32>
    %get3A_2 = arith.constant 0 : index
    %get3A_3 = arith.constant 0 : index
    %get3A_4 = vector.load %arg2[%get3A_2, %get3A_3] : memref<6656x128xf32, #tpu.memory_space<vmem>>, vector<6656x128xf32>
    %reshape3A = vector.shape_cast %get3A_4 : vector<6656x128xf32> to vector<512x1664xf32>
    %get3A_5 = arith.constant 0 : index
    %get3A_6 = arith.constant 0 : index
    %get3A_7 = vector.load %arg5[%get3A_5, %get3A_6] : memref<448x512xf32, #tpu.memory_space<vmem>>, vector<448x512xf32>
    %convert_element_type3A = arith.truncf %get3A_7 : vector<448x512xf32> to vector<448x512xbf16>
    %get3A_8 = arith.constant 0 : index
    %get3A_9 = arith.constant 0 : index
    %get3A_10 = vector.load %arg9[%get3A_8, %get3A_9] : memref<448x512xf32, #tpu.memory_space<vmem>>, vector<448x512xf32>
    %convert_element_type3A_11 = arith.truncf %get3A_10 : vector<448x512xf32> to vector<448x512xbf16>
    %slice3A = vector.extract_strided_slice %get3A_1 {offsets = [0, 0], sizes = [512, 13], strides = [1, 1]} : vector<512x52xf32> to vector<512x13xf32>
    %slice3A_12 = vector.extract_strided_slice %reshape3A {offsets = [0, 0], sizes = [512, 416], strides = [1, 1]} : vector<512x1664xf32> to vector<512x416xf32>
    %get3A_13 = arith.constant 0 : index
    %get3A_14 = arith.constant 0 : index
    %get3A_15 = vector.load %arg3[%get3A_13, %get3A_14] : memref<13x32xf32, #tpu.memory_space<vmem>>, vector<13x32xf32>
    %dot_general3A = arith.constant dense<0.000000e+00> : vector<512x32xf32>
    %dot_general3A_16 = tpu.matmul %slice3A, %get3A_15, %dot_general3A {dimension_numbers = #tpu.dot_dimension_numbers<[1], [0], [0], [1], [0, 0, 1, 1], [], []>, transpose_lhs_hint = false} : vector<512x13xf32>, vector<13x32xf32>, vector<512x32xf32> -> vector<512x32xf32>
    %get3A_17 = arith.constant 0 : index
    %get3A_18 = arith.constant 0 : index
    %get3A_19 = vector.load %arg4[%get3A_17, %get3A_18] : memref<1x32xf32, #tpu.memory_space<vmem>>, vector<1x32xf32>
    %add3A = vector.broadcast %get3A_19 : vector<1x32xf32> to vector<512x32xf32>
    %add3A_20 = arith.addf %dot_general3A_16, %add3A : vector<512x32xf32>
    %concatenate3A = tpu.concatenate %add3A_20, %slice3A_12 in 1 : vector<512x32xf32>, vector<512x416xf32> -> vector<512x448xf32>
    %convert_element_type3A_21 = arith.truncf %concatenate3A : vector<512x448xf32> to vector<512x448xbf16>
    %dot_general3A_22 = arith.constant dense<0.000000e+00> : vector<512x512xf32>
    %dot_general3A_23 = tpu.matmul %convert_element_type3A_21, %convert_element_type3A, %dot_general3A_22 {dimension_numbers = #tpu.dot_dimension_numbers<[1], [0], [0], [1], [0, 0, 1, 1], [], []>, transpose_lhs_hint = false} : vector<512x448xbf16>, vector<448x512xbf16>, vector<512x512xf32> -> vector<512x512xf32>
    %get3A_24 = arith.constant 0 : index
    %get3A_25 = arith.constant 0 : index
    %get3A_26 = vector.load %arg6[%get3A_24, %get3A_25] : memref<1x512xf32, #tpu.memory_space<vmem>>, vector<1x512xf32>
    %add3A_27 = vector.broadcast %get3A_26 : vector<1x512xf32> to vector<512x512xf32>
    %add3A_28 = arith.addf %dot_general3A_23, %add3A_27 : vector<512x512xf32>
    %max3A = arith.constant 0.000000e+00 : f32
    %max3A_29 = vector.broadcast %max3A : f32 to vector<512x512xf32>
    %max3A_30 = arith.maximumf %add3A_28, %max3A_29 : vector<512x512xf32>
    %get3A_31 = arith.constant 0 : index
    %get3A_32 = arith.constant 0 : index
    %get3A_33 = vector.load %arg7[%get3A_31, %get3A_32] : memref<512x1xf32, #tpu.memory_space<vmem>>, vector<512x1xf32>
    %dot_general3A_34 = arith.constant dense<0.000000e+00> : vector<512x1xf32>
    %dot_general3A_35 = tpu.matmul %max3A_30, %get3A_33, %dot_general3A_34 {dimension_numbers = #tpu.dot_dimension_numbers<[1], [0], [0], [1], [0, 0, 1, 1], [], []>, transpose_lhs_hint = false} : vector<512x512xf32>, vector<512x1xf32>, vector<512x1xf32> -> vector<512x1xf32>
    %get3A_36 = arith.constant 0 : index
    %get3A_37 = arith.constant 0 : index
    %get3A_38 = vector.load %arg8[%get3A_36, %get3A_37] : memref<1x1xf32, #tpu.memory_space<vmem>>, vector<1x1xf32>
    %add3A_39 = vector.broadcast %get3A_38 : vector<1x1xf32> to vector<512x1xf32>
    %add3A_40 = arith.addf %dot_general3A_35, %add3A_39 : vector<512x1xf32>
    %dot_general3A_41 = arith.constant dense<0.000000e+00> : vector<512x512xf32>
    %dot_general3A_42 = tpu.matmul %convert_element_type3A_21, %convert_element_type3A_11, %dot_general3A_41 {dimension_numbers = #tpu.dot_dimension_numbers<[1], [0], [0], [1], [0, 0, 1, 1], [], []>, transpose_lhs_hint = false} : vector<512x448xbf16>, vector<448x512xbf16>, vector<512x512xf32> -> vector<512x512xf32>
    %get3A_43 = arith.constant 0 : index
    %get3A_44 = arith.constant 0 : index
    %get3A_45 = vector.load %arg10[%get3A_43, %get3A_44] : memref<1x512xf32, #tpu.memory_space<vmem>>, vector<1x512xf32>
    %add3A_46 = vector.broadcast %get3A_45 : vector<1x512xf32> to vector<512x512xf32>
    %add3A_47 = arith.addf %dot_general3A_42, %add3A_46 : vector<512x512xf32>
    %max3A_48 = arith.constant 0.000000e+00 : f32
    %max3A_49 = vector.broadcast %max3A_48 : f32 to vector<512x512xf32>
    %max3A_50 = arith.maximumf %add3A_47, %max3A_49 : vector<512x512xf32>
    %get3A_51 = arith.constant 0 : index
    %get3A_52 = arith.constant 0 : index
    %get3A_53 = vector.load %arg11[%get3A_51, %get3A_52] : memref<512x1xf32, #tpu.memory_space<vmem>>, vector<512x1xf32>
    %dot_general3A_54 = arith.constant dense<0.000000e+00> : vector<512x1xf32>
    %dot_general3A_55 = tpu.matmul %max3A_50, %get3A_53, %dot_general3A_54 {dimension_numbers = #tpu.dot_dimension_numbers<[1], [0], [0], [1], [0, 0, 1, 1], [], []>, transpose_lhs_hint = false} : vector<512x512xf32>, vector<512x1xf32>, vector<512x1xf32> -> vector<512x1xf32>
    %get3A_56 = arith.constant 0 : index
    %get3A_57 = arith.constant 0 : index
    %get3A_58 = vector.load %arg12[%get3A_56, %get3A_57] : memref<1x1xf32, #tpu.memory_space<vmem>>, vector<1x1xf32>
    %add3A_59 = vector.broadcast %get3A_58 : vector<1x1xf32> to vector<512x1xf32>
    %add3A_60 = arith.addf %dot_general3A_55, %add3A_59 : vector<512x1xf32>
    %slice3A_61 = vector.extract_strided_slice %get3A_1 {offsets = [0, 13], sizes = [512, 13], strides = [1, 1]} : vector<512x52xf32> to vector<512x13xf32>
    %slice3A_62 = vector.extract_strided_slice %reshape3A {offsets = [0, 416], sizes = [512, 416], strides = [1, 1]} : vector<512x1664xf32> to vector<512x416xf32>
    %get3A_63 = arith.constant 0 : index
    %get3A_64 = arith.constant 0 : index
    %get3A_65 = vector.load %arg3[%get3A_63, %get3A_64] : memref<13x32xf32, #tpu.memory_space<vmem>>, vector<13x32xf32>
    %dot_general3A_66 = arith.constant dense<0.000000e+00> : vector<512x32xf32>
    %dot_general3A_67 = tpu.matmul %slice3A_61, %get3A_65, %dot_general3A_66 {dimension_numbers = #tpu.dot_dimension_numbers<[1], [0], [0], [1], [0, 0, 1, 1], [], []>, transpose_lhs_hint = false} : vector<512x13xf32>, vector<13x32xf32>, vector<512x32xf32> -> vector<512x32xf32>
    %get3A_68 = arith.constant 0 : index
    %get3A_69 = arith.constant 0 : index
    %get3A_70 = vector.load %arg4[%get3A_68, %get3A_69] : memref<1x32xf32, #tpu.memory_space<vmem>>, vector<1x32xf32>
    %add3A_71 = vector.broadcast %get3A_70 : vector<1x32xf32> to vector<512x32xf32>
    %add3A_72 = arith.addf %dot_general3A_67, %add3A_71 : vector<512x32xf32>
    %concatenate3A_73 = tpu.concatenate %add3A_72, %slice3A_62 in 1 : vector<512x32xf32>, vector<512x416xf32> -> vector<512x448xf32>
    %convert_element_type3A_74 = arith.truncf %concatenate3A_73 : vector<512x448xf32> to vector<512x448xbf16>
    %dot_general3A_75 = arith.constant dense<0.000000e+00> : vector<512x512xf32>
    %dot_general3A_76 = tpu.matmul %convert_element_type3A_74, %convert_element_type3A, %dot_general3A_75 {dimension_numbers = #tpu.dot_dimension_numbers<[1], [0], [0], [1], [0, 0, 1, 1], [], []>, transpose_lhs_hint = false} : vector<512x448xbf16>, vector<448x512xbf16>, vector<512x512xf32> -> vector<512x512xf32>
    %get3A_77 = arith.constant 0 : index
    %get3A_78 = arith.constant 0 : index
    %get3A_79 = vector.load %arg6[%get3A_77, %get3A_78] : memref<1x512xf32, #tpu.memory_space<vmem>>, vector<1x512xf32>
    %add3A_80 = vector.broadcast %get3A_79 : vector<1x512xf32> to vector<512x512xf32>
    %add3A_81 = arith.addf %dot_general3A_76, %add3A_80 : vector<512x512xf32>
    %max3A_82 = arith.constant 0.000000e+00 : f32
    %max3A_83 = vector.broadcast %max3A_82 : f32 to vector<512x512xf32>
    %max3A_84 = arith.maximumf %add3A_81, %max3A_83 : vector<512x512xf32>
    %get3A_85 = arith.constant 0 : index
    %get3A_86 = arith.constant 0 : index
    %get3A_87 = vector.load %arg7[%get3A_85, %get3A_86] : memref<512x1xf32, #tpu.memory_space<vmem>>, vector<512x1xf32>
    %dot_general3A_88 = arith.constant dense<0.000000e+00> : vector<512x1xf32>
    %dot_general3A_89 = tpu.matmul %max3A_84, %get3A_87, %dot_general3A_88 {dimension_numbers = #tpu.dot_dimension_numbers<[1], [0], [0], [1], [0, 0, 1, 1], [], []>, transpose_lhs_hint = false} : vector<512x512xf32>, vector<512x1xf32>, vector<512x1xf32> -> vector<512x1xf32>
    %get3A_90 = arith.constant 0 : index
    %get3A_91 = arith.constant 0 : index
    %get3A_92 = vector.load %arg8[%get3A_90, %get3A_91] : memref<1x1xf32, #tpu.memory_space<vmem>>, vector<1x1xf32>
    %add3A_93 = vector.broadcast %get3A_92 : vector<1x1xf32> to vector<512x1xf32>
    %add3A_94 = arith.addf %dot_general3A_89, %add3A_93 : vector<512x1xf32>
    %dot_general3A_95 = arith.constant dense<0.000000e+00> : vector<512x512xf32>
    %dot_general3A_96 = tpu.matmul %convert_element_type3A_74, %convert_element_type3A_11, %dot_general3A_95 {dimension_numbers = #tpu.dot_dimension_numbers<[1], [0], [0], [1], [0, 0, 1, 1], [], []>, transpose_lhs_hint = false} : vector<512x448xbf16>, vector<448x512xbf16>, vector<512x512xf32> -> vector<512x512xf32>
    %get3A_97 = arith.constant 0 : index
    %get3A_98 = arith.constant 0 : index
    %get3A_99 = vector.load %arg10[%get3A_97, %get3A_98] : memref<1x512xf32, #tpu.memory_space<vmem>>, vector<1x512xf32>
    %add3A_100 = vector.broadcast %get3A_99 : vector<1x512xf32> to vector<512x512xf32>
    %add3A_101 = arith.addf %dot_general3A_96, %add3A_100 : vector<512x512xf32>
    %max3A_102 = arith.constant 0.000000e+00 : f32
    %max3A_103 = vector.broadcast %max3A_102 : f32 to vector<512x512xf32>
    %max3A_104 = arith.maximumf %add3A_101, %max3A_103 : vector<512x512xf32>
    %get3A_105 = arith.constant 0 : index
    %get3A_106 = arith.constant 0 : index
    %get3A_107 = vector.load %arg11[%get3A_105, %get3A_106] : memref<512x1xf32, #tpu.memory_space<vmem>>, vector<512x1xf32>
    %dot_general3A_108 = arith.constant dense<0.000000e+00> : vector<512x1xf32>
    %dot_general3A_109 = tpu.matmul %max3A_104, %get3A_107, %dot_general3A_108 {dimension_numbers = #tpu.dot_dimension_numbers<[1], [0], [0], [1], [0, 0, 1, 1], [], []>, transpose_lhs_hint = false} : vector<512x512xf32>, vector<512x1xf32>, vector<512x1xf32> -> vector<512x1xf32>
    %get3A_110 = arith.constant 0 : index
    %get3A_111 = arith.constant 0 : index
    %get3A_112 = vector.load %arg12[%get3A_110, %get3A_111] : memref<1x1xf32, #tpu.memory_space<vmem>>, vector<1x1xf32>
    %add3A_113 = vector.broadcast %get3A_112 : vector<1x1xf32> to vector<512x1xf32>
    %add3A_114 = arith.addf %dot_general3A_109, %add3A_113 : vector<512x1xf32>
    %slice3A_115 = vector.extract_strided_slice %get3A_1 {offsets = [0, 26], sizes = [512, 13], strides = [1, 1]} : vector<512x52xf32> to vector<512x13xf32>
    %slice3A_116 = vector.extract_strided_slice %reshape3A {offsets = [0, 832], sizes = [512, 416], strides = [1, 1]} : vector<512x1664xf32> to vector<512x416xf32>
    %get3A_117 = arith.constant 0 : index
    %get3A_118 = arith.constant 0 : index
    %get3A_119 = vector.load %arg3[%get3A_117, %get3A_118] : memref<13x32xf32, #tpu.memory_space<vmem>>, vector<13x32xf32>
    %dot_general3A_120 = arith.constant dense<0.000000e+00> : vector<512x32xf32>
    %dot_general3A_121 = tpu.matmul %slice3A_115, %get3A_119, %dot_general3A_120 {dimension_numbers = #tpu.dot_dimension_numbers<[1], [0], [0], [1], [0, 0, 1, 1], [], []>, transpose_lhs_hint = false} : vector<512x13xf32>, vector<13x32xf32>, vector<512x32xf32> -> vector<512x32xf32>
    %get3A_122 = arith.constant 0 : index
    %get3A_123 = arith.constant 0 : index
    %get3A_124 = vector.load %arg4[%get3A_122, %get3A_123] : memref<1x32xf32, #tpu.memory_space<vmem>>, vector<1x32xf32>
    %add3A_125 = vector.broadcast %get3A_124 : vector<1x32xf32> to vector<512x32xf32>
    %add3A_126 = arith.addf %dot_general3A_121, %add3A_125 : vector<512x32xf32>
    %concatenate3A_127 = tpu.concatenate %add3A_126, %slice3A_116 in 1 : vector<512x32xf32>, vector<512x416xf32> -> vector<512x448xf32>
    %convert_element_type3A_128 = arith.truncf %concatenate3A_127 : vector<512x448xf32> to vector<512x448xbf16>
    %dot_general3A_129 = arith.constant dense<0.000000e+00> : vector<512x512xf32>
    %dot_general3A_130 = tpu.matmul %convert_element_type3A_128, %convert_element_type3A, %dot_general3A_129 {dimension_numbers = #tpu.dot_dimension_numbers<[1], [0], [0], [1], [0, 0, 1, 1], [], []>, transpose_lhs_hint = false} : vector<512x448xbf16>, vector<448x512xbf16>, vector<512x512xf32> -> vector<512x512xf32>
    %get3A_131 = arith.constant 0 : index
    %get3A_132 = arith.constant 0 : index
    %get3A_133 = vector.load %arg6[%get3A_131, %get3A_132] : memref<1x512xf32, #tpu.memory_space<vmem>>, vector<1x512xf32>
    %add3A_134 = vector.broadcast %get3A_133 : vector<1x512xf32> to vector<512x512xf32>
    %add3A_135 = arith.addf %dot_general3A_130, %add3A_134 : vector<512x512xf32>
    %max3A_136 = arith.constant 0.000000e+00 : f32
    %max3A_137 = vector.broadcast %max3A_136 : f32 to vector<512x512xf32>
    %max3A_138 = arith.maximumf %add3A_135, %max3A_137 : vector<512x512xf32>
    %get3A_139 = arith.constant 0 : index
    %get3A_140 = arith.constant 0 : index
    %get3A_141 = vector.load %arg7[%get3A_139, %get3A_140] : memref<512x1xf32, #tpu.memory_space<vmem>>, vector<512x1xf32>
    %dot_general3A_142 = arith.constant dense<0.000000e+00> : vector<512x1xf32>
    %dot_general3A_143 = tpu.matmul %max3A_138, %get3A_141, %dot_general3A_142 {dimension_numbers = #tpu.dot_dimension_numbers<[1], [0], [0], [1], [0, 0, 1, 1], [], []>, transpose_lhs_hint = false} : vector<512x512xf32>, vector<512x1xf32>, vector<512x1xf32> -> vector<512x1xf32>
    %get3A_144 = arith.constant 0 : index
    %get3A_145 = arith.constant 0 : index
    %get3A_146 = vector.load %arg8[%get3A_144, %get3A_145] : memref<1x1xf32, #tpu.memory_space<vmem>>, vector<1x1xf32>
    %add3A_147 = vector.broadcast %get3A_146 : vector<1x1xf32> to vector<512x1xf32>
    %add3A_148 = arith.addf %dot_general3A_143, %add3A_147 : vector<512x1xf32>
    %dot_general3A_149 = arith.constant dense<0.000000e+00> : vector<512x512xf32>
    %dot_general3A_150 = tpu.matmul %convert_element_type3A_128, %convert_element_type3A_11, %dot_general3A_149 {dimension_numbers = #tpu.dot_dimension_numbers<[1], [0], [0], [1], [0, 0, 1, 1], [], []>, transpose_lhs_hint = false} : vector<512x448xbf16>, vector<448x512xbf16>, vector<512x512xf32> -> vector<512x512xf32>
    %get3A_151 = arith.constant 0 : index
    %get3A_152 = arith.constant 0 : index
    %get3A_153 = vector.load %arg10[%get3A_151, %get3A_152] : memref<1x512xf32, #tpu.memory_space<vmem>>, vector<1x512xf32>
    %add3A_154 = vector.broadcast %get3A_153 : vector<1x512xf32> to vector<512x512xf32>
    %add3A_155 = arith.addf %dot_general3A_150, %add3A_154 : vector<512x512xf32>
    %max3A_156 = arith.constant 0.000000e+00 : f32
    %max3A_157 = vector.broadcast %max3A_156 : f32 to vector<512x512xf32>
    %max3A_158 = arith.maximumf %add3A_155, %max3A_157 : vector<512x512xf32>
    %get3A_159 = arith.constant 0 : index
    %get3A_160 = arith.constant 0 : index
    %get3A_161 = vector.load %arg11[%get3A_159, %get3A_160] : memref<512x1xf32, #tpu.memory_space<vmem>>, vector<512x1xf32>
    %dot_general3A_162 = arith.constant dense<0.000000e+00> : vector<512x1xf32>
    %dot_general3A_163 = tpu.matmul %max3A_158, %get3A_161, %dot_general3A_162 {dimension_numbers = #tpu.dot_dimension_numbers<[1], [0], [0], [1], [0, 0, 1, 1], [], []>, transpose_lhs_hint = false} : vector<512x512xf32>, vector<512x1xf32>, vector<512x1xf32> -> vector<512x1xf32>
    %get3A_164 = arith.constant 0 : index
    %get3A_165 = arith.constant 0 : index
    %get3A_166 = vector.load %arg12[%get3A_164, %get3A_165] : memref<1x1xf32, #tpu.memory_space<vmem>>, vector<1x1xf32>
    %add3A_167 = vector.broadcast %get3A_166 : vector<1x1xf32> to vector<512x1xf32>
    %add3A_168 = arith.addf %dot_general3A_163, %add3A_167 : vector<512x1xf32>
    %slice3A_169 = vector.extract_strided_slice %get3A_1 {offsets = [0, 39], sizes = [512, 13], strides = [1, 1]} : vector<512x52xf32> to vector<512x13xf32>
    %slice3A_170 = vector.extract_strided_slice %reshape3A {offsets = [0, 1248], sizes = [512, 416], strides = [1, 1]} : vector<512x1664xf32> to vector<512x416xf32>
    %get3A_171 = arith.constant 0 : index
    %get3A_172 = arith.constant 0 : index
    %get3A_173 = vector.load %arg3[%get3A_171, %get3A_172] : memref<13x32xf32, #tpu.memory_space<vmem>>, vector<13x32xf32>
    %dot_general3A_174 = arith.constant dense<0.000000e+00> : vector<512x32xf32>
    %dot_general3A_175 = tpu.matmul %slice3A_169, %get3A_173, %dot_general3A_174 {dimension_numbers = #tpu.dot_dimension_numbers<[1], [0], [0], [1], [0, 0, 1, 1], [], []>, transpose_lhs_hint = false} : vector<512x13xf32>, vector<13x32xf32>, vector<512x32xf32> -> vector<512x32xf32>
    %get3A_176 = arith.constant 0 : index
    %get3A_177 = arith.constant 0 : index
    %get3A_178 = vector.load %arg4[%get3A_176, %get3A_177] : memref<1x32xf32, #tpu.memory_space<vmem>>, vector<1x32xf32>
    %add3A_179 = vector.broadcast %get3A_178 : vector<1x32xf32> to vector<512x32xf32>
    %add3A_180 = arith.addf %dot_general3A_175, %add3A_179 : vector<512x32xf32>
    %concatenate3A_181 = tpu.concatenate %add3A_180, %slice3A_170 in 1 : vector<512x32xf32>, vector<512x416xf32> -> vector<512x448xf32>
    %convert_element_type3A_182 = arith.truncf %concatenate3A_181 : vector<512x448xf32> to vector<512x448xbf16>
    %dot_general3A_183 = arith.constant dense<0.000000e+00> : vector<512x512xf32>
    %dot_general3A_184 = tpu.matmul %convert_element_type3A_182, %convert_element_type3A, %dot_general3A_183 {dimension_numbers = #tpu.dot_dimension_numbers<[1], [0], [0], [1], [0, 0, 1, 1], [], []>, transpose_lhs_hint = false} : vector<512x448xbf16>, vector<448x512xbf16>, vector<512x512xf32> -> vector<512x512xf32>
    %get3A_185 = arith.constant 0 : index
    %get3A_186 = arith.constant 0 : index
    %get3A_187 = vector.load %arg6[%get3A_185, %get3A_186] : memref<1x512xf32, #tpu.memory_space<vmem>>, vector<1x512xf32>
    %add3A_188 = vector.broadcast %get3A_187 : vector<1x512xf32> to vector<512x512xf32>
    %add3A_189 = arith.addf %dot_general3A_184, %add3A_188 : vector<512x512xf32>
    %max3A_190 = arith.constant 0.000000e+00 : f32
    %max3A_191 = vector.broadcast %max3A_190 : f32 to vector<512x512xf32>
    %max3A_192 = arith.maximumf %add3A_189, %max3A_191 : vector<512x512xf32>
    %get3A_193 = arith.constant 0 : index
    %get3A_194 = arith.constant 0 : index
    %get3A_195 = vector.load %arg7[%get3A_193, %get3A_194] : memref<512x1xf32, #tpu.memory_space<vmem>>, vector<512x1xf32>
    %dot_general3A_196 = arith.constant dense<0.000000e+00> : vector<512x1xf32>
    %dot_general3A_197 = tpu.matmul %max3A_192, %get3A_195, %dot_general3A_196 {dimension_numbers = #tpu.dot_dimension_numbers<[1], [0], [0], [1], [0, 0, 1, 1], [], []>, transpose_lhs_hint = false} : vector<512x512xf32>, vector<512x1xf32>, vector<512x1xf32> -> vector<512x1xf32>
    %get3A_198 = arith.constant 0 : index
    %get3A_199 = arith.constant 0 : index
    %get3A_200 = vector.load %arg8[%get3A_198, %get3A_199] : memref<1x1xf32, #tpu.memory_space<vmem>>, vector<1x1xf32>
    %add3A_201 = vector.broadcast %get3A_200 : vector<1x1xf32> to vector<512x1xf32>
    %add3A_202 = arith.addf %dot_general3A_197, %add3A_201 : vector<512x1xf32>
    %dot_general3A_203 = arith.constant dense<0.000000e+00> : vector<512x512xf32>
    %dot_general3A_204 = tpu.matmul %convert_element_type3A_182, %convert_element_type3A_11, %dot_general3A_203 {dimension_numbers = #tpu.dot_dimension_numbers<[1], [0], [0], [1], [0, 0, 1, 1], [], []>, transpose_lhs_hint = false} : vector<512x448xbf16>, vector<448x512xbf16>, vector<512x512xf32> -> vector<512x512xf32>
    %get3A_205 = arith.constant 0 : index
    %get3A_206 = arith.constant 0 : index
    %get3A_207 = vector.load %arg10[%get3A_205, %get3A_206] : memref<1x512xf32, #tpu.memory_space<vmem>>, vector<1x512xf32>
    %add3A_208 = vector.broadcast %get3A_207 : vector<1x512xf32> to vector<512x512xf32>
    %add3A_209 = arith.addf %dot_general3A_204, %add3A_208 : vector<512x512xf32>
    %max3A_210 = arith.constant 0.000000e+00 : f32
    %max3A_211 = vector.broadcast %max3A_210 : f32 to vector<512x512xf32>
    %max3A_212 = arith.maximumf %add3A_209, %max3A_211 : vector<512x512xf32>
    %get3A_213 = arith.constant 0 : index
    %get3A_214 = arith.constant 0 : index
    %get3A_215 = vector.load %arg11[%get3A_213, %get3A_214] : memref<512x1xf32, #tpu.memory_space<vmem>>, vector<512x1xf32>
    %dot_general3A_216 = arith.constant dense<0.000000e+00> : vector<512x1xf32>
    %dot_general3A_217 = tpu.matmul %max3A_212, %get3A_215, %dot_general3A_216 {dimension_numbers = #tpu.dot_dimension_numbers<[1], [0], [0], [1], [0, 0, 1, 1], [], []>, transpose_lhs_hint = false} : vector<512x512xf32>, vector<512x1xf32>, vector<512x1xf32> -> vector<512x1xf32>
    %get3A_218 = arith.constant 0 : index
    %get3A_219 = arith.constant 0 : index
    %get3A_220 = vector.load %arg12[%get3A_218, %get3A_219] : memref<1x1xf32, #tpu.memory_space<vmem>>, vector<1x1xf32>
    %add3A_221 = vector.broadcast %get3A_220 : vector<1x1xf32> to vector<512x1xf32>
    %add3A_222 = arith.addf %dot_general3A_217, %add3A_221 : vector<512x1xf32>
    %concatenate3A_223 = tpu.concatenate %add3A_40, %add3A_94, %add3A_148, %add3A_202 in 1 : vector<512x1xf32>, vector<512x1xf32>, vector<512x1xf32>, vector<512x1xf32> -> vector<512x4xf32>
    %swap3A = arith.constant 0 : index
    %swap3A_224 = arith.constant 0 : index
    %swap3A_225 = vector.load %arg13[%swap3A, %swap3A_224] : memref<512x4xf32, #tpu.memory_space<vmem>>, vector<512x4xf32>
    tpu.vector_store %arg13[%swap3A, %swap3A_224], %concatenate3A_223 {strides = array<i32>} : memref<512x4xf32, #tpu.memory_space<vmem>>, vector<512x4xf32>,
    %concatenate3A_226 = tpu.concatenate %add3A_60, %add3A_114, %add3A_168, %add3A_222 in 1 : vector<512x1xf32>, vector<512x1xf32>, vector<512x1xf32>, vector<512x1xf32> -> vector<512x4xf32>
    %swap3A_227 = arith.constant 0 : index
    %swap3A_228 = arith.constant 0 : index
    %swap3A_229 = vector.load %arg14[%swap3A_227, %swap3A_228] : memref<512x4xf32, #tpu.memory_space<vmem>>, vector<512x4xf32>
    tpu.vector_store %arg14[%swap3A_227, %swap3A_228], %concatenate3A_226 {strides = array<i32>} : memref<512x4xf32, #tpu.memory_space<vmem>>, vector<512x4xf32>,
    return
  }
  func.func @transform_0(%arg0: i32) -> (i32, i32) {
    %c0_i32 = arith.constant 0 : i32
    %c0_i32_0 = arith.constant 0 : i32
    return %arg0, %c0_i32 : i32, i32
  }
  func.func @transform_1(%arg0: i32) -> (i32, i32) {
    %c0_i32 = arith.constant 0 : i32
    %c0_i32_0 = arith.constant 0 : i32
    return %arg0, %c0_i32 : i32, i32
  }
  func.func @transform_2(%arg0: i32) -> (i32, i32) {
    %c0_i32 = arith.constant 0 : i32
    %c0_i32_0 = arith.constant 0 : i32
    %c0_i32_1 = arith.constant 0 : i32
    return %c0_i32, %c0_i32_0 : i32, i32
  }
  func.func @transform_3(%arg0: i32) -> (i32, i32) {
    %c0_i32 = arith.constant 0 : i32
    %c0_i32_0 = arith.constant 0 : i32
    %c0_i32_1 = arith.constant 0 : i32
    return %c0_i32, %c0_i32_0 : i32, i32
  }
  func.func @transform_4(%arg0: i32) -> (i32, i32) {
    %c0_i32 = arith.constant 0 : i32
    %c0_i32_0 = arith.constant 0 : i32
    %c0_i32_1 = arith.constant 0 : i32
    return %c0_i32, %c0_i32_0 : i32, i32
  }
  func.func @transform_5(%arg0: i32) -> (i32, i32) {
    %c0_i32 = arith.constant 0 : i32
    %c0_i32_0 = arith.constant 0 : i32
    %c0_i32_1 = arith.constant 0 : i32
    return %c0_i32, %c0_i32_0 : i32, i32
  }
  func.func @transform_6(%arg0: i32) -> (i32, i32) {
    %c0_i32 = arith.constant 0 : i32
    %c0_i32_0 = arith.constant 0 : i32
    %c0_i32_1 = arith.constant 0 : i32
    return %c0_i32, %c0_i32_0 : i32, i32
  }
  func.func @transform_7(%arg0: i32) -> (i32, i32) {
    %c0_i32 = arith.constant 0 : i32
    %c0_i32_0 = arith.constant 0 : i32
    %c0_i32_1 = arith.constant 0 : i32
    return %c0_i32, %c0_i32_0 : i32, i32
  }
  func.func @transform_8(%arg0: i32) -> (i32, i32) {
    %c0_i32 = arith.constant 0 : i32
    %c0_i32_0 = arith.constant 0 : i32
    %c0_i32_1 = arith.constant 0 : i32
    return %c0_i32, %c0_i32_0 : i32, i32
  }
  func.func @transform_9(%arg0: i32) -> (i32, i32) {
    %c0_i32 = arith.constant 0 : i32
    %c0_i32_0 = arith.constant 0 : i32
    %c0_i32_1 = arith.constant 0 : i32
    return %c0_i32, %c0_i32_0 : i32, i32
  }
  func.func @transform_10(%arg0: i32) -> (i32, i32) {
    %c0_i32 = arith.constant 0 : i32
    %c0_i32_0 = arith.constant 0 : i32
    %c0_i32_1 = arith.constant 0 : i32
    return %c0_i32, %c0_i32_0 : i32, i32
  }
  func.func @transform_11(%arg0: i32) -> (i32, i32) {
    %c0_i32 = arith.constant 0 : i32
    %c0_i32_0 = arith.constant 0 : i32
    %c0_i32_1 = arith.constant 0 : i32
    return %c0_i32, %c0_i32_0 : i32, i32
  }
  func.func @transform_12(%arg0: i32) -> (i32, i32) {
    %c0_i32 = arith.constant 0 : i32
    %c0_i32_0 = arith.constant 0 : i32
    return %arg0, %c0_i32 : i32, i32
  }
  func.func @transform_13(%arg0: i32) -> (i32, i32) {
    %c0_i32 = arith.constant 0 : i32
    %c0_i32_0 = arith.constant 0 : i32
    return %arg0, %c0_i32 : i32, i32
  }
}

</mosaic_0001>

<sc_bundles>
// kernel: kernel.5.cloned.1.call-start
scs
__scs_entry_jumppad:
0x0: {  	(pc) =	sbr.rel $0x88, $3  }
0x1: {  	(tag) =	ssettag $0x0;
	lr =	simm.s32 $0x1  }
0x2: {  	[smem:$0x3F94] =	sst lr;
	_ =	strace $0xD0000000  }
0x3: {  	_ = 	snop  }
0x4: {  	_ = 	snop  }
0x5: {  	_ = 	snop  }
0x6: {  	_ = 	snop  }
0x7: {  	_ = 	snop  }
__scs_overlays_trampoline_lowered:
0x8: {  	[smem:$0x3FA3] =	sst s0  }
0x9: {  	[smem:$0x3FA4] =	sst s1  }
0xa: {  	[smem:$0x3FA5] =	sst s2  }
0xb: {  	[smem:$0x3FA6] =	sst s3  }
0xc: {  	[smem:$0x3FA7] =	sst s4  }
0xd: {  	[smem:$0x3FA8] =	sst s5  }
0xe: {  	[smem:$0x3FA9] =	sst s6  }
0xf: {  	[smem:$0x3FAA] =	sst s7  }
0x10: {  	[smem:$0x3FAB] =	sst s8  }
0x11: {  	[smem:$0x3FAC] =	sst s9;
	s0 =	simm.s32 @!p0 $0x0  }
0x12: {  	s1 =	sld [smem:$0x3F92];
	s0 =	simm.s32 @p0 $0x1  }
0x13: {  	[smem:$0x3FAD] =	sst s0;
	s0 =	simm.s32 @!p1 $0x0  }
0x14: {  	s2 =	sld [smem:$0x3F91];
	s0 =	simm.s32 @p1 $0x1  }
0x15: {  	[smem:$0x3FAE] =	sst s0;
	s0 =	simm.s32 @!p2 $0x0  }
0x16: {  	s3 =	sld [smem:$0x3FDB];
	s0 =	simm.s32 @p2 $0x1  }
0x17: {  	s4 =	simm.s32 $0x1BF5;
	[smem:$0x3FB0] =	sst s0  }
0x18: {  	s0 =	sld [smem:$0x3F93];
	_ =	swait.ge [sflag:s4], $0x0  }
0x19: {  	s7 =	sld [smem:$0x3F94]  }
0x1a: {  	s8 =	sadd.s32 $0xFFFFE003, lr  }
0x1b: {  	s9 =	sadd.s32 $0xFFFFFEF7, lr;
	s5 =	simm.s32 $0xFFFFFFFF;
	p2 =	slt.u32 s8, $0xFFFFF086  }
0x1c: {  	p1 =	slt.u32 s9, $0xF7A;
	s5 =	simm.s32 @!p2 $0x0  }
0x1d: {  	s5 =	simm.s32 @p1 $0x1;
	p0 =	seq.s32 s7, s2  }
0x1e: {  	s7 =	smul.u32 @!p0 $0xF7A, s2;
	p2 =	seq.s32 @!p0 s5, $0x0  }
0x1f: {  	s9 =	smul.u32 $0xF7A, s1;
	s8 =	simm.s32 @!p0 $0x1BF5;
	p2 =	por !p2, p0  }
0x20: {  	[sflag:s8] =	ssyncset.s32 @!p0 $0xFFFFF086;
	s6 =	sadd.s32 @!p0 s3, s7;
	s7 =	simm.s32 @!p0 $0x108  }
0x21: {  	s3 =	sadd.s32 s3, s9;
	s6 =	sadd.s32 @!p0 $0x88, s6;
	s7 =	simm.s32 @p2 $0x1082  }
0x22: {  	[simem:s7], [sflag:s8] =	dma.local @!p0 [hbm:s6], $0xF7A  }
0x23: {  	s9 =	sor.u32 $0xD0000000, s2;
	s6 =	simm.s32 $0x108;
	_ =	swait.ge @!p0 [sflag:s8], $0x0  }
0x24: {  	s3 =	sadd.s32 $0x88, s3;
	s6 =	simm.s32 @!p1 $0x1082;
	[sflag:s4] =	ssyncset.s32 $0xFFFFF086  }
0x25: {  	[simem:s6], [sflag:s4] =	dma.local [hbm:s3], $0xF7A  }
0x26: {  	[smem:$0x3F94] =	sst s1;
	(tag) =	ssettag s2;
	_ =	strace s9  }
0x27: {  	s1 =	sld [smem:$0x3FA4]  }
0x28: {  	s2 =	sld [smem:$0x3FA5]  }
0x29: {  	s4 =	sld [smem:$0x3FA7]  }
0x2a: {  	p0 =	seq.s32 s5, $0x0;
	s5 =	sld [smem:$0x3FA8]  }
0x2b: {  	s6 =	sld [smem:$0x3FA9]  }
0x2c: {  	s7 =	sld [smem:$0x3FAA]  }
0x2d: {  	s3 =	simm.s32 $0x108;
	s8 =	sld [smem:$0x3FAB]  }
0x2e: {  	s3 =	simm.s32 @!p0 $0x1082;
	s9 =	sld [smem:$0x3FAC]  }
0x2f: {  	lr =	sadd.s32 s0, s3;
	s0 =	sld [smem:$0x3FA3]  }
0x30: {  	s3 =	sld [smem:$0x3FA6]  }
0x31: {  	[smem:$0x3FAF] =	sst s10  }
0x32: {  	s10 =	sld [smem:$0x3FAD];
	_ =	sdelay $0x3  }
0x33: {  	p0 =	seq.s32 s10, $0x1;
	s10 =	sld [smem:$0x3FAF];
	_ =	sdelay $0x3  }
0x34: {  	[smem:$0x3FAF] =	sst s10  }
0x35: {  	s10 =	sld [smem:$0x3FAE];
	_ =	sdelay $0x3  }
0x36: {  	p1 =	seq.s32 s10, $0x1;
	s10 =	sld [smem:$0x3FAF];
	_ =	sdelay $0x3  }
0x37: {  	[smem:$0x3FAF] =	sst s10  }
0x38: {  	s10 =	sld [smem:$0x3FB0]  }
0x39: {  	_ = 	snop;
	(pc) =	sbr.ind lr, $3  }
0x3a: {  	_ = 	snop  }
0x3b: {  	_ = 	snop  }
0x3c: {  	p2 =	seq.s32 s10, $0x1;
	s10 =	sld [smem:$0x3FAF]  }
0x3d: {  	_ =	shalt  }
0x3e: {  	_ =	shalt  }
0x3f: {  	_ =	shalt  }
0x40: {  	_ =	shalt  }
0x41: {  	_ =	shalt  }
0x42: {  	_ =	shalt  }
0x43: {  	_ =	shalt  }
0x44: {  	_ =	shalt  }
0x45: {  	_ =	shalt  }
0x46: {  	_ =	shalt  }
0x47: {  	_ =	shalt  }
0x48: {  	_ =	shalt  }
0x49: {  	_ =	shalt  }
0x4a: {  	_ =	shalt  }
0x4b: {  	_ =	shalt  }
0x4c: {  	_ =	shalt  }
0x4d: {  	_ =	shalt  }
0x4e: {  	_ =	shalt  }
0x4f: {  	_ =	shalt  }
0x50: {  	_ =	shalt  }
0x51: {  	_ =	shalt  }
0x52: {  	_ =	shalt  }
0x53: {  	_ =	shalt  }
0x54: {  	_ =	shalt  }
0x55: {  	_ =	shalt  }
0x56: {  	_ =	shalt  }
0x57: {  	_ =	shalt  }
0x58: {  	_ =	shalt  }
0x59: {  	_ =	shalt  }
0x5a: {  	_ =	shalt  }
0x5b: {  	_ =	shalt  }
0x5c: {  	_ =	shalt  }
0x5d: {  	_ =	shalt  }
0x5e: {  	_ =	shalt  }
0x5f: {  	_ =	shalt  }
0x60: {  	_ =	shalt  }
0x61: {  	_ =	shalt  }
0x62: {  	_ =	shalt  }
0x63: {  	_ =	shalt  }
0x64: {  	_ =	shalt  }
0x65: {  	_ =	shalt  }
0x66: {  	_ =	shalt  }
0x67: {  	_ =	shalt  }
0x68: {  	_ =	shalt  }
0x69: {  	_ =	shalt  }
0x6a: {  	_ =	shalt  }
0x6b: {  	_ =	shalt  }
0x6c: {  	_ =	shalt  }
0x6d: {  	_ =	shalt  }
0x6e: {  	_ =	shalt  }
0x6f: {  	_ =	shalt  }
0x70: {  	_ =	shalt  }
0x71: {  	_ =	shalt  }
0x72: {  	_ =	shalt  }
0x73: {  	_ =	shalt  }
0x74: {  	_ =	shalt  }
0x75: {  	_ =	shalt  }
0x76: {  	_ =	shalt  }
0x77: {  	_ =	shalt  }
0x78: {  	_ =	shalt  }
0x79: {  	_ =	shalt  }
0x7a: {  	_ =	shalt  }
0x7b: {  	_ =	shalt  }
0x7c: {  	_ =	shalt  }
0x7d: {  	_ =	shalt  }
0x7e: {  	_ =	shalt  }
0x7f: {  	_ =	shalt  }
0x80: {  	_ =	shalt  }
0x81: {  	_ =	shalt  }
0x82: {  	_ =	shalt  }
0x83: {  	_ =	shalt  }
0x84: {  	_ =	shalt  }
0x85: {  	_ =	shalt  }
0x86: {  	_ =	shalt  }
0x87: {  	_ =	shalt  }
.Lfunc_end0:
.L_simem_size_0:
called_computation_lowered:
.L_overlay_start_0:
0x88: {  	s2 =	sld [smem:$0x3FD9]  }
0x89: {  	s3 =	sld [smem:$0x3FFE];
	_ =	sdelay $0x1  }
0x8a: {  	s1 =	srdreg.scid  }
0x8b: {  	s0 =	sand.u32 $0x1, s1  }
0x8c: {  	s16 =	sshll.u32 s0, $0xA;
	s2 =	sadd.s32 s3, s2  }
0x8d: {  	s2 =	sadd.s32 s2, s16  }
0x8e: {  	[smem:$0x3FBB] =	sst s2  }
0x8f: {  	_ = 	snop  }
0x90: {  	(tm) =	ssettm $0x1  }
0x91: {  	s17 =	sld [smem:$0x3FFB];
	_ =	sdelay $0x3  }
0x92: {  	_ =	strace s17  }
0x93: {  	s2 =	sld [smem:$0x3FFC];
	_ =	sdelay $0x3  }
0x94: {  	_ =	strace s2  }
0x95: {  	s2 =	sld [smem:$0x3FFD];
	_ =	sdelay $0x3  }
0x96: {  	_ =	strace s2  }
0x97: {  	_ =	strace $0x8FFFFFFF  }
0x98: {  	s18 =	sld [smem:$0x3FDB];
	_ =	sdelay $0x1  }
0x99: {  	s19 =	simm.s32 $_scs_section_size  }
0x9a: {  	s4 =	simm.s32 $_size__tile_overlayer_lowered;
	s5 =	simm.s32 $_tile_overlayer_lowered  }
0x9b: {  	s22 =	simm.s32 $0x1BFF;
	s21 =	sshll.u32 s5, $0x1;
	s2 =	sadd.s32 s19, s18  }
0x9c: {  	s6 =	simm.s32 $0x0;
	s20 =	sshll.u32 s4, $0x1;
	s4 =	sadd.s32 s21, s2  }
0x9d: {  	[timem:s6], [sflag:s22] =	dma.local [hbm:s4], s20  }
0x9e: {  	_ =	swait.ge [sflag:s22], s20  }
0x9f: {  	s3 =	ssub.s32 $0x0, s20;
	[sflag:s22] =	ssyncset.done $0x0  }
0xa0: {  	[sflag:s22] =	ssyncadd.s32 s3;
	_ =	sdelay $0x1  }
0xa1: {  	s23 =	simm.s32 $0x1B8B  }
0xa2: {  	_ =	swait.ge [sflag:s23], $0x1  }
0xa3: {  	[sflag:s23] =	ssyncset.done $0x0  }
0xa4: {  	s25 =	simm.s32 $0x1B8E;
	s24 =	sld [smem:$0x3FFE];
	[sflag:s23] =	ssyncadd.s32 $0xFFFFFFFF  }
0xa5: {  	s26 =	simm.s32 $execute0_lowered;
	[smem:$0x3FD2] =	sst s25  }
0xa6: {  	s4 =	sshll.u32 s26, $0x1;
	_ =	strace $0x80000046;
	[dreg:$0x1] =	wrdreg $0xFFFFFFFF  }
0xa7: {  	s28 =	simm.s32 $_size_execute0_lowered;
	s2 =	sadd.s32 s2, s4;
	[dreg:$0x0] =	wrdreg $0x0  }
0xa8: {  	s4 =	sshll.u32 s28, $0x1;
	[dreg:$0x2] =	wrdreg s2  }
0xa9: {  	[dreg:$0x3] =	wrdreg s4  }
0xaa: {  	[dreg:$0x4] =	wrdreg $0xC0  }
0xab: {  	_ =	task [dreg:s6], $0x5FFFF  }
0xac: {  	[dreg:$0x1] =	wrdreg $0xFFFFFFFF  }
0xad: {  	[dreg:$0x0] =	wrdreg $0x60  }
0xae: {  	[dreg:$0x2] =	wrdreg s24  }
0xaf: {  	[dreg:$0x3] =	wrdreg $0x9  }
0xb0: {  	_ =	task.clear_ibuf [dreg:s6], $0x4FFFF;
	_ =	strace $0x90000046  }
0xb1: {  	s29 =	simm.s32 $0x9;
	_ =	strace $0x80000048  }
0xb2: {  	_ =	swait.ge [sflag:s29], $0x1  }
0xb3: {  	[sflag:s29] =	ssyncadd.s32 $0xFFFFFFFF  }
0xb4: {  	_ =	strace $0x90000048  }
0xb5: {  	_ =	sfence  }
0xb6: {  	s30 =	sld [smem:$0x0];
	_ =	sdelay $0x2  }
0xb7: {  	s31 =	sshll.u32 s1, $0xD;
	s1 =	sshrl.u32 s1, $0x2  }
0xb8: {  	s3 =	sand.u32 $0x4000, s31;
	s1 =	sadd.s32 s1, s30  }
0xb9: {  	s0 =	sor.u32 s3, s0;
	s1 =	sshll.u32 s1, $0x11  }
0xba: {  	s0 =	sor.u32 s1, s0  }
0xbb: {  	s0 =	sadd.s32 $0x8F2B, s0  }
0xbc: {  	[sflag:s0] =	ssyncadd.remote.s32 $0x1  }
0xbd: {  	_ =	sfence.sel $0xFFFF  }
0xbe: {  	[dreg:$0x0] =	wrdreg $0xFFFFFFFF;
	(pc) =	sbr.abs _section_cstart, $3  }
0xbf: {  	[dreg:$0x1] =	wrdreg $0xFFFFFFFF  }
0xc0: {  	_ =	task.clear_ibuf [dreg:s6], $0x2FFFF;
	_ =	strace $0x9FFFFFFF  }
0xc1: {  	(tm) =	ssettm $0x7FFFFFFF  }
tec
execute0_lowered:
.L_overlay_start_1:
0x0: {  	(tag) =	ssettag $0x1  }
0x1: {  	s0 =	srdreg.scid;
	s1 =	stileid.u32  }
0x2: {  	s0 =	sand.u32 $0x1, s0;
	s2 =	sshll.u32 s1, $0x1  }
0x3: {  	s1 =	rddreg [dreg:$0x0];
	s3 =	sor.u32 s0, s2;
	s2 =	simm.s32 $0x0  }
0x4: {  	s14 =	simm.s32 $0x100;
	[smem:$0x7FF] =	sst s2  }
0x5: {  	s15 =	simm.s32 $0x180;
	_ =	strace $0x80000047;
	[dreg:$0xb] =	wrdreg s14  }
0x6: {  	s16 =	simm.s32 $0x200;
	[dreg:$0xc] =	wrdreg s15  }
0x7: {  	s17 =	simm.s32 $0x280;
	[dreg:$0xd] =	wrdreg s16  }
0x8: {  	s18 =	simm.s32 $0x300;
	[dreg:$0xe] =	wrdreg s17  }
0x9: {  	s19 =	simm.s32 $0x380;
	[dreg:$0xf] =	wrdreg s18  }
0xa: {  	s20 =	simm.s32 $0x400;
	[dreg:$0x10] =	wrdreg s19  }
0xb: {  	s21 =	simm.s32 $0x480;
	[dreg:$0x11] =	wrdreg s20  }
0xc: {  	s22 =	simm.s32 $0x500;
	[dreg:$0x12] =	wrdreg s21  }
0xd: {  	s23 =	simm.s32 $0x580;
	[dreg:$0x13] =	wrdreg s22  }
0xe: {  	s24 =	simm.s32 $0x600;
	[dreg:$0x14] =	wrdreg s23  }
0xf: {  	s25 =	simm.s32 $0x680;
	[dreg:$0x15] =	wrdreg s24  }
0x10: {  	s26 =	simm.s32 $0x700;
	[dreg:$0x16] =	wrdreg s25  }
0x11: {  	s30 =	simm.s32 $0x780;
	[dreg:$0x17] =	wrdreg s26  }
0x12: {  	s31 =	simm.s32 $0x800;
	[dreg:$0x18] =	wrdreg s30  }
0x13: {  	[dreg:$0x19] =	wrdreg s31;
	s14 =	simm.s32 $0xD80  }
0x14: {  	s15 =	simm.s32 $0xE00;
	[smem:$0x7B1] =	sst s14  }
0x15: {  	s16 =	simm.s32 $0xE80;
	[smem:$0x7B2] =	sst s15  }
0x16: {  	s17 =	simm.s32 $0xF00;
	[smem:$0x7B3] =	sst s16  }
0x17: {  	s18 =	simm.s32 $0xF80;
	[smem:$0x7B4] =	sst s17  }
0x18: {  	s19 =	simm.s32 $0x1000;
	[smem:$0x7B5] =	sst s18  }
0x19: {  	s20 =	simm.s32 $0x1080;
	[smem:$0x7B6] =	sst s19  }
0x1a: {  	s21 =	simm.s32 $0x1100;
	[smem:$0x7B7] =	sst s20  }
0x1b: {  	s22 =	simm.s32 $0x1180;
	[smem:$0x7B8] =	sst s21  }
0x1c: {  	s23 =	simm.s32 $0x1200;
	[smem:$0x7B9] =	sst s22  }
0x1d: {  	s24 =	simm.s32 $0x1280;
	[smem:$0x7BA] =	sst s23  }
0x1e: {  	s4 =	smul.u32 $0x680, s3;
	s25 =	simm.s32 $0x1300;
	[smem:$0x7BB] =	sst s24  }
0x1f: {  	s5 =	smul.u32 $0x34000, s3;
	s26 =	simm.s32 $0x1380;
	[smem:$0x7BC] =	sst s25  }
0x20: {  	s3 =	smul.u32 $0x6800, s3;
	s30 =	simm.s32 $0x1400;
	[smem:$0x7BD] =	sst s26  }
0x21: {  	s6 =	sadd.s32 $0x504200, s1;
	s31 =	simm.s32 $0x1480;
	[smem:$0x7BE] =	sst s30  }
0x22: {  	s3 =	sadd.s32 s6, s3;
	[smem:$0x7BF] =	sst s31  }
0x23: {  	s14 =	simm.s32 $0x1A00;
	[dreg:$0x3] =	wrdreg s3  }
0x24: {  	s15 =	simm.s32 $0x1A80;
	[smem:$0x7CA] =	sst s14  }
0x25: {  	s16 =	simm.s32 $0x1B00;
	[smem:$0x7CB] =	sst s15  }
0x26: {  	s17 =	simm.s32 $0x1B80;
	[smem:$0x7CC] =	sst s16  }
0x27: {  	s18 =	simm.s32 $0x1C00;
	[smem:$0x7CD] =	sst s17  }
0x28: {  	s19 =	simm.s32 $0x1C80;
	[smem:$0x7CE] =	sst s18  }
0x29: {  	s20 =	simm.s32 $0x1D00;
	[smem:$0x7CF] =	sst s19  }
0x2a: {  	s21 =	simm.s32 $0x1D80;
	[smem:$0x7D0] =	sst s20  }
0x2b: {  	s22 =	simm.s32 $0x1E00;
	[smem:$0x7D1] =	sst s21  }
0x2c: {  	s23 =	simm.s32 $0x1E80;
	[smem:$0x7D2] =	sst s22  }
0x2d: {  	s24 =	simm.s32 $0x1F00;
	[smem:$0x7D3] =	sst s23  }
0x2e: {  	s25 =	simm.s32 $0x1F80;
	[smem:$0x7D4] =	sst s24  }
0x2f: {  	s26 =	simm.s32 $0x2000;
	[smem:$0x7D5] =	sst s25  }
0x30: {  	s30 =	simm.s32 $0x2080;
	[smem:$0x7D6] =	sst s26  }
0x31: {  	s4 =	sadd.s32 s4, s1;
	s31 =	simm.s32 $0x2100;
	[smem:$0x7D7] =	sst s30  }
0x32: {  	s5 =	sshrl.u32 s5, $0x3;
	s4 =	sadd.s32 $0x1800, s4;
	[smem:$0x7D8] =	sst s31  }
0x33: {  	s6 =	sadd.s32 s6, s5;
	s5 =	simm.s32 $0x900;
	[dreg:$0x2] =	wrdreg s4  }
0x34: {  	s14 =	simm.s32 $0x2680;
	[dreg:$0x1b] =	wrdreg s5  }
0x35: {  	s15 =	simm.s32 $0x2700;
	[smem:$0x7E3] =	sst s14  }
0x36: {  	s16 =	simm.s32 $0x2780;
	[smem:$0x7E4] =	sst s15  }
0x37: {  	s17 =	simm.s32 $0x2800;
	[smem:$0x7E5] =	sst s16  }
0x38: {  	s18 =	simm.s32 $0x2880;
	[smem:$0x7E6] =	sst s17  }
0x39: {  	s20 =	simm.s32 $0x2900;
	[smem:$0x7E7] =	sst s18  }
0x3a: {  	s21 =	simm.s32 $0x2980;
	[smem:$0x7E8] =	sst s20  }
0x3b: {  	s22 =	simm.s32 $0x2A00;
	[smem:$0x7E9] =	sst s21  }
0x3c: {  	s23 =	simm.s32 $0x2A80;
	[smem:$0x7EA] =	sst s22  }
0x3d: {  	s24 =	simm.s32 $0x2B00;
	[smem:$0x7EB] =	sst s23  }
0x3e: {  	s25 =	simm.s32 $0x2B80;
	[smem:$0x7EC] =	sst s24  }
0x3f: {  	s26 =	simm.s32 $0x2C00;
	[smem:$0x7ED] =	sst s25  }
0x40: {  	s30 =	simm.s32 $0x2C80;
	[smem:$0x7EE] =	sst s26  }
0x41: {  	s31 =	simm.s32 $0x2D00;
	[smem:$0x7EF] =	sst s30  }
0x42: {  	s3 =	simm.s32 $0x2E00;
	[smem:$0x7F0] =	sst s31  }
0x43: {  	s7 =	sadd.s32 $0xD00, s6;
	[smem:$0x7F2] =	sst s3  }
0x44: {  	s8 =	sadd.s32 $0x1A00, s6;
	[dreg:$0x4] =	wrdreg s7  }
0x45: {  	s9 =	sadd.s32 $0x2700, s6;
	[dreg:$0x5] =	wrdreg s8  }
0x46: {  	s10 =	sadd.s32 $0x3400, s6;
	[dreg:$0x6] =	wrdreg s9  }
0x47: {  	s11 =	sadd.s32 $0x4100, s6;
	[dreg:$0x7] =	wrdreg s10  }
0x48: {  	s12 =	sadd.s32 $0x4E00, s6;
	[dreg:$0x8] =	wrdreg s11  }
0x49: {  	s13 =	sadd.s32 $0x5B00, s6;
	[dreg:$0x9] =	wrdreg s12  }
0x4a: {  	s4 =	simm.s32 $0x880;
	[dreg:$0xa] =	wrdreg s13  }
0x4b: {  	s6 =	simm.s32 $0x980;
	[dreg:$0x1a] =	wrdreg s4  }
0x4c: {  	s5 =	simm.s32 $0x1580;
	[dreg:$0x1c] =	wrdreg s6  }
0x4d: {  	s14 =	simm.s32 $0x3180;
	[smem:$0x7C1] =	sst s5  }
0x4e: {  	s15 =	simm.s32 $0x3200;
	[smem:$0x7F9] =	sst s14  }
0x4f: {  	s21 =	simm.s32 $0x3280;
	[smem:$0x7FA] =	sst s15  }
0x50: {  	s30 =	simm.s32 $0x3300;
	[smem:$0x7FB] =	sst s21  }
0x51: {  	s31 =	simm.s32 $0x3380;
	[smem:$0x7FC] =	sst s30  }
0x52: {  	[smem:$0x7FD] =	sst s31  }
0x53: {  	s7 =	simm.s32 $0xA00;
	s21 =	rddreg [dreg:$0x2]  }
0x54: {  	s8 =	simm.s32 $0xA80;
	[dreg:$0x1d] =	wrdreg s7  }
0x55: {  	s9 =	simm.s32 $0xB00;
	[dreg:$0x1e] =	wrdreg s8  }
0x56: {  	s10 =	simm.s32 $0xB80;
	[dreg:$0x1f] =	wrdreg s9  }
0x57: {  	s29 =	simm.s32 $0x7400;
	s11 =	simm.s32 $0xC00;
	[smem:$0x7AD] =	sst s10  }
0x58: {  	s28 =	simm.s32 $0x9400;
	s12 =	simm.s32 $0xC80;
	[smem:$0x7AE] =	sst s11  }
0x59: {  	p0 =	por $0x0, $0x0;
	s13 =	simm.s32 $0xD00;
	[smem:$0x7AF] =	sst s12  }
0x5a: {  	s0 =	ssub.s32 $0x2, s0;
	s4 =	simm.s32 $0x1500;
	[smem:$0x7B0] =	sst s13  }
0x5b: {  	s19 =	sshrl.u32 s0, $0x1;
	s6 =	simm.s32 $0x1600;
	[smem:$0x7C0] =	sst s4  }
0x5c: {  	s0 =	ssub.s32 s0, s19;
	s5 =	simm.s32 $0x2200;
	[smem:$0x7C2] =	sst s6  }
0x5d: {  	s20 =	simm.s32 $0x7;
	s7 =	simm.s32 $0x1680;
	[smem:$0x7DA] =	sst s5  }
0x5e: {  	s16 =	simm.s32 $0x3C00;
	s8 =	simm.s32 $0x1700;
	[smem:$0x7C3] =	sst s7  }
0x5f: {  	s17 =	simm.s32 $0x4400;
	s9 =	simm.s32 $0x1780;
	[smem:$0x7C4] =	sst s8  }
0x60: {  	s18 =	simm.s32 $0x4C00;
	s10 =	simm.s32 $0x1800;
	[smem:$0x7C5] =	sst s9  }
0x61: {  	s22 =	simm.s32 $0x5400;
	s11 =	simm.s32 $0x1880;
	[smem:$0x7C6] =	sst s10  }
0x62: {  	s19 =	simm.s32 $0x5C00;
	s12 =	simm.s32 $0x1900;
	[smem:$0x7C7] =	sst s11  }
0x63: {  	s23 =	simm.s32 $0x6400;
	s13 =	simm.s32 $0x1980;
	[smem:$0x7C8] =	sst s12  }
0x64: {  	s26 =	simm.s32 $0x6C00;
	s4 =	simm.s32 $0x2180;
	[smem:$0x7C9] =	sst s13  }
0x65: {  	s24 =	simm.s32 $0x8400;
	s6 =	simm.s32 $0x2280;
	[smem:$0x7D9] =	sst s4  }
0x66: {  	s25 =	simm.s32 $0x8C00;
	[smem:$0x7DB] =	sst s6;
	s7 =	simm.s32 $0x2300  }
0x67: {  	s3 =	simm.s32 $0x9C00;
	s8 =	simm.s32 $0x2380;
	[smem:$0x7DC] =	sst s7  }
0x68: {  	s15 =	simm.s32 $0xCC00;
	s9 =	simm.s32 $0x2400;
	[smem:$0x7DD] =	sst s8  }
0x69: {  	s14 =	simm.s32 $0xD400;
	s10 =	simm.s32 $0x2480;
	[smem:$0x7DE] =	sst s9  }
0x6a: {  	s5 =	smax.u32 s0, $0x1;
	s11 =	simm.s32 $0x2500;
	[smem:$0x7DF] =	sst s10  }
0x6b: {  	s12 =	simm.s32 $0x2580;
	s13 =	simm.s32 $0x2600;
	[smem:$0x7E0] =	sst s11  }
0x6c: {  	s4 =	simm.s32 $0x3400;
	s6 =	simm.s32 $0x2E80;
	[smem:$0x7E1] =	sst s12  }
0x6d: {  	p1 =	sne.s32 s5, $0x1;
	s0 =	sadd.s32 $0xFFFFFFFF, s5;
	[smem:$0x7E2] =	sst s13  }
0x6e: {  	s9 =	sadd.s32 $0xE800, s1;
	s1 =	simm.s32 $0x2D80;
	[smem:$0x7F3] =	sst s6  }
0x6f: {  	s5 =	simm.s32 $0x5;
	s7 =	simm.s32 $0x2F00;
	[smem:$0x7F1] =	sst s1  }
0x70: {  	s11 =	simm.s32 $0x80;
	s8 =	simm.s32 $0x2F80;
	[smem:$0x7F4] =	sst s7  }
.Ltmp0:
0x71: {  	s10 =	simm.s32 $0x3000;
	[smem:$0x7F5] =	sst s8;
	(pc) =	sbr.rel @!p1 .LBB2_5-.Ltmp0, $4  }
0x72: {  	s12 =	simm.s32 $0x3080;
	s13 =	simm.s32 $0x3100;
	[smem:$0x7F6] =	sst s10  }
0x73: {  	s6 =	simm.s32 $0x4;
	s1 =	simm.s32 $0x7C00;
	[smem:$0x7F7] =	sst s12  }
0x74: {  	[smem:$0x7F8] =	sst s13;
	s12 =	simm.s32 $0x10400;
	s10 =	simm.s32 $0x1  }
0x75: {  	s8 =	simm.s32 $0x2;
	s13 =	simm.s32 $0x3;
	s7 =	simm.s32 $0x6  }
0x76: {  	[tilespmem:s2], [sflag:$0x7] =	stream.linear.gather [hbm4b:s21+s2], $0x3400, $0x38;
	[tilespmem:$0x16C00] =	vst v63  }
0x77: {  	_ =	swait.ge [sflag:s20], $0x3400  }
0x78: {  	[sflag:s20] =	ssyncset.done $0x0  }
0x79: {  	[sflag:s20] =	ssyncadd.s32 $0xFFFFCC00  }
0x7a: {  	[tilespmem:s4], [sflag:$0x1] =	stream.indirect.gather [hbm4b:s9+s11], $0x10, s2, s11, $0xb8;
	[tilespmem:$0x16C00] =	vst v63  }
0x7b: {  	s5 =	rddreg [dreg:$0xd]  }
0x7c: {  	[tilespmem:s16], [sflag:$0x1] =	stream.indirect.gather [hbm4b:s9+s11], $0x10, s11, s11, $0xb8;
	[tilespmem:$0x16C00] =	vst v63  }
0x7d: {  	s2 =	rddreg [dreg:$0xb]  }
0x7e: {  	[tilespmem:s17], [sflag:$0x1] =	stream.indirect.gather [hbm4b:s9+s11], $0x10, s2, s11, $0xb8;
	[tilespmem:$0x16C00] =	vst v63  }
0x7f: {  	s4 =	rddreg [dreg:$0xc]  }
0x80: {  	[tilespmem:s18], [sflag:$0x1] =	stream.indirect.gather [hbm4b:s9+s11], $0x10, s4, s11, $0xb8;
	[tilespmem:$0x16C00] =	vst v63  }
0x81: {  	s6 =	rddreg [dreg:$0xe]  }
0x82: {  	[tilespmem:s22], [sflag:$0x1] =	stream.indirect.gather [hbm4b:s9+s11], $0x10, s5, s11, $0xb8;
	[tilespmem:$0x16C00] =	vst v63  }
0x83: {  	s7 =	rddreg [dreg:$0xf]  }
0x84: {  	[tilespmem:s19], [sflag:$0x1] =	stream.indirect.gather [hbm4b:s9+s11], $0x10, s6, s11, $0xb8;
	[tilespmem:$0x16C00] =	vst v63  }
0x85: {  	s30 =	rddreg [dreg:$0x12]  }
0x86: {  	[tilespmem:s23], [sflag:$0x1] =	stream.indirect.gather [hbm4b:s9+s11], $0x10, s7, s11, $0xb8;
	[tilespmem:$0x16C00] =	vst v63  }
0x87: {  	s16 =	rddreg [dreg:$0x10]  }
0x88: {  	[tilespmem:s26], [sflag:$0x1] =	stream.indirect.gather [hbm4b:s9+s11], $0x10, s16, s11, $0xb8;
	[tilespmem:$0x16C00] =	vst v63  }
0x89: {  	s19 =	rddreg [dreg:$0x11]  }
0x8a: {  	[tilespmem:s29], [sflag:$0x1] =	stream.indirect.gather [hbm4b:s9+s11], $0x10, s19, s11, $0xb8;
	[tilespmem:$0x16C00] =	vst v63  }
0x8b: {  	s31 =	rddreg [dreg:$0x13]  }
0x8c: {  	[tilespmem:s1], [sflag:$0x1] =	stream.indirect.gather [hbm4b:s9+s11], $0x10, s30, s11, $0xb8;
	[tilespmem:$0x16C00] =	vst v63  }
0x8d: {  	s2 =	rddreg [dreg:$0x14]  }
0x8e: {  	[tilespmem:s24], [sflag:$0x1] =	stream.indirect.gather [hbm4b:s9+s11], $0x10, s31, s11, $0xb8;
	[tilespmem:$0x16C00] =	vst v63  }
0x8f: {  	s4 =	rddreg [dreg:$0x15]  }
0x90: {  	[tilespmem:s25], [sflag:$0x1] =	stream.indirect.gather [hbm4b:s9+s11], $0x10, s2, s11, $0xb8;
	[tilespmem:$0x16C00] =	vst v63  }
0x91: {  	s5 =	rddreg [dreg:$0x16]  }
0x92: {  	[tilespmem:s28], [sflag:$0x1] =	stream.indirect.gather [hbm4b:s9+s11], $0x10, s4, s11, $0xb8;
	[tilespmem:$0x16C00] =	vst v63  }
0x93: {  	s6 =	rddreg [dreg:$0x17]  }
0x94: {  	[tilespmem:s3], [sflag:$0x2] =	stream.indirect.gather [hbm4b:s9+s11], $0x10, s5, s11, $0xb8;
	[tilespmem:$0x16C00] =	vst v63  }
0x95: {  	s7 =	rddreg [dreg:$0x18];
	s16 =	simm.s32 $0xA400  }
0x96: {  	[tilespmem:s16], [sflag:$0x2] =	stream.indirect.gather [hbm4b:s9+s11], $0x10, s6, s11, $0xb8;
	[tilespmem:$0x16C00] =	vst v63  }
0x97: {  	s19 =	rddreg [dreg:$0x19];
	s30 =	simm.s32 $0xAC00  }
0x98: {  	[tilespmem:s30], [sflag:$0x2] =	stream.indirect.gather [hbm4b:s9+s11], $0x10, s7, s11, $0xb8;
	[tilespmem:$0x16C00] =	vst v63  }
0x99: {  	s31 =	rddreg [dreg:$0x1a];
	s5 =	simm.s32 $0xB400  }
0x9a: {  	[tilespmem:s5], [sflag:$0x2] =	stream.indirect.gather [hbm4b:s9+s11], $0x10, s19, s11, $0xb8;
	[tilespmem:$0x16C00] =	vst v63  }
0x9b: {  	s6 =	rddreg [dreg:$0x1b];
	s16 =	simm.s32 $0xBC00  }
0x9c: {  	[tilespmem:s16], [sflag:$0x2] =	stream.indirect.gather [hbm4b:s9+s11], $0x10, s31, s11, $0xb8;
	[tilespmem:$0x16C00] =	vst v63  }
0x9d: {  	s30 =	rddreg [dreg:$0x1c];
	s31 =	simm.s32 $0xC400  }
0x9e: {  	[tilespmem:s31], [sflag:$0x2] =	stream.indirect.gather [hbm4b:s9+s11], $0x10, s6, s11, $0xb8;
	[tilespmem:$0x16C00] =	vst v63  }
0x9f: {  	s5 =	rddreg [dreg:$0x1d]  }
0xa0: {  	[tilespmem:s15], [sflag:$0x2] =	stream.indirect.gather [hbm4b:s9+s11], $0x10, s30, s11, $0xb8;
	[tilespmem:$0x16C00] =	vst v63  }
0xa1: {  	s6 =	rddreg [dreg:$0x1e]  }
0xa2: {  	[tilespmem:s14], [sflag:$0x2] =	stream.indirect.gather [hbm4b:s9+s11], $0x10, s5, s11, $0xb8;
	[tilespmem:$0x16C00] =	vst v63  }
0xa3: {  	s16 =	simm.s32 $0xDC00;
	s30 =	sld [smem:$0x7AD]  }
0xa4: {  	[tilespmem:s16], [sflag:$0x2] =	stream.indirect.gather [hbm4b:s9+s11], $0x10, s6, s11, $0xb8;
	[tilespmem:$0x16C00] =	vst v63  }
0xa5: {  	s31 =	simm.s32 $0xE400;
	s14 =	rddreg [dreg:$0x1f]  }
0xa6: {  	[tilespmem:s31], [sflag:$0x2] =	stream.indirect.gather [hbm4b:s9+s11], $0x10, s14, s11, $0xb8;
	[tilespmem:$0x16C00] =	vst v63  }
0xa7: {  	s5 =	sld [smem:$0x7AE];
	s6 =	simm.s32 $0xEC00  }
0xa8: {  	[tilespmem:s6], [sflag:$0x2] =	stream.indirect.gather [hbm4b:s9+s11], $0x10, s30, s11, $0xb8;
	[tilespmem:$0x16C00] =	vst v63  }
0xa9: {  	s16 =	simm.s32 $0xF400;
	s14 =	sld [smem:$0x7AF]  }
0xaa: {  	[tilespmem:s16], [sflag:$0x2] =	stream.indirect.gather [hbm4b:s9+s11], $0x10, s5, s11, $0xb8;
	[tilespmem:$0x16C00] =	vst v63  }
0xab: {  	s31 =	simm.s32 $0xFC00;
	s30 =	sld [smem:$0x7B0]  }
0xac: {  	[tilespmem:s31], [sflag:$0x2] =	stream.indirect.gather [hbm4b:s9+s11], $0x10, s14, s11, $0xb8;
	[tilespmem:$0x16C00] =	vst v63  }
0xad: {  	s7 =	simm.s32 $0x10400;
	s5 =	sld [smem:$0x7B1]  }
0xae: {  	[tilespmem:s7], [sflag:$0x3] =	stream.indirect.gather [hbm4b:s9+s11], $0x10, s30, s11, $0xb8;
	[tilespmem:$0x16C00] =	vst v63  }
0xaf: {  	s6 =	sld [smem:$0x7B2];
	s14 =	simm.s32 $0x10C00  }
0xb0: {  	[tilespmem:s14], [sflag:$0x3] =	stream.indirect.gather [hbm4b:s9+s11], $0x10, s5, s11, $0xb8;
	[tilespmem:$0x16C00] =	vst v63  }
0xb1: {  	s16 =	sld [smem:$0x7B3];
	s30 =	simm.s32 $0x11400  }
0xb2: {  	[tilespmem:s30], [sflag:$0x3] =	stream.indirect.gather [hbm4b:s9+s11], $0x10, s6, s11, $0xb8;
	[tilespmem:$0x16C00] =	vst v63  }
0xb3: {  	s21 =	sld [smem:$0x7B4];
	s31 =	simm.s32 $0x11C00  }
0xb4: {  	[tilespmem:s31], [sflag:$0x3] =	stream.indirect.gather [hbm4b:s9+s11], $0x10, s16, s11, $0xb8;
	[tilespmem:$0x16C00] =	vst v63  }
0xb5: {  	s30 =	simm.s32 $0x12400;
	s16 =	sld [smem:$0x7B5]  }
0xb6: {  	[tilespmem:s30], [sflag:$0x3] =	stream.indirect.gather [hbm4b:s9+s11], $0x10, s21, s11, $0xb8;
	[tilespmem:$0x16C00] =	vst v63  }
0xb7: {  	s31 =	simm.s32 $0x12C00;
	s21 =	sld [smem:$0x7B6]  }
0xb8: {  	[tilespmem:s31], [sflag:$0x3] =	stream.indirect.gather [hbm4b:s9+s11], $0x10, s16, s11, $0xb8;
	[tilespmem:$0x16C00] =	vst v63  }
0xb9: {  	s20 =	sld [smem:$0x7B7];
	s16 =	simm.s32 $0x13400  }
0xba: {  	[tilespmem:s16], [sflag:$0x3] =	stream.indirect.gather [hbm4b:s9+s11], $0x10, s21, s11, $0xb8;
	[tilespmem:$0x16C00] =	vst v63  }
0xbb: {  	s21 =	sld [smem:$0x7B8];
	s16 =	simm.s32 $0x13C00  }
0xbc: {  	[tilespmem:s16], [sflag:$0x3] =	stream.indirect.gather [hbm4b:s9+s11], $0x10, s20, s11, $0xb8;
	[tilespmem:$0x16C00] =	vst v63  }
0xbd: {  	s20 =	sld [smem:$0x7B9];
	s16 =	simm.s32 $0x14400  }
0xbe: {  	[tilespmem:s16], [sflag:$0x3] =	stream.indirect.gather [hbm4b:s9+s11], $0x10, s21, s11, $0xb8;
	[tilespmem:$0x16C00] =	vst v63  }
0xbf: {  	s21 =	sld [smem:$0x7BA];
	s16 =	simm.s32 $0x14C00  }
0xc0: {  	[tilespmem:s16], [sflag:$0x3] =	stream.indirect.gather [hbm4b:s9+s11], $0x10, s20, s11, $0xb8;
	[tilespmem:$0x16C00] =	vst v63  }
0xc1: {  	s30 =	simm.s32 $0x15400;
	s16 =	sld [smem:$0x7BB]  }
0xc2: {  	[tilespmem:s30], [sflag:$0x3] =	stream.indirect.gather [hbm4b:s9+s11], $0x10, s21, s11, $0xb8;
	[tilespmem:$0x16C00] =	vst v63  }
0xc3: {  	s31 =	simm.s32 $0x15C00;
	s30 =	sld [smem:$0x7BC]  }
0xc4: {  	[tilespmem:s31], [sflag:$0x3] =	stream.indirect.gather [hbm4b:s9+s11], $0x10, s16, s11, $0xb8;
	[tilespmem:$0x16C00] =	vst v63  }
0xc5: {  	[smem:$0x7AC] =	sst s0;
	s14 =	simm.s32 $0x16400  }
0xc6: {  	[tilespmem:s14], [sflag:$0x3] =	stream.indirect.gather [hbm4b:s9+s11], $0x10, s30, s11, $0xb8;
	[tilespmem:$0x16C00] =	vst v63  }
0xc7: {  	_ =	swait.ge [sflag:s10], $0x800  }
0xc8: {  	[sflag:s10] =	ssyncset.done $0x0  }
0xc9: {  	[sflag:s10] =	ssyncadd.s32 $0xFFFFF800  }
0xca: {  	_ =	swait.ge [sflag:s10], $0x800  }
0xcb: {  	[sflag:s10] =	ssyncset.done $0x0  }
0xcc: {  	[sflag:s10] =	ssyncadd.s32 $0xFFFFF800  }
0xcd: {  	_ =	swait.ge [sflag:s10], $0x800  }
0xce: {  	[sflag:s10] =	ssyncset.done $0x0  }
0xcf: {  	[sflag:s10] =	ssyncadd.s32 $0xFFFFF800  }
0xd0: {  	_ =	swait.ge [sflag:s10], $0x800  }
0xd1: {  	[sflag:s10] =	ssyncset.done $0x0  }
0xd2: {  	[sflag:s10] =	ssyncadd.s32 $0xFFFFF800  }
0xd3: {  	_ =	swait.ge [sflag:s10], $0x800  }
0xd4: {  	[sflag:s10] =	ssyncset.done $0x0  }
0xd5: {  	[sflag:s10] =	ssyncadd.s32 $0xFFFFF800  }
0xd6: {  	_ =	swait.ge [sflag:s10], $0x800  }
0xd7: {  	[sflag:s10] =	ssyncset.done $0x0  }
0xd8: {  	[sflag:s10] =	ssyncadd.s32 $0xFFFFF800  }
0xd9: {  	_ =	swait.ge [sflag:s10], $0x800  }
0xda: {  	[sflag:s10] =	ssyncset.done $0x0  }
0xdb: {  	[sflag:s10] =	ssyncadd.s32 $0xFFFFF800  }
0xdc: {  	_ =	swait.ge [sflag:s10], $0x800  }
0xdd: {  	[sflag:s10] =	ssyncset.done $0x0  }
0xde: {  	[sflag:s10] =	ssyncadd.s32 $0xFFFFF800  }
0xdf: {  	_ =	swait.ge [sflag:s10], $0x800  }
0xe0: {  	[sflag:s10] =	ssyncset.done $0x0  }
0xe1: {  	[sflag:s10] =	ssyncadd.s32 $0xFFFFF800  }
0xe2: {  	_ =	swait.ge [sflag:s10], $0x800  }
0xe3: {  	[sflag:s10] =	ssyncset.done $0x0  }
0xe4: {  	[sflag:s10] =	ssyncadd.s32 $0xFFFFF800  }
0xe5: {  	_ =	swait.ge [sflag:s10], $0x800  }
0xe6: {  	[sflag:s10] =	ssyncset.done $0x0  }
0xe7: {  	[sflag:s10] =	ssyncadd.s32 $0xFFFFF800  }
0xe8: {  	_ =	swait.ge [sflag:s10], $0x800  }
0xe9: {  	[sflag:s10] =	ssyncset.done $0x0  }
0xea: {  	[sflag:s10] =	ssyncadd.s32 $0xFFFFF800  }
0xeb: {  	_ =	swait.ge [sflag:s10], $0x800  }
0xec: {  	s0 =	simm.s32 $0x4;
	s19 =	simm.s32 $0x3400;
	[sflag:s10] =	ssyncset.done $0x0  }
0xed: {  	s5 =	simm.s32 $0x0;
	s31 =	rddreg [dreg:$0x3];
	[sflag:s10] =	ssyncadd.s32 $0xFFFFF800  }
0xee: {  	[hbm4b:s31+s5] =	stream.linear.scatter [tilespmem:s19], [sflag:$0x4], $0x6800, $0x38;
	[tilespmem:$0x16C00] =	vst v63  }
0xef: {  	_ =	swait.ge [sflag:s0], $0x6800  }
0xf0: {  	s14 =	sld [smem:$0x7BD]  }
0xf1: {  	[sflag:s0] =	ssyncset.done $0x0  }
0xf2: {  	s16 =	sld [smem:$0x7BE];
	[sflag:s0] =	ssyncadd.s32 $0xFFFF9800  }
0xf3: {  	[tilespmem:s19], [sflag:$0x1] =	stream.indirect.gather [hbm4b:s9+s11], $0x10, s14, s11, $0xb8;
	[tilespmem:$0x16C00] =	vst v63  }
0xf4: {  	s12 =	simm.s32 $0x3C00;
	s19 =	sld [smem:$0x7BF]  }
0xf5: {  	[tilespmem:s12], [sflag:$0x1] =	stream.indirect.gather [hbm4b:s9+s11], $0x10, s16, s11, $0xb8;
	[tilespmem:$0x16C00] =	vst v63  }
0xf6: {  	s30 =	sld [smem:$0x7C0]  }
0xf7: {  	[tilespmem:s17], [sflag:$0x1] =	stream.indirect.gather [hbm4b:s9+s11], $0x10, s19, s11, $0xb8;
	[tilespmem:$0x16C00] =	vst v63  }
0xf8: {  	s31 =	sld [smem:$0x7C1]  }
0xf9: {  	[tilespmem:s18], [sflag:$0x1] =	stream.indirect.gather [hbm4b:s9+s11], $0x10, s30, s11, $0xb8;
	[tilespmem:$0x16C00] =	vst v63  }
0xfa: {  	s0 =	sld [smem:$0x7C2]  }
0xfb: {  	[tilespmem:s22], [sflag:$0x1] =	stream.indirect.gather [hbm4b:s9+s11], $0x10, s31, s11, $0xb8;
	[tilespmem:$0x16C00] =	vst v63  }
0xfc: {  	s3 =	simm.s32 $0x5C00;
	s12 =	sld [smem:$0x7C3]  }
0xfd: {  	[tilespmem:s3], [sflag:$0x1] =	stream.indirect.gather [hbm4b:s9+s11], $0x10, s0, s11, $0xb8;
	[tilespmem:$0x16C00] =	vst v63  }
0xfe: {  	s14 =	sld [smem:$0x7C4]  }
0xff: {  	[tilespmem:s23], [sflag:$0x1] =	stream.indirect.gather [hbm4b:s9+s11], $0x10, s12, s11, $0xb8;
	[tilespmem:$0x16C00] =	vst v63  }
0x100: {  	s16 =	sld [smem:$0x7C5]  }
0x101: {  	[tilespmem:s26], [sflag:$0x1] =	stream.indirect.gather [hbm4b:s9+s11], $0x10, s14, s11, $0xb8;
	[tilespmem:$0x16C00] =	vst v63  }
0x102: {  	s19 =	sld [smem:$0x7C6]  }
0x103: {  	[tilespmem:s29], [sflag:$0x1] =	stream.indirect.gather [hbm4b:s9+s11], $0x10, s16, s11, $0xb8;
	[tilespmem:$0x16C00] =	vst v63  }
0x104: {  	s30 =	sld [smem:$0x7C7]  }
0x105: {  	[tilespmem:s1], [sflag:$0x1] =	stream.indirect.gather [hbm4b:s9+s11], $0x10, s19, s11, $0xb8;
	[tilespmem:$0x16C00] =	vst v63  }
0x106: {  	s31 =	sld [smem:$0x7C8]  }
0x107: {  	[tilespmem:s24], [sflag:$0x1] =	stream.indirect.gather [hbm4b:s9+s11], $0x10, s30, s11, $0xb8;
	[tilespmem:$0x16C00] =	vst v63  }
0x108: {  	s0 =	sld [smem:$0x7C9]  }
0x109: {  	[tilespmem:s25], [sflag:$0x1] =	stream.indirect.gather [hbm4b:s9+s11], $0x10, s31, s11, $0xb8;
	[tilespmem:$0x16C00] =	vst v63  }
0x10a: {  	_ = 	snop  }
0x10b: {  	[tilespmem:s28], [sflag:$0x1] =	stream.indirect.gather [hbm4b:s9+s11], $0x10, s0, s11, $0xb8;
	[tilespmem:$0x16C00] =	vst v63  }
0x10c: {  	_ =	swait.ge [sflag:s8], $0x800  }
0x10d: {  	[sflag:s8] =	ssyncset.done $0x0  }
0x10e: {  	[sflag:s8] =	ssyncadd.s32 $0xFFFFF800  }
0x10f: {  	_ =	swait.ge [sflag:s8], $0x800  }
0x110: {  	[sflag:s8] =	ssyncset.done $0x0  }
0x111: {  	[sflag:s8] =	ssyncadd.s32 $0xFFFFF800  }
0x112: {  	_ =	swait.ge [sflag:s8], $0x800  }
0x113: {  	[sflag:s8] =	ssyncset.done $0x0  }
0x114: {  	[sflag:s8] =	ssyncadd.s32 $0xFFFFF800  }
0x115: {  	_ =	swait.ge [sflag:s8], $0x800  }
0x116: {  	[sflag:s8] =	ssyncset.done $0x0  }
0x117: {  	[sflag:s8] =	ssyncadd.s32 $0xFFFFF800  }
0x118: {  	_ =	swait.ge [sflag:s8], $0x800  }
0x119: {  	[sflag:s8] =	ssyncset.done $0x0  }
0x11a: {  	[sflag:s8] =	ssyncadd.s32 $0xFFFFF800  }
0x11b: {  	_ =	swait.ge [sflag:s8], $0x800  }
0x11c: {  	[sflag:s8] =	ssyncset.done $0x0  }
0x11d: {  	[sflag:s8] =	ssyncadd.s32 $0xFFFFF800  }
0x11e: {  	_ =	swait.ge [sflag:s8], $0x800  }
0x11f: {  	[sflag:s8] =	ssyncset.done $0x0  }
0x120: {  	[sflag:s8] =	ssyncadd.s32 $0xFFFFF800  }
0x121: {  	_ =	swait.ge [sflag:s8], $0x800  }
0x122: {  	[sflag:s8] =	ssyncset.done $0x0  }
0x123: {  	[sflag:s8] =	ssyncadd.s32 $0xFFFFF800  }
0x124: {  	_ =	swait.ge [sflag:s8], $0x800  }
0x125: {  	[sflag:s8] =	ssyncset.done $0x0  }
0x126: {  	[sflag:s8] =	ssyncadd.s32 $0xFFFFF800  }
0x127: {  	_ =	swait.ge [sflag:s8], $0x800  }
0x128: {  	[sflag:s8] =	ssyncset.done $0x0  }
0x129: {  	[sflag:s8] =	ssyncadd.s32 $0xFFFFF800  }
0x12a: {  	_ =	swait.ge [sflag:s8], $0x800  }
0x12b: {  	[sflag:s8] =	ssyncset.done $0x0  }
0x12c: {  	[sflag:s8] =	ssyncadd.s32 $0xFFFFF800  }
0x12d: {  	_ =	swait.ge [sflag:s8], $0x800  }
0x12e: {  	[sflag:s8] =	ssyncset.done $0x0  }
0x12f: {  	[sflag:s8] =	ssyncadd.s32 $0xFFFFF800  }
0x130: {  	_ =	swait.ge [sflag:s8], $0x800  }
0x131: {  	s4 =	simm.s32 $0x9C00;
	[sflag:s8] =	ssyncset.done $0x0  }
0x132: {  	s6 =	simm.s32 $0x5;
	s3 =	rddreg [dreg:$0x4];
	[sflag:s8] =	ssyncadd.s32 $0xFFFFF800  }
0x133: {  	[hbm4b:s3+s5] =	stream.linear.scatter [tilespmem:s4], [sflag:$0x5], $0x6800, $0x38;
	[tilespmem:$0x16C00] =	vst v63  }
0x134: {  	_ =	swait.ge [sflag:s6], $0x6800  }
0x135: {  	s12 =	sld [smem:$0x7CA]  }
0x136: {  	[sflag:s6] =	ssyncset.done $0x0  }
0x137: {  	s14 =	sld [smem:$0x7CB];
	[sflag:s6] =	ssyncadd.s32 $0xFFFF9800  }
0x138: {  	[tilespmem:s4], [sflag:$0x2] =	stream.indirect.gather [hbm4b:s9+s11], $0x10, s12, s11, $0xb8;
	[tilespmem:$0x16C00] =	vst v63  }
0x139: {  	s19 =	simm.s32 $0xA400;
	s16 =	sld [smem:$0x7CC]  }
0x13a: {  	[tilespmem:s19], [sflag:$0x2] =	stream.indirect.gather [hbm4b:s9+s11], $0x10, s14, s11, $0xb8;
	[tilespmem:$0x16C00] =	vst v63  }
0x13b: {  	s31 =	simm.s32 $0xAC00;
	s30 =	sld [smem:$0x7CD]  }
0x13c: {  	[tilespmem:s31], [sflag:$0x2] =	stream.indirect.gather [hbm4b:s9+s11], $0x10, s16, s11, $0xb8;
	[tilespmem:$0x16C00] =	vst v63  }
0x13d: {  	s3 =	simm.s32 $0xB400;
	s0 =	sld [smem:$0x7CE]  }
0x13e: {  	[tilespmem:s3], [sflag:$0x2] =	stream.indirect.gather [hbm4b:s9+s11], $0x10, s30, s11, $0xb8;
	[tilespmem:$0x16C00] =	vst v63  }
0x13f: {  	s14 =	sld [smem:$0x7CF];
	s19 =	simm.s32 $0xBC00  }
0x140: {  	[tilespmem:s19], [sflag:$0x2] =	stream.indirect.gather [hbm4b:s9+s11], $0x10, s0, s11, $0xb8;
	[tilespmem:$0x16C00] =	vst v63  }
0x141: {  	s31 =	simm.s32 $0xC400;
	s30 =	sld [smem:$0x7D0]  }
0x142: {  	[tilespmem:s31], [sflag:$0x2] =	stream.indirect.gather [hbm4b:s9+s11], $0x10, s14, s11, $0xb8;
	[tilespmem:$0x16C00] =	vst v63  }
0x143: {  	s3 =	sld [smem:$0x7D1]  }
0x144: {  	[tilespmem:s15], [sflag:$0x2] =	stream.indirect.gather [hbm4b:s9+s11], $0x10, s30, s11, $0xb8;
	[tilespmem:$0x16C00] =	vst v63  }
0x145: {  	s19 =	sld [smem:$0x7D2];
	s14 =	simm.s32 $0xD400  }
0x146: {  	[tilespmem:s14], [sflag:$0x2] =	stream.indirect.gather [hbm4b:s9+s11], $0x10, s3, s11, $0xb8;
	[tilespmem:$0x16C00] =	vst v63  }
0x147: {  	s31 =	simm.s32 $0xDC00;
	s30 =	sld [smem:$0x7D3]  }
0x148: {  	[tilespmem:s31], [sflag:$0x2] =	stream.indirect.gather [hbm4b:s9+s11], $0x10, s19, s11, $0xb8;
	[tilespmem:$0x16C00] =	vst v63  }
0x149: {  	s3 =	sld [smem:$0x7D4];
	s19 =	simm.s32 $0xE400  }
0x14a: {  	[tilespmem:s19], [sflag:$0x2] =	stream.indirect.gather [hbm4b:s9+s11], $0x10, s30, s11, $0xb8;
	[tilespmem:$0x16C00] =	vst v63  }
0x14b: {  	s31 =	simm.s32 $0xEC00;
	s30 =	sld [smem:$0x7D5]  }
0x14c: {  	[tilespmem:s31], [sflag:$0x2] =	stream.indirect.gather [hbm4b:s9+s11], $0x10, s3, s11, $0xb8;
	[tilespmem:$0x16C00] =	vst v63  }
0x14d: {  	s20 =	sld [smem:$0x7D6];
	s3 =	simm.s32 $0xF400  }
0x14e: {  	[tilespmem:s3], [sflag:$0x2] =	stream.indirect.gather [hbm4b:s9+s11], $0x10, s30, s11, $0xb8;
	[tilespmem:$0x16C00] =	vst v63  }
0x14f: {  	s21 =	simm.s32 $0xFC00  }
0x150: {  	[tilespmem:s21], [sflag:$0x2] =	stream.indirect.gather [hbm4b:s9+s11], $0x10, s20, s11, $0xb8;
	[tilespmem:$0x16C00] =	vst v63  }
0x151: {  	_ =	swait.ge [sflag:s13], $0x800  }
0x152: {  	[sflag:s13] =	ssyncset.done $0x0  }
0x153: {  	[sflag:s13] =	ssyncadd.s32 $0xFFFFF800  }
0x154: {  	_ =	swait.ge [sflag:s13], $0x800  }
0x155: {  	[sflag:s13] =	ssyncset.done $0x0  }
0x156: {  	[sflag:s13] =	ssyncadd.s32 $0xFFFFF800  }
0x157: {  	_ =	swait.ge [sflag:s13], $0x800  }
0x158: {  	[sflag:s13] =	ssyncset.done $0x0  }
0x159: {  	[sflag:s13] =	ssyncadd.s32 $0xFFFFF800  }
0x15a: {  	_ =	swait.ge [sflag:s13], $0x800  }
0x15b: {  	[sflag:s13] =	ssyncset.done $0x0  }
0x15c: {  	[sflag:s13] =	ssyncadd.s32 $0xFFFFF800  }
0x15d: {  	_ =	swait.ge [sflag:s13], $0x800  }
0x15e: {  	[sflag:s13] =	ssyncset.done $0x0  }
0x15f: {  	[sflag:s13] =	ssyncadd.s32 $0xFFFFF800  }
0x160: {  	_ =	swait.ge [sflag:s13], $0x800  }
0x161: {  	[sflag:s13] =	ssyncset.done $0x0  }
0x162: {  	[sflag:s13] =	ssyncadd.s32 $0xFFFFF800  }
0x163: {  	_ =	swait.ge [sflag:s13], $0x800  }
0x164: {  	[sflag:s13] =	ssyncset.done $0x0  }
0x165: {  	[sflag:s13] =	ssyncadd.s32 $0xFFFFF800  }
0x166: {  	_ =	swait.ge [sflag:s13], $0x800  }
0x167: {  	[sflag:s13] =	ssyncset.done $0x0  }
0x168: {  	[sflag:s13] =	ssyncadd.s32 $0xFFFFF800  }
0x169: {  	_ =	swait.ge [sflag:s13], $0x800  }
0x16a: {  	[sflag:s13] =	ssyncset.done $0x0  }
0x16b: {  	[sflag:s13] =	ssyncadd.s32 $0xFFFFF800  }
0x16c: {  	_ =	swait.ge [sflag:s13], $0x800  }
0x16d: {  	[sflag:s13] =	ssyncset.done $0x0  }
0x16e: {  	[sflag:s13] =	ssyncadd.s32 $0xFFFFF800  }
0x16f: {  	_ =	swait.ge [sflag:s13], $0x800  }
0x170: {  	[sflag:s13] =	ssyncset.done $0x0  }
0x171: {  	[sflag:s13] =	ssyncadd.s32 $0xFFFFF800  }
0x172: {  	_ =	swait.ge [sflag:s13], $0x800  }
0x173: {  	[sflag:s13] =	ssyncset.done $0x0  }
0x174: {  	[sflag:s13] =	ssyncadd.s32 $0xFFFFF800  }
0x175: {  	_ =	swait.ge [sflag:s13], $0x800  }
0x176: {  	[sflag:s13] =	ssyncset.done $0x0  }
0x177: {  	s2 =	simm.s32 $0x6;
	s3 =	rddreg [dreg:$0x5];
	[sflag:s13] =	ssyncadd.s32 $0xFFFFF800  }
0x178: {  	[hbm4b:s3+s5] =	stream.linear.scatter [tilespmem:s7], [sflag:$0x6], $0x6800, $0x38;
	[tilespmem:$0x16C00] =	vst v63  }
0x179: {  	_ =	swait.ge [sflag:s2], $0x6800  }
0x17a: {  	s21 =	sld [smem:$0x7D7]  }
0x17b: {  	[sflag:s2] =	ssyncset.done $0x0  }
0x17c: {  	s0 =	sld [smem:$0x7D8];
	[sflag:s2] =	ssyncadd.s32 $0xFFFF9800  }
0x17d: {  	[tilespmem:s7], [sflag:$0x3] =	stream.indirect.gather [hbm4b:s9+s11], $0x10, s21, s11, $0xb8;
	[tilespmem:$0x16C00] =	vst v63  }
0x17e: {  	s20 =	sld [smem:$0x7D9];
	s7 =	simm.s32 $0x10C00  }
0x17f: {  	[tilespmem:s7], [sflag:$0x3] =	stream.indirect.gather [hbm4b:s9+s11], $0x10, s0, s11, $0xb8;
	[tilespmem:$0x16C00] =	vst v63  }
0x180: {  	s21 =	sld [smem:$0x7DA];
	s7 =	simm.s32 $0x11400  }
0x181: {  	[tilespmem:s7], [sflag:$0x3] =	stream.indirect.gather [hbm4b:s9+s11], $0x10, s20, s11, $0xb8;
	[tilespmem:$0x16C00] =	vst v63  }
0x182: {  	s20 =	sld [smem:$0x7DB];
	s7 =	simm.s32 $0x11C00  }
0x183: {  	[tilespmem:s7], [sflag:$0x3] =	stream.indirect.gather [hbm4b:s9+s11], $0x10, s21, s11, $0xb8;
	[tilespmem:$0x16C00] =	vst v63  }
0x184: {  	s0 =	simm.s32 $0x12400;
	s21 =	sld [smem:$0x7DC]  }
0x185: {  	[tilespmem:s0], [sflag:$0x3] =	stream.indirect.gather [hbm4b:s9+s11], $0x10, s20, s11, $0xb8;
	[tilespmem:$0x16C00] =	vst v63  }
0x186: {  	s20 =	sld [smem:$0x7DD];
	s0 =	simm.s32 $0x12C00  }
0x187: {  	[tilespmem:s0], [sflag:$0x3] =	stream.indirect.gather [hbm4b:s9+s11], $0x10, s21, s11, $0xb8;
	[tilespmem:$0x16C00] =	vst v63  }
0x188: {  	s21 =	sld [smem:$0x7DE];
	s0 =	simm.s32 $0x13400  }
0x189: {  	[tilespmem:s0], [sflag:$0x3] =	stream.indirect.gather [hbm4b:s9+s11], $0x10, s20, s11, $0xb8;
	[tilespmem:$0x16C00] =	vst v63  }
0x18a: {  	s20 =	sld [smem:$0x7DF];
	s0 =	simm.s32 $0x13C00  }
0x18b: {  	[tilespmem:s0], [sflag:$0x3] =	stream.indirect.gather [hbm4b:s9+s11], $0x10, s21, s11, $0xb8;
	[tilespmem:$0x16C00] =	vst v63  }
0x18c: {  	s21 =	sld [smem:$0x7E0];
	s0 =	simm.s32 $0x14400  }
0x18d: {  	[tilespmem:s0], [sflag:$0x3] =	stream.indirect.gather [hbm4b:s9+s11], $0x10, s20, s11, $0xb8;
	[tilespmem:$0x16C00] =	vst v63  }
0x18e: {  	s20 =	sld [smem:$0x7E1];
	s0 =	simm.s32 $0x14C00  }
0x18f: {  	[tilespmem:s0], [sflag:$0x3] =	stream.indirect.gather [hbm4b:s9+s11], $0x10, s21, s11, $0xb8;
	[tilespmem:$0x16C00] =	vst v63  }
0x190: {  	s21 =	sld [smem:$0x7E2];
	s0 =	simm.s32 $0x15400  }
0x191: {  	[tilespmem:s0], [sflag:$0x3] =	stream.indirect.gather [hbm4b:s9+s11], $0x10, s20, s11, $0xb8;
	[tilespmem:$0x16C00] =	vst v63  }
0x192: {  	s20 =	sld [smem:$0x7E3];
	s0 =	simm.s32 $0x15C00  }
0x193: {  	[tilespmem:s0], [sflag:$0x3] =	stream.indirect.gather [hbm4b:s9+s11], $0x10, s21, s11, $0xb8;
	[tilespmem:$0x16C00] =	vst v63  }
0x194: {  	s21 =	simm.s32 $0x16400  }
0x195: {  	[tilespmem:s21], [sflag:$0x3] =	stream.indirect.gather [hbm4b:s9+s11], $0x10, s20, s11, $0xb8;
	[tilespmem:$0x16C00] =	vst v63  }
0x196: {  	_ =	swait.ge [sflag:s10], $0x800  }
0x197: {  	[sflag:s10] =	ssyncset.done $0x0  }
0x198: {  	[sflag:s10] =	ssyncadd.s32 $0xFFFFF800  }
0x199: {  	_ =	swait.ge [sflag:s10], $0x800  }
0x19a: {  	[sflag:s10] =	ssyncset.done $0x0  }
0x19b: {  	[sflag:s10] =	ssyncadd.s32 $0xFFFFF800  }
0x19c: {  	_ =	swait.ge [sflag:s10], $0x800  }
0x19d: {  	[sflag:s10] =	ssyncset.done $0x0  }
0x19e: {  	[sflag:s10] =	ssyncadd.s32 $0xFFFFF800  }
0x19f: {  	_ =	swait.ge [sflag:s10], $0x800  }
0x1a0: {  	[sflag:s10] =	ssyncset.done $0x0  }
0x1a1: {  	[sflag:s10] =	ssyncadd.s32 $0xFFFFF800  }
0x1a2: {  	_ =	swait.ge [sflag:s10], $0x800  }
0x1a3: {  	[sflag:s10] =	ssyncset.done $0x0  }
0x1a4: {  	[sflag:s10] =	ssyncadd.s32 $0xFFFFF800  }
0x1a5: {  	_ =	swait.ge [sflag:s10], $0x800  }
0x1a6: {  	[sflag:s10] =	ssyncset.done $0x0  }
0x1a7: {  	[sflag:s10] =	ssyncadd.s32 $0xFFFFF800  }
0x1a8: {  	_ =	swait.ge [sflag:s10], $0x800  }
0x1a9: {  	[sflag:s10] =	ssyncset.done $0x0  }
0x1aa: {  	[sflag:s10] =	ssyncadd.s32 $0xFFFFF800  }
0x1ab: {  	_ =	swait.ge [sflag:s10], $0x800  }
0x1ac: {  	[sflag:s10] =	ssyncset.done $0x0  }
0x1ad: {  	[sflag:s10] =	ssyncadd.s32 $0xFFFFF800  }
0x1ae: {  	_ =	swait.ge [sflag:s10], $0x800  }
0x1af: {  	[sflag:s10] =	ssyncset.done $0x0  }
0x1b0: {  	[sflag:s10] =	ssyncadd.s32 $0xFFFFF800  }
0x1b1: {  	_ =	swait.ge [sflag:s10], $0x800  }
0x1b2: {  	[sflag:s10] =	ssyncset.done $0x0  }
0x1b3: {  	[sflag:s10] =	ssyncadd.s32 $0xFFFFF800  }
0x1b4: {  	_ =	swait.ge [sflag:s10], $0x800  }
0x1b5: {  	[sflag:s10] =	ssyncset.done $0x0  }
0x1b6: {  	[sflag:s10] =	ssyncadd.s32 $0xFFFFF800  }
0x1b7: {  	_ =	swait.ge [sflag:s10], $0x800  }
0x1b8: {  	[sflag:s10] =	ssyncset.done $0x0  }
0x1b9: {  	[sflag:s10] =	ssyncadd.s32 $0xFFFFF800  }
0x1ba: {  	_ =	swait.ge [sflag:s10], $0x800  }
0x1bb: {  	s6 =	simm.s32 $0x4;
	s4 =	simm.s32 $0x3400;
	[sflag:s10] =	ssyncset.done $0x0  }
0x1bc: {  	s2 =	simm.s32 $0x0;
	s21 =	rddreg [dreg:$0x6];
	[sflag:s10] =	ssyncadd.s32 $0xFFFFF800  }
0x1bd: {  	[hbm4b:s21+s2] =	stream.linear.scatter [tilespmem:s4], [sflag:$0x4], $0x6800, $0x38;
	[tilespmem:$0x16C00] =	vst v63  }
0x1be: {  	_ =	swait.ge [sflag:s6], $0x6800  }
0x1bf: {  	s0 =	sld [smem:$0x7E4]  }
0x1c0: {  	[sflag:s6] =	ssyncset.done $0x0  }
0x1c1: {  	s21 =	sld [smem:$0x7E5];
	[sflag:s6] =	ssyncadd.s32 $0xFFFF9800  }
0x1c2: {  	[tilespmem:s4], [sflag:$0x1] =	stream.indirect.gather [hbm4b:s9+s11], $0x10, s0, s11, $0xb8;
	[tilespmem:$0x16C00] =	vst v63  }
0x1c3: {  	s20 =	sld [smem:$0x7E6];
	s0 =	simm.s32 $0x3C00  }
0x1c4: {  	[tilespmem:s0], [sflag:$0x1] =	stream.indirect.gather [hbm4b:s9+s11], $0x10, s21, s11, $0xb8;
	[tilespmem:$0x16C00] =	vst v63  }
0x1c5: {  	s0 =	sld [smem:$0x7E7]  }
0x1c6: {  	[tilespmem:s17], [sflag:$0x1] =	stream.indirect.gather [hbm4b:s9+s11], $0x10, s20, s11, $0xb8;
	[tilespmem:$0x16C00] =	vst v63  }
0x1c7: {  	s17 =	sld [smem:$0x7E8]  }
0x1c8: {  	[tilespmem:s18], [sflag:$0x1] =	stream.indirect.gather [hbm4b:s9+s11], $0x10, s0, s11, $0xb8;
	[tilespmem:$0x16C00] =	vst v63  }
0x1c9: {  	s18 =	sld [smem:$0x7E9]  }
0x1ca: {  	[tilespmem:s22], [sflag:$0x1] =	stream.indirect.gather [hbm4b:s9+s11], $0x10, s17, s11, $0xb8;
	[tilespmem:$0x16C00] =	vst v63  }
0x1cb: {  	s22 =	sld [smem:$0x7EA];
	s17 =	simm.s32 $0x5C00  }
0x1cc: {  	[tilespmem:s17], [sflag:$0x1] =	stream.indirect.gather [hbm4b:s9+s11], $0x10, s18, s11, $0xb8;
	[tilespmem:$0x16C00] =	vst v63  }
0x1cd: {  	s18 =	sld [smem:$0x7EB]  }
0x1ce: {  	[tilespmem:s23], [sflag:$0x1] =	stream.indirect.gather [hbm4b:s9+s11], $0x10, s22, s11, $0xb8;
	[tilespmem:$0x16C00] =	vst v63  }
0x1cf: {  	s22 =	sld [smem:$0x7EC]  }
0x1d0: {  	[tilespmem:s26], [sflag:$0x1] =	stream.indirect.gather [hbm4b:s9+s11], $0x10, s18, s11, $0xb8;
	[tilespmem:$0x16C00] =	vst v63  }
0x1d1: {  	s23 =	sld [smem:$0x7ED]  }
0x1d2: {  	[tilespmem:s29], [sflag:$0x1] =	stream.indirect.gather [hbm4b:s9+s11], $0x10, s22, s11, $0xb8;
	[tilespmem:$0x16C00] =	vst v63  }
0x1d3: {  	s26 =	sld [smem:$0x7EE]  }
0x1d4: {  	[tilespmem:s1], [sflag:$0x1] =	stream.indirect.gather [hbm4b:s9+s11], $0x10, s23, s11, $0xb8;
	[tilespmem:$0x16C00] =	vst v63  }
0x1d5: {  	s29 =	sld [smem:$0x7EF]  }
0x1d6: {  	[tilespmem:s24], [sflag:$0x1] =	stream.indirect.gather [hbm4b:s9+s11], $0x10, s26, s11, $0xb8;
	[tilespmem:$0x16C00] =	vst v63  }
0x1d7: {  	s0 =	sld [smem:$0x7F0]  }
0x1d8: {  	[tilespmem:s25], [sflag:$0x1] =	stream.indirect.gather [hbm4b:s9+s11], $0x10, s29, s11, $0xb8;
	[tilespmem:$0x16C00] =	vst v63  }
0x1d9: {  	_ = 	snop  }
0x1da: {  	[tilespmem:s28], [sflag:$0x1] =	stream.indirect.gather [hbm4b:s9+s11], $0x10, s0, s11, $0xb8;
	[tilespmem:$0x16C00] =	vst v63  }
0x1db: {  	_ =	swait.ge [sflag:s8], $0x800  }
0x1dc: {  	[sflag:s8] =	ssyncset.done $0x0  }
0x1dd: {  	[sflag:s8] =	ssyncadd.s32 $0xFFFFF800  }
0x1de: {  	_ =	swait.ge [sflag:s8], $0x800  }
0x1df: {  	[sflag:s8] =	ssyncset.done $0x0  }
0x1e0: {  	[sflag:s8] =	ssyncadd.s32 $0xFFFFF800  }
0x1e1: {  	_ =	swait.ge [sflag:s8], $0x800  }
0x1e2: {  	[sflag:s8] =	ssyncset.done $0x0  }
0x1e3: {  	[sflag:s8] =	ssyncadd.s32 $0xFFFFF800  }
0x1e4: {  	_ =	swait.ge [sflag:s8], $0x800  }
0x1e5: {  	[sflag:s8] =	ssyncset.done $0x0  }
0x1e6: {  	[sflag:s8] =	ssyncadd.s32 $0xFFFFF800  }
0x1e7: {  	_ =	swait.ge [sflag:s8], $0x800  }
0x1e8: {  	[sflag:s8] =	ssyncset.done $0x0  }
0x1e9: {  	[sflag:s8] =	ssyncadd.s32 $0xFFFFF800  }
0x1ea: {  	_ =	swait.ge [sflag:s8], $0x800  }
0x1eb: {  	[sflag:s8] =	ssyncset.done $0x0  }
0x1ec: {  	[sflag:s8] =	ssyncadd.s32 $0xFFFFF800  }
0x1ed: {  	_ =	swait.ge [sflag:s8], $0x800  }
0x1ee: {  	[sflag:s8] =	ssyncset.done $0x0  }
0x1ef: {  	[sflag:s8] =	ssyncadd.s32 $0xFFFFF800  }
0x1f0: {  	_ =	swait.ge [sflag:s8], $0x800  }
0x1f1: {  	[sflag:s8] =	ssyncset.done $0x0  }
0x1f2: {  	[sflag:s8] =	ssyncadd.s32 $0xFFFFF800  }
0x1f3: {  	_ =	swait.ge [sflag:s8], $0x800  }
0x1f4: {  	[sflag:s8] =	ssyncset.done $0x0  }
0x1f5: {  	[sflag:s8] =	ssyncadd.s32 $0xFFFFF800  }
0x1f6: {  	_ =	swait.ge [sflag:s8], $0x800  }
0x1f7: {  	[sflag:s8] =	ssyncset.done $0x0  }
0x1f8: {  	[sflag:s8] =	ssyncadd.s32 $0xFFFFF800  }
0x1f9: {  	_ =	swait.ge [sflag:s8], $0x800  }
0x1fa: {  	[sflag:s8] =	ssyncset.done $0x0  }
0x1fb: {  	[sflag:s8] =	ssyncadd.s32 $0xFFFFF800  }
0x1fc: {  	_ =	swait.ge [sflag:s8], $0x800  }
0x1fd: {  	[sflag:s8] =	ssyncset.done $0x0  }
0x1fe: {  	[sflag:s8] =	ssyncadd.s32 $0xFFFFF800  }
0x1ff: {  	_ =	swait.ge [sflag:s8], $0x800  }
0x200: {  	s5 =	simm.s32 $0x5;
	[sflag:s8] =	ssyncset.done $0x0  }
0x201: {  	s3 =	simm.s32 $0x9C00;
	s1 =	rddreg [dreg:$0x7];
	[sflag:s8] =	ssyncadd.s32 $0xFFFFF800  }
0x202: {  	[hbm4b:s1+s2] =	stream.linear.scatter [tilespmem:s3], [sflag:$0x5], $0x6800, $0x38;
	[tilespmem:$0x16C00] =	vst v63  }
0x203: {  	_ =	swait.ge [sflag:s5], $0x6800  }
0x204: {  	s17 =	sld [smem:$0x7F1]  }
0x205: {  	[sflag:s5] =	ssyncset.done $0x0  }
0x206: {  	s18 =	sld [smem:$0x7F2];
	[sflag:s5] =	ssyncadd.s32 $0xFFFF9800  }
0x207: {  	[tilespmem:s3], [sflag:$0x2] =	stream.indirect.gather [hbm4b:s9+s11], $0x10, s17, s11, $0xb8;
	[tilespmem:$0x16C00] =	vst v63  }
0x208: {  	s23 =	simm.s32 $0xA400;
	s22 =	sld [smem:$0x7F3]  }
0x209: {  	[tilespmem:s23], [sflag:$0x2] =	stream.indirect.gather [hbm4b:s9+s11], $0x10, s18, s11, $0xb8;
	[tilespmem:$0x16C00] =	vst v63  }
0x20a: {  	s12 =	simm.s32 $0xAC00;
	s24 =	sld [smem:$0x7F4]  }
0x20b: {  	[tilespmem:s12], [sflag:$0x2] =	stream.indirect.gather [hbm4b:s9+s11], $0x10, s22, s11, $0xb8;
	[tilespmem:$0x16C00] =	vst v63  }
0x20c: {  	s16 =	simm.s32 $0xB400;
	s25 =	sld [smem:$0x7F5]  }
0x20d: {  	[tilespmem:s16], [sflag:$0x2] =	stream.indirect.gather [hbm4b:s9+s11], $0x10, s24, s11, $0xb8;
	[tilespmem:$0x16C00] =	vst v63  }
0x20e: {  	s28 =	simm.s32 $0xBC00;
	s26 =	sld [smem:$0x7F6]  }
0x20f: {  	[tilespmem:s28], [sflag:$0x2] =	stream.indirect.gather [hbm4b:s9+s11], $0x10, s25, s11, $0xb8;
	[tilespmem:$0x16C00] =	vst v63  }
0x210: {  	s1 =	simm.s32 $0xC400;
	s29 =	sld [smem:$0x7F7]  }
0x211: {  	[tilespmem:s1], [sflag:$0x2] =	stream.indirect.gather [hbm4b:s9+s11], $0x10, s26, s11, $0xb8;
	[tilespmem:$0x16C00] =	vst v63  }
0x212: {  	s16 =	sld [smem:$0x7F8]  }
0x213: {  	[tilespmem:s15], [sflag:$0x2] =	stream.indirect.gather [hbm4b:s9+s11], $0x10, s29, s11, $0xb8;
	[tilespmem:$0x16C00] =	vst v63  }
0x214: {  	s17 =	sld [smem:$0x7F9]  }
0x215: {  	[tilespmem:s14], [sflag:$0x2] =	stream.indirect.gather [hbm4b:s9+s11], $0x10, s16, s11, $0xb8;
	[tilespmem:$0x16C00] =	vst v63  }
0x216: {  	s18 =	sld [smem:$0x7FA];
	s22 =	simm.s32 $0xDC00  }
0x217: {  	[tilespmem:s22], [sflag:$0x2] =	stream.indirect.gather [hbm4b:s9+s11], $0x10, s17, s11, $0xb8;
	[tilespmem:$0x16C00] =	vst v63  }
0x218: {  	s23 =	sld [smem:$0x7FB]  }
0x219: {  	[tilespmem:s19], [sflag:$0x2] =	stream.indirect.gather [hbm4b:s9+s11], $0x10, s18, s11, $0xb8;
	[tilespmem:$0x16C00] =	vst v63  }
0x21a: {  	s31 =	simm.s32 $0xEC00;
	s24 =	sld [smem:$0x7FC]  }
0x21b: {  	[tilespmem:s31], [sflag:$0x2] =	stream.indirect.gather [hbm4b:s9+s11], $0x10, s23, s11, $0xb8;
	[tilespmem:$0x16C00] =	vst v63  }
0x21c: {  	s30 =	simm.s32 $0xF400;
	s25 =	sld [smem:$0x7FD]  }
0x21d: {  	[tilespmem:s30], [sflag:$0x2] =	stream.indirect.gather [hbm4b:s9+s11], $0x10, s24, s11, $0xb8;
	[tilespmem:$0x16C00] =	vst v63  }
0x21e: {  	s26 =	simm.s32 $0xFC00  }
0x21f: {  	[tilespmem:s26], [sflag:$0x2] =	stream.indirect.gather [hbm4b:s9+s11], $0x10, s25, s11, $0xb8;
	[tilespmem:$0x16C00] =	vst v63  }
0x220: {  	_ =	swait.ge [sflag:s13], $0x800  }
0x221: {  	[sflag:s13] =	ssyncset.done $0x0  }
0x222: {  	[sflag:s13] =	ssyncadd.s32 $0xFFFFF800  }
0x223: {  	_ =	swait.ge [sflag:s13], $0x800  }
0x224: {  	[sflag:s13] =	ssyncset.done $0x0  }
0x225: {  	[sflag:s13] =	ssyncadd.s32 $0xFFFFF800  }
0x226: {  	_ =	swait.ge [sflag:s13], $0x800  }
0x227: {  	[sflag:s13] =	ssyncset.done $0x0  }
0x228: {  	[sflag:s13] =	ssyncadd.s32 $0xFFFFF800  }
0x229: {  	_ =	swait.ge [sflag:s13], $0x800  }
0x22a: {  	[sflag:s13] =	ssyncset.done $0x0  }
0x22b: {  	[sflag:s13] =	ssyncadd.s32 $0xFFFFF800  }
0x22c: {  	_ =	swait.ge [sflag:s13], $0x800  }
0x22d: {  	[sflag:s13] =	ssyncset.done $0x0  }
0x22e: {  	[sflag:s13] =	ssyncadd.s32 $0xFFFFF800  }
0x22f: {  	_ =	swait.ge [sflag:s13], $0x800  }
0x230: {  	[sflag:s13] =	ssyncset.done $0x0  }
0x231: {  	[sflag:s13] =	ssyncadd.s32 $0xFFFFF800  }
0x232: {  	_ =	swait.ge [sflag:s13], $0x800  }
0x233: {  	[sflag:s13] =	ssyncset.done $0x0  }
0x234: {  	[sflag:s13] =	ssyncadd.s32 $0xFFFFF800  }
0x235: {  	_ =	swait.ge [sflag:s13], $0x800  }
0x236: {  	[sflag:s13] =	ssyncset.done $0x0  }
0x237: {  	[sflag:s13] =	ssyncadd.s32 $0xFFFFF800  }
0x238: {  	_ =	swait.ge [sflag:s13], $0x800  }
0x239: {  	[sflag:s13] =	ssyncset.done $0x0  }
0x23a: {  	[sflag:s13] =	ssyncadd.s32 $0xFFFFF800  }
0x23b: {  	_ =	swait.ge [sflag:s13], $0x800  }
0x23c: {  	[sflag:s13] =	ssyncset.done $0x0  }
0x23d: {  	[sflag:s13] =	ssyncadd.s32 $0xFFFFF800  }
0x23e: {  	_ =	swait.ge [sflag:s13], $0x800  }
0x23f: {  	[sflag:s13] =	ssyncset.done $0x0  }
0x240: {  	[sflag:s13] =	ssyncadd.s32 $0xFFFFF800  }
0x241: {  	_ =	swait.ge [sflag:s13], $0x800  }
0x242: {  	[sflag:s13] =	ssyncset.done $0x0  }
0x243: {  	[sflag:s13] =	ssyncadd.s32 $0xFFFFF800  }
0x244: {  	_ =	swait.ge [sflag:s13], $0x800  }
0x245: {  	[sflag:s13] =	ssyncset.done $0x0  }
0x246: {  	s12 =	simm.s32 $0x10400;
	s28 =	rddreg [dreg:$0x8];
	[sflag:s13] =	ssyncadd.s32 $0xFFFFF800  }
0x247: {  	[hbm4b:s28+s2] =	stream.linear.scatter [tilespmem:s12], [sflag:$0x6], $0x6800, $0x38;
	[tilespmem:$0x16C00] =	vst v63  }
0x248: {  	_ =	swait.ge [sflag:s10], $0x800  }
0x249: {  	[sflag:s10] =	ssyncset.done $0x0  }
0x24a: {  	[sflag:s10] =	ssyncadd.s32 $0xFFFFF800  }
0x24b: {  	_ =	swait.ge [sflag:s10], $0x800  }
0x24c: {  	[sflag:s10] =	ssyncset.done $0x0  }
0x24d: {  	[sflag:s10] =	ssyncadd.s32 $0xFFFFF800  }
0x24e: {  	_ =	swait.ge [sflag:s10], $0x800  }
0x24f: {  	[sflag:s10] =	ssyncset.done $0x0  }
0x250: {  	[sflag:s10] =	ssyncadd.s32 $0xFFFFF800  }
0x251: {  	_ =	swait.ge [sflag:s10], $0x800  }
0x252: {  	[sflag:s10] =	ssyncset.done $0x0  }
0x253: {  	[sflag:s10] =	ssyncadd.s32 $0xFFFFF800  }
0x254: {  	_ =	swait.ge [sflag:s10], $0x800  }
0x255: {  	[sflag:s10] =	ssyncset.done $0x0  }
0x256: {  	[sflag:s10] =	ssyncadd.s32 $0xFFFFF800  }
0x257: {  	_ =	swait.ge [sflag:s10], $0x800  }
0x258: {  	[sflag:s10] =	ssyncset.done $0x0  }
0x259: {  	[sflag:s10] =	ssyncadd.s32 $0xFFFFF800  }
0x25a: {  	_ =	swait.ge [sflag:s10], $0x800  }
0x25b: {  	[sflag:s10] =	ssyncset.done $0x0  }
0x25c: {  	[sflag:s10] =	ssyncadd.s32 $0xFFFFF800  }
0x25d: {  	_ =	swait.ge [sflag:s10], $0x800  }
0x25e: {  	[sflag:s10] =	ssyncset.done $0x0  }
0x25f: {  	[sflag:s10] =	ssyncadd.s32 $0xFFFFF800  }
0x260: {  	_ =	swait.ge [sflag:s10], $0x800  }
0x261: {  	[sflag:s10] =	ssyncset.done $0x0  }
0x262: {  	[sflag:s10] =	ssyncadd.s32 $0xFFFFF800  }
0x263: {  	_ =	swait.ge [sflag:s10], $0x800  }
0x264: {  	[sflag:s10] =	ssyncset.done $0x0  }
0x265: {  	[sflag:s10] =	ssyncadd.s32 $0xFFFFF800  }
0x266: {  	_ =	swait.ge [sflag:s10], $0x800  }
0x267: {  	[sflag:s10] =	ssyncset.done $0x0  }
0x268: {  	[sflag:s10] =	ssyncadd.s32 $0xFFFFF800  }
0x269: {  	_ =	swait.ge [sflag:s10], $0x800  }
0x26a: {  	[sflag:s10] =	ssyncset.done $0x0  }
0x26b: {  	[sflag:s10] =	ssyncadd.s32 $0xFFFFF800  }
0x26c: {  	_ =	swait.ge [sflag:s10], $0x800  }
0x26d: {  	[sflag:s10] =	ssyncset.done $0x0  }
0x26e: {  	s29 =	rddreg [dreg:$0x9];
	[sflag:s10] =	ssyncadd.s32 $0xFFFFF800  }
0x26f: {  	[hbm4b:s29+s2] =	stream.linear.scatter [tilespmem:s4], [sflag:$0x4], $0x6800, $0x38;
	[tilespmem:$0x16C00] =	vst v63  }
0x270: {  	_ =	swait.ge [sflag:s8], $0x800  }
0x271: {  	[sflag:s8] =	ssyncset.done $0x0  }
0x272: {  	[sflag:s8] =	ssyncadd.s32 $0xFFFFF800  }
0x273: {  	_ =	swait.ge [sflag:s8], $0x800  }
0x274: {  	[sflag:s8] =	ssyncset.done $0x0  }
0x275: {  	[sflag:s8] =	ssyncadd.s32 $0xFFFFF800  }
0x276: {  	_ =	swait.ge [sflag:s8], $0x800  }
0x277: {  	[sflag:s8] =	ssyncset.done $0x0  }
0x278: {  	[sflag:s8] =	ssyncadd.s32 $0xFFFFF800  }
0x279: {  	_ =	swait.ge [sflag:s8], $0x800  }
0x27a: {  	[sflag:s8] =	ssyncset.done $0x0  }
0x27b: {  	[sflag:s8] =	ssyncadd.s32 $0xFFFFF800  }
0x27c: {  	_ =	swait.ge [sflag:s8], $0x800  }
0x27d: {  	[sflag:s8] =	ssyncset.done $0x0  }
0x27e: {  	[sflag:s8] =	ssyncadd.s32 $0xFFFFF800  }
0x27f: {  	_ =	swait.ge [sflag:s8], $0x800  }
0x280: {  	[sflag:s8] =	ssyncset.done $0x0  }
0x281: {  	[sflag:s8] =	ssyncadd.s32 $0xFFFFF800  }
0x282: {  	_ =	swait.ge [sflag:s8], $0x800  }
0x283: {  	[sflag:s8] =	ssyncset.done $0x0  }
0x284: {  	[sflag:s8] =	ssyncadd.s32 $0xFFFFF800  }
0x285: {  	_ =	swait.ge [sflag:s8], $0x800  }
0x286: {  	[sflag:s8] =	ssyncset.done $0x0  }
0x287: {  	[sflag:s8] =	ssyncadd.s32 $0xFFFFF800  }
0x288: {  	_ =	swait.ge [sflag:s8], $0x800  }
0x289: {  	[sflag:s8] =	ssyncset.done $0x0  }
0x28a: {  	[sflag:s8] =	ssyncadd.s32 $0xFFFFF800  }
0x28b: {  	_ =	swait.ge [sflag:s8], $0x800  }
0x28c: {  	[sflag:s8] =	ssyncset.done $0x0  }
0x28d: {  	[sflag:s8] =	ssyncadd.s32 $0xFFFFF800  }
0x28e: {  	_ =	swait.ge [sflag:s8], $0x800  }
0x28f: {  	[sflag:s8] =	ssyncset.done $0x0  }
0x290: {  	[sflag:s8] =	ssyncadd.s32 $0xFFFFF800  }
0x291: {  	_ =	swait.ge [sflag:s8], $0x800  }
0x292: {  	[sflag:s8] =	ssyncset.done $0x0  }
0x293: {  	[sflag:s8] =	ssyncadd.s32 $0xFFFFF800  }
0x294: {  	_ =	swait.ge [sflag:s8], $0x800  }
0x295: {  	[sflag:s8] =	ssyncset.done $0x0  }
0x296: {  	s7 =	simm.s32 $0x6;
	s30 =	rddreg [dreg:$0xa];
	[sflag:s8] =	ssyncadd.s32 $0xFFFFF800  }
0x297: {  	[hbm4b:s30+s2] =	stream.linear.scatter [tilespmem:s3], [sflag:$0x5], $0x6800, $0x38;
	[tilespmem:$0x16C00] =	vst v63  }
0x298: {  	_ =	swait.ge [sflag:s7], $0x6800  }
0x299: {  	[sflag:s7] =	ssyncset.done $0x0  }
0x29a: {  	[sflag:s7] =	ssyncadd.s32 $0xFFFF9800  }
0x29b: {  	_ =	swait.ge [sflag:s6], $0x6800  }
0x29c: {  	s31 =	sld [smem:$0x7AC];
	_ =	sdelay $0x2  }
0x29d: {  	p1 =	sne.s32 s31, $0x1  }
.Ltmp1:
0x29e: {  	_ = 	snop;
	(pc) =	sbr.rel @!p1 .LBB2_6-.Ltmp1, $4  }
0x29f: {  	[sflag:s6] =	ssyncset.done $0x0  }
0x2a0: {  	[sflag:s6] =	ssyncadd.s32 $0xFFFF9800  }
0x2a1: {  	p0 =	por $0x1, $0x1;
	_ =	swait.ge [sflag:s5], $0x6800  }
0x2a2: {  	s20 =	sadd.s32 $0xFFFFFFFF, s31;
	s21 =	rddreg [dreg:$0x2];
	[sflag:s5] =	ssyncset.done $0x0  }
0x2a3: {  	s31 =	simm.s32 $0x14400  }
.LBB2_3:
0x2a4: {  	[sflag:s5] =	ssyncadd.s32 $0xFFFF9800;
	s0 =	simm.s32 $0x7  }
0x2a5: {  	[tilespmem:s2], [sflag:$0x7] =	stream.linear.gather [hbm4b:s21+s2], $0x3400, $0x38;
	[tilespmem:$0x16C00] =	vst v63  }
0x2a6: {  	_ =	swait.ge [sflag:s0], $0x3400  }
0x2a7: {  	[sflag:s0] =	ssyncset.done $0x0  }
0x2a8: {  	[sflag:s0] =	ssyncadd.s32 $0xFFFFCC00  }
0x2a9: {  	[tilespmem:s4], [sflag:$0x1] =	stream.indirect.gather [hbm4b:s9+s11], $0x10, s2, s11, $0xb8;
	[tilespmem:$0x16C00] =	vst v63  }
0x2aa: {  	s23 =	simm.s32 $0x3C00;
	s19 =	rddreg [dreg:$0xb]  }
0x2ab: {  	[tilespmem:s23], [sflag:$0x1] =	stream.indirect.gather [hbm4b:s9+s11], $0x10, s11, s11, $0xb8;
	[tilespmem:$0x16C00] =	vst v63  }
0x2ac: {  	s24 =	simm.s32 $0x4400;
	s22 =	rddreg [dreg:$0xc]  }
0x2ad: {  	[tilespmem:s24], [sflag:$0x1] =	stream.indirect.gather [hbm4b:s9+s11], $0x10, s19, s11, $0xb8;
	[tilespmem:$0x16C00] =	vst v63  }
0x2ae: {  	s26 =	simm.s32 $0x4C00;
	s25 =	rddreg [dreg:$0xd]  }
0x2af: {  	[tilespmem:s26], [sflag:$0x1] =	stream.indirect.gather [hbm4b:s9+s11], $0x10, s22, s11, $0xb8;
	[tilespmem:$0x16C00] =	vst v63  }
0x2b0: {  	s29 =	simm.s32 $0x5400;
	s28 =	rddreg [dreg:$0xe]  }
0x2b1: {  	[tilespmem:s29], [sflag:$0x1] =	stream.indirect.gather [hbm4b:s9+s11], $0x10, s25, s11, $0xb8;
	[tilespmem:$0x16C00] =	vst v63  }
0x2b2: {  	s30 =	rddreg [dreg:$0xf];
	s2 =	simm.s32 $0x5C00  }
0x2b3: {  	[tilespmem:s2], [sflag:$0x1] =	stream.indirect.gather [hbm4b:s9+s11], $0x10, s28, s11, $0xb8;
	[tilespmem:$0x16C00] =	vst v63  }
0x2b4: {  	s5 =	simm.s32 $0x6400;
	s6 =	rddreg [dreg:$0x11]  }
0x2b5: {  	[tilespmem:s5], [sflag:$0x1] =	stream.indirect.gather [hbm4b:s9+s11], $0x10, s30, s11, $0xb8;
	[tilespmem:$0x16C00] =	vst v63  }
0x2b6: {  	s14 =	simm.s32 $0x6C00;
	s4 =	rddreg [dreg:$0x10]  }
0x2b7: {  	[tilespmem:s14], [sflag:$0x1] =	stream.indirect.gather [hbm4b:s9+s11], $0x10, s4, s11, $0xb8;
	[tilespmem:$0x16C00] =	vst v63  }
0x2b8: {  	s18 =	rddreg [dreg:$0x12];
	s23 =	simm.s32 $0x7400  }
0x2b9: {  	[tilespmem:s23], [sflag:$0x1] =	stream.indirect.gather [hbm4b:s9+s11], $0x10, s6, s11, $0xb8;
	[tilespmem:$0x16C00] =	vst v63  }
0x2ba: {  	s24 =	rddreg [dreg:$0x13];
	s25 =	simm.s32 $0x7C00  }
0x2bb: {  	[tilespmem:s25], [sflag:$0x1] =	stream.indirect.gather [hbm4b:s9+s11], $0x10, s18, s11, $0xb8;
	[tilespmem:$0x16C00] =	vst v63  }
0x2bc: {  	s29 =	simm.s32 $0x8400;
	s28 =	rddreg [dreg:$0x14]  }
0x2bd: {  	[tilespmem:s29], [sflag:$0x1] =	stream.indirect.gather [hbm4b:s9+s11], $0x10, s24, s11, $0xb8;
	[tilespmem:$0x16C00] =	vst v63  }
0x2be: {  	s2 =	simm.s32 $0x8C00;
	s30 =	rddreg [dreg:$0x15]  }
0x2bf: {  	[tilespmem:s2], [sflag:$0x1] =	stream.indirect.gather [hbm4b:s9+s11], $0x10, s28, s11, $0xb8;
	[tilespmem:$0x16C00] =	vst v63  }
0x2c0: {  	s5 =	simm.s32 $0x9400;
	s4 =	rddreg [dreg:$0x16]  }
0x2c1: {  	[tilespmem:s5], [sflag:$0x1] =	stream.indirect.gather [hbm4b:s9+s11], $0x10, s30, s11, $0xb8;
	[tilespmem:$0x16C00] =	vst v63  }
0x2c2: {  	s14 =	rddreg [dreg:$0x18]  }
0x2c3: {  	[tilespmem:s3], [sflag:$0x2] =	stream.indirect.gather [hbm4b:s9+s11], $0x10, s4, s11, $0xb8;
	[tilespmem:$0x16C00] =	vst v63  }
0x2c4: {  	s6 =	rddreg [dreg:$0x17];
	s28 =	simm.s32 $0xA400  }
0x2c5: {  	[tilespmem:s28], [sflag:$0x2] =	stream.indirect.gather [hbm4b:s9+s11], $0x10, s6, s11, $0xb8;
	[tilespmem:$0x16C00] =	vst v63  }
0x2c6: {  	s29 =	rddreg [dreg:$0x19];
	s30 =	simm.s32 $0xAC00  }
0x2c7: {  	[tilespmem:s30], [sflag:$0x2] =	stream.indirect.gather [hbm4b:s9+s11], $0x10, s14, s11, $0xb8;
	[tilespmem:$0x16C00] =	vst v63  }
0x2c8: {  	s2 =	rddreg [dreg:$0x1a];
	s4 =	simm.s32 $0xB400  }
0x2c9: {  	[tilespmem:s4], [sflag:$0x2] =	stream.indirect.gather [hbm4b:s9+s11], $0x10, s29, s11, $0xb8;
	[tilespmem:$0x16C00] =	vst v63  }
0x2ca: {  	s5 =	rddreg [dreg:$0x1b];
	s6 =	simm.s32 $0xBC00  }
0x2cb: {  	[tilespmem:s6], [sflag:$0x2] =	stream.indirect.gather [hbm4b:s9+s11], $0x10, s2, s11, $0xb8;
	[tilespmem:$0x16C00] =	vst v63  }
0x2cc: {  	s28 =	rddreg [dreg:$0x1c];
	s29 =	simm.s32 $0xC400  }
0x2cd: {  	[tilespmem:s29], [sflag:$0x2] =	stream.indirect.gather [hbm4b:s9+s11], $0x10, s5, s11, $0xb8;
	[tilespmem:$0x16C00] =	vst v63  }
0x2ce: {  	s30 =	rddreg [dreg:$0x1d];
	s2 =	simm.s32 $0xCC00  }
0x2cf: {  	[tilespmem:s2], [sflag:$0x2] =	stream.indirect.gather [hbm4b:s9+s11], $0x10, s28, s11, $0xb8;
	[tilespmem:$0x16C00] =	vst v63  }
0x2d0: {  	s6 =	simm.s32 $0xD400;
	s5 =	rddreg [dreg:$0x1e]  }
0x2d1: {  	[tilespmem:s6], [sflag:$0x2] =	stream.indirect.gather [hbm4b:s9+s11], $0x10, s30, s11, $0xb8;
	[tilespmem:$0x16C00] =	vst v63  }
0x2d2: {  	s29 =	simm.s32 $0xDC00;
	s28 =	rddreg [dreg:$0x1f]  }
0x2d3: {  	[tilespmem:s29], [sflag:$0x2] =	stream.indirect.gather [hbm4b:s9+s11], $0x10, s5, s11, $0xb8;
	[tilespmem:$0x16C00] =	vst v63  }
0x2d4: {  	s2 =	simm.s32 $0xE400;
	s30 =	sld [smem:$0x7AD]  }
0x2d5: {  	[tilespmem:s2], [sflag:$0x2] =	stream.indirect.gather [hbm4b:s9+s11], $0x10, s28, s11, $0xb8;
	[tilespmem:$0x16C00] =	vst v63  }
0x2d6: {  	s6 =	simm.s32 $0xEC00;
	s5 =	sld [smem:$0x7AE]  }
0x2d7: {  	[tilespmem:s6], [sflag:$0x2] =	stream.indirect.gather [hbm4b:s9+s11], $0x10, s30, s11, $0xb8;
	[tilespmem:$0x16C00] =	vst v63  }
0x2d8: {  	s29 =	simm.s32 $0xF400;
	s28 =	sld [smem:$0x7AF]  }
0x2d9: {  	[tilespmem:s29], [sflag:$0x2] =	stream.indirect.gather [hbm4b:s9+s11], $0x10, s5, s11, $0xb8;
	[tilespmem:$0x16C00] =	vst v63  }
0x2da: {  	s2 =	simm.s32 $0xFC00;
	s30 =	sld [smem:$0x7B0]  }
0x2db: {  	[tilespmem:s2], [sflag:$0x2] =	stream.indirect.gather [hbm4b:s9+s11], $0x10, s28, s11, $0xb8;
	[tilespmem:$0x16C00] =	vst v63  }
0x2dc: {  	s3 =	simm.s32 $0x10400;
	s5 =	sld [smem:$0x7B1]  }
0x2dd: {  	[tilespmem:s3], [sflag:$0x3] =	stream.indirect.gather [hbm4b:s9+s11], $0x10, s30, s11, $0xb8;
	[tilespmem:$0x16C00] =	vst v63  }
0x2de: {  	s6 =	sld [smem:$0x7B2];
	s29 =	simm.s32 $0x10C00  }
0x2df: {  	[tilespmem:s29], [sflag:$0x3] =	stream.indirect.gather [hbm4b:s9+s11], $0x10, s5, s11, $0xb8;
	[tilespmem:$0x16C00] =	vst v63  }
0x2e0: {  	s28 =	simm.s32 $0x11400;
	s30 =	sld [smem:$0x7B3]  }
0x2e1: {  	[tilespmem:s28], [sflag:$0x3] =	stream.indirect.gather [hbm4b:s9+s11], $0x10, s6, s11, $0xb8;
	[tilespmem:$0x16C00] =	vst v63  }
0x2e2: {  	s29 =	sld [smem:$0x7B4];
	s28 =	simm.s32 $0x11C00  }
0x2e3: {  	[tilespmem:s28], [sflag:$0x3] =	stream.indirect.gather [hbm4b:s9+s11], $0x10, s30, s11, $0xb8;
	[tilespmem:$0x16C00] =	vst v63  }
0x2e4: {  	s30 =	sld [smem:$0x7B5];
	s28 =	simm.s32 $0x12400  }
0x2e5: {  	[tilespmem:s28], [sflag:$0x3] =	stream.indirect.gather [hbm4b:s9+s11], $0x10, s29, s11, $0xb8;
	[tilespmem:$0x16C00] =	vst v63  }
0x2e6: {  	s21 =	sld [smem:$0x7B6];
	s29 =	simm.s32 $0x12C00  }
0x2e7: {  	[tilespmem:s29], [sflag:$0x3] =	stream.indirect.gather [hbm4b:s9+s11], $0x10, s30, s11, $0xb8;
	[tilespmem:$0x16C00] =	vst v63  }
0x2e8: {  	s22 =	sld [smem:$0x7B7];
	s30 =	simm.s32 $0x13400  }
0x2e9: {  	[tilespmem:s30], [sflag:$0x3] =	stream.indirect.gather [hbm4b:s9+s11], $0x10, s21, s11, $0xb8;
	[tilespmem:$0x16C00] =	vst v63  }
0x2ea: {  	s21 =	sld [smem:$0x7B8];
	s30 =	simm.s32 $0x13C00  }
0x2eb: {  	[tilespmem:s30], [sflag:$0x3] =	stream.indirect.gather [hbm4b:s9+s11], $0x10, s22, s11, $0xb8;
	[tilespmem:$0x16C00] =	vst v63  }
0x2ec: {  	s30 =	sld [smem:$0x7B9]  }
0x2ed: {  	[tilespmem:s31], [sflag:$0x3] =	stream.indirect.gather [hbm4b:s9+s11], $0x10, s21, s11, $0xb8;
	[tilespmem:$0x16C00] =	vst v63  }
0x2ee: {  	s29 =	simm.s32 $0x14C00;
	s21 =	sld [smem:$0x7BA]  }
0x2ef: {  	[tilespmem:s29], [sflag:$0x3] =	stream.indirect.gather [hbm4b:s9+s11], $0x10, s30, s11, $0xb8;
	[tilespmem:$0x16C00] =	vst v63  }
0x2f0: {  	s22 =	sld [smem:$0x7BB];
	s30 =	simm.s32 $0x15400  }
0x2f1: {  	[tilespmem:s30], [sflag:$0x3] =	stream.indirect.gather [hbm4b:s9+s11], $0x10, s21, s11, $0xb8;
	[tilespmem:$0x16C00] =	vst v63  }
0x2f2: {  	s21 =	sld [smem:$0x7BC];
	s30 =	simm.s32 $0x15C00  }
0x2f3: {  	[tilespmem:s30], [sflag:$0x3] =	stream.indirect.gather [hbm4b:s9+s11], $0x10, s22, s11, $0xb8;
	[tilespmem:$0x16C00] =	vst v63  }
0x2f4: {  	s30 =	simm.s32 $0x16400  }
0x2f5: {  	[tilespmem:s30], [sflag:$0x3] =	stream.indirect.gather [hbm4b:s9+s11], $0x10, s21, s11, $0xb8;
	[tilespmem:$0x16C00] =	vst v63  }
0x2f6: {  	_ =	swait.ge [sflag:s10], $0x800  }
0x2f7: {  	[sflag:s10] =	ssyncset.done $0x0  }
0x2f8: {  	[sflag:s10] =	ssyncadd.s32 $0xFFFFF800  }
0x2f9: {  	_ =	swait.ge [sflag:s10], $0x800  }
0x2fa: {  	[sflag:s10] =	ssyncset.done $0x0  }
0x2fb: {  	[sflag:s10] =	ssyncadd.s32 $0xFFFFF800  }
0x2fc: {  	_ =	swait.ge [sflag:s10], $0x800  }
0x2fd: {  	[sflag:s10] =	ssyncset.done $0x0  }
0x2fe: {  	[sflag:s10] =	ssyncadd.s32 $0xFFFFF800  }
0x2ff: {  	_ =	swait.ge [sflag:s10], $0x800  }
0x300: {  	[sflag:s10] =	ssyncset.done $0x0  }
0x301: {  	[sflag:s10] =	ssyncadd.s32 $0xFFFFF800  }
0x302: {  	_ =	swait.ge [sflag:s10], $0x800  }
0x303: {  	[sflag:s10] =	ssyncset.done $0x0  }
0x304: {  	[sflag:s10] =	ssyncadd.s32 $0xFFFFF800  }
0x305: {  	_ =	swait.ge [sflag:s10], $0x800  }
0x306: {  	[sflag:s10] =	ssyncset.done $0x0  }
0x307: {  	[sflag:s10] =	ssyncadd.s32 $0xFFFFF800  }
0x308: {  	_ =	swait.ge [sflag:s10], $0x800  }
0x309: {  	[sflag:s10] =	ssyncset.done $0x0  }
0x30a: {  	[sflag:s10] =	ssyncadd.s32 $0xFFFFF800  }
0x30b: {  	_ =	swait.ge [sflag:s10], $0x800  }
0x30c: {  	[sflag:s10] =	ssyncset.done $0x0  }
0x30d: {  	[sflag:s10] =	ssyncadd.s32 $0xFFFFF800  }
0x30e: {  	_ =	swait.ge [sflag:s10], $0x800  }
0x30f: {  	[sflag:s10] =	ssyncset.done $0x0  }
0x310: {  	[sflag:s10] =	ssyncadd.s32 $0xFFFFF800  }
0x311: {  	_ =	swait.ge [sflag:s10], $0x800  }
0x312: {  	[sflag:s10] =	ssyncset.done $0x0  }
0x313: {  	[sflag:s10] =	ssyncadd.s32 $0xFFFFF800  }
0x314: {  	_ =	swait.ge [sflag:s10], $0x800  }
0x315: {  	[sflag:s10] =	ssyncset.done $0x0  }
0x316: {  	[sflag:s10] =	ssyncadd.s32 $0xFFFFF800  }
0x317: {  	_ =	swait.ge [sflag:s10], $0x800  }
0x318: {  	[sflag:s10] =	ssyncset.done $0x0  }
0x319: {  	[sflag:s10] =	ssyncadd.s32 $0xFFFFF800  }
0x31a: {  	_ =	swait.ge [sflag:s10], $0x800  }
0x31b: {  	s0 =	simm.s32 $0x4;
	s14 =	simm.s32 $0x3400;
	[sflag:s10] =	ssyncset.done $0x0  }
0x31c: {  	s5 =	simm.s32 $0x0;
	s22 =	rddreg [dreg:$0x3];
	[sflag:s10] =	ssyncadd.s32 $0xFFFFF800  }
0x31d: {  	[hbm4b:s22+s5] =	stream.linear.scatter [tilespmem:s14], [sflag:$0x4], $0x6800, $0x38;
	[tilespmem:$0x16C00] =	vst v63  }
0x31e: {  	_ =	swait.ge [sflag:s0], $0x6800  }
0x31f: {  	s30 =	sld [smem:$0x7BD]  }
0x320: {  	[sflag:s0] =	ssyncset.done $0x0  }
0x321: {  	[sflag:s0] =	ssyncadd.s32 $0xFFFF9800;
	s0 =	sld [smem:$0x7BE]  }
0x322: {  	[tilespmem:s14], [sflag:$0x1] =	stream.indirect.gather [hbm4b:s9+s11], $0x10, s30, s11, $0xb8;
	[tilespmem:$0x16C00] =	vst v63  }
0x323: {  	s1 =	simm.s32 $0x3C00;
	s14 =	sld [smem:$0x7BF]  }
0x324: {  	[tilespmem:s1], [sflag:$0x1] =	stream.indirect.gather [hbm4b:s9+s11], $0x10, s0, s11, $0xb8;
	[tilespmem:$0x16C00] =	vst v63  }
0x325: {  	s7 =	simm.s32 $0x4400;
	s30 =	sld [smem:$0x7C0]  }
0x326: {  	[tilespmem:s7], [sflag:$0x1] =	stream.indirect.gather [hbm4b:s9+s11], $0x10, s14, s11, $0xb8;
	[tilespmem:$0x16C00] =	vst v63  }
0x327: {  	s12 =	simm.s32 $0x4C00;
	s0 =	sld [smem:$0x7C1]  }
0x328: {  	[tilespmem:s12], [sflag:$0x1] =	stream.indirect.gather [hbm4b:s9+s11], $0x10, s30, s11, $0xb8;
	[tilespmem:$0x16C00] =	vst v63  }
0x329: {  	s15 =	simm.s32 $0x5400;
	s1 =	sld [smem:$0x7C2]  }
0x32a: {  	[tilespmem:s15], [sflag:$0x1] =	stream.indirect.gather [hbm4b:s9+s11], $0x10, s0, s11, $0xb8;
	[tilespmem:$0x16C00] =	vst v63  }
0x32b: {  	s16 =	simm.s32 $0x5C00;
	s7 =	sld [smem:$0x7C3]  }
0x32c: {  	[tilespmem:s16], [sflag:$0x1] =	stream.indirect.gather [hbm4b:s9+s11], $0x10, s1, s11, $0xb8;
	[tilespmem:$0x16C00] =	vst v63  }
0x32d: {  	s17 =	simm.s32 $0x6400;
	s12 =	sld [smem:$0x7C4]  }
0x32e: {  	[tilespmem:s17], [sflag:$0x1] =	stream.indirect.gather [hbm4b:s9+s11], $0x10, s7, s11, $0xb8;
	[tilespmem:$0x16C00] =	vst v63  }
0x32f: {  	s19 =	simm.s32 $0x6C00;
	s14 =	sld [smem:$0x7C5]  }
0x330: {  	[tilespmem:s19], [sflag:$0x1] =	stream.indirect.gather [hbm4b:s9+s11], $0x10, s12, s11, $0xb8;
	[tilespmem:$0x16C00] =	vst v63  }
0x331: {  	s26 =	simm.s32 $0x7400;
	s15 =	sld [smem:$0x7C6]  }
0x332: {  	[tilespmem:s26], [sflag:$0x1] =	stream.indirect.gather [hbm4b:s9+s11], $0x10, s14, s11, $0xb8;
	[tilespmem:$0x16C00] =	vst v63  }
0x333: {  	s23 =	simm.s32 $0x7C00;
	s16 =	sld [smem:$0x7C7]  }
0x334: {  	[tilespmem:s23], [sflag:$0x1] =	stream.indirect.gather [hbm4b:s9+s11], $0x10, s15, s11, $0xb8;
	[tilespmem:$0x16C00] =	vst v63  }
0x335: {  	s24 =	simm.s32 $0x8400;
	s17 =	sld [smem:$0x7C8]  }
0x336: {  	[tilespmem:s24], [sflag:$0x1] =	stream.indirect.gather [hbm4b:s9+s11], $0x10, s16, s11, $0xb8;
	[tilespmem:$0x16C00] =	vst v63  }
0x337: {  	s25 =	simm.s32 $0x8C00;
	s19 =	sld [smem:$0x7C9]  }
0x338: {  	[tilespmem:s25], [sflag:$0x1] =	stream.indirect.gather [hbm4b:s9+s11], $0x10, s17, s11, $0xb8;
	[tilespmem:$0x16C00] =	vst v63  }
0x339: {  	s18 =	simm.s32 $0x9400  }
0x33a: {  	[tilespmem:s18], [sflag:$0x1] =	stream.indirect.gather [hbm4b:s9+s11], $0x10, s19, s11, $0xb8;
	[tilespmem:$0x16C00] =	vst v63  }
0x33b: {  	_ =	swait.ge [sflag:s8], $0x800  }
0x33c: {  	[sflag:s8] =	ssyncset.done $0x0  }
0x33d: {  	[sflag:s8] =	ssyncadd.s32 $0xFFFFF800  }
0x33e: {  	_ =	swait.ge [sflag:s8], $0x800  }
0x33f: {  	[sflag:s8] =	ssyncset.done $0x0  }
0x340: {  	[sflag:s8] =	ssyncadd.s32 $0xFFFFF800  }
0x341: {  	_ =	swait.ge [sflag:s8], $0x800  }
0x342: {  	[sflag:s8] =	ssyncset.done $0x0  }
0x343: {  	[sflag:s8] =	ssyncadd.s32 $0xFFFFF800  }
0x344: {  	_ =	swait.ge [sflag:s8], $0x800  }
0x345: {  	[sflag:s8] =	ssyncset.done $0x0  }
0x346: {  	[sflag:s8] =	ssyncadd.s32 $0xFFFFF800  }
0x347: {  	_ =	swait.ge [sflag:s8], $0x800  }
0x348: {  	[sflag:s8] =	ssyncset.done $0x0  }
0x349: {  	[sflag:s8] =	ssyncadd.s32 $0xFFFFF800  }
0x34a: {  	_ =	swait.ge [sflag:s8], $0x800  }
0x34b: {  	[sflag:s8] =	ssyncset.done $0x0  }
0x34c: {  	[sflag:s8] =	ssyncadd.s32 $0xFFFFF800  }
0x34d: {  	_ =	swait.ge [sflag:s8], $0x800  }
0x34e: {  	[sflag:s8] =	ssyncset.done $0x0  }
0x34f: {  	[sflag:s8] =	ssyncadd.s32 $0xFFFFF800  }
0x350: {  	_ =	swait.ge [sflag:s8], $0x800  }
0x351: {  	[sflag:s8] =	ssyncset.done $0x0  }
0x352: {  	[sflag:s8] =	ssyncadd.s32 $0xFFFFF800  }
0x353: {  	_ =	swait.ge [sflag:s8], $0x800  }
0x354: {  	[sflag:s8] =	ssyncset.done $0x0  }
0x355: {  	[sflag:s8] =	ssyncadd.s32 $0xFFFFF800  }
0x356: {  	_ =	swait.ge [sflag:s8], $0x800  }
0x357: {  	[sflag:s8] =	ssyncset.done $0x0  }
0x358: {  	[sflag:s8] =	ssyncadd.s32 $0xFFFFF800  }
0x359: {  	_ =	swait.ge [sflag:s8], $0x800  }
0x35a: {  	[sflag:s8] =	ssyncset.done $0x0  }
0x35b: {  	[sflag:s8] =	ssyncadd.s32 $0xFFFFF800  }
0x35c: {  	_ =	swait.ge [sflag:s8], $0x800  }
0x35d: {  	[sflag:s8] =	ssyncset.done $0x0  }
0x35e: {  	[sflag:s8] =	ssyncadd.s32 $0xFFFFF800  }
0x35f: {  	_ =	swait.ge [sflag:s8], $0x800  }
0x360: {  	s4 =	simm.s32 $0x9C00;
	[sflag:s8] =	ssyncset.done $0x0  }
0x361: {  	s6 =	simm.s32 $0x5;
	s22 =	rddreg [dreg:$0x4];
	[sflag:s8] =	ssyncadd.s32 $0xFFFFF800  }
0x362: {  	[hbm4b:s22+s5] =	stream.linear.scatter [tilespmem:s4], [sflag:$0x5], $0x6800, $0x38;
	[tilespmem:$0x16C00] =	vst v63  }
0x363: {  	_ =	swait.ge [sflag:s6], $0x6800  }
0x364: {  	s23 =	sld [smem:$0x7CA]  }
0x365: {  	[sflag:s6] =	ssyncset.done $0x0  }
0x366: {  	s24 =	sld [smem:$0x7CB];
	[sflag:s6] =	ssyncadd.s32 $0xFFFF9800  }
0x367: {  	[tilespmem:s4], [sflag:$0x2] =	stream.indirect.gather [hbm4b:s9+s11], $0x10, s23, s11, $0xb8;
	[tilespmem:$0x16C00] =	vst v63  }
0x368: {  	s0 =	simm.s32 $0xA400;
	s25 =	sld [smem:$0x7CC]  }
0x369: {  	[tilespmem:s0], [sflag:$0x2] =	stream.indirect.gather [hbm4b:s9+s11], $0x10, s24, s11, $0xb8;
	[tilespmem:$0x16C00] =	vst v63  }
0x36a: {  	s30 =	simm.s32 $0xAC00;
	s26 =	sld [smem:$0x7CD]  }
0x36b: {  	[tilespmem:s30], [sflag:$0x2] =	stream.indirect.gather [hbm4b:s9+s11], $0x10, s25, s11, $0xb8;
	[tilespmem:$0x16C00] =	vst v63  }
0x36c: {  	s16 =	simm.s32 $0xB400;
	s7 =	sld [smem:$0x7CE]  }
0x36d: {  	[tilespmem:s16], [sflag:$0x2] =	stream.indirect.gather [hbm4b:s9+s11], $0x10, s26, s11, $0xb8;
	[tilespmem:$0x16C00] =	vst v63  }
0x36e: {  	s18 =	simm.s32 $0xBC00;
	s17 =	sld [smem:$0x7CF]  }
0x36f: {  	[tilespmem:s18], [sflag:$0x2] =	stream.indirect.gather [hbm4b:s9+s11], $0x10, s7, s11, $0xb8;
	[tilespmem:$0x16C00] =	vst v63  }
0x370: {  	s14 =	simm.s32 $0xC400;
	s19 =	sld [smem:$0x7D0]  }
0x371: {  	[tilespmem:s14], [sflag:$0x2] =	stream.indirect.gather [hbm4b:s9+s11], $0x10, s17, s11, $0xb8;
	[tilespmem:$0x16C00] =	vst v63  }
0x372: {  	s23 =	sld [smem:$0x7D1];
	s26 =	simm.s32 $0xCC00  }
0x373: {  	[tilespmem:s26], [sflag:$0x2] =	stream.indirect.gather [hbm4b:s9+s11], $0x10, s19, s11, $0xb8;
	[tilespmem:$0x16C00] =	vst v63  }
0x374: {  	s7 =	sld [smem:$0x7D2];
	s17 =	simm.s32 $0xD400  }
0x375: {  	[tilespmem:s17], [sflag:$0x2] =	stream.indirect.gather [hbm4b:s9+s11], $0x10, s23, s11, $0xb8;
	[tilespmem:$0x16C00] =	vst v63  }
0x376: {  	s18 =	sld [smem:$0x7D3];
	s19 =	simm.s32 $0xDC00  }
0x377: {  	[tilespmem:s19], [sflag:$0x2] =	stream.indirect.gather [hbm4b:s9+s11], $0x10, s7, s11, $0xb8;
	[tilespmem:$0x16C00] =	vst v63  }
0x378: {  	s21 =	sld [smem:$0x7D4];
	s26 =	simm.s32 $0xE400  }
0x379: {  	[tilespmem:s26], [sflag:$0x2] =	stream.indirect.gather [hbm4b:s9+s11], $0x10, s18, s11, $0xb8;
	[tilespmem:$0x16C00] =	vst v63  }
0x37a: {  	s7 =	sld [smem:$0x7D5];
	s18 =	simm.s32 $0xEC00  }
0x37b: {  	[tilespmem:s18], [sflag:$0x2] =	stream.indirect.gather [hbm4b:s9+s11], $0x10, s21, s11, $0xb8;
	[tilespmem:$0x16C00] =	vst v63  }
0x37c: {  	s30 =	simm.s32 $0xF400;
	s26 =	sld [smem:$0x7D6]  }
0x37d: {  	[tilespmem:s30], [sflag:$0x2] =	stream.indirect.gather [hbm4b:s9+s11], $0x10, s7, s11, $0xb8;
	[tilespmem:$0x16C00] =	vst v63  }
0x37e: {  	s7 =	simm.s32 $0xFC00  }
0x37f: {  	[tilespmem:s7], [sflag:$0x2] =	stream.indirect.gather [hbm4b:s9+s11], $0x10, s26, s11, $0xb8;
	[tilespmem:$0x16C00] =	vst v63  }
0x380: {  	_ =	swait.ge [sflag:s13], $0x800  }
0x381: {  	[sflag:s13] =	ssyncset.done $0x0  }
0x382: {  	[sflag:s13] =	ssyncadd.s32 $0xFFFFF800  }
0x383: {  	_ =	swait.ge [sflag:s13], $0x800  }
0x384: {  	[sflag:s13] =	ssyncset.done $0x0  }
0x385: {  	[sflag:s13] =	ssyncadd.s32 $0xFFFFF800  }
0x386: {  	_ =	swait.ge [sflag:s13], $0x800  }
0x387: {  	[sflag:s13] =	ssyncset.done $0x0  }
0x388: {  	[sflag:s13] =	ssyncadd.s32 $0xFFFFF800  }
0x389: {  	_ =	swait.ge [sflag:s13], $0x800  }
0x38a: {  	[sflag:s13] =	ssyncset.done $0x0  }
0x38b: {  	[sflag:s13] =	ssyncadd.s32 $0xFFFFF800  }
0x38c: {  	_ =	swait.ge [sflag:s13], $0x800  }
0x38d: {  	[sflag:s13] =	ssyncset.done $0x0  }
0x38e: {  	[sflag:s13] =	ssyncadd.s32 $0xFFFFF800  }
0x38f: {  	_ =	swait.ge [sflag:s13], $0x800  }
0x390: {  	[sflag:s13] =	ssyncset.done $0x0  }
0x391: {  	[sflag:s13] =	ssyncadd.s32 $0xFFFFF800  }
0x392: {  	_ =	swait.ge [sflag:s13], $0x800  }
0x393: {  	[sflag:s13] =	ssyncset.done $0x0  }
0x394: {  	[sflag:s13] =	ssyncadd.s32 $0xFFFFF800  }
0x395: {  	_ =	swait.ge [sflag:s13], $0x800  }
0x396: {  	[sflag:s13] =	ssyncset.done $0x0  }
0x397: {  	[sflag:s13] =	ssyncadd.s32 $0xFFFFF800  }
0x398: {  	_ =	swait.ge [sflag:s13], $0x800  }
0x399: {  	[sflag:s13] =	ssyncset.done $0x0  }
0x39a: {  	[sflag:s13] =	ssyncadd.s32 $0xFFFFF800  }
0x39b: {  	_ =	swait.ge [sflag:s13], $0x800  }
0x39c: {  	[sflag:s13] =	ssyncset.done $0x0  }
0x39d: {  	[sflag:s13] =	ssyncadd.s32 $0xFFFFF800  }
0x39e: {  	_ =	swait.ge [sflag:s13], $0x800  }
0x39f: {  	[sflag:s13] =	ssyncset.done $0x0  }
0x3a0: {  	[sflag:s13] =	ssyncadd.s32 $0xFFFFF800  }
0x3a1: {  	_ =	swait.ge [sflag:s13], $0x800  }
0x3a2: {  	[sflag:s13] =	ssyncset.done $0x0  }
0x3a3: {  	[sflag:s13] =	ssyncadd.s32 $0xFFFFF800  }
0x3a4: {  	_ =	swait.ge [sflag:s13], $0x800  }
0x3a5: {  	[sflag:s13] =	ssyncset.done $0x0  }
0x3a6: {  	s2 =	simm.s32 $0x6;
	s22 =	rddreg [dreg:$0x5];
	[sflag:s13] =	ssyncadd.s32 $0xFFFFF800  }
0x3a7: {  	[hbm4b:s22+s5] =	stream.linear.scatter [tilespmem:s3], [sflag:$0x6], $0x6800, $0x38;
	[tilespmem:$0x16C00] =	vst v63  }
0x3a8: {  	_ =	swait.ge [sflag:s2], $0x6800  }
0x3a9: {  	s7 =	sld [smem:$0x7D7]  }
0x3aa: {  	[sflag:s2] =	ssyncset.done $0x0  }
0x3ab: {  	s22 =	sld [smem:$0x7D8];
	[sflag:s2] =	ssyncadd.s32 $0xFFFF9800  }
0x3ac: {  	[tilespmem:s3], [sflag:$0x3] =	stream.indirect.gather [hbm4b:s9+s11], $0x10, s7, s11, $0xb8;
	[tilespmem:$0x16C00] =	vst v63  }
0x3ad: {  	s21 =	sld [smem:$0x7D9];
	s7 =	simm.s32 $0x10C00  }
0x3ae: {  	[tilespmem:s7], [sflag:$0x3] =	stream.indirect.gather [hbm4b:s9+s11], $0x10, s22, s11, $0xb8;
	[tilespmem:$0x16C00] =	vst v63  }
0x3af: {  	s22 =	sld [smem:$0x7DA];
	s7 =	simm.s32 $0x11400  }
0x3b0: {  	[tilespmem:s7], [sflag:$0x3] =	stream.indirect.gather [hbm4b:s9+s11], $0x10, s21, s11, $0xb8;
	[tilespmem:$0x16C00] =	vst v63  }
0x3b1: {  	s21 =	sld [smem:$0x7DB];
	s7 =	simm.s32 $0x11C00  }
0x3b2: {  	[tilespmem:s7], [sflag:$0x3] =	stream.indirect.gather [hbm4b:s9+s11], $0x10, s22, s11, $0xb8;
	[tilespmem:$0x16C00] =	vst v63  }
0x3b3: {  	s22 =	sld [smem:$0x7DC]  }
0x3b4: {  	[tilespmem:s28], [sflag:$0x3] =	stream.indirect.gather [hbm4b:s9+s11], $0x10, s21, s11, $0xb8;
	[tilespmem:$0x16C00] =	vst v63  }
0x3b5: {  	s21 =	sld [smem:$0x7DD];
	s28 =	simm.s32 $0x12C00  }
0x3b6: {  	[tilespmem:s28], [sflag:$0x3] =	stream.indirect.gather [hbm4b:s9+s11], $0x10, s22, s11, $0xb8;
	[tilespmem:$0x16C00] =	vst v63  }
0x3b7: {  	s22 =	sld [smem:$0x7DE];
	s28 =	simm.s32 $0x13400  }
0x3b8: {  	[tilespmem:s28], [sflag:$0x3] =	stream.indirect.gather [hbm4b:s9+s11], $0x10, s21, s11, $0xb8;
	[tilespmem:$0x16C00] =	vst v63  }
0x3b9: {  	s21 =	sld [smem:$0x7DF];
	s28 =	simm.s32 $0x13C00  }
0x3ba: {  	[tilespmem:s28], [sflag:$0x3] =	stream.indirect.gather [hbm4b:s9+s11], $0x10, s22, s11, $0xb8;
	[tilespmem:$0x16C00] =	vst v63  }
0x3bb: {  	s28 =	sld [smem:$0x7E0]  }
0x3bc: {  	[tilespmem:s31], [sflag:$0x3] =	stream.indirect.gather [hbm4b:s9+s11], $0x10, s21, s11, $0xb8;
	[tilespmem:$0x16C00] =	vst v63  }
0x3bd: {  	s21 =	sld [smem:$0x7E1]  }
0x3be: {  	[tilespmem:s29], [sflag:$0x3] =	stream.indirect.gather [hbm4b:s9+s11], $0x10, s28, s11, $0xb8;
	[tilespmem:$0x16C00] =	vst v63  }
0x3bf: {  	s22 =	sld [smem:$0x7E2];
	s29 =	simm.s32 $0x15400  }
0x3c0: {  	[tilespmem:s29], [sflag:$0x3] =	stream.indirect.gather [hbm4b:s9+s11], $0x10, s21, s11, $0xb8;
	[tilespmem:$0x16C00] =	vst v63  }
0x3c1: {  	s21 =	sld [smem:$0x7E3];
	s29 =	simm.s32 $0x15C00  }
0x3c2: {  	[tilespmem:s29], [sflag:$0x3] =	stream.indirect.gather [hbm4b:s9+s11], $0x10, s22, s11, $0xb8;
	[tilespmem:$0x16C00] =	vst v63  }
0x3c3: {  	s29 =	simm.s32 $0x16400  }
0x3c4: {  	[tilespmem:s29], [sflag:$0x3] =	stream.indirect.gather [hbm4b:s9+s11], $0x10, s21, s11, $0xb8;
	[tilespmem:$0x16C00] =	vst v63  }
0x3c5: {  	_ =	swait.ge [sflag:s10], $0x800  }
0x3c6: {  	[sflag:s10] =	ssyncset.done $0x0  }
0x3c7: {  	[sflag:s10] =	ssyncadd.s32 $0xFFFFF800  }
0x3c8: {  	_ =	swait.ge [sflag:s10], $0x800  }
0x3c9: {  	[sflag:s10] =	ssyncset.done $0x0  }
0x3ca: {  	[sflag:s10] =	ssyncadd.s32 $0xFFFFF800  }
0x3cb: {  	_ =	swait.ge [sflag:s10], $0x800  }
0x3cc: {  	[sflag:s10] =	ssyncset.done $0x0  }
0x3cd: {  	[sflag:s10] =	ssyncadd.s32 $0xFFFFF800  }
0x3ce: {  	_ =	swait.ge [sflag:s10], $0x800  }
0x3cf: {  	[sflag:s10] =	ssyncset.done $0x0  }
0x3d0: {  	[sflag:s10] =	ssyncadd.s32 $0xFFFFF800  }
0x3d1: {  	_ =	swait.ge [sflag:s10], $0x800  }
0x3d2: {  	[sflag:s10] =	ssyncset.done $0x0  }
0x3d3: {  	[sflag:s10] =	ssyncadd.s32 $0xFFFFF800  }
0x3d4: {  	_ =	swait.ge [sflag:s10], $0x800  }
0x3d5: {  	[sflag:s10] =	ssyncset.done $0x0  }
0x3d6: {  	[sflag:s10] =	ssyncadd.s32 $0xFFFFF800  }
0x3d7: {  	_ =	swait.ge [sflag:s10], $0x800  }
0x3d8: {  	[sflag:s10] =	ssyncset.done $0x0  }
0x3d9: {  	[sflag:s10] =	ssyncadd.s32 $0xFFFFF800  }
0x3da: {  	_ =	swait.ge [sflag:s10], $0x800  }
0x3db: {  	[sflag:s10] =	ssyncset.done $0x0  }
0x3dc: {  	[sflag:s10] =	ssyncadd.s32 $0xFFFFF800  }
0x3dd: {  	_ =	swait.ge [sflag:s10], $0x800  }
0x3de: {  	[sflag:s10] =	ssyncset.done $0x0  }
0x3df: {  	[sflag:s10] =	ssyncadd.s32 $0xFFFFF800  }
0x3e0: {  	_ =	swait.ge [sflag:s10], $0x800  }
0x3e1: {  	[sflag:s10] =	ssyncset.done $0x0  }
0x3e2: {  	[sflag:s10] =	ssyncadd.s32 $0xFFFFF800  }
0x3e3: {  	_ =	swait.ge [sflag:s10], $0x800  }
0x3e4: {  	[sflag:s10] =	ssyncset.done $0x0  }
0x3e5: {  	[sflag:s10] =	ssyncadd.s32 $0xFFFFF800  }
0x3e6: {  	_ =	swait.ge [sflag:s10], $0x800  }
0x3e7: {  	[sflag:s10] =	ssyncset.done $0x0  }
0x3e8: {  	[sflag:s10] =	ssyncadd.s32 $0xFFFFF800  }
0x3e9: {  	_ =	swait.ge [sflag:s10], $0x800  }
0x3ea: {  	s6 =	simm.s32 $0x4;
	s4 =	simm.s32 $0x3400;
	[sflag:s10] =	ssyncset.done $0x0  }
0x3eb: {  	s2 =	simm.s32 $0x0;
	s22 =	rddreg [dreg:$0x6];
	[sflag:s10] =	ssyncadd.s32 $0xFFFFF800  }
0x3ec: {  	[hbm4b:s22+s2] =	stream.linear.scatter [tilespmem:s4], [sflag:$0x4], $0x6800, $0x38;
	[tilespmem:$0x16C00] =	vst v63  }
0x3ed: {  	_ =	swait.ge [sflag:s6], $0x6800  }
0x3ee: {  	s28 =	sld [smem:$0x7E4]  }
0x3ef: {  	[sflag:s6] =	ssyncset.done $0x0  }
0x3f0: {  	s22 =	sld [smem:$0x7E5];
	[sflag:s6] =	ssyncadd.s32 $0xFFFF9800  }
0x3f1: {  	[tilespmem:s4], [sflag:$0x1] =	stream.indirect.gather [hbm4b:s9+s11], $0x10, s28, s11, $0xb8;
	[tilespmem:$0x16C00] =	vst v63  }
0x3f2: {  	s29 =	simm.s32 $0x3C00;
	s21 =	sld [smem:$0x7E6]  }
0x3f3: {  	[tilespmem:s29], [sflag:$0x1] =	stream.indirect.gather [hbm4b:s9+s11], $0x10, s22, s11, $0xb8;
	[tilespmem:$0x16C00] =	vst v63  }
0x3f4: {  	s22 =	sld [smem:$0x7E7];
	s29 =	simm.s32 $0x4400  }
0x3f5: {  	[tilespmem:s29], [sflag:$0x1] =	stream.indirect.gather [hbm4b:s9+s11], $0x10, s21, s11, $0xb8;
	[tilespmem:$0x16C00] =	vst v63  }
0x3f6: {  	s21 =	sld [smem:$0x7E8];
	s29 =	simm.s32 $0x4C00  }
0x3f7: {  	[tilespmem:s29], [sflag:$0x1] =	stream.indirect.gather [hbm4b:s9+s11], $0x10, s22, s11, $0xb8;
	[tilespmem:$0x16C00] =	vst v63  }
0x3f8: {  	s22 =	sld [smem:$0x7E9];
	s29 =	simm.s32 $0x5400  }
0x3f9: {  	[tilespmem:s29], [sflag:$0x1] =	stream.indirect.gather [hbm4b:s9+s11], $0x10, s21, s11, $0xb8;
	[tilespmem:$0x16C00] =	vst v63  }
0x3fa: {  	s21 =	sld [smem:$0x7EA];
	s29 =	simm.s32 $0x5C00  }
0x3fb: {  	[tilespmem:s29], [sflag:$0x1] =	stream.indirect.gather [hbm4b:s9+s11], $0x10, s22, s11, $0xb8;
	[tilespmem:$0x16C00] =	vst v63  }
0x3fc: {  	s22 =	sld [smem:$0x7EB];
	s29 =	simm.s32 $0x6400  }
0x3fd: {  	[tilespmem:s29], [sflag:$0x1] =	stream.indirect.gather [hbm4b:s9+s11], $0x10, s21, s11, $0xb8;
	[tilespmem:$0x16C00] =	vst v63  }
0x3fe: {  	s21 =	sld [smem:$0x7EC];
	s29 =	simm.s32 $0x6C00  }
0x3ff: {  	[tilespmem:s29], [sflag:$0x1] =	stream.indirect.gather [hbm4b:s9+s11], $0x10, s22, s11, $0xb8;
	[tilespmem:$0x16C00] =	vst v63  }
0x400: {  	s22 =	sld [smem:$0x7ED];
	s29 =	simm.s32 $0x7400  }
0x401: {  	[tilespmem:s29], [sflag:$0x1] =	stream.indirect.gather [hbm4b:s9+s11], $0x10, s21, s11, $0xb8;
	[tilespmem:$0x16C00] =	vst v63  }
0x402: {  	s21 =	sld [smem:$0x7EE];
	s29 =	simm.s32 $0x7C00  }
0x403: {  	[tilespmem:s29], [sflag:$0x1] =	stream.indirect.gather [hbm4b:s9+s11], $0x10, s22, s11, $0xb8;
	[tilespmem:$0x16C00] =	vst v63  }
0x404: {  	s1 =	simm.s32 $0x8400;
	s22 =	sld [smem:$0x7EF]  }
0x405: {  	[tilespmem:s1], [sflag:$0x1] =	stream.indirect.gather [hbm4b:s9+s11], $0x10, s21, s11, $0xb8;
	[tilespmem:$0x16C00] =	vst v63  }
0x406: {  	s28 =	sld [smem:$0x7F0];
	s29 =	simm.s32 $0x8C00  }
0x407: {  	[tilespmem:s29], [sflag:$0x1] =	stream.indirect.gather [hbm4b:s9+s11], $0x10, s22, s11, $0xb8;
	[tilespmem:$0x16C00] =	vst v63  }
0x408: {  	s12 =	simm.s32 $0x9400  }
0x409: {  	[tilespmem:s12], [sflag:$0x1] =	stream.indirect.gather [hbm4b:s9+s11], $0x10, s28, s11, $0xb8;
	[tilespmem:$0x16C00] =	vst v63  }
0x40a: {  	_ =	swait.ge [sflag:s8], $0x800  }
0x40b: {  	[sflag:s8] =	ssyncset.done $0x0  }
0x40c: {  	[sflag:s8] =	ssyncadd.s32 $0xFFFFF800  }
0x40d: {  	_ =	swait.ge [sflag:s8], $0x800  }
0x40e: {  	[sflag:s8] =	ssyncset.done $0x0  }
0x40f: {  	[sflag:s8] =	ssyncadd.s32 $0xFFFFF800  }
0x410: {  	_ =	swait.ge [sflag:s8], $0x800  }
0x411: {  	[sflag:s8] =	ssyncset.done $0x0  }
0x412: {  	[sflag:s8] =	ssyncadd.s32 $0xFFFFF800  }
0x413: {  	_ =	swait.ge [sflag:s8], $0x800  }
0x414: {  	[sflag:s8] =	ssyncset.done $0x0  }
0x415: {  	[sflag:s8] =	ssyncadd.s32 $0xFFFFF800  }
0x416: {  	_ =	swait.ge [sflag:s8], $0x800  }
0x417: {  	[sflag:s8] =	ssyncset.done $0x0  }
0x418: {  	[sflag:s8] =	ssyncadd.s32 $0xFFFFF800  }
0x419: {  	_ =	swait.ge [sflag:s8], $0x800  }
0x41a: {  	[sflag:s8] =	ssyncset.done $0x0  }
0x41b: {  	[sflag:s8] =	ssyncadd.s32 $0xFFFFF800  }
0x41c: {  	_ =	swait.ge [sflag:s8], $0x800  }
0x41d: {  	[sflag:s8] =	ssyncset.done $0x0  }
0x41e: {  	[sflag:s8] =	ssyncadd.s32 $0xFFFFF800  }
0x41f: {  	_ =	swait.ge [sflag:s8], $0x800  }
0x420: {  	[sflag:s8] =	ssyncset.done $0x0  }
0x421: {  	[sflag:s8] =	ssyncadd.s32 $0xFFFFF800  }
0x422: {  	_ =	swait.ge [sflag:s8], $0x800  }
0x423: {  	[sflag:s8] =	ssyncset.done $0x0  }
0x424: {  	[sflag:s8] =	ssyncadd.s32 $0xFFFFF800  }
0x425: {  	_ =	swait.ge [sflag:s8], $0x800  }
0x426: {  	[sflag:s8] =	ssyncset.done $0x0  }
0x427: {  	[sflag:s8] =	ssyncadd.s32 $0xFFFFF800  }
0x428: {  	_ =	swait.ge [sflag:s8], $0x800  }
0x429: {  	[sflag:s8] =	ssyncset.done $0x0  }
0x42a: {  	[sflag:s8] =	ssyncadd.s32 $0xFFFFF800  }
0x42b: {  	_ =	swait.ge [sflag:s8], $0x800  }
0x42c: {  	[sflag:s8] =	ssyncset.done $0x0  }
0x42d: {  	[sflag:s8] =	ssyncadd.s32 $0xFFFFF800  }
0x42e: {  	_ =	swait.ge [sflag:s8], $0x800  }
0x42f: {  	s5 =	simm.s32 $0x5;
	[sflag:s8] =	ssyncset.done $0x0  }
0x430: {  	s3 =	simm.s32 $0x9C00;
	s28 =	rddreg [dreg:$0x7];
	[sflag:s8] =	ssyncadd.s32 $0xFFFFF800  }
0x431: {  	[hbm4b:s28+s2] =	stream.linear.scatter [tilespmem:s3], [sflag:$0x5], $0x6800, $0x38;
	[tilespmem:$0x16C00] =	vst v63  }
0x432: {  	_ =	swait.ge [sflag:s5], $0x6800  }
0x433: {  	s29 =	sld [smem:$0x7F1]  }
0x434: {  	[sflag:s5] =	ssyncset.done $0x0  }
0x435: {  	s1 =	sld [smem:$0x7F2];
	[sflag:s5] =	ssyncadd.s32 $0xFFFF9800  }
0x436: {  	[tilespmem:s3], [sflag:$0x2] =	stream.indirect.gather [hbm4b:s9+s11], $0x10, s29, s11, $0xb8;
	[tilespmem:$0x16C00] =	vst v63  }
0x437: {  	s12 =	sld [smem:$0x7F3]  }
0x438: {  	[tilespmem:s0], [sflag:$0x2] =	stream.indirect.gather [hbm4b:s9+s11], $0x10, s1, s11, $0xb8;
	[tilespmem:$0x16C00] =	vst v63  }
0x439: {  	s15 =	simm.s32 $0xAC00;
	s28 =	sld [smem:$0x7F4]  }
0x43a: {  	[tilespmem:s15], [sflag:$0x2] =	stream.indirect.gather [hbm4b:s9+s11], $0x10, s12, s11, $0xb8;
	[tilespmem:$0x16C00] =	vst v63  }
0x43b: {  	s16 =	simm.s32 $0xB400;
	s29 =	sld [smem:$0x7F5]  }
0x43c: {  	[tilespmem:s16], [sflag:$0x2] =	stream.indirect.gather [hbm4b:s9+s11], $0x10, s28, s11, $0xb8;
	[tilespmem:$0x16C00] =	vst v63  }
0x43d: {  	s25 =	simm.s32 $0xBC00;
	s0 =	sld [smem:$0x7F6]  }
0x43e: {  	[tilespmem:s25], [sflag:$0x2] =	stream.indirect.gather [hbm4b:s9+s11], $0x10, s29, s11, $0xb8;
	[tilespmem:$0x16C00] =	vst v63  }
0x43f: {  	s1 =	sld [smem:$0x7F7]  }
0x440: {  	[tilespmem:s14], [sflag:$0x2] =	stream.indirect.gather [hbm4b:s9+s11], $0x10, s0, s11, $0xb8;
	[tilespmem:$0x16C00] =	vst v63  }
0x441: {  	s24 =	simm.s32 $0xCC00;
	s14 =	sld [smem:$0x7F8]  }
0x442: {  	[tilespmem:s24], [sflag:$0x2] =	stream.indirect.gather [hbm4b:s9+s11], $0x10, s1, s11, $0xb8;
	[tilespmem:$0x16C00] =	vst v63  }
0x443: {  	s23 =	simm.s32 $0xD400;
	s15 =	sld [smem:$0x7F9]  }
0x444: {  	[tilespmem:s23], [sflag:$0x2] =	stream.indirect.gather [hbm4b:s9+s11], $0x10, s14, s11, $0xb8;
	[tilespmem:$0x16C00] =	vst v63  }
0x445: {  	s19 =	simm.s32 $0xDC00;
	s16 =	sld [smem:$0x7FA]  }
0x446: {  	[tilespmem:s19], [sflag:$0x2] =	stream.indirect.gather [hbm4b:s9+s11], $0x10, s15, s11, $0xb8;
	[tilespmem:$0x16C00] =	vst v63  }
0x447: {  	s17 =	simm.s32 $0xE400;
	s23 =	sld [smem:$0x7FB]  }
0x448: {  	[tilespmem:s17], [sflag:$0x2] =	stream.indirect.gather [hbm4b:s9+s11], $0x10, s16, s11, $0xb8;
	[tilespmem:$0x16C00] =	vst v63  }
0x449: {  	s18 =	simm.s32 $0xEC00;
	s24 =	sld [smem:$0x7FC]  }
0x44a: {  	[tilespmem:s18], [sflag:$0x2] =	stream.indirect.gather [hbm4b:s9+s11], $0x10, s23, s11, $0xb8;
	[tilespmem:$0x16C00] =	vst v63  }
0x44b: {  	s25 =	sld [smem:$0x7FD]  }
0x44c: {  	[tilespmem:s30], [sflag:$0x2] =	stream.indirect.gather [hbm4b:s9+s11], $0x10, s24, s11, $0xb8;
	[tilespmem:$0x16C00] =	vst v63  }
0x44d: {  	s26 =	simm.s32 $0xFC00  }
0x44e: {  	[tilespmem:s26], [sflag:$0x2] =	stream.indirect.gather [hbm4b:s9+s11], $0x10, s25, s11, $0xb8;
	[tilespmem:$0x16C00] =	vst v63  }
0x44f: {  	_ =	swait.ge [sflag:s13], $0x800  }
0x450: {  	[sflag:s13] =	ssyncset.done $0x0  }
0x451: {  	[sflag:s13] =	ssyncadd.s32 $0xFFFFF800  }
0x452: {  	_ =	swait.ge [sflag:s13], $0x800  }
0x453: {  	[sflag:s13] =	ssyncset.done $0x0  }
0x454: {  	[sflag:s13] =	ssyncadd.s32 $0xFFFFF800  }
0x455: {  	_ =	swait.ge [sflag:s13], $0x800  }
0x456: {  	[sflag:s13] =	ssyncset.done $0x0  }
0x457: {  	[sflag:s13] =	ssyncadd.s32 $0xFFFFF800  }
0x458: {  	_ =	swait.ge [sflag:s13], $0x800  }
0x459: {  	[sflag:s13] =	ssyncset.done $0x0  }
0x45a: {  	[sflag:s13] =	ssyncadd.s32 $0xFFFFF800  }
0x45b: {  	_ =	swait.ge [sflag:s13], $0x800  }
0x45c: {  	[sflag:s13] =	ssyncset.done $0x0  }
0x45d: {  	[sflag:s13] =	ssyncadd.s32 $0xFFFFF800  }
0x45e: {  	_ =	swait.ge [sflag:s13], $0x800  }
0x45f: {  	[sflag:s13] =	ssyncset.done $0x0  }
0x460: {  	[sflag:s13] =	ssyncadd.s32 $0xFFFFF800  }
0x461: {  	_ =	swait.ge [sflag:s13], $0x800  }
0x462: {  	[sflag:s13] =	ssyncset.done $0x0  }
0x463: {  	[sflag:s13] =	ssyncadd.s32 $0xFFFFF800  }
0x464: {  	_ =	swait.ge [sflag:s13], $0x800  }
0x465: {  	[sflag:s13] =	ssyncset.done $0x0  }
0x466: {  	[sflag:s13] =	ssyncadd.s32 $0xFFFFF800  }
0x467: {  	_ =	swait.ge [sflag:s13], $0x800  }
0x468: {  	[sflag:s13] =	ssyncset.done $0x0  }
0x469: {  	[sflag:s13] =	ssyncadd.s32 $0xFFFFF800  }
0x46a: {  	_ =	swait.ge [sflag:s13], $0x800  }
0x46b: {  	[sflag:s13] =	ssyncset.done $0x0  }
0x46c: {  	[sflag:s13] =	ssyncadd.s32 $0xFFFFF800  }
0x46d: {  	_ =	swait.ge [sflag:s13], $0x800  }
0x46e: {  	[sflag:s13] =	ssyncset.done $0x0  }
0x46f: {  	[sflag:s13] =	ssyncadd.s32 $0xFFFFF800  }
0x470: {  	_ =	swait.ge [sflag:s13], $0x800  }
0x471: {  	[sflag:s13] =	ssyncset.done $0x0  }
0x472: {  	[sflag:s13] =	ssyncadd.s32 $0xFFFFF800  }
0x473: {  	_ =	swait.ge [sflag:s13], $0x800  }
0x474: {  	[sflag:s13] =	ssyncset.done $0x0  }
0x475: {  	s12 =	simm.s32 $0x10400;
	s28 =	rddreg [dreg:$0x8];
	[sflag:s13] =	ssyncadd.s32 $0xFFFFF800  }
0x476: {  	[hbm4b:s28+s2] =	stream.linear.scatter [tilespmem:s12], [sflag:$0x6], $0x6800, $0x38;
	[tilespmem:$0x16C00] =	vst v63  }
0x477: {  	_ =	swait.ge [sflag:s10], $0x800  }
0x478: {  	[sflag:s10] =	ssyncset.done $0x0  }
0x479: {  	[sflag:s10] =	ssyncadd.s32 $0xFFFFF800  }
0x47a: {  	_ =	swait.ge [sflag:s10], $0x800  }
0x47b: {  	[sflag:s10] =	ssyncset.done $0x0  }
0x47c: {  	[sflag:s10] =	ssyncadd.s32 $0xFFFFF800  }
0x47d: {  	_ =	swait.ge [sflag:s10], $0x800  }
0x47e: {  	[sflag:s10] =	ssyncset.done $0x0  }
0x47f: {  	[sflag:s10] =	ssyncadd.s32 $0xFFFFF800  }
0x480: {  	_ =	swait.ge [sflag:s10], $0x800  }
0x481: {  	[sflag:s10] =	ssyncset.done $0x0  }
0x482: {  	[sflag:s10] =	ssyncadd.s32 $0xFFFFF800  }
0x483: {  	_ =	swait.ge [sflag:s10], $0x800  }
0x484: {  	[sflag:s10] =	ssyncset.done $0x0  }
0x485: {  	[sflag:s10] =	ssyncadd.s32 $0xFFFFF800  }
0x486: {  	_ =	swait.ge [sflag:s10], $0x800  }
0x487: {  	[sflag:s10] =	ssyncset.done $0x0  }
0x488: {  	[sflag:s10] =	ssyncadd.s32 $0xFFFFF800  }
0x489: {  	_ =	swait.ge [sflag:s10], $0x800  }
0x48a: {  	[sflag:s10] =	ssyncset.done $0x0  }
0x48b: {  	[sflag:s10] =	ssyncadd.s32 $0xFFFFF800  }
0x48c: {  	_ =	swait.ge [sflag:s10], $0x800  }
0x48d: {  	[sflag:s10] =	ssyncset.done $0x0  }
0x48e: {  	[sflag:s10] =	ssyncadd.s32 $0xFFFFF800  }
0x48f: {  	_ =	swait.ge [sflag:s10], $0x800  }
0x490: {  	[sflag:s10] =	ssyncset.done $0x0  }
0x491: {  	[sflag:s10] =	ssyncadd.s32 $0xFFFFF800  }
0x492: {  	_ =	swait.ge [sflag:s10], $0x800  }
0x493: {  	[sflag:s10] =	ssyncset.done $0x0  }
0x494: {  	[sflag:s10] =	ssyncadd.s32 $0xFFFFF800  }
0x495: {  	_ =	swait.ge [sflag:s10], $0x800  }
0x496: {  	[sflag:s10] =	ssyncset.done $0x0  }
0x497: {  	[sflag:s10] =	ssyncadd.s32 $0xFFFFF800  }
0x498: {  	_ =	swait.ge [sflag:s10], $0x800  }
0x499: {  	[sflag:s10] =	ssyncset.done $0x0  }
0x49a: {  	[sflag:s10] =	ssyncadd.s32 $0xFFFFF800  }
0x49b: {  	_ =	swait.ge [sflag:s10], $0x800  }
0x49c: {  	[sflag:s10] =	ssyncset.done $0x0  }
0x49d: {  	s29 =	rddreg [dreg:$0x9];
	[sflag:s10] =	ssyncadd.s32 $0xFFFFF800  }
0x49e: {  	[hbm4b:s29+s2] =	stream.linear.scatter [tilespmem:s4], [sflag:$0x4], $0x6800, $0x38;
	[tilespmem:$0x16C00] =	vst v63  }
0x49f: {  	_ =	swait.ge [sflag:s8], $0x800  }
0x4a0: {  	[sflag:s8] =	ssyncset.done $0x0  }
0x4a1: {  	[sflag:s8] =	ssyncadd.s32 $0xFFFFF800  }
0x4a2: {  	_ =	swait.ge [sflag:s8], $0x800  }
0x4a3: {  	[sflag:s8] =	ssyncset.done $0x0  }
0x4a4: {  	[sflag:s8] =	ssyncadd.s32 $0xFFFFF800  }
0x4a5: {  	_ =	swait.ge [sflag:s8], $0x800  }
0x4a6: {  	[sflag:s8] =	ssyncset.done $0x0  }
0x4a7: {  	[sflag:s8] =	ssyncadd.s32 $0xFFFFF800  }
0x4a8: {  	_ =	swait.ge [sflag:s8], $0x800  }
0x4a9: {  	[sflag:s8] =	ssyncset.done $0x0  }
0x4aa: {  	[sflag:s8] =	ssyncadd.s32 $0xFFFFF800  }
0x4ab: {  	_ =	swait.ge [sflag:s8], $0x800  }
0x4ac: {  	[sflag:s8] =	ssyncset.done $0x0  }
0x4ad: {  	[sflag:s8] =	ssyncadd.s32 $0xFFFFF800  }
0x4ae: {  	_ =	swait.ge [sflag:s8], $0x800  }
0x4af: {  	[sflag:s8] =	ssyncset.done $0x0  }
0x4b0: {  	[sflag:s8] =	ssyncadd.s32 $0xFFFFF800  }
0x4b1: {  	_ =	swait.ge [sflag:s8], $0x800  }
0x4b2: {  	[sflag:s8] =	ssyncset.done $0x0  }
0x4b3: {  	[sflag:s8] =	ssyncadd.s32 $0xFFFFF800  }
0x4b4: {  	_ =	swait.ge [sflag:s8], $0x800  }
0x4b5: {  	[sflag:s8] =	ssyncset.done $0x0  }
0x4b6: {  	[sflag:s8] =	ssyncadd.s32 $0xFFFFF800  }
0x4b7: {  	_ =	swait.ge [sflag:s8], $0x800  }
0x4b8: {  	[sflag:s8] =	ssyncset.done $0x0  }
0x4b9: {  	[sflag:s8] =	ssyncadd.s32 $0xFFFFF800  }
0x4ba: {  	_ =	swait.ge [sflag:s8], $0x800  }
0x4bb: {  	[sflag:s8] =	ssyncset.done $0x0  }
0x4bc: {  	[sflag:s8] =	ssyncadd.s32 $0xFFFFF800  }
0x4bd: {  	_ =	swait.ge [sflag:s8], $0x800  }
0x4be: {  	[sflag:s8] =	ssyncset.done $0x0  }
0x4bf: {  	[sflag:s8] =	ssyncadd.s32 $0xFFFFF800  }
0x4c0: {  	_ =	swait.ge [sflag:s8], $0x800  }
0x4c1: {  	[sflag:s8] =	ssyncset.done $0x0  }
0x4c2: {  	[sflag:s8] =	ssyncadd.s32 $0xFFFFF800  }
0x4c3: {  	_ =	swait.ge [sflag:s8], $0x800  }
0x4c4: {  	[sflag:s8] =	ssyncset.done $0x0  }
0x4c5: {  	s7 =	simm.s32 $0x6;
	s30 =	rddreg [dreg:$0xa];
	[sflag:s8] =	ssyncadd.s32 $0xFFFFF800  }
0x4c6: {  	[hbm4b:s30+s2] =	stream.linear.scatter [tilespmem:s3], [sflag:$0x5], $0x6800, $0x38;
	[tilespmem:$0x16C00] =	vst v63  }
0x4c7: {  	_ =	swait.ge [sflag:s7], $0x6800  }
0x4c8: {  	[sflag:s7] =	ssyncset.done $0x0  }
0x4c9: {  	p1 =	sne.s32 s20, $0x1;
	[sflag:s7] =	ssyncadd.s32 $0xFFFF9800  }
.Ltmp2:
0x4ca: {  	_ =	swait.ge [sflag:s6], $0x6800;
	(pc) =	sbr.rel @p1 .LBB2_3-.Ltmp2, $4  }
0x4cb: {  	[sflag:s6] =	ssyncset.done $0x0  }
0x4cc: {  	[sflag:s6] =	ssyncadd.s32 $0xFFFF9800  }
0x4cd: {  	_ =	swait.ge [sflag:s5], $0x6800  }
0x4ce: {  	s20 =	sadd.s32 $0xFFFFFFFF, s20;
	s21 =	rddreg [dreg:$0x2];
	[sflag:s5] =	ssyncset.done $0x0  }
0x4cf: {  	s14 =	simm.s32 $0xD400;
	s15 =	simm.s32 $0xCC00  }
0x4d0: {  	s16 =	simm.s32 $0x3C00;
	s17 =	simm.s32 $0x4400;
	s18 =	simm.s32 $0x4C00  }
0x4d1: {  	s22 =	simm.s32 $0x5400;
	s23 =	simm.s32 $0x6400;
	s26 =	simm.s32 $0x6C00  }
0x4d2: {  	s29 =	simm.s32 $0x7400;
	s1 =	simm.s32 $0x7C00;
	s24 =	simm.s32 $0x8400  }
0x4d3: {  	s25 =	simm.s32 $0x8C00;
	s28 =	simm.s32 $0x9400;
	s20 =	simm.s32 $0x7  }
.LBB2_5:
0x4d4: {  	[sflag:s5] =	ssyncadd.s32 @p0 $0xFFFF9800  }
0x4d5: {  	[tilespmem:s2], [sflag:$0x7] =	stream.linear.gather [hbm4b:s21+s2], $0x3400, $0x38;
	[tilespmem:$0x16C00] =	vst v63  }
0x4d6: {  	_ =	swait.ge [sflag:s20], $0x3400  }
0x4d7: {  	[sflag:s20] =	ssyncset.done $0x0  }
0x4d8: {  	[sflag:s20] =	ssyncadd.s32 $0xFFFFCC00  }
0x4d9: {  	[tilespmem:s4], [sflag:$0x1] =	stream.indirect.gather [hbm4b:s9+s11], $0x10, s2, s11, $0xb8;
	[tilespmem:$0x16C00] =	vst v63  }
0x4da: {  	s19 =	rddreg [dreg:$0xb]  }
0x4db: {  	[tilespmem:s16], [sflag:$0x1] =	stream.indirect.gather [hbm4b:s9+s11], $0x10, s11, s11, $0xb8;
	[tilespmem:$0x16C00] =	vst v63  }
0x4dc: {  	s21 =	rddreg [dreg:$0xf]  }
0x4dd: {  	[tilespmem:s17], [sflag:$0x1] =	stream.indirect.gather [hbm4b:s9+s11], $0x10, s19, s11, $0xb8;
	[tilespmem:$0x16C00] =	vst v63  }
0x4de: {  	s16 =	rddreg [dreg:$0xc]  }
0x4df: {  	[tilespmem:s18], [sflag:$0x1] =	stream.indirect.gather [hbm4b:s9+s11], $0x10, s16, s11, $0xb8;
	[tilespmem:$0x16C00] =	vst v63  }
0x4e0: {  	s17 =	rddreg [dreg:$0xd]  }
0x4e1: {  	[tilespmem:s22], [sflag:$0x1] =	stream.indirect.gather [hbm4b:s9+s11], $0x10, s17, s11, $0xb8;
	[tilespmem:$0x16C00] =	vst v63  }
0x4e2: {  	s0 =	simm.s32 $0x5C00;
	s18 =	rddreg [dreg:$0xe]  }
0x4e3: {  	[tilespmem:s0], [sflag:$0x1] =	stream.indirect.gather [hbm4b:s9+s11], $0x10, s18, s11, $0xb8;
	[tilespmem:$0x16C00] =	vst v63  }
0x4e4: {  	s30 =	rddreg [dreg:$0x12]  }
0x4e5: {  	[tilespmem:s23], [sflag:$0x1] =	stream.indirect.gather [hbm4b:s9+s11], $0x10, s21, s11, $0xb8;
	[tilespmem:$0x16C00] =	vst v63  }
0x4e6: {  	s22 =	rddreg [dreg:$0x10]  }
0x4e7: {  	[tilespmem:s26], [sflag:$0x1] =	stream.indirect.gather [hbm4b:s9+s11], $0x10, s22, s11, $0xb8;
	[tilespmem:$0x16C00] =	vst v63  }
0x4e8: {  	s23 =	rddreg [dreg:$0x11]  }
0x4e9: {  	[tilespmem:s29], [sflag:$0x1] =	stream.indirect.gather [hbm4b:s9+s11], $0x10, s23, s11, $0xb8;
	[tilespmem:$0x16C00] =	vst v63  }
0x4ea: {  	s16 =	rddreg [dreg:$0x15]  }
0x4eb: {  	[tilespmem:s1], [sflag:$0x1] =	stream.indirect.gather [hbm4b:s9+s11], $0x10, s30, s11, $0xb8;
	[tilespmem:$0x16C00] =	vst v63  }
0x4ec: {  	s0 =	rddreg [dreg:$0x13]  }
0x4ed: {  	[tilespmem:s24], [sflag:$0x1] =	stream.indirect.gather [hbm4b:s9+s11], $0x10, s0, s11, $0xb8;
	[tilespmem:$0x16C00] =	vst v63  }
0x4ee: {  	s1 =	rddreg [dreg:$0x14]  }
0x4ef: {  	[tilespmem:s25], [sflag:$0x1] =	stream.indirect.gather [hbm4b:s9+s11], $0x10, s1, s11, $0xb8;
	[tilespmem:$0x16C00] =	vst v63  }
0x4f0: {  	s17 =	rddreg [dreg:$0x16]  }
0x4f1: {  	[tilespmem:s28], [sflag:$0x1] =	stream.indirect.gather [hbm4b:s9+s11], $0x10, s16, s11, $0xb8;
	[tilespmem:$0x16C00] =	vst v63  }
0x4f2: {  	s18 =	rddreg [dreg:$0x17]  }
0x4f3: {  	[tilespmem:s3], [sflag:$0x2] =	stream.indirect.gather [hbm4b:s9+s11], $0x10, s17, s11, $0xb8;
	[tilespmem:$0x16C00] =	vst v63  }
0x4f4: {  	s21 =	rddreg [dreg:$0x18];
	s22 =	simm.s32 $0xA400  }
0x4f5: {  	[tilespmem:s22], [sflag:$0x2] =	stream.indirect.gather [hbm4b:s9+s11], $0x10, s18, s11, $0xb8;
	[tilespmem:$0x16C00] =	vst v63  }
0x4f6: {  	s23 =	rddreg [dreg:$0x19];
	s24 =	simm.s32 $0xAC00  }
0x4f7: {  	[tilespmem:s24], [sflag:$0x2] =	stream.indirect.gather [hbm4b:s9+s11], $0x10, s21, s11, $0xb8;
	[tilespmem:$0x16C00] =	vst v63  }
0x4f8: {  	s29 =	simm.s32 $0xB400;
	s30 =	rddreg [dreg:$0x1b]  }
0x4f9: {  	[tilespmem:s29], [sflag:$0x2] =	stream.indirect.gather [hbm4b:s9+s11], $0x10, s23, s11, $0xb8;
	[tilespmem:$0x16C00] =	vst v63  }
0x4fa: {  	s25 =	rddreg [dreg:$0x1a];
	s1 =	simm.s32 $0xBC00  }
0x4fb: {  	[tilespmem:s1], [sflag:$0x2] =	stream.indirect.gather [hbm4b:s9+s11], $0x10, s25, s11, $0xb8;
	[tilespmem:$0x16C00] =	vst v63  }
0x4fc: {  	s16 =	rddreg [dreg:$0x1c];
	s17 =	simm.s32 $0xC400  }
0x4fd: {  	[tilespmem:s17], [sflag:$0x2] =	stream.indirect.gather [hbm4b:s9+s11], $0x10, s30, s11, $0xb8;
	[tilespmem:$0x16C00] =	vst v63  }
0x4fe: {  	s18 =	rddreg [dreg:$0x1d]  }
0x4ff: {  	[tilespmem:s15], [sflag:$0x2] =	stream.indirect.gather [hbm4b:s9+s11], $0x10, s16, s11, $0xb8;
	[tilespmem:$0x16C00] =	vst v63  }
0x500: {  	s29 =	rddreg [dreg:$0x1f]  }
0x501: {  	[tilespmem:s14], [sflag:$0x2] =	stream.indirect.gather [hbm4b:s9+s11], $0x10, s18, s11, $0xb8;
	[tilespmem:$0x16C00] =	vst v63  }
0x502: {  	s25 =	rddreg [dreg:$0x1e];
	s30 =	simm.s32 $0xDC00  }
0x503: {  	[tilespmem:s30], [sflag:$0x2] =	stream.indirect.gather [hbm4b:s9+s11], $0x10, s25, s11, $0xb8;
	[tilespmem:$0x16C00] =	vst v63  }
0x504: {  	s17 =	simm.s32 $0xE400;
	s15 =	sld [smem:$0x7AD]  }
0x505: {  	[tilespmem:s17], [sflag:$0x2] =	stream.indirect.gather [hbm4b:s9+s11], $0x10, s29, s11, $0xb8;
	[tilespmem:$0x16C00] =	vst v63  }
0x506: {  	s25 =	sld [smem:$0x7AE];
	s29 =	simm.s32 $0xEC00  }
0x507: {  	[tilespmem:s29], [sflag:$0x2] =	stream.indirect.gather [hbm4b:s9+s11], $0x10, s15, s11, $0xb8;
	[tilespmem:$0x16C00] =	vst v63  }
0x508: {  	s20 =	sld [smem:$0x7AF];
	s30 =	simm.s32 $0xF400  }
0x509: {  	[tilespmem:s30], [sflag:$0x2] =	stream.indirect.gather [hbm4b:s9+s11], $0x10, s25, s11, $0xb8;
	[tilespmem:$0x16C00] =	vst v63  }
0x50a: {  	s29 =	simm.s32 $0xFC00;
	s25 =	sld [smem:$0x7B0]  }
0x50b: {  	[tilespmem:s29], [sflag:$0x2] =	stream.indirect.gather [hbm4b:s9+s11], $0x10, s20, s11, $0xb8;
	[tilespmem:$0x16C00] =	vst v63  }
0x50c: {  	s30 =	sld [smem:$0x7B1]  }
0x50d: {  	[tilespmem:s12], [sflag:$0x3] =	stream.indirect.gather [hbm4b:s9+s11], $0x10, s25, s11, $0xb8;
	[tilespmem:$0x16C00] =	vst v63  }
0x50e: {  	s0 =	sld [smem:$0x7B2];
	s25 =	simm.s32 $0x10C00  }
0x50f: {  	[tilespmem:s25], [sflag:$0x3] =	stream.indirect.gather [hbm4b:s9+s11], $0x10, s30, s11, $0xb8;
	[tilespmem:$0x16C00] =	vst v63  }
0x510: {  	s20 =	sld [smem:$0x7B3];
	s29 =	simm.s32 $0x11400  }
0x511: {  	[tilespmem:s29], [sflag:$0x3] =	stream.indirect.gather [hbm4b:s9+s11], $0x10, s0, s11, $0xb8;
	[tilespmem:$0x16C00] =	vst v63  }
0x512: {  	s19 =	sld [smem:$0x7B4];
	s30 =	simm.s32 $0x11C00  }
0x513: {  	[tilespmem:s30], [sflag:$0x3] =	stream.indirect.gather [hbm4b:s9+s11], $0x10, s20, s11, $0xb8;
	[tilespmem:$0x16C00] =	vst v63  }
0x514: {  	s29 =	simm.s32 $0x12400;
	s20 =	sld [smem:$0x7B5]  }
0x515: {  	[tilespmem:s29], [sflag:$0x3] =	stream.indirect.gather [hbm4b:s9+s11], $0x10, s19, s11, $0xb8;
	[tilespmem:$0x16C00] =	vst v63  }
0x516: {  	s30 =	simm.s32 $0x12C00;
	s19 =	sld [smem:$0x7B6]  }
0x517: {  	[tilespmem:s30], [sflag:$0x3] =	stream.indirect.gather [hbm4b:s9+s11], $0x10, s20, s11, $0xb8;
	[tilespmem:$0x16C00] =	vst v63  }
0x518: {  	s29 =	simm.s32 $0x13400;
	s20 =	sld [smem:$0x7B7]  }
0x519: {  	[tilespmem:s29], [sflag:$0x3] =	stream.indirect.gather [hbm4b:s9+s11], $0x10, s19, s11, $0xb8;
	[tilespmem:$0x16C00] =	vst v63  }
0x51a: {  	s30 =	simm.s32 $0x13C00;
	s19 =	sld [smem:$0x7B8]  }
0x51b: {  	[tilespmem:s30], [sflag:$0x3] =	stream.indirect.gather [hbm4b:s9+s11], $0x10, s20, s11, $0xb8;
	[tilespmem:$0x16C00] =	vst v63  }
0x51c: {  	s0 =	sld [smem:$0x7B9];
	s29 =	simm.s32 $0x14400  }
0x51d: {  	[tilespmem:s29], [sflag:$0x3] =	stream.indirect.gather [hbm4b:s9+s11], $0x10, s19, s11, $0xb8;
	[tilespmem:$0x16C00] =	vst v63  }
0x51e: {  	s30 =	simm.s32 $0x14C00;
	s19 =	sld [smem:$0x7BA]  }
0x51f: {  	[tilespmem:s30], [sflag:$0x3] =	stream.indirect.gather [hbm4b:s9+s11], $0x10, s0, s11, $0xb8;
	[tilespmem:$0x16C00] =	vst v63  }
0x520: {  	s20 =	sld [smem:$0x7BB];
	s30 =	simm.s32 $0x15400  }
0x521: {  	[tilespmem:s30], [sflag:$0x3] =	stream.indirect.gather [hbm4b:s9+s11], $0x10, s19, s11, $0xb8;
	[tilespmem:$0x16C00] =	vst v63  }
0x522: {  	s0 =	simm.s32 $0x15C00;
	s19 =	sld [smem:$0x7BC]  }
0x523: {  	[tilespmem:s0], [sflag:$0x3] =	stream.indirect.gather [hbm4b:s9+s11], $0x10, s20, s11, $0xb8;
	[tilespmem:$0x16C00] =	vst v63  }
0x524: {  	s30 =	simm.s32 $0x16400  }
0x525: {  	[tilespmem:s30], [sflag:$0x3] =	stream.indirect.gather [hbm4b:s9+s11], $0x10, s19, s11, $0xb8;
	[tilespmem:$0x16C00] =	vst v63  }
0x526: {  	_ =	swait.ge [sflag:s10], $0x800  }
0x527: {  	[sflag:s10] =	ssyncset.done $0x0  }
0x528: {  	[sflag:s10] =	ssyncadd.s32 $0xFFFFF800  }
0x529: {  	_ =	swait.ge [sflag:s10], $0x800  }
0x52a: {  	[sflag:s10] =	ssyncset.done $0x0  }
0x52b: {  	[sflag:s10] =	ssyncadd.s32 $0xFFFFF800  }
0x52c: {  	_ =	swait.ge [sflag:s10], $0x800  }
0x52d: {  	[sflag:s10] =	ssyncset.done $0x0  }
0x52e: {  	[sflag:s10] =	ssyncadd.s32 $0xFFFFF800  }
0x52f: {  	_ =	swait.ge [sflag:s10], $0x800  }
0x530: {  	[sflag:s10] =	ssyncset.done $0x0  }
0x531: {  	[sflag:s10] =	ssyncadd.s32 $0xFFFFF800  }
0x532: {  	_ =	swait.ge [sflag:s10], $0x800  }
0x533: {  	[sflag:s10] =	ssyncset.done $0x0  }
0x534: {  	[sflag:s10] =	ssyncadd.s32 $0xFFFFF800  }
0x535: {  	_ =	swait.ge [sflag:s10], $0x800  }
0x536: {  	[sflag:s10] =	ssyncset.done $0x0  }
0x537: {  	[sflag:s10] =	ssyncadd.s32 $0xFFFFF800  }
0x538: {  	_ =	swait.ge [sflag:s10], $0x800  }
0x539: {  	[sflag:s10] =	ssyncset.done $0x0  }
0x53a: {  	[sflag:s10] =	ssyncadd.s32 $0xFFFFF800  }
0x53b: {  	_ =	swait.ge [sflag:s10], $0x800  }
0x53c: {  	[sflag:s10] =	ssyncset.done $0x0  }
0x53d: {  	[sflag:s10] =	ssyncadd.s32 $0xFFFFF800  }
0x53e: {  	_ =	swait.ge [sflag:s10], $0x800  }
0x53f: {  	[sflag:s10] =	ssyncset.done $0x0  }
0x540: {  	[sflag:s10] =	ssyncadd.s32 $0xFFFFF800  }
0x541: {  	_ =	swait.ge [sflag:s10], $0x800  }
0x542: {  	[sflag:s10] =	ssyncset.done $0x0  }
0x543: {  	[sflag:s10] =	ssyncadd.s32 $0xFFFFF800  }
0x544: {  	_ =	swait.ge [sflag:s10], $0x800  }
0x545: {  	[sflag:s10] =	ssyncset.done $0x0  }
0x546: {  	[sflag:s10] =	ssyncadd.s32 $0xFFFFF800  }
0x547: {  	_ =	swait.ge [sflag:s10], $0x800  }
0x548: {  	[sflag:s10] =	ssyncset.done $0x0  }
0x549: {  	[sflag:s10] =	ssyncadd.s32 $0xFFFFF800  }
0x54a: {  	_ =	swait.ge [sflag:s10], $0x800  }
0x54b: {  	[sflag:s10] =	ssyncset.done $0x0  }
0x54c: {  	s20 =	rddreg [dreg:$0x3];
	[sflag:s10] =	ssyncadd.s32 $0xFFFFF800  }
0x54d: {  	[hbm4b:s20+s2] =	stream.linear.scatter [tilespmem:s4], [sflag:$0x4], $0x6800, $0x38;
	[tilespmem:$0x16C00] =	vst v63  }
0x54e: {  	_ =	swait.ge [sflag:s6], $0x6800  }
0x54f: {  	s30 =	sld [smem:$0x7BD]  }
0x550: {  	[sflag:s6] =	ssyncset.done $0x0  }
0x551: {  	s20 =	sld [smem:$0x7BE];
	[sflag:s6] =	ssyncadd.s32 $0xFFFF9800  }
0x552: {  	[tilespmem:s4], [sflag:$0x1] =	stream.indirect.gather [hbm4b:s9+s11], $0x10, s30, s11, $0xb8;
	[tilespmem:$0x16C00] =	vst v63  }
0x553: {  	s31 =	simm.s32 $0x3C00;
	s30 =	sld [smem:$0x7BF]  }
0x554: {  	[tilespmem:s31], [sflag:$0x1] =	stream.indirect.gather [hbm4b:s9+s11], $0x10, s20, s11, $0xb8;
	[tilespmem:$0x16C00] =	vst v63  }
0x555: {  	s1 =	simm.s32 $0x4400;
	s31 =	sld [smem:$0x7C0]  }
0x556: {  	[tilespmem:s1], [sflag:$0x1] =	stream.indirect.gather [hbm4b:s9+s11], $0x10, s30, s11, $0xb8;
	[tilespmem:$0x16C00] =	vst v63  }
0x557: {  	s14 =	simm.s32 $0x4C00;
	s1 =	sld [smem:$0x7C1]  }
0x558: {  	[tilespmem:s14], [sflag:$0x1] =	stream.indirect.gather [hbm4b:s9+s11], $0x10, s31, s11, $0xb8;
	[tilespmem:$0x16C00] =	vst v63  }
0x559: {  	s16 =	simm.s32 $0x5400;
	s14 =	sld [smem:$0x7C2]  }
0x55a: {  	[tilespmem:s16], [sflag:$0x1] =	stream.indirect.gather [hbm4b:s9+s11], $0x10, s1, s11, $0xb8;
	[tilespmem:$0x16C00] =	vst v63  }
0x55b: {  	s30 =	sld [smem:$0x7C3];
	s31 =	simm.s32 $0x5C00  }
0x55c: {  	[tilespmem:s31], [sflag:$0x1] =	stream.indirect.gather [hbm4b:s9+s11], $0x10, s14, s11, $0xb8;
	[tilespmem:$0x16C00] =	vst v63  }
0x55d: {  	s15 =	simm.s32 $0x6400;
	s1 =	sld [smem:$0x7C4]  }
0x55e: {  	[tilespmem:s15], [sflag:$0x1] =	stream.indirect.gather [hbm4b:s9+s11], $0x10, s30, s11, $0xb8;
	[tilespmem:$0x16C00] =	vst v63  }
0x55f: {  	s17 =	simm.s32 $0x6C00;
	s14 =	sld [smem:$0x7C5]  }
0x560: {  	[tilespmem:s17], [sflag:$0x1] =	stream.indirect.gather [hbm4b:s9+s11], $0x10, s1, s11, $0xb8;
	[tilespmem:$0x16C00] =	vst v63  }
0x561: {  	s18 =	simm.s32 $0x7400;
	s15 =	sld [smem:$0x7C6]  }
0x562: {  	[tilespmem:s18], [sflag:$0x1] =	stream.indirect.gather [hbm4b:s9+s11], $0x10, s14, s11, $0xb8;
	[tilespmem:$0x16C00] =	vst v63  }
0x563: {  	s21 =	simm.s32 $0x7C00;
	s16 =	sld [smem:$0x7C7]  }
0x564: {  	[tilespmem:s21], [sflag:$0x1] =	stream.indirect.gather [hbm4b:s9+s11], $0x10, s15, s11, $0xb8;
	[tilespmem:$0x16C00] =	vst v63  }
0x565: {  	s22 =	simm.s32 $0x8400;
	s17 =	sld [smem:$0x7C8]  }
0x566: {  	[tilespmem:s22], [sflag:$0x1] =	stream.indirect.gather [hbm4b:s9+s11], $0x10, s16, s11, $0xb8;
	[tilespmem:$0x16C00] =	vst v63  }
0x567: {  	s23 =	simm.s32 $0x8C00;
	s18 =	sld [smem:$0x7C9]  }
0x568: {  	[tilespmem:s23], [sflag:$0x1] =	stream.indirect.gather [hbm4b:s9+s11], $0x10, s17, s11, $0xb8;
	[tilespmem:$0x16C00] =	vst v63  }
0x569: {  	s24 =	simm.s32 $0x9400  }
0x56a: {  	[tilespmem:s24], [sflag:$0x1] =	stream.indirect.gather [hbm4b:s9+s11], $0x10, s18, s11, $0xb8;
	[tilespmem:$0x16C00] =	vst v63  }
0x56b: {  	_ =	swait.ge [sflag:s8], $0x800  }
0x56c: {  	[sflag:s8] =	ssyncset.done $0x0  }
0x56d: {  	[sflag:s8] =	ssyncadd.s32 $0xFFFFF800  }
0x56e: {  	_ =	swait.ge [sflag:s8], $0x800  }
0x56f: {  	[sflag:s8] =	ssyncset.done $0x0  }
0x570: {  	[sflag:s8] =	ssyncadd.s32 $0xFFFFF800  }
0x571: {  	_ =	swait.ge [sflag:s8], $0x800  }
0x572: {  	[sflag:s8] =	ssyncset.done $0x0  }
0x573: {  	[sflag:s8] =	ssyncadd.s32 $0xFFFFF800  }
0x574: {  	_ =	swait.ge [sflag:s8], $0x800  }
0x575: {  	[sflag:s8] =	ssyncset.done $0x0  }
0x576: {  	[sflag:s8] =	ssyncadd.s32 $0xFFFFF800  }
0x577: {  	_ =	swait.ge [sflag:s8], $0x800  }
0x578: {  	[sflag:s8] =	ssyncset.done $0x0  }
0x579: {  	[sflag:s8] =	ssyncadd.s32 $0xFFFFF800  }
0x57a: {  	_ =	swait.ge [sflag:s8], $0x800  }
0x57b: {  	[sflag:s8] =	ssyncset.done $0x0  }
0x57c: {  	[sflag:s8] =	ssyncadd.s32 $0xFFFFF800  }
0x57d: {  	_ =	swait.ge [sflag:s8], $0x800  }
0x57e: {  	[sflag:s8] =	ssyncset.done $0x0  }
0x57f: {  	[sflag:s8] =	ssyncadd.s32 $0xFFFFF800  }
0x580: {  	_ =	swait.ge [sflag:s8], $0x800  }
0x581: {  	[sflag:s8] =	ssyncset.done $0x0  }
0x582: {  	[sflag:s8] =	ssyncadd.s32 $0xFFFFF800  }
0x583: {  	_ =	swait.ge [sflag:s8], $0x800  }
0x584: {  	[sflag:s8] =	ssyncset.done $0x0  }
0x585: {  	[sflag:s8] =	ssyncadd.s32 $0xFFFFF800  }
0x586: {  	_ =	swait.ge [sflag:s8], $0x800  }
0x587: {  	[sflag:s8] =	ssyncset.done $0x0  }
0x588: {  	[sflag:s8] =	ssyncadd.s32 $0xFFFFF800  }
0x589: {  	_ =	swait.ge [sflag:s8], $0x800  }
0x58a: {  	[sflag:s8] =	ssyncset.done $0x0  }
0x58b: {  	[sflag:s8] =	ssyncadd.s32 $0xFFFFF800  }
0x58c: {  	_ =	swait.ge [sflag:s8], $0x800  }
0x58d: {  	[sflag:s8] =	ssyncset.done $0x0  }
0x58e: {  	[sflag:s8] =	ssyncadd.s32 $0xFFFFF800  }
0x58f: {  	_ =	swait.ge [sflag:s8], $0x800  }
0x590: {  	[sflag:s8] =	ssyncset.done $0x0  }
0x591: {  	s21 =	rddreg [dreg:$0x4];
	[sflag:s8] =	ssyncadd.s32 $0xFFFFF800  }
0x592: {  	[hbm4b:s21+s2] =	stream.linear.scatter [tilespmem:s3], [sflag:$0x5], $0x6800, $0x38;
	[tilespmem:$0x16C00] =	vst v63  }
0x593: {  	_ =	swait.ge [sflag:s5], $0x6800  }
0x594: {  	s22 =	sld [smem:$0x7CA]  }
0x595: {  	[sflag:s5] =	ssyncset.done $0x0  }
0x596: {  	s23 =	sld [smem:$0x7CB];
	[sflag:s5] =	ssyncadd.s32 $0xFFFF9800  }
0x597: {  	[tilespmem:s3], [sflag:$0x2] =	stream.indirect.gather [hbm4b:s9+s11], $0x10, s22, s11, $0xb8;
	[tilespmem:$0x16C00] =	vst v63  }
0x598: {  	s26 =	simm.s32 $0xA400;
	s24 =	sld [smem:$0x7CC]  }
0x599: {  	[tilespmem:s26], [sflag:$0x2] =	stream.indirect.gather [hbm4b:s9+s11], $0x10, s23, s11, $0xb8;
	[tilespmem:$0x16C00] =	vst v63  }
0x59a: {  	s28 =	simm.s32 $0xAC00;
	s26 =	sld [smem:$0x7CD]  }
0x59b: {  	[tilespmem:s28], [sflag:$0x2] =	stream.indirect.gather [hbm4b:s9+s11], $0x10, s24, s11, $0xb8;
	[tilespmem:$0x16C00] =	vst v63  }
0x59c: {  	s15 =	simm.s32 $0xB400;
	s1 =	sld [smem:$0x7CE]  }
0x59d: {  	[tilespmem:s15], [sflag:$0x2] =	stream.indirect.gather [hbm4b:s9+s11], $0x10, s26, s11, $0xb8;
	[tilespmem:$0x16C00] =	vst v63  }
0x59e: {  	s17 =	simm.s32 $0xBC00;
	s16 =	sld [smem:$0x7CF]  }
0x59f: {  	[tilespmem:s17], [sflag:$0x2] =	stream.indirect.gather [hbm4b:s9+s11], $0x10, s1, s11, $0xb8;
	[tilespmem:$0x16C00] =	vst v63  }
0x5a0: {  	s18 =	sld [smem:$0x7D0];
	s24 =	simm.s32 $0xC400  }
0x5a1: {  	[tilespmem:s24], [sflag:$0x2] =	stream.indirect.gather [hbm4b:s9+s11], $0x10, s16, s11, $0xb8;
	[tilespmem:$0x16C00] =	vst v63  }
0x5a2: {  	s28 =	sld [smem:$0x7D1];
	s15 =	simm.s32 $0xCC00  }
0x5a3: {  	[tilespmem:s15], [sflag:$0x2] =	stream.indirect.gather [hbm4b:s9+s11], $0x10, s18, s11, $0xb8;
	[tilespmem:$0x16C00] =	vst v63  }
0x5a4: {  	s16 =	sld [smem:$0x7D2];
	s24 =	simm.s32 $0xD400  }
0x5a5: {  	[tilespmem:s24], [sflag:$0x2] =	stream.indirect.gather [hbm4b:s9+s11], $0x10, s28, s11, $0xb8;
	[tilespmem:$0x16C00] =	vst v63  }
0x5a6: {  	s1 =	simm.s32 $0xDC00;
	s28 =	sld [smem:$0x7D3]  }
0x5a7: {  	[tilespmem:s1], [sflag:$0x2] =	stream.indirect.gather [hbm4b:s9+s11], $0x10, s16, s11, $0xb8;
	[tilespmem:$0x16C00] =	vst v63  }
0x5a8: {  	s15 =	sld [smem:$0x7D4];
	s16 =	simm.s32 $0xE400  }
0x5a9: {  	[tilespmem:s16], [sflag:$0x2] =	stream.indirect.gather [hbm4b:s9+s11], $0x10, s28, s11, $0xb8;
	[tilespmem:$0x16C00] =	vst v63  }
0x5aa: {  	s20 =	sld [smem:$0x7D5];
	s28 =	simm.s32 $0xEC00  }
0x5ab: {  	[tilespmem:s28], [sflag:$0x2] =	stream.indirect.gather [hbm4b:s9+s11], $0x10, s15, s11, $0xb8;
	[tilespmem:$0x16C00] =	vst v63  }
0x5ac: {  	s1 =	sld [smem:$0x7D6];
	s15 =	simm.s32 $0xF400  }
0x5ad: {  	[tilespmem:s15], [sflag:$0x2] =	stream.indirect.gather [hbm4b:s9+s11], $0x10, s20, s11, $0xb8;
	[tilespmem:$0x16C00] =	vst v63  }
0x5ae: {  	s28 =	simm.s32 $0xFC00  }
0x5af: {  	[tilespmem:s28], [sflag:$0x2] =	stream.indirect.gather [hbm4b:s9+s11], $0x10, s1, s11, $0xb8;
	[tilespmem:$0x16C00] =	vst v63  }
0x5b0: {  	_ =	swait.ge [sflag:s13], $0x800  }
0x5b1: {  	[sflag:s13] =	ssyncset.done $0x0  }
0x5b2: {  	[sflag:s13] =	ssyncadd.s32 $0xFFFFF800  }
0x5b3: {  	_ =	swait.ge [sflag:s13], $0x800  }
0x5b4: {  	[sflag:s13] =	ssyncset.done $0x0  }
0x5b5: {  	[sflag:s13] =	ssyncadd.s32 $0xFFFFF800  }
0x5b6: {  	_ =	swait.ge [sflag:s13], $0x800  }
0x5b7: {  	[sflag:s13] =	ssyncset.done $0x0  }
0x5b8: {  	[sflag:s13] =	ssyncadd.s32 $0xFFFFF800  }
0x5b9: {  	_ =	swait.ge [sflag:s13], $0x800  }
0x5ba: {  	[sflag:s13] =	ssyncset.done $0x0  }
0x5bb: {  	[sflag:s13] =	ssyncadd.s32 $0xFFFFF800  }
0x5bc: {  	_ =	swait.ge [sflag:s13], $0x800  }
0x5bd: {  	[sflag:s13] =	ssyncset.done $0x0  }
0x5be: {  	[sflag:s13] =	ssyncadd.s32 $0xFFFFF800  }
0x5bf: {  	_ =	swait.ge [sflag:s13], $0x800  }
0x5c0: {  	[sflag:s13] =	ssyncset.done $0x0  }
0x5c1: {  	[sflag:s13] =	ssyncadd.s32 $0xFFFFF800  }
0x5c2: {  	_ =	swait.ge [sflag:s13], $0x800  }
0x5c3: {  	[sflag:s13] =	ssyncset.done $0x0  }
0x5c4: {  	[sflag:s13] =	ssyncadd.s32 $0xFFFFF800  }
0x5c5: {  	_ =	swait.ge [sflag:s13], $0x800  }
0x5c6: {  	[sflag:s13] =	ssyncset.done $0x0  }
0x5c7: {  	[sflag:s13] =	ssyncadd.s32 $0xFFFFF800  }
0x5c8: {  	_ =	swait.ge [sflag:s13], $0x800  }
0x5c9: {  	[sflag:s13] =	ssyncset.done $0x0  }
0x5ca: {  	[sflag:s13] =	ssyncadd.s32 $0xFFFFF800  }
0x5cb: {  	_ =	swait.ge [sflag:s13], $0x800  }
0x5cc: {  	[sflag:s13] =	ssyncset.done $0x0  }
0x5cd: {  	[sflag:s13] =	ssyncadd.s32 $0xFFFFF800  }
0x5ce: {  	_ =	swait.ge [sflag:s13], $0x800  }
0x5cf: {  	[sflag:s13] =	ssyncset.done $0x0  }
0x5d0: {  	[sflag:s13] =	ssyncadd.s32 $0xFFFFF800  }
0x5d1: {  	_ =	swait.ge [sflag:s13], $0x800  }
0x5d2: {  	[sflag:s13] =	ssyncset.done $0x0  }
0x5d3: {  	[sflag:s13] =	ssyncadd.s32 $0xFFFFF800  }
0x5d4: {  	_ =	swait.ge [sflag:s13], $0x800  }
0x5d5: {  	[sflag:s13] =	ssyncset.done $0x0  }
0x5d6: {  	s20 =	rddreg [dreg:$0x5];
	[sflag:s13] =	ssyncadd.s32 $0xFFFFF800  }
0x5d7: {  	[hbm4b:s20+s2] =	stream.linear.scatter [tilespmem:s12], [sflag:$0x6], $0x6800, $0x38;
	[tilespmem:$0x16C00] =	vst v63  }
0x5d8: {  	_ =	swait.ge [sflag:s7], $0x6800  }
0x5d9: {  	s1 =	sld [smem:$0x7D7]  }
0x5da: {  	[sflag:s7] =	ssyncset.done $0x0  }
0x5db: {  	s20 =	sld [smem:$0x7D8];
	[sflag:s7] =	ssyncadd.s32 $0xFFFF9800  }
0x5dc: {  	[tilespmem:s12], [sflag:$0x3] =	stream.indirect.gather [hbm4b:s9+s11], $0x10, s1, s11, $0xb8;
	[tilespmem:$0x16C00] =	vst v63  }
0x5dd: {  	s1 =	sld [smem:$0x7D9]  }
0x5de: {  	[tilespmem:s25], [sflag:$0x3] =	stream.indirect.gather [hbm4b:s9+s11], $0x10, s20, s11, $0xb8;
	[tilespmem:$0x16C00] =	vst v63  }
0x5df: {  	s20 =	sld [smem:$0x7DA];
	s25 =	simm.s32 $0x11400  }
0x5e0: {  	[tilespmem:s25], [sflag:$0x3] =	stream.indirect.gather [hbm4b:s9+s11], $0x10, s1, s11, $0xb8;
	[tilespmem:$0x16C00] =	vst v63  }
0x5e1: {  	s19 =	sld [smem:$0x7DB];
	s25 =	simm.s32 $0x11C00  }
0x5e2: {  	[tilespmem:s25], [sflag:$0x3] =	stream.indirect.gather [hbm4b:s9+s11], $0x10, s20, s11, $0xb8;
	[tilespmem:$0x16C00] =	vst v63  }
0x5e3: {  	s20 =	sld [smem:$0x7DC];
	s25 =	simm.s32 $0x12400  }
0x5e4: {  	[tilespmem:s25], [sflag:$0x3] =	stream.indirect.gather [hbm4b:s9+s11], $0x10, s19, s11, $0xb8;
	[tilespmem:$0x16C00] =	vst v63  }
0x5e5: {  	s19 =	sld [smem:$0x7DD];
	s25 =	simm.s32 $0x12C00  }
0x5e6: {  	[tilespmem:s25], [sflag:$0x3] =	stream.indirect.gather [hbm4b:s9+s11], $0x10, s20, s11, $0xb8;
	[tilespmem:$0x16C00] =	vst v63  }
0x5e7: {  	s20 =	sld [smem:$0x7DE];
	s25 =	simm.s32 $0x13400  }
0x5e8: {  	[tilespmem:s25], [sflag:$0x3] =	stream.indirect.gather [hbm4b:s9+s11], $0x10, s19, s11, $0xb8;
	[tilespmem:$0x16C00] =	vst v63  }
0x5e9: {  	s19 =	sld [smem:$0x7DF];
	s25 =	simm.s32 $0x13C00  }
0x5ea: {  	[tilespmem:s25], [sflag:$0x3] =	stream.indirect.gather [hbm4b:s9+s11], $0x10, s20, s11, $0xb8;
	[tilespmem:$0x16C00] =	vst v63  }
0x5eb: {  	s25 =	sld [smem:$0x7E0]  }
0x5ec: {  	[tilespmem:s29], [sflag:$0x3] =	stream.indirect.gather [hbm4b:s9+s11], $0x10, s19, s11, $0xb8;
	[tilespmem:$0x16C00] =	vst v63  }
0x5ed: {  	s19 =	sld [smem:$0x7E1];
	s29 =	simm.s32 $0x14C00  }
0x5ee: {  	[tilespmem:s29], [sflag:$0x3] =	stream.indirect.gather [hbm4b:s9+s11], $0x10, s25, s11, $0xb8;
	[tilespmem:$0x16C00] =	vst v63  }
0x5ef: {  	s25 =	sld [smem:$0x7E2];
	s29 =	simm.s32 $0x15400  }
0x5f0: {  	[tilespmem:s29], [sflag:$0x3] =	stream.indirect.gather [hbm4b:s9+s11], $0x10, s19, s11, $0xb8;
	[tilespmem:$0x16C00] =	vst v63  }
0x5f1: {  	s1 =	sld [smem:$0x7E3]  }
0x5f2: {  	[tilespmem:s0], [sflag:$0x3] =	stream.indirect.gather [hbm4b:s9+s11], $0x10, s25, s11, $0xb8;
	[tilespmem:$0x16C00] =	vst v63  }
0x5f3: {  	s25 =	simm.s32 $0x16400  }
0x5f4: {  	[tilespmem:s25], [sflag:$0x3] =	stream.indirect.gather [hbm4b:s9+s11], $0x10, s1, s11, $0xb8;
	[tilespmem:$0x16C00] =	vst v63  }
0x5f5: {  	_ =	swait.ge [sflag:s10], $0x800  }
0x5f6: {  	[sflag:s10] =	ssyncset.done $0x0  }
0x5f7: {  	[sflag:s10] =	ssyncadd.s32 $0xFFFFF800  }
0x5f8: {  	_ =	swait.ge [sflag:s10], $0x800  }
0x5f9: {  	[sflag:s10] =	ssyncset.done $0x0  }
0x5fa: {  	[sflag:s10] =	ssyncadd.s32 $0xFFFFF800  }
0x5fb: {  	_ =	swait.ge [sflag:s10], $0x800  }
0x5fc: {  	[sflag:s10] =	ssyncset.done $0x0  }
0x5fd: {  	[sflag:s10] =	ssyncadd.s32 $0xFFFFF800  }
0x5fe: {  	_ =	swait.ge [sflag:s10], $0x800  }
0x5ff: {  	[sflag:s10] =	ssyncset.done $0x0  }
0x600: {  	[sflag:s10] =	ssyncadd.s32 $0xFFFFF800  }
0x601: {  	_ =	swait.ge [sflag:s10], $0x800  }
0x602: {  	[sflag:s10] =	ssyncset.done $0x0  }
0x603: {  	[sflag:s10] =	ssyncadd.s32 $0xFFFFF800  }
0x604: {  	_ =	swait.ge [sflag:s10], $0x800  }
0x605: {  	[sflag:s10] =	ssyncset.done $0x0  }
0x606: {  	[sflag:s10] =	ssyncadd.s32 $0xFFFFF800  }
0x607: {  	_ =	swait.ge [sflag:s10], $0x800  }
0x608: {  	[sflag:s10] =	ssyncset.done $0x0  }
0x609: {  	[sflag:s10] =	ssyncadd.s32 $0xFFFFF800  }
0x60a: {  	_ =	swait.ge [sflag:s10], $0x800  }
0x60b: {  	[sflag:s10] =	ssyncset.done $0x0  }
0x60c: {  	[sflag:s10] =	ssyncadd.s32 $0xFFFFF800  }
0x60d: {  	_ =	swait.ge [sflag:s10], $0x800  }
0x60e: {  	[sflag:s10] =	ssyncset.done $0x0  }
0x60f: {  	[sflag:s10] =	ssyncadd.s32 $0xFFFFF800  }
0x610: {  	_ =	swait.ge [sflag:s10], $0x800  }
0x611: {  	[sflag:s10] =	ssyncset.done $0x0  }
0x612: {  	[sflag:s10] =	ssyncadd.s32 $0xFFFFF800  }
0x613: {  	_ =	swait.ge [sflag:s10], $0x800  }
0x614: {  	[sflag:s10] =	ssyncset.done $0x0  }
0x615: {  	[sflag:s10] =	ssyncadd.s32 $0xFFFFF800  }
0x616: {  	_ =	swait.ge [sflag:s10], $0x800  }
0x617: {  	[sflag:s10] =	ssyncset.done $0x0  }
0x618: {  	[sflag:s10] =	ssyncadd.s32 $0xFFFFF800  }
0x619: {  	_ =	swait.ge [sflag:s10], $0x800  }
0x61a: {  	[sflag:s10] =	ssyncset.done $0x0  }
0x61b: {  	s29 =	rddreg [dreg:$0x6];
	[sflag:s10] =	ssyncadd.s32 $0xFFFFF800  }
0x61c: {  	[hbm4b:s29+s2] =	stream.linear.scatter [tilespmem:s4], [sflag:$0x4], $0x6800, $0x38;
	[tilespmem:$0x16C00] =	vst v63  }
0x61d: {  	_ =	swait.ge [sflag:s6], $0x6800  }
0x61e: {  	s0 =	sld [smem:$0x7E4]  }
0x61f: {  	[sflag:s6] =	ssyncset.done $0x0  }
0x620: {  	s1 =	sld [smem:$0x7E5];
	[sflag:s6] =	ssyncadd.s32 $0xFFFF9800  }
0x621: {  	[tilespmem:s4], [sflag:$0x1] =	stream.indirect.gather [hbm4b:s9+s11], $0x10, s0, s11, $0xb8;
	[tilespmem:$0x16C00] =	vst v63  }
0x622: {  	s25 =	simm.s32 $0x3C00;
	s19 =	sld [smem:$0x7E6]  }
0x623: {  	[tilespmem:s25], [sflag:$0x1] =	stream.indirect.gather [hbm4b:s9+s11], $0x10, s1, s11, $0xb8;
	[tilespmem:$0x16C00] =	vst v63  }
0x624: {  	s29 =	sld [smem:$0x7E7];
	s1 =	simm.s32 $0x4400  }
0x625: {  	[tilespmem:s1], [sflag:$0x1] =	stream.indirect.gather [hbm4b:s9+s11], $0x10, s19, s11, $0xb8;
	[tilespmem:$0x16C00] =	vst v63  }
0x626: {  	s25 =	simm.s32 $0x4C00;
	s19 =	sld [smem:$0x7E8]  }
0x627: {  	[tilespmem:s25], [sflag:$0x1] =	stream.indirect.gather [hbm4b:s9+s11], $0x10, s29, s11, $0xb8;
	[tilespmem:$0x16C00] =	vst v63  }
0x628: {  	s1 =	simm.s32 $0x5400;
	s29 =	sld [smem:$0x7E9]  }
0x629: {  	[tilespmem:s1], [sflag:$0x1] =	stream.indirect.gather [hbm4b:s9+s11], $0x10, s19, s11, $0xb8;
	[tilespmem:$0x16C00] =	vst v63  }
0x62a: {  	s25 =	simm.s32 $0x5C00;
	s19 =	sld [smem:$0x7EA]  }
0x62b: {  	[tilespmem:s25], [sflag:$0x1] =	stream.indirect.gather [hbm4b:s9+s11], $0x10, s29, s11, $0xb8;
	[tilespmem:$0x16C00] =	vst v63  }
0x62c: {  	s1 =	simm.s32 $0x6400;
	s29 =	sld [smem:$0x7EB]  }
0x62d: {  	[tilespmem:s1], [sflag:$0x1] =	stream.indirect.gather [hbm4b:s9+s11], $0x10, s19, s11, $0xb8;
	[tilespmem:$0x16C00] =	vst v63  }
0x62e: {  	s30 =	simm.s32 $0x6C00;
	s25 =	sld [smem:$0x7EC]  }
0x62f: {  	[tilespmem:s30], [sflag:$0x1] =	stream.indirect.gather [hbm4b:s9+s11], $0x10, s29, s11, $0xb8;
	[tilespmem:$0x16C00] =	vst v63  }
0x630: {  	s29 =	sld [smem:$0x7ED];
	s30 =	simm.s32 $0x7400  }
0x631: {  	[tilespmem:s30], [sflag:$0x1] =	stream.indirect.gather [hbm4b:s9+s11], $0x10, s25, s11, $0xb8;
	[tilespmem:$0x16C00] =	vst v63  }
0x632: {  	s14 =	simm.s32 $0x7C00;
	s19 =	sld [smem:$0x7EE]  }
0x633: {  	[tilespmem:s14], [sflag:$0x1] =	stream.indirect.gather [hbm4b:s9+s11], $0x10, s29, s11, $0xb8;
	[tilespmem:$0x16C00] =	vst v63  }
0x634: {  	s20 =	sld [smem:$0x7EF];
	s25 =	simm.s32 $0x8400  }
0x635: {  	[tilespmem:s25], [sflag:$0x1] =	stream.indirect.gather [hbm4b:s9+s11], $0x10, s19, s11, $0xb8;
	[tilespmem:$0x16C00] =	vst v63  }
0x636: {  	s30 =	simm.s32 $0x8C00;
	s29 =	sld [smem:$0x7F0]  }
0x637: {  	[tilespmem:s30], [sflag:$0x1] =	stream.indirect.gather [hbm4b:s9+s11], $0x10, s20, s11, $0xb8;
	[tilespmem:$0x16C00] =	vst v63  }
0x638: {  	s14 =	simm.s32 $0x9400  }
0x639: {  	[tilespmem:s14], [sflag:$0x1] =	stream.indirect.gather [hbm4b:s9+s11], $0x10, s29, s11, $0xb8;
	[tilespmem:$0x16C00] =	vst v63  }
0x63a: {  	_ =	swait.ge [sflag:s8], $0x800  }
0x63b: {  	[sflag:s8] =	ssyncset.done $0x0  }
0x63c: {  	[sflag:s8] =	ssyncadd.s32 $0xFFFFF800  }
0x63d: {  	_ =	swait.ge [sflag:s8], $0x800  }
0x63e: {  	[sflag:s8] =	ssyncset.done $0x0  }
0x63f: {  	[sflag:s8] =	ssyncadd.s32 $0xFFFFF800  }
0x640: {  	_ =	swait.ge [sflag:s8], $0x800  }
0x641: {  	[sflag:s8] =	ssyncset.done $0x0  }
0x642: {  	[sflag:s8] =	ssyncadd.s32 $0xFFFFF800  }
0x643: {  	_ =	swait.ge [sflag:s8], $0x800  }
0x644: {  	[sflag:s8] =	ssyncset.done $0x0  }
0x645: {  	[sflag:s8] =	ssyncadd.s32 $0xFFFFF800  }
0x646: {  	_ =	swait.ge [sflag:s8], $0x800  }
0x647: {  	[sflag:s8] =	ssyncset.done $0x0  }
0x648: {  	[sflag:s8] =	ssyncadd.s32 $0xFFFFF800  }
0x649: {  	_ =	swait.ge [sflag:s8], $0x800  }
0x64a: {  	[sflag:s8] =	ssyncset.done $0x0  }
0x64b: {  	[sflag:s8] =	ssyncadd.s32 $0xFFFFF800  }
0x64c: {  	_ =	swait.ge [sflag:s8], $0x800  }
0x64d: {  	[sflag:s8] =	ssyncset.done $0x0  }
0x64e: {  	[sflag:s8] =	ssyncadd.s32 $0xFFFFF800  }
0x64f: {  	_ =	swait.ge [sflag:s8], $0x800  }
0x650: {  	[sflag:s8] =	ssyncset.done $0x0  }
0x651: {  	[sflag:s8] =	ssyncadd.s32 $0xFFFFF800  }
0x652: {  	_ =	swait.ge [sflag:s8], $0x800  }
0x653: {  	[sflag:s8] =	ssyncset.done $0x0  }
0x654: {  	[sflag:s8] =	ssyncadd.s32 $0xFFFFF800  }
0x655: {  	_ =	swait.ge [sflag:s8], $0x800  }
0x656: {  	[sflag:s8] =	ssyncset.done $0x0  }
0x657: {  	[sflag:s8] =	ssyncadd.s32 $0xFFFFF800  }
0x658: {  	_ =	swait.ge [sflag:s8], $0x800  }
0x659: {  	[sflag:s8] =	ssyncset.done $0x0  }
0x65a: {  	[sflag:s8] =	ssyncadd.s32 $0xFFFFF800  }
0x65b: {  	_ =	swait.ge [sflag:s8], $0x800  }
0x65c: {  	[sflag:s8] =	ssyncset.done $0x0  }
0x65d: {  	[sflag:s8] =	ssyncadd.s32 $0xFFFFF800  }
0x65e: {  	_ =	swait.ge [sflag:s8], $0x800  }
0x65f: {  	[sflag:s8] =	ssyncset.done $0x0  }
0x660: {  	s19 =	rddreg [dreg:$0x7];
	[sflag:s8] =	ssyncadd.s32 $0xFFFFF800  }
0x661: {  	[hbm4b:s19+s2] =	stream.linear.scatter [tilespmem:s3], [sflag:$0x5], $0x6800, $0x38;
	[tilespmem:$0x16C00] =	vst v63  }
0x662: {  	_ =	swait.ge [sflag:s5], $0x6800  }
0x663: {  	s20 =	sld [smem:$0x7F1]  }
0x664: {  	[sflag:s5] =	ssyncset.done $0x0  }
0x665: {  	s25 =	sld [smem:$0x7F2];
	[sflag:s5] =	ssyncadd.s32 $0xFFFF9800  }
0x666: {  	[tilespmem:s3], [sflag:$0x2] =	stream.indirect.gather [hbm4b:s9+s11], $0x10, s20, s11, $0xb8;
	[tilespmem:$0x16C00] =	vst v63  }
0x667: {  	s31 =	simm.s32 $0xA400;
	s29 =	sld [smem:$0x7F3]  }
0x668: {  	[tilespmem:s31], [sflag:$0x2] =	stream.indirect.gather [hbm4b:s9+s11], $0x10, s25, s11, $0xb8;
	[tilespmem:$0x16C00] =	vst v63  }
0x669: {  	s22 =	simm.s32 $0xAC00;
	s30 =	sld [smem:$0x7F4]  }
0x66a: {  	[tilespmem:s22], [sflag:$0x2] =	stream.indirect.gather [hbm4b:s9+s11], $0x10, s29, s11, $0xb8;
	[tilespmem:$0x16C00] =	vst v63  }
0x66b: {  	s21 =	simm.s32 $0xB400;
	s31 =	sld [smem:$0x7F5]  }
0x66c: {  	[tilespmem:s21], [sflag:$0x2] =	stream.indirect.gather [hbm4b:s9+s11], $0x10, s30, s11, $0xb8;
	[tilespmem:$0x16C00] =	vst v63  }
0x66d: {  	s17 =	simm.s32 $0xBC00;
	s14 =	sld [smem:$0x7F6]  }
0x66e: {  	[tilespmem:s17], [sflag:$0x2] =	stream.indirect.gather [hbm4b:s9+s11], $0x10, s31, s11, $0xb8;
	[tilespmem:$0x16C00] =	vst v63  }
0x66f: {  	s23 =	simm.s32 $0xC400;
	s19 =	sld [smem:$0x7F7]  }
0x670: {  	[tilespmem:s23], [sflag:$0x2] =	stream.indirect.gather [hbm4b:s9+s11], $0x10, s14, s11, $0xb8;
	[tilespmem:$0x16C00] =	vst v63  }
0x671: {  	s20 =	sld [smem:$0x7F8];
	s21 =	simm.s32 $0xCC00  }
0x672: {  	[tilespmem:s21], [sflag:$0x2] =	stream.indirect.gather [hbm4b:s9+s11], $0x10, s19, s11, $0xb8;
	[tilespmem:$0x16C00] =	vst v63  }
0x673: {  	s18 =	simm.s32 $0xD400;
	s22 =	sld [smem:$0x7F9]  }
0x674: {  	[tilespmem:s18], [sflag:$0x2] =	stream.indirect.gather [hbm4b:s9+s11], $0x10, s20, s11, $0xb8;
	[tilespmem:$0x16C00] =	vst v63  }
0x675: {  	s24 =	simm.s32 $0xDC00;
	s23 =	sld [smem:$0x7FA]  }
0x676: {  	[tilespmem:s24], [sflag:$0x2] =	stream.indirect.gather [hbm4b:s9+s11], $0x10, s22, s11, $0xb8;
	[tilespmem:$0x16C00] =	vst v63  }
0x677: {  	s16 =	simm.s32 $0xE400;
	s24 =	sld [smem:$0x7FB]  }
0x678: {  	[tilespmem:s16], [sflag:$0x2] =	stream.indirect.gather [hbm4b:s9+s11], $0x10, s23, s11, $0xb8;
	[tilespmem:$0x16C00] =	vst v63  }
0x679: {  	s26 =	simm.s32 $0xEC00;
	s25 =	sld [smem:$0x7FC]  }
0x67a: {  	[tilespmem:s26], [sflag:$0x2] =	stream.indirect.gather [hbm4b:s9+s11], $0x10, s24, s11, $0xb8;
	[tilespmem:$0x16C00] =	vst v63  }
0x67b: {  	s15 =	simm.s32 $0xF400;
	s26 =	sld [smem:$0x7FD]  }
0x67c: {  	[tilespmem:s15], [sflag:$0x2] =	stream.indirect.gather [hbm4b:s9+s11], $0x10, s25, s11, $0xb8;
	[tilespmem:$0x16C00] =	vst v63  }
0x67d: {  	_ = 	snop  }
0x67e: {  	[tilespmem:s28], [sflag:$0x2] =	stream.indirect.gather [hbm4b:s9+s11], $0x10, s26, s11, $0xb8;
	[tilespmem:$0x16C00] =	vst v63  }
0x67f: {  	_ =	swait.ge [sflag:s13], $0x800  }
0x680: {  	[sflag:s13] =	ssyncset.done $0x0  }
0x681: {  	[sflag:s13] =	ssyncadd.s32 $0xFFFFF800  }
0x682: {  	_ =	swait.ge [sflag:s13], $0x800  }
0x683: {  	[sflag:s13] =	ssyncset.done $0x0  }
0x684: {  	[sflag:s13] =	ssyncadd.s32 $0xFFFFF800  }
0x685: {  	_ =	swait.ge [sflag:s13], $0x800  }
0x686: {  	[sflag:s13] =	ssyncset.done $0x0  }
0x687: {  	[sflag:s13] =	ssyncadd.s32 $0xFFFFF800  }
0x688: {  	_ =	swait.ge [sflag:s13], $0x800  }
0x689: {  	[sflag:s13] =	ssyncset.done $0x0  }
0x68a: {  	[sflag:s13] =	ssyncadd.s32 $0xFFFFF800  }
0x68b: {  	_ =	swait.ge [sflag:s13], $0x800  }
0x68c: {  	[sflag:s13] =	ssyncset.done $0x0  }
0x68d: {  	[sflag:s13] =	ssyncadd.s32 $0xFFFFF800  }
0x68e: {  	_ =	swait.ge [sflag:s13], $0x800  }
0x68f: {  	[sflag:s13] =	ssyncset.done $0x0  }
0x690: {  	[sflag:s13] =	ssyncadd.s32 $0xFFFFF800  }
0x691: {  	_ =	swait.ge [sflag:s13], $0x800  }
0x692: {  	[sflag:s13] =	ssyncset.done $0x0  }
0x693: {  	[sflag:s13] =	ssyncadd.s32 $0xFFFFF800  }
0x694: {  	_ =	swait.ge [sflag:s13], $0x800  }
0x695: {  	[sflag:s13] =	ssyncset.done $0x0  }
0x696: {  	[sflag:s13] =	ssyncadd.s32 $0xFFFFF800  }
0x697: {  	_ =	swait.ge [sflag:s13], $0x800  }
0x698: {  	[sflag:s13] =	ssyncset.done $0x0  }
0x699: {  	[sflag:s13] =	ssyncadd.s32 $0xFFFFF800  }
0x69a: {  	_ =	swait.ge [sflag:s13], $0x800  }
0x69b: {  	[sflag:s13] =	ssyncset.done $0x0  }
0x69c: {  	[sflag:s13] =	ssyncadd.s32 $0xFFFFF800  }
0x69d: {  	_ =	swait.ge [sflag:s13], $0x800  }
0x69e: {  	[sflag:s13] =	ssyncset.done $0x0  }
0x69f: {  	[sflag:s13] =	ssyncadd.s32 $0xFFFFF800  }
0x6a0: {  	_ =	swait.ge [sflag:s13], $0x800  }
0x6a1: {  	[sflag:s13] =	ssyncset.done $0x0  }
0x6a2: {  	[sflag:s13] =	ssyncadd.s32 $0xFFFFF800  }
0x6a3: {  	_ =	swait.ge [sflag:s13], $0x800  }
0x6a4: {  	[sflag:s13] =	ssyncset.done $0x0  }
0x6a5: {  	s28 =	rddreg [dreg:$0x8];
	[sflag:s13] =	ssyncadd.s32 $0xFFFFF800  }
0x6a6: {  	[hbm4b:s28+s2] =	stream.linear.scatter [tilespmem:s12], [sflag:$0x6], $0x6800, $0x38;
	[tilespmem:$0x16C00] =	vst v63  }
0x6a7: {  	_ =	swait.ge [sflag:s10], $0x800  }
0x6a8: {  	[sflag:s10] =	ssyncset.done $0x0  }
0x6a9: {  	[sflag:s10] =	ssyncadd.s32 $0xFFFFF800  }
0x6aa: {  	_ =	swait.ge [sflag:s10], $0x800  }
0x6ab: {  	[sflag:s10] =	ssyncset.done $0x0  }
0x6ac: {  	[sflag:s10] =	ssyncadd.s32 $0xFFFFF800  }
0x6ad: {  	_ =	swait.ge [sflag:s10], $0x800  }
0x6ae: {  	[sflag:s10] =	ssyncset.done $0x0  }
0x6af: {  	[sflag:s10] =	ssyncadd.s32 $0xFFFFF800  }
0x6b0: {  	_ =	swait.ge [sflag:s10], $0x800  }
0x6b1: {  	[sflag:s10] =	ssyncset.done $0x0  }
0x6b2: {  	[sflag:s10] =	ssyncadd.s32 $0xFFFFF800  }
0x6b3: {  	_ =	swait.ge [sflag:s10], $0x800  }
0x6b4: {  	[sflag:s10] =	ssyncset.done $0x0  }
0x6b5: {  	[sflag:s10] =	ssyncadd.s32 $0xFFFFF800  }
0x6b6: {  	_ =	swait.ge [sflag:s10], $0x800  }
0x6b7: {  	[sflag:s10] =	ssyncset.done $0x0  }
0x6b8: {  	[sflag:s10] =	ssyncadd.s32 $0xFFFFF800  }
0x6b9: {  	_ =	swait.ge [sflag:s10], $0x800  }
0x6ba: {  	[sflag:s10] =	ssyncset.done $0x0  }
0x6bb: {  	[sflag:s10] =	ssyncadd.s32 $0xFFFFF800  }
0x6bc: {  	_ =	swait.ge [sflag:s10], $0x800  }
0x6bd: {  	[sflag:s10] =	ssyncset.done $0x0  }
0x6be: {  	[sflag:s10] =	ssyncadd.s32 $0xFFFFF800  }
0x6bf: {  	_ =	swait.ge [sflag:s10], $0x800  }
0x6c0: {  	[sflag:s10] =	ssyncset.done $0x0  }
0x6c1: {  	[sflag:s10] =	ssyncadd.s32 $0xFFFFF800  }
0x6c2: {  	_ =	swait.ge [sflag:s10], $0x800  }
0x6c3: {  	[sflag:s10] =	ssyncset.done $0x0  }
0x6c4: {  	[sflag:s10] =	ssyncadd.s32 $0xFFFFF800  }
0x6c5: {  	_ =	swait.ge [sflag:s10], $0x800  }
0x6c6: {  	[sflag:s10] =	ssyncset.done $0x0  }
0x6c7: {  	[sflag:s10] =	ssyncadd.s32 $0xFFFFF800  }
0x6c8: {  	_ =	swait.ge [sflag:s10], $0x800  }
0x6c9: {  	[sflag:s10] =	ssyncset.done $0x0  }
0x6ca: {  	[sflag:s10] =	ssyncadd.s32 $0xFFFFF800  }
0x6cb: {  	_ =	swait.ge [sflag:s10], $0x800  }
0x6cc: {  	[sflag:s10] =	ssyncset.done $0x0  }
0x6cd: {  	s29 =	rddreg [dreg:$0x9];
	[sflag:s10] =	ssyncadd.s32 $0xFFFFF800  }
0x6ce: {  	[hbm4b:s29+s2] =	stream.linear.scatter [tilespmem:s4], [sflag:$0x4], $0x6800, $0x38;
	[tilespmem:$0x16C00] =	vst v63  }
0x6cf: {  	_ =	swait.ge [sflag:s8], $0x800  }
0x6d0: {  	[sflag:s8] =	ssyncset.done $0x0  }
0x6d1: {  	[sflag:s8] =	ssyncadd.s32 $0xFFFFF800  }
0x6d2: {  	_ =	swait.ge [sflag:s8], $0x800  }
0x6d3: {  	[sflag:s8] =	ssyncset.done $0x0  }
0x6d4: {  	[sflag:s8] =	ssyncadd.s32 $0xFFFFF800  }
0x6d5: {  	_ =	swait.ge [sflag:s8], $0x800  }
0x6d6: {  	[sflag:s8] =	ssyncset.done $0x0  }
0x6d7: {  	[sflag:s8] =	ssyncadd.s32 $0xFFFFF800  }
0x6d8: {  	_ =	swait.ge [sflag:s8], $0x800  }
0x6d9: {  	[sflag:s8] =	ssyncset.done $0x0  }
0x6da: {  	[sflag:s8] =	ssyncadd.s32 $0xFFFFF800  }
0x6db: {  	_ =	swait.ge [sflag:s8], $0x800  }
0x6dc: {  	[sflag:s8] =	ssyncset.done $0x0  }
0x6dd: {  	[sflag:s8] =	ssyncadd.s32 $0xFFFFF800  }
0x6de: {  	_ =	swait.ge [sflag:s8], $0x800  }
0x6df: {  	[sflag:s8] =	ssyncset.done $0x0  }
0x6e0: {  	[sflag:s8] =	ssyncadd.s32 $0xFFFFF800  }
0x6e1: {  	_ =	swait.ge [sflag:s8], $0x800  }
0x6e2: {  	[sflag:s8] =	ssyncset.done $0x0  }
0x6e3: {  	[sflag:s8] =	ssyncadd.s32 $0xFFFFF800  }
0x6e4: {  	_ =	swait.ge [sflag:s8], $0x800  }
0x6e5: {  	[sflag:s8] =	ssyncset.done $0x0  }
0x6e6: {  	[sflag:s8] =	ssyncadd.s32 $0xFFFFF800  }
0x6e7: {  	_ =	swait.ge [sflag:s8], $0x800  }
0x6e8: {  	[sflag:s8] =	ssyncset.done $0x0  }
0x6e9: {  	[sflag:s8] =	ssyncadd.s32 $0xFFFFF800  }
0x6ea: {  	_ =	swait.ge [sflag:s8], $0x800  }
0x6eb: {  	[sflag:s8] =	ssyncset.done $0x0  }
0x6ec: {  	[sflag:s8] =	ssyncadd.s32 $0xFFFFF800  }
0x6ed: {  	_ =	swait.ge [sflag:s8], $0x800  }
0x6ee: {  	[sflag:s8] =	ssyncset.done $0x0  }
0x6ef: {  	[sflag:s8] =	ssyncadd.s32 $0xFFFFF800  }
0x6f0: {  	_ =	swait.ge [sflag:s8], $0x800  }
0x6f1: {  	[sflag:s8] =	ssyncset.done $0x0  }
0x6f2: {  	[sflag:s8] =	ssyncadd.s32 $0xFFFFF800  }
0x6f3: {  	_ =	swait.ge [sflag:s8], $0x800  }
0x6f4: {  	[sflag:s8] =	ssyncset.done $0x0  }
0x6f5: {  	s30 =	rddreg [dreg:$0xa];
	[sflag:s8] =	ssyncadd.s32 $0xFFFFF800  }
0x6f6: {  	[hbm4b:s30+s2] =	stream.linear.scatter [tilespmem:s3], [sflag:$0x5], $0x6800, $0x38;
	[tilespmem:$0x16C00] =	vst v63  }
0x6f7: {  	_ =	swait.ge [sflag:s7], $0x6800  }
0x6f8: {  	[sflag:s7] =	ssyncset.done $0x0  }
0x6f9: {  	[sflag:s7] =	ssyncadd.s32 $0xFFFF9800  }
0x6fa: {  	_ =	swait.ge [sflag:s6], $0x6800  }
0x6fb: {  	[sflag:s6] =	ssyncset.done $0x0  }
0x6fc: {  	[sflag:s6] =	ssyncadd.s32 $0xFFFF9800  }
0x6fd: {  	_ =	swait.ge [sflag:s5], $0x6800  }
0x6fe: {  	[sflag:s5] =	ssyncset.done $0x0  }
0x6ff: {  	[sflag:s5] =	ssyncadd.s32 $0xFFFF9800  }
0x700: {  	_ =	sfence.sel $0x180000  }
0x701: {  	[bflag:$0x0] =	sbarrier.arrive $0xFFFF  }
0x702: {  	_ =	strace $0x90000047  }
0x703: {  	s31 =	stileid.u32;
	[bflag:$0x2] =	sbarrier.arrive $0xFFFF  }
0x704: {  	p0 =	sne.s32 s31, $0x0;
	s0 =	rddreg [dreg:$0x1]  }
0x705: {  	s0 =	sadd.s32 @!p0 $0x100000, s0  }
0x706: {  	[sflag:s0] =	ssyncadd.tile.s32 @!p0 $0x1;
	_ =	shalt  }
.LBB2_6:
.Ltmp3:
0x707: {  	s14 =	simm.s32 $0xD400;
	s15 =	simm.s32 $0xCC00;
	(pc) =	sbr.rel .LBB2_5-.Ltmp3, $4  }
0x708: {  	s16 =	simm.s32 $0x3C00;
	s17 =	simm.s32 $0x4400;
	s18 =	simm.s32 $0x4C00  }
0x709: {  	s22 =	simm.s32 $0x5400;
	s23 =	simm.s32 $0x6400;
	s26 =	simm.s32 $0x6C00  }
0x70a: {  	s29 =	simm.s32 $0x7400;
	s1 =	simm.s32 $0x7C00;
	s24 =	simm.s32 $0x8400  }
0x70b: {  	s25 =	simm.s32 $0x8C00;
	s28 =	simm.s32 $0x9400;
	s20 =	simm.s32 $0x7  }
.Lfunc_end2:
_tile_overlayer_lowered:
.L_overlay_start_2:
0x70c: {  	(tag) =	ssettag $0x2  }
0x70d: {  	s0 =	rddreg [dreg:$0x0];
	s2 =	stileid.u32  }
0x70e: {  	s1 =	rddreg [dreg:$0x1];
	p0 =	sne.s32 s2, $0x0  }
0x70f: {  	s3 =	rddreg [dreg:$0x2];
	[bflag:$0x3] =	sbarrier.arrive $0xFFFF;
	s2 =	simm.s32 @!p0 $0x1C07  }
0x710: {  	[timem:s3], [sflag:s2] =	dma.local @!p0 [hbm:s0], s1  }
0x711: {  	s0 =	simm.s32 @!p0 $0x7  }
0x712: {  	_ =	swait.ge @!p0 [sflag:s0], s1  }
0x713: {  	s1 =	ssub.s32 @!p0 $0x0, s1;
	[sflag:s0] =	ssyncset.done @!p0 $0x0  }
0x714: {  	[sflag:s0] =	ssyncadd.s32 @!p0 s1  }
0x715: {  	[bflag:$0x3] =	sbarrier.arrive $0xFFFF  }
0x716: {  	_ =	shalt  }

</sc_bundles>
